<compile_context>
chip_gen: v7x
topology: tpu7x:2x2x1
jax: 0.10.2.dev20260603
libtpu: 0.0.44.dev20260713+nightly
codegen_flags: <defaults>
</compile_context>

<pallas_src>
import functools

import jax
import jax.numpy as jnp
from jax import lax
from jax.experimental import pallas as pl
from jax.experimental.pallas import tpu as pltpu
from jax.experimental.pallas import tpu_sc as plsc

_B = 1024
_S = 200
_D = 128
_N = _B * _S
_NW = 32
_BLK = 128
_ROWS = _N // 128
_RPW = _ROWS // _NW
_NBLK = _RPW
_NBUF = 2


def _lane_sum(v):
    lanes = lax.iota(jnp.int32, 16)
    for k in (1, 2, 4, 8):
        idx = lax.bitwise_xor(lanes, jnp.int32(k))
        v = v + v.at[idx].get(mode="promise_in_bounds")
    return v


def _ln_block(bufA, stt, tok0, posbuf, obuf, gb_v):
    gbs = tuple(gb_v[0, pl.ds(16 * k, 16)] for k in range(8)) + tuple(
        gb_v[1, pl.ds(16 * k, 16)] for k in range(8))

    @plsc.parallel_loop(0, _BLK, step=1, unroll=4, carry=gbs)
    def tok(i, gb):
        s_pos = lax.rem(tok0 + i, jnp.int32(_S))
        row = stt[i] * jnp.int32(_S) + s_pos
        e = []
        for k in range(8):
            e.append(bufA[i, pl.ds(16 * k, 16)] + posbuf[row, pl.ds(16 * k, 16)])
        s01 = e[0] + e[1]
        s23 = e[2] + e[3]
        s45 = e[4] + e[5]
        s67 = e[6] + e[7]
        svec = (s01 + s23) + (s45 + s67)
        q01 = e[0] * e[0] + e[1] * e[1]
        q23 = e[2] * e[2] + e[3] * e[3]
        q45 = e[4] * e[4] + e[5] * e[5]
        q67 = e[6] * e[6] + e[7] * e[7]
        qvec = (q01 + q23) + (q45 + q67)
        mean = _lane_sum(svec) * jnp.float32(1.0 / 128.0)
        ex2 = _lane_sum(qvec) * jnp.float32(1.0 / 128.0)
        x = ex2 - mean * mean + jnp.float32(1e-6)
        xi = lax.bitcast_convert_type(x, jnp.int32)
        yi = jnp.int32(0x5F3759DF) - lax.shift_right_arithmetic(xi, jnp.int32(1))
        y = lax.bitcast_convert_type(yi, jnp.float32)
        half_x = jnp.float32(0.5) * x
        for _ in range(2):
            y = y * (jnp.float32(1.5) - half_x * y * y)
        for k in range(8):
            obuf[i, pl.ds(16 * k, 16)] = (e[k] - mean) * y * gb[k] + gb[8 + k]
        return gb


def _sc_kernel(ids_hbm, tt_hbm, word_hbm, pos_hbm, gbt_hbm, out_hbm,
               idx_v, bufA0, bufA1, obuf0, obuf1, posbuf, gbt_v, ttrow,
               stt, semA0, semA1, semO0, semO1, semT0, semT1):
    c = lax.axis_index("c")
    s = lax.axis_index("s")
    wid = s * 2 + c
    gb_v = gbt_v.at[pl.ds(0, 2)]
    ty_v = gbt_v.at[pl.ds(2, 2)]
    pltpu.sync_copy(ids_hbm.at[wid], idx_v)
    pltpu.sync_copy(gbt_hbm, gbt_v)
    pltpu.sync_copy(pos_hbm.at[pl.ds(0, _S)], posbuf.at[pl.ds(0, _S)])
    pltpu.sync_copy(pos_hbm.at[pl.ds(0, _S)], posbuf.at[pl.ds(_S, _S)])

    ty01 = tuple(ty_v[0, pl.ds(16 * k, 16)] for k in range(8)) + tuple(
        ty_v[1, pl.ds(16 * k, 16)] for k in range(8))

    @plsc.parallel_loop(0, _S, step=1, unroll=2, carry=ty01)
    def _shift(r, t01):
        for k in range(8):
            posbuf[r, pl.ds(16 * k, 16)] = posbuf[r, pl.ds(16 * k, 16)] + t01[k]
        r2 = r + jnp.int32(_S)
        for k in range(8):
            posbuf[r2, pl.ds(16 * k, 16)] = (
                posbuf[r2, pl.ds(16 * k, 16)] + t01[8 + k])
        return t01

    bufA = (bufA0, bufA1)
    obuf = (obuf0, obuf1)
    semA = (semA0, semA1)
    semO = (semO0, semO1)

    semT = (semT0, semT1)

    def gatherA(t, p):
        return pltpu.make_async_copy(word_hbm.at[idx_v.at[t]], bufA[p], semA[p])

    def gatherT(t, p):
        return pltpu.make_async_copy(tt_hbm.at[wid].at[t], ttrow.at[p], semT[p])

    def ocopy(t, p):
        base = pl.multiple_of(wid * (_RPW * 128) + t * _BLK, _BLK)
        return pltpu.make_async_copy(obuf[p], out_hbm.at[pl.ds(base, _BLK)], semO[p])

    for p in range(_NBUF):
        gatherA(p, p).start()
        gatherT(p, p).start()

    tok_base = wid * (_RPW * 128)

    def pair(g, carry):
        for p in range(_NBUF):
            t = g * _NBUF + p
            gatherA(t, p).wait()
            gatherT(t, p).wait()

            @pl.when(t >= _NBUF)
            def _():
                ocopy(t - _NBUF, p).wait()

            for c8 in range(8):
                tv = ttrow[p, pl.ds(16 * c8, 16)]
                for j in range(16):
                    stt[16 * c8 + j] = tv[j]
            _ln_block(bufA[p], stt, tok_base + t * _BLK, posbuf,
                      obuf[p], gb_v)
            ocopy(t, p).start()

            @pl.when(t + _NBUF < _NBLK)
            def _():
                gatherA(t + _NBUF, p).start()
                gatherT(t + _NBUF, p).start()
        return carry

    lax.fori_loop(0, _NBLK // _NBUF, pair, 0, unroll=False)

    for p in range(_NBUF):
        ocopy(_NBLK - _NBUF + p, p).wait()


@functools.partial(jax.jit, static_argnums=())
def _run(ids2d, tt2d, word_table, pos_table, gbt):
    mesh = plsc.VectorSubcoreMesh(core_axis_name="c", subcore_axis_name="s")
    f = pl.kernel(
        _sc_kernel,
        mesh=mesh,
        out_type=jax.ShapeDtypeStruct((_N, _D), jnp.float32),
        scratch_types=[
            pltpu.VMEM((_RPW, 128), jnp.int32),
            pltpu.VMEM((_BLK, _D), jnp.float32),
            pltpu.VMEM((_BLK, _D), jnp.float32),
            pltpu.VMEM((_BLK, _D), jnp.float32),
            pltpu.VMEM((_BLK, _D), jnp.float32),
            pltpu.VMEM((2 * _S, _D), jnp.float32),
            pltpu.VMEM((4, _D), jnp.float32),
            pltpu.VMEM((2, 128), jnp.int32),
            pltpu.SMEM((_BLK,), jnp.int32),
            pltpu.SemaphoreType.DMA,
            pltpu.SemaphoreType.DMA,
            pltpu.SemaphoreType.DMA,
            pltpu.SemaphoreType.DMA,
            pltpu.SemaphoreType.DMA,
            pltpu.SemaphoreType.DMA,
        ],
    )
    return f(ids2d, tt2d, word_table, pos_table, gbt)


def kernel(input_ids, token_type_ids, word_table, pos_table, type_table, gamma, beta):
    ids2d = input_ids.astype(jnp.int32).reshape(_NW, _RPW, 128)
    tt2d = token_type_ids.astype(jnp.int32).reshape(_NW, _RPW, 128)
    gbt = jnp.concatenate([jnp.stack([gamma, beta], axis=0), type_table], axis=0)
    out = _run(ids2d, tt2d, word_table, pos_table, gbt)
    return out.reshape(_B, _S, _D)

# --- scband reference (transcript-rebuilt; emitter-appended) ---
"""Pipeline reference for scband-bert-embedding-18597208392083 (READ-ONLY COPY).

The authoritative reference and input builder live on the scoring server;
editing this copy changes nothing except your own understanding.
"""

import jax, jax.numpy as jnp
import numpy as np

VOCAB = 100000
DIM = 128
MAX_POS = 512
TYPE_VOCAB = 2
B = 1024
S = 200


def setup_inputs(seed: int = 0) -> dict:
    key = jax.random.key(seed)
    k1, k2, k3, k4, k5, k6, k7 = jax.random.split(key, 7)
    input_ids = jax.random.randint(k1, (B, S), 0, VOCAB, dtype=jnp.int64 if jax.config.jax_enable_x64 else jnp.int32)
    token_type_ids = jax.random.randint(k2, (B, S), 0, TYPE_VOCAB, dtype=jnp.int64 if jax.config.jax_enable_x64 else jnp.int32)
    word_table = jax.random.normal(k3, (VOCAB, DIM), dtype=jnp.float32) * 0.02
    pos_table = jax.random.normal(k4, (MAX_POS, DIM), dtype=jnp.float32) * 0.02
    type_table = jax.random.normal(k5, (TYPE_VOCAB, DIM), dtype=jnp.float32) * 0.02
    gamma = jax.random.normal(k6, (DIM,), dtype=jnp.float32) * 0.02 + 1.0
    beta = jax.random.normal(k7, (DIM,), dtype=jnp.float32) * 0.02
    return {
        "input_ids": input_ids,
        "token_type_ids": token_type_ids,
        "word_table": word_table,
        "pos_table": pos_table,
        "type_table": type_table,
        "gamma": gamma,
        "beta": beta,
    }


def reference(input_ids, token_type_ids, word_table, pos_table, type_table, gamma, beta):
    # BERT-style embedding: word + position + token-type lookup, then layer norm.
    # Quantizers are in warmup (steps < warmup_steps) at init -> identity pass-through.
    seq_len = input_ids.shape[1]
    pos_ids = jnp.arange(seq_len)
    word_emb = jnp.take(word_table, input_ids, axis=0)          # gather [B,S,D]
    pos_emb = jnp.take(pos_table, pos_ids, axis=0)[None, :, :]  # gather [1,S,D]
    type_emb = jnp.take(type_table, token_type_ids, axis=0)     # gather [B,S,D]
    emb = word_emb + pos_emb + type_emb
    mean = jnp.mean(emb, axis=-1, keepdims=True)
    var = jnp.mean(jnp.square(emb - mean), axis=-1, keepdims=True)
    out = (emb - mean) * jax.lax.rsqrt(var + 1e-6) * gamma + beta
    return out

if __name__ == "__main__":
    import jax
    _d = setup_inputs()
    print(jax.jit(kernel)(*tuple(_d.values())))

</pallas_src>

<mosaic_0001>
#map = affine_map<(d0, d1) -> (0, 0, 0)>
#map1 = affine_map<(d0, d1) -> (0, 0)>
module attributes {stable_mosaic.version = 14 : i64} {
  func.func @_sc_kernel(%arg0: i32, %arg1: i32, %arg2: memref<32x50x128xi32, #tpu.memory_space<hbm>>, %arg3: memref<32x50x128xi32, #tpu.memory_space<hbm>>, %arg4: memref<100000x128xf32, #tpu.memory_space<hbm>>, %arg5: memref<512x128xf32, #tpu.memory_space<hbm>>, %arg6: memref<4x128xf32, #tpu.memory_space<hbm>>, %arg7: memref<204800x128xf32, #tpu.memory_space<hbm>>, %arg8: memref<50x128xi32, #tpu.memory_space<vmem>>, %arg9: memref<128x128xf32, #tpu.memory_space<vmem>>, %arg10: memref<128x128xf32, #tpu.memory_space<vmem>>, %arg11: memref<128x128xf32, #tpu.memory_space<vmem>>, %arg12: memref<128x128xf32, #tpu.memory_space<vmem>>, %arg13: memref<400x128xf32, #tpu.memory_space<vmem>>, %arg14: memref<4x128xf32, #tpu.memory_space<vmem>>, %arg15: memref<2x128xi32, #tpu.memory_space<vmem>>, %arg16: memref<128xi32, #tpu.memory_space<smem>>, %arg17: memref<!tpu.dma_semaphore, #tpu.memory_space<semaphore_mem>>, %arg18: memref<!tpu.dma_semaphore, #tpu.memory_space<semaphore_mem>>, %arg19: memref<!tpu.dma_semaphore, #tpu.memory_space<semaphore_mem>>, %arg20: memref<!tpu.dma_semaphore, #tpu.memory_space<semaphore_mem>>, %arg21: memref<!tpu.dma_semaphore, #tpu.memory_space<semaphore_mem>>, %arg22: memref<!tpu.dma_semaphore, #tpu.memory_space<semaphore_mem>>) attributes {dimension_semantics = [#tpu.dimension_semantics<core_parallel>, #tpu.dimension_semantics<subcore_parallel>], iteration_bounds = array<i64: 2, 16>, scalar_prefetch = 0 : i64, scratch_operands = 15 : i64, tpu.core_type = #tpu.core_type<sc_vector_subcore>, window_params = [{transform_indices = #map}, {transform_indices = #map}, {transform_indices = #map1}, {transform_indices = #map1}, {transform_indices = #map1}, {transform_indices = #map1}]} {
    %mul3A = arith.constant 2 : i32
    %mul3A_0 = arith.muli %arg1, %mul3A : i32
    %add3A = arith.addi %mul3A_0, %arg0 : i32
    "tpu.region"() ({
      %run_scoped3A = tpu.sem_alloc : memref<!tpu.dma_semaphore, #tpu.memory_space<semaphore_mem>>
      %dma_start3A_211 = arith.constant 0 : i32
      %dma_start3A_212 = arith.constant 0 : i32
      %dma_start3A_213 = tpu.memref_slice %arg2[%add3A, %dma_start3A_211, %dma_start3A_212] : memref<32x50x128xi32, #tpu.memory_space<hbm>> -> memref<1x50x128xi32, #tpu.memory_space<hbm>>
      %dma_start3A_214 = tpu.memref_squeeze %dma_start3A_213 : memref<1x50x128xi32, #tpu.memory_space<hbm>> -> memref<50x128xi32, #tpu.memory_space<hbm>>
      %dma_start3A_215 = arith.constant 0 : i32
      %dma_start3A_216 = arith.constant 0 : i32
      %dma_start3A_217 = tpu.memref_slice %arg2[%add3A, %dma_start3A_215, %dma_start3A_216] : memref<32x50x128xi32, #tpu.memory_space<hbm>> -> memref<1x50x128xi32, #tpu.memory_space<hbm>>
      %dma_start3A_218 = tpu.memref_squeeze %dma_start3A_217 : memref<1x50x128xi32, #tpu.memory_space<hbm>> -> memref<50x128xi32, #tpu.memory_space<hbm>>
      tpu.enqueue_dma source(%dma_start3A_218 : memref<50x128xi32, #tpu.memory_space<hbm>>) target(%arg8 : memref<50x128xi32, #tpu.memory_space<vmem>>) target_semaphore(%run_scoped3A : memref<!tpu.dma_semaphore, #tpu.memory_space<semaphore_mem>>)
      %dma_wait3A_219 = arith.constant 0 : i32
      %dma_wait3A_220 = arith.constant 0 : i32
      %dma_wait3A_221 = tpu.memref_slice %arg2[%add3A, %dma_wait3A_219, %dma_wait3A_220] : memref<32x50x128xi32, #tpu.memory_space<hbm>> -> memref<1x50x128xi32, #tpu.memory_space<hbm>>
      %dma_wait3A_222 = tpu.memref_squeeze %dma_wait3A_221 : memref<1x50x128xi32, #tpu.memory_space<hbm>> -> memref<50x128xi32, #tpu.memory_space<hbm>>
      %dma_wait3A_223 = arith.constant 0 : i32
      %dma_wait3A_224 = arith.constant 0 : i32
      %dma_wait3A_225 = tpu.memref_slice %arg2[%add3A, %dma_wait3A_223, %dma_wait3A_224] : memref<32x50x128xi32, #tpu.memory_space<hbm>> -> memref<1x50x128xi32, #tpu.memory_space<hbm>>
      %dma_wait3A_226 = tpu.memref_squeeze %dma_wait3A_225 : memref<1x50x128xi32, #tpu.memory_space<hbm>> -> memref<50x128xi32, #tpu.memory_space<hbm>>
      tpu.wait_dma2 semaphore(%run_scoped3A : memref<!tpu.dma_semaphore, #tpu.memory_space<semaphore_mem>>) src(%dma_wait3A_226 : memref<50x128xi32, #tpu.memory_space<hbm>>) dst(%arg8 : memref<50x128xi32, #tpu.memory_space<vmem>>)
      tpu.yield
    }) : () -> ()
    "tpu.region"() ({
      %run_scoped3A = tpu.sem_alloc : memref<!tpu.dma_semaphore, #tpu.memory_space<semaphore_mem>>
      tpu.enqueue_dma source(%arg6 : memref<4x128xf32, #tpu.memory_space<hbm>>) target(%arg14 : memref<4x128xf32, #tpu.memory_space<vmem>>) target_semaphore(%run_scoped3A : memref<!tpu.dma_semaphore, #tpu.memory_space<semaphore_mem>>)
      tpu.wait_dma2 semaphore(%run_scoped3A : memref<!tpu.dma_semaphore, #tpu.memory_space<semaphore_mem>>) src(%arg6 : memref<4x128xf32, #tpu.memory_space<hbm>>) dst(%arg14 : memref<4x128xf32, #tpu.memory_space<vmem>>)
      tpu.yield
    }) : () -> ()
    "tpu.region"() ({
      %run_scoped3A = tpu.sem_alloc : memref<!tpu.dma_semaphore, #tpu.memory_space<semaphore_mem>>
      %dma_start3A_211 = arith.constant 0 : i32
      %dma_start3A_212 = arith.constant 0 : i32
      %dma_start3A_213 = tpu.memref_slice %arg13[%dma_start3A_211, %dma_start3A_212] : memref<400x128xf32, #tpu.memory_space<vmem>> -> memref<200x128xf32, #tpu.memory_space<vmem>>
      %dma_start3A_214 = arith.constant 0 : i32
      %dma_start3A_215 = arith.constant 0 : i32
      %dma_start3A_216 = tpu.memref_slice %arg5[%dma_start3A_214, %dma_start3A_215] : memref<512x128xf32, #tpu.memory_space<hbm>> -> memref<200x128xf32, #tpu.memory_space<hbm>>
      %dma_start3A_217 = arith.constant 0 : i32
      %dma_start3A_218 = arith.constant 0 : i32
      %dma_start3A_219 = tpu.memref_slice %arg13[%dma_start3A_217, %dma_start3A_218] : memref<400x128xf32, #tpu.memory_space<vmem>> -> memref<200x128xf32, #tpu.memory_space<vmem>>
      %dma_start3A_220 = arith.constant 0 : i32
      %dma_start3A_221 = arith.constant 0 : i32
      %dma_start3A_222 = tpu.memref_slice %arg5[%dma_start3A_220, %dma_start3A_221] : memref<512x128xf32, #tpu.memory_space<hbm>> -> memref<200x128xf32, #tpu.memory_space<hbm>>
      tpu.enqueue_dma source(%dma_start3A_222 : memref<200x128xf32, #tpu.memory_space<hbm>>) target(%dma_start3A_219 : memref<200x128xf32, #tpu.memory_space<vmem>>) target_semaphore(%run_scoped3A : memref<!tpu.dma_semaphore, #tpu.memory_space<semaphore_mem>>)
      %dma_wait3A_223 = arith.constant 0 : i32
      %dma_wait3A_224 = arith.constant 0 : i32
      %dma_wait3A_225 = tpu.memref_slice %arg13[%dma_wait3A_223, %dma_wait3A_224] : memref<400x128xf32, #tpu.memory_space<vmem>> -> memref<200x128xf32, #tpu.memory_space<vmem>>
      %dma_wait3A_226 = arith.constant 0 : i32
      %dma_wait3A_227 = arith.constant 0 : i32
      %dma_wait3A_228 = tpu.memref_slice %arg5[%dma_wait3A_226, %dma_wait3A_227] : memref<512x128xf32, #tpu.memory_space<hbm>> -> memref<200x128xf32, #tpu.memory_space<hbm>>
      %dma_wait3A_229 = arith.constant 0 : i32
      %dma_wait3A_230 = arith.constant 0 : i32
      %dma_wait3A_231 = tpu.memref_slice %arg13[%dma_wait3A_229, %dma_wait3A_230] : memref<400x128xf32, #tpu.memory_space<vmem>> -> memref<200x128xf32, #tpu.memory_space<vmem>>
      %dma_wait3A_232 = arith.constant 0 : i32
      %dma_wait3A_233 = arith.constant 0 : i32
      %dma_wait3A_234 = tpu.memref_slice %arg5[%dma_wait3A_232, %dma_wait3A_233] : memref<512x128xf32, #tpu.memory_space<hbm>> -> memref<200x128xf32, #tpu.memory_space<hbm>>
      tpu.wait_dma2 semaphore(%run_scoped3A : memref<!tpu.dma_semaphore, #tpu.memory_space<semaphore_mem>>) src(%dma_wait3A_234 : memref<200x128xf32, #tpu.memory_space<hbm>>) dst(%dma_wait3A_231 : memref<200x128xf32, #tpu.memory_space<vmem>>)
      tpu.yield
    }) : () -> ()
    "tpu.region"() ({
      %run_scoped3A = tpu.sem_alloc : memref<!tpu.dma_semaphore, #tpu.memory_space<semaphore_mem>>
      %dma_start3A_211 = arith.constant 200 : i32
      %dma_start3A_212 = arith.constant 0 : i32
      %dma_start3A_213 = tpu.memref_slice %arg13[%dma_start3A_211, %dma_start3A_212] : memref<400x128xf32, #tpu.memory_space<vmem>> -> memref<200x128xf32, #tpu.memory_space<vmem>>
      %dma_start3A_214 = arith.constant 0 : i32
      %dma_start3A_215 = arith.constant 0 : i32
      %dma_start3A_216 = tpu.memref_slice %arg5[%dma_start3A_214, %dma_start3A_215] : memref<512x128xf32, #tpu.memory_space<hbm>> -> memref<200x128xf32, #tpu.memory_space<hbm>>
      %dma_start3A_217 = arith.constant 200 : i32
      %dma_start3A_218 = arith.constant 0 : i32
      %dma_start3A_219 = tpu.memref_slice %arg13[%dma_start3A_217, %dma_start3A_218] : memref<400x128xf32, #tpu.memory_space<vmem>> -> memref<200x128xf32, #tpu.memory_space<vmem>>
      %dma_start3A_220 = arith.constant 0 : i32
      %dma_start3A_221 = arith.constant 0 : i32
      %dma_start3A_222 = tpu.memref_slice %arg5[%dma_start3A_220, %dma_start3A_221] : memref<512x128xf32, #tpu.memory_space<hbm>> -> memref<200x128xf32, #tpu.memory_space<hbm>>
      tpu.enqueue_dma source(%dma_start3A_222 : memref<200x128xf32, #tpu.memory_space<hbm>>) target(%dma_start3A_219 : memref<200x128xf32, #tpu.memory_space<vmem>>) target_semaphore(%run_scoped3A : memref<!tpu.dma_semaphore, #tpu.memory_space<semaphore_mem>>)
      %dma_wait3A_223 = arith.constant 200 : i32
      %dma_wait3A_224 = arith.constant 0 : i32
      %dma_wait3A_225 = tpu.memref_slice %arg13[%dma_wait3A_223, %dma_wait3A_224] : memref<400x128xf32, #tpu.memory_space<vmem>> -> memref<200x128xf32, #tpu.memory_space<vmem>>
      %dma_wait3A_226 = arith.constant 0 : i32
      %dma_wait3A_227 = arith.constant 0 : i32
      %dma_wait3A_228 = tpu.memref_slice %arg5[%dma_wait3A_226, %dma_wait3A_227] : memref<512x128xf32, #tpu.memory_space<hbm>> -> memref<200x128xf32, #tpu.memory_space<hbm>>
      %dma_wait3A_229 = arith.constant 200 : i32
      %dma_wait3A_230 = arith.constant 0 : i32
      %dma_wait3A_231 = tpu.memref_slice %arg13[%dma_wait3A_229, %dma_wait3A_230] : memref<400x128xf32, #tpu.memory_space<vmem>> -> memref<200x128xf32, #tpu.memory_space<vmem>>
      %dma_wait3A_232 = arith.constant 0 : i32
      %dma_wait3A_233 = arith.constant 0 : i32
      %dma_wait3A_234 = tpu.memref_slice %arg5[%dma_wait3A_232, %dma_wait3A_233] : memref<512x128xf32, #tpu.memory_space<hbm>> -> memref<200x128xf32, #tpu.memory_space<hbm>>
      tpu.wait_dma2 semaphore(%run_scoped3A : memref<!tpu.dma_semaphore, #tpu.memory_space<semaphore_mem>>) src(%dma_wait3A_234 : memref<200x128xf32, #tpu.memory_space<hbm>>) dst(%dma_wait3A_231 : memref<200x128xf32, #tpu.memory_space<vmem>>)
      tpu.yield
    }) : () -> ()
    %get3A = arith.constant 0 : i32
    %get3A_1 = arith.constant 2 : i32
    %get3A_2 = arith.constant 0 : i32
    %get3A_3 = tpu.memref_slice %arg14[%get3A_1, %get3A_2] : memref<4x128xf32, #tpu.memory_space<vmem>> -> memref<2x128xf32, #tpu.memory_space<vmem>>
    %get3A_4 = arith.index_cast %get3A : i32 to index
    %get3A_5 = arith.constant 0 : index
    %get3A_6 = tpu.vector_load %get3A_3[%get3A_4, %get3A_5] {strides = array<i32>} : memref<2x128xf32, #tpu.memory_space<vmem>>, vector<1x16xf32>,
    %get3A_7 = vector.shape_cast %get3A_6 : vector<1x16xf32> to vector<16xf32>
    %get3A_8 = arith.constant 0 : i32
    %get3A_9 = arith.constant 2 : i32
    %get3A_10 = arith.constant 0 : i32
    %get3A_11 = tpu.memref_slice %arg14[%get3A_9, %get3A_10] : memref<4x128xf32, #tpu.memory_space<vmem>> -> memref<2x128xf32, #tpu.memory_space<vmem>>
    %get3A_12 = arith.index_cast %get3A_8 : i32 to index
    %get3A_13 = arith.constant 16 : index
    %get3A_14 = tpu.vector_load %get3A_11[%get3A_12, %get3A_13] {strides = array<i32>} : memref<2x128xf32, #tpu.memory_space<vmem>>, vector<1x16xf32>,
    %get3A_15 = vector.shape_cast %get3A_14 : vector<1x16xf32> to vector<16xf32>
    %get3A_16 = arith.constant 0 : i32
    %get3A_17 = arith.constant 2 : i32
    %get3A_18 = arith.constant 0 : i32
    %get3A_19 = tpu.memref_slice %arg14[%get3A_17, %get3A_18] : memref<4x128xf32, #tpu.memory_space<vmem>> -> memref<2x128xf32, #tpu.memory_space<vmem>>
    %get3A_20 = arith.index_cast %get3A_16 : i32 to index
    %get3A_21 = arith.constant 32 : index
    %get3A_22 = tpu.vector_load %get3A_19[%get3A_20, %get3A_21] {strides = array<i32>} : memref<2x128xf32, #tpu.memory_space<vmem>>, vector<1x16xf32>,
    %get3A_23 = vector.shape_cast %get3A_22 : vector<1x16xf32> to vector<16xf32>
    %get3A_24 = arith.constant 0 : i32
    %get3A_25 = arith.constant 2 : i32
    %get3A_26 = arith.constant 0 : i32
    %get3A_27 = tpu.memref_slice %arg14[%get3A_25, %get3A_26] : memref<4x128xf32, #tpu.memory_space<vmem>> -> memref<2x128xf32, #tpu.memory_space<vmem>>
    %get3A_28 = arith.index_cast %get3A_24 : i32 to index
    %get3A_29 = arith.constant 48 : index
    %get3A_30 = tpu.vector_load %get3A_27[%get3A_28, %get3A_29] {strides = array<i32>} : memref<2x128xf32, #tpu.memory_space<vmem>>, vector<1x16xf32>,
    %get3A_31 = vector.shape_cast %get3A_30 : vector<1x16xf32> to vector<16xf32>
    %get3A_32 = arith.constant 0 : i32
    %get3A_33 = arith.constant 2 : i32
    %get3A_34 = arith.constant 0 : i32
    %get3A_35 = tpu.memref_slice %arg14[%get3A_33, %get3A_34] : memref<4x128xf32, #tpu.memory_space<vmem>> -> memref<2x128xf32, #tpu.memory_space<vmem>>
    %get3A_36 = arith.index_cast %get3A_32 : i32 to index
    %get3A_37 = arith.constant 64 : index
    %get3A_38 = tpu.vector_load %get3A_35[%get3A_36, %get3A_37] {strides = array<i32>} : memref<2x128xf32, #tpu.memory_space<vmem>>, vector<1x16xf32>,
    %get3A_39 = vector.shape_cast %get3A_38 : vector<1x16xf32> to vector<16xf32>
    %get3A_40 = arith.constant 0 : i32
    %get3A_41 = arith.constant 2 : i32
    %get3A_42 = arith.constant 0 : i32
    %get3A_43 = tpu.memref_slice %arg14[%get3A_41, %get3A_42] : memref<4x128xf32, #tpu.memory_space<vmem>> -> memref<2x128xf32, #tpu.memory_space<vmem>>
    %get3A_44 = arith.index_cast %get3A_40 : i32 to index
    %get3A_45 = arith.constant 80 : index
    %get3A_46 = tpu.vector_load %get3A_43[%get3A_44, %get3A_45] {strides = array<i32>} : memref<2x128xf32, #tpu.memory_space<vmem>>, vector<1x16xf32>,
    %get3A_47 = vector.shape_cast %get3A_46 : vector<1x16xf32> to vector<16xf32>
    %get3A_48 = arith.constant 0 : i32
    %get3A_49 = arith.constant 2 : i32
    %get3A_50 = arith.constant 0 : i32
    %get3A_51 = tpu.memref_slice %arg14[%get3A_49, %get3A_50] : memref<4x128xf32, #tpu.memory_space<vmem>> -> memref<2x128xf32, #tpu.memory_space<vmem>>
    %get3A_52 = arith.index_cast %get3A_48 : i32 to index
    %get3A_53 = arith.constant 96 : index
    %get3A_54 = tpu.vector_load %get3A_51[%get3A_52, %get3A_53] {strides = array<i32>} : memref<2x128xf32, #tpu.memory_space<vmem>>, vector<1x16xf32>,
    %get3A_55 = vector.shape_cast %get3A_54 : vector<1x16xf32> to vector<16xf32>
    %get3A_56 = arith.constant 0 : i32
    %get3A_57 = arith.constant 2 : i32
    %get3A_58 = arith.constant 0 : i32
    %get3A_59 = tpu.memref_slice %arg14[%get3A_57, %get3A_58] : memref<4x128xf32, #tpu.memory_space<vmem>> -> memref<2x128xf32, #tpu.memory_space<vmem>>
    %get3A_60 = arith.index_cast %get3A_56 : i32 to index
    %get3A_61 = arith.constant 112 : index
    %get3A_62 = tpu.vector_load %get3A_59[%get3A_60, %get3A_61] {strides = array<i32>} : memref<2x128xf32, #tpu.memory_space<vmem>>, vector<1x16xf32>,
    %get3A_63 = vector.shape_cast %get3A_62 : vector<1x16xf32> to vector<16xf32>
    %get3A_64 = arith.constant 1 : i32
    %get3A_65 = arith.constant 2 : i32
    %get3A_66 = arith.constant 0 : i32
    %get3A_67 = tpu.memref_slice %arg14[%get3A_65, %get3A_66] : memref<4x128xf32, #tpu.memory_space<vmem>> -> memref<2x128xf32, #tpu.memory_space<vmem>>
    %get3A_68 = arith.index_cast %get3A_64 : i32 to index
    %get3A_69 = arith.constant 0 : index
    %get3A_70 = tpu.vector_load %get3A_67[%get3A_68, %get3A_69] {strides = array<i32>} : memref<2x128xf32, #tpu.memory_space<vmem>>, vector<1x16xf32>,
    %get3A_71 = vector.shape_cast %get3A_70 : vector<1x16xf32> to vector<16xf32>
    %get3A_72 = arith.constant 1 : i32
    %get3A_73 = arith.constant 2 : i32
    %get3A_74 = arith.constant 0 : i32
    %get3A_75 = tpu.memref_slice %arg14[%get3A_73, %get3A_74] : memref<4x128xf32, #tpu.memory_space<vmem>> -> memref<2x128xf32, #tpu.memory_space<vmem>>
    %get3A_76 = arith.index_cast %get3A_72 : i32 to index
    %get3A_77 = arith.constant 16 : index
    %get3A_78 = tpu.vector_load %get3A_75[%get3A_76, %get3A_77] {strides = array<i32>} : memref<2x128xf32, #tpu.memory_space<vmem>>, vector<1x16xf32>,
    %get3A_79 = vector.shape_cast %get3A_78 : vector<1x16xf32> to vector<16xf32>
    %get3A_80 = arith.constant 1 : i32
    %get3A_81 = arith.constant 2 : i32
    %get3A_82 = arith.constant 0 : i32
    %get3A_83 = tpu.memref_slice %arg14[%get3A_81, %get3A_82] : memref<4x128xf32, #tpu.memory_space<vmem>> -> memref<2x128xf32, #tpu.memory_space<vmem>>
    %get3A_84 = arith.index_cast %get3A_80 : i32 to index
    %get3A_85 = arith.constant 32 : index
    %get3A_86 = tpu.vector_load %get3A_83[%get3A_84, %get3A_85] {strides = array<i32>} : memref<2x128xf32, #tpu.memory_space<vmem>>, vector<1x16xf32>,
    %get3A_87 = vector.shape_cast %get3A_86 : vector<1x16xf32> to vector<16xf32>
    %get3A_88 = arith.constant 1 : i32
    %get3A_89 = arith.constant 2 : i32
    %get3A_90 = arith.constant 0 : i32
    %get3A_91 = tpu.memref_slice %arg14[%get3A_89, %get3A_90] : memref<4x128xf32, #tpu.memory_space<vmem>> -> memref<2x128xf32, #tpu.memory_space<vmem>>
    %get3A_92 = arith.index_cast %get3A_88 : i32 to index
    %get3A_93 = arith.constant 48 : index
    %get3A_94 = tpu.vector_load %get3A_91[%get3A_92, %get3A_93] {strides = array<i32>} : memref<2x128xf32, #tpu.memory_space<vmem>>, vector<1x16xf32>,
    %get3A_95 = vector.shape_cast %get3A_94 : vector<1x16xf32> to vector<16xf32>
    %get3A_96 = arith.constant 1 : i32
    %get3A_97 = arith.constant 2 : i32
    %get3A_98 = arith.constant 0 : i32
    %get3A_99 = tpu.memref_slice %arg14[%get3A_97, %get3A_98] : memref<4x128xf32, #tpu.memory_space<vmem>> -> memref<2x128xf32, #tpu.memory_space<vmem>>
    %get3A_100 = arith.index_cast %get3A_96 : i32 to index
    %get3A_101 = arith.constant 64 : index
    %get3A_102 = tpu.vector_load %get3A_99[%get3A_100, %get3A_101] {strides = array<i32>} : memref<2x128xf32, #tpu.memory_space<vmem>>, vector<1x16xf32>,
    %get3A_103 = vector.shape_cast %get3A_102 : vector<1x16xf32> to vector<16xf32>
    %get3A_104 = arith.constant 1 : i32
    %get3A_105 = arith.constant 2 : i32
    %get3A_106 = arith.constant 0 : i32
    %get3A_107 = tpu.memref_slice %arg14[%get3A_105, %get3A_106] : memref<4x128xf32, #tpu.memory_space<vmem>> -> memref<2x128xf32, #tpu.memory_space<vmem>>
    %get3A_108 = arith.index_cast %get3A_104 : i32 to index
    %get3A_109 = arith.constant 80 : index
    %get3A_110 = tpu.vector_load %get3A_107[%get3A_108, %get3A_109] {strides = array<i32>} : memref<2x128xf32, #tpu.memory_space<vmem>>, vector<1x16xf32>,
    %get3A_111 = vector.shape_cast %get3A_110 : vector<1x16xf32> to vector<16xf32>
    %get3A_112 = arith.constant 1 : i32
    %get3A_113 = arith.constant 2 : i32
    %get3A_114 = arith.constant 0 : i32
    %get3A_115 = tpu.memref_slice %arg14[%get3A_113, %get3A_114] : memref<4x128xf32, #tpu.memory_space<vmem>> -> memref<2x128xf32, #tpu.memory_space<vmem>>
    %get3A_116 = arith.index_cast %get3A_112 : i32 to index
    %get3A_117 = arith.constant 96 : index
    %get3A_118 = tpu.vector_load %get3A_115[%get3A_116, %get3A_117] {strides = array<i32>} : memref<2x128xf32, #tpu.memory_space<vmem>>, vector<1x16xf32>,
    %get3A_119 = vector.shape_cast %get3A_118 : vector<1x16xf32> to vector<16xf32>
    %get3A_120 = arith.constant 1 : i32
    %get3A_121 = arith.constant 2 : i32
    %get3A_122 = arith.constant 0 : i32
    %get3A_123 = tpu.memref_slice %arg14[%get3A_121, %get3A_122] : memref<4x128xf32, #tpu.memory_space<vmem>> -> memref<2x128xf32, #tpu.memory_space<vmem>>
    %get3A_124 = arith.index_cast %get3A_120 : i32 to index
    %get3A_125 = arith.constant 112 : index
    %get3A_126 = tpu.vector_load %get3A_123[%get3A_124, %get3A_125] {strides = array<i32>} : memref<2x128xf32, #tpu.memory_space<vmem>>, vector<1x16xf32>,
    %get3A_127 = vector.shape_cast %get3A_126 : vector<1x16xf32> to vector<16xf32>
    %parallel_loop3A = arith.constant 0 : i32
    %parallel_loop3A_128 = arith.constant 200 : i32
    %parallel_loop3A_129 = arith.constant 1 : i32
    %parallel_loop3A_130:16 = scf.for %parallel_loop3A_211 = %parallel_loop3A to %parallel_loop3A_128 step %parallel_loop3A_129 iter_args(%parallel_loop3A_212 = %get3A_7, %parallel_loop3A_213 = %get3A_15, %parallel_loop3A_214 = %get3A_23, %parallel_loop3A_215 = %get3A_31, %parallel_loop3A_216 = %get3A_39, %parallel_loop3A_217 = %get3A_47, %parallel_loop3A_218 = %get3A_55, %parallel_loop3A_219 = %get3A_63, %parallel_loop3A_220 = %get3A_71, %parallel_loop3A_221 = %get3A_79, %parallel_loop3A_222 = %get3A_87, %parallel_loop3A_223 = %get3A_95, %parallel_loop3A_224 = %get3A_103, %parallel_loop3A_225 = %get3A_111, %parallel_loop3A_226 = %get3A_119, %parallel_loop3A_227 = %get3A_127) -> (vector<16xf32>, vector<16xf32>, vector<16xf32>, vector<16xf32>, vector<16xf32>, vector<16xf32>, vector<16xf32>, vector<16xf32>, vector<16xf32>, vector<16xf32>, vector<16xf32>, vector<16xf32>, vector<16xf32>, vector<16xf32>, vector<16xf32>, vector<16xf32>)  : i32 {
      %parallel_loop3A_228 = arith.index_cast %parallel_loop3A_211 : i32 to index
      %parallel_loop3A_229 = arith.constant 0 : index
      %parallel_loop3A_230 = tpu.vector_load %arg13[%parallel_loop3A_228, %parallel_loop3A_229] {strides = array<i32>} : memref<400x128xf32, #tpu.memory_space<vmem>>, vector<1x16xf32>,
      %parallel_loop3A_231 = vector.shape_cast %parallel_loop3A_230 : vector<1x16xf32> to vector<16xf32>
      %parallel_loop3A_232 = arith.addf %parallel_loop3A_231, %parallel_loop3A_212 : vector<16xf32>
      %parallel_loop3A_233 = arith.index_cast %parallel_loop3A_211 : i32 to index
      %parallel_loop3A_234 = arith.constant 0 : index
      %parallel_loop3A_235 = tpu.vector_load %arg13[%parallel_loop3A_233, %parallel_loop3A_234] {strides = array<i32>} : memref<400x128xf32, #tpu.memory_space<vmem>>, vector<1x16xf32>,
      %parallel_loop3A_236 = vector.shape_cast %parallel_loop3A_235 : vector<1x16xf32> to vector<16xf32>
      %parallel_loop3A_237 = vector.shape_cast %parallel_loop3A_232 : vector<16xf32> to vector<1x16xf32>
      tpu.vector_store %arg13[%parallel_loop3A_233, %parallel_loop3A_234], %parallel_loop3A_237 {strides = array<i32>} : memref<400x128xf32, #tpu.memory_space<vmem>>, vector<1x16xf32>,
      %parallel_loop3A_238 = arith.index_cast %parallel_loop3A_211 : i32 to index
      %parallel_loop3A_239 = arith.constant 16 : index
      %parallel_loop3A_240 = tpu.vector_load %arg13[%parallel_loop3A_238, %parallel_loop3A_239] {strides = array<i32>} : memref<400x128xf32, #tpu.memory_space<vmem>>, vector<1x16xf32>,
      %parallel_loop3A_241 = vector.shape_cast %parallel_loop3A_240 : vector<1x16xf32> to vector<16xf32>
      %parallel_loop3A_242 = arith.addf %parallel_loop3A_241, %parallel_loop3A_213 : vector<16xf32>
      %parallel_loop3A_243 = arith.index_cast %parallel_loop3A_211 : i32 to index
      %parallel_loop3A_244 = arith.constant 16 : index
      %parallel_loop3A_245 = tpu.vector_load %arg13[%parallel_loop3A_243, %parallel_loop3A_244] {strides = array<i32>} : memref<400x128xf32, #tpu.memory_space<vmem>>, vector<1x16xf32>,
      %parallel_loop3A_246 = vector.shape_cast %parallel_loop3A_245 : vector<1x16xf32> to vector<16xf32>
      %parallel_loop3A_247 = vector.shape_cast %parallel_loop3A_242 : vector<16xf32> to vector<1x16xf32>
      tpu.vector_store %arg13[%parallel_loop3A_243, %parallel_loop3A_244], %parallel_loop3A_247 {strides = array<i32>} : memref<400x128xf32, #tpu.memory_space<vmem>>, vector<1x16xf32>,
      %parallel_loop3A_248 = arith.index_cast %parallel_loop3A_211 : i32 to index
      %parallel_loop3A_249 = arith.constant 32 : index
      %parallel_loop3A_250 = tpu.vector_load %arg13[%parallel_loop3A_248, %parallel_loop3A_249] {strides = array<i32>} : memref<400x128xf32, #tpu.memory_space<vmem>>, vector<1x16xf32>,
      %parallel_loop3A_251 = vector.shape_cast %parallel_loop3A_250 : vector<1x16xf32> to vector<16xf32>
      %parallel_loop3A_252 = arith.addf %parallel_loop3A_251, %parallel_loop3A_214 : vector<16xf32>
      %parallel_loop3A_253 = arith.index_cast %parallel_loop3A_211 : i32 to index
      %parallel_loop3A_254 = arith.constant 32 : index
      %parallel_loop3A_255 = tpu.vector_load %arg13[%parallel_loop3A_253, %parallel_loop3A_254] {strides = array<i32>} : memref<400x128xf32, #tpu.memory_space<vmem>>, vector<1x16xf32>,
      %parallel_loop3A_256 = vector.shape_cast %parallel_loop3A_255 : vector<1x16xf32> to vector<16xf32>
      %parallel_loop3A_257 = vector.shape_cast %parallel_loop3A_252 : vector<16xf32> to vector<1x16xf32>
      tpu.vector_store %arg13[%parallel_loop3A_253, %parallel_loop3A_254], %parallel_loop3A_257 {strides = array<i32>} : memref<400x128xf32, #tpu.memory_space<vmem>>, vector<1x16xf32>,
      %parallel_loop3A_258 = arith.index_cast %parallel_loop3A_211 : i32 to index
      %parallel_loop3A_259 = arith.constant 48 : index
      %parallel_loop3A_260 = tpu.vector_load %arg13[%parallel_loop3A_258, %parallel_loop3A_259] {strides = array<i32>} : memref<400x128xf32, #tpu.memory_space<vmem>>, vector<1x16xf32>,
      %parallel_loop3A_261 = vector.shape_cast %parallel_loop3A_260 : vector<1x16xf32> to vector<16xf32>
      %parallel_loop3A_262 = arith.addf %parallel_loop3A_261, %parallel_loop3A_215 : vector<16xf32>
      %parallel_loop3A_263 = arith.index_cast %parallel_loop3A_211 : i32 to index
      %parallel_loop3A_264 = arith.constant 48 : index
      %parallel_loop3A_265 = tpu.vector_load %arg13[%parallel_loop3A_263, %parallel_loop3A_264] {strides = array<i32>} : memref<400x128xf32, #tpu.memory_space<vmem>>, vector<1x16xf32>,
      %parallel_loop3A_266 = vector.shape_cast %parallel_loop3A_265 : vector<1x16xf32> to vector<16xf32>
      %parallel_loop3A_267 = vector.shape_cast %parallel_loop3A_262 : vector<16xf32> to vector<1x16xf32>
      tpu.vector_store %arg13[%parallel_loop3A_263, %parallel_loop3A_264], %parallel_loop3A_267 {strides = array<i32>} : memref<400x128xf32, #tpu.memory_space<vmem>>, vector<1x16xf32>,
      %parallel_loop3A_268 = arith.index_cast %parallel_loop3A_211 : i32 to index
      %parallel_loop3A_269 = arith.constant 64 : index
      %parallel_loop3A_270 = tpu.vector_load %arg13[%parallel_loop3A_268, %parallel_loop3A_269] {strides = array<i32>} : memref<400x128xf32, #tpu.memory_space<vmem>>, vector<1x16xf32>,
      %parallel_loop3A_271 = vector.shape_cast %parallel_loop3A_270 : vector<1x16xf32> to vector<16xf32>
      %parallel_loop3A_272 = arith.addf %parallel_loop3A_271, %parallel_loop3A_216 : vector<16xf32>
      %parallel_loop3A_273 = arith.index_cast %parallel_loop3A_211 : i32 to index
      %parallel_loop3A_274 = arith.constant 64 : index
      %parallel_loop3A_275 = tpu.vector_load %arg13[%parallel_loop3A_273, %parallel_loop3A_274] {strides = array<i32>} : memref<400x128xf32, #tpu.memory_space<vmem>>, vector<1x16xf32>,
      %parallel_loop3A_276 = vector.shape_cast %parallel_loop3A_275 : vector<1x16xf32> to vector<16xf32>
      %parallel_loop3A_277 = vector.shape_cast %parallel_loop3A_272 : vector<16xf32> to vector<1x16xf32>
      tpu.vector_store %arg13[%parallel_loop3A_273, %parallel_loop3A_274], %parallel_loop3A_277 {strides = array<i32>} : memref<400x128xf32, #tpu.memory_space<vmem>>, vector<1x16xf32>,
      %parallel_loop3A_278 = arith.index_cast %parallel_loop3A_211 : i32 to index
      %parallel_loop3A_279 = arith.constant 80 : index
      %parallel_loop3A_280 = tpu.vector_load %arg13[%parallel_loop3A_278, %parallel_loop3A_279] {strides = array<i32>} : memref<400x128xf32, #tpu.memory_space<vmem>>, vector<1x16xf32>,
      %parallel_loop3A_281 = vector.shape_cast %parallel_loop3A_280 : vector<1x16xf32> to vector<16xf32>
      %parallel_loop3A_282 = arith.addf %parallel_loop3A_281, %parallel_loop3A_217 : vector<16xf32>
      %parallel_loop3A_283 = arith.index_cast %parallel_loop3A_211 : i32 to index
      %parallel_loop3A_284 = arith.constant 80 : index
      %parallel_loop3A_285 = tpu.vector_load %arg13[%parallel_loop3A_283, %parallel_loop3A_284] {strides = array<i32>} : memref<400x128xf32, #tpu.memory_space<vmem>>, vector<1x16xf32>,
      %parallel_loop3A_286 = vector.shape_cast %parallel_loop3A_285 : vector<1x16xf32> to vector<16xf32>
      %parallel_loop3A_287 = vector.shape_cast %parallel_loop3A_282 : vector<16xf32> to vector<1x16xf32>
      tpu.vector_store %arg13[%parallel_loop3A_283, %parallel_loop3A_284], %parallel_loop3A_287 {strides = array<i32>} : memref<400x128xf32, #tpu.memory_space<vmem>>, vector<1x16xf32>,
      %parallel_loop3A_288 = arith.index_cast %parallel_loop3A_211 : i32 to index
      %parallel_loop3A_289 = arith.constant 96 : index
      %parallel_loop3A_290 = tpu.vector_load %arg13[%parallel_loop3A_288, %parallel_loop3A_289] {strides = array<i32>} : memref<400x128xf32, #tpu.memory_space<vmem>>, vector<1x16xf32>,
      %parallel_loop3A_291 = vector.shape_cast %parallel_loop3A_290 : vector<1x16xf32> to vector<16xf32>
      %parallel_loop3A_292 = arith.addf %parallel_loop3A_291, %parallel_loop3A_218 : vector<16xf32>
      %parallel_loop3A_293 = arith.index_cast %parallel_loop3A_211 : i32 to index
      %parallel_loop3A_294 = arith.constant 96 : index
      %parallel_loop3A_295 = tpu.vector_load %arg13[%parallel_loop3A_293, %parallel_loop3A_294] {strides = array<i32>} : memref<400x128xf32, #tpu.memory_space<vmem>>, vector<1x16xf32>,
      %parallel_loop3A_296 = vector.shape_cast %parallel_loop3A_295 : vector<1x16xf32> to vector<16xf32>
      %parallel_loop3A_297 = vector.shape_cast %parallel_loop3A_292 : vector<16xf32> to vector<1x16xf32>
      tpu.vector_store %arg13[%parallel_loop3A_293, %parallel_loop3A_294], %parallel_loop3A_297 {strides = array<i32>} : memref<400x128xf32, #tpu.memory_space<vmem>>, vector<1x16xf32>,
      %parallel_loop3A_298 = arith.index_cast %parallel_loop3A_211 : i32 to index
      %parallel_loop3A_299 = arith.constant 112 : index
      %parallel_loop3A_300 = tpu.vector_load %arg13[%parallel_loop3A_298, %parallel_loop3A_299] {strides = array<i32>} : memref<400x128xf32, #tpu.memory_space<vmem>>, vector<1x16xf32>,
      %parallel_loop3A_301 = vector.shape_cast %parallel_loop3A_300 : vector<1x16xf32> to vector<16xf32>
      %parallel_loop3A_302 = arith.addf %parallel_loop3A_301, %parallel_loop3A_219 : vector<16xf32>
      %parallel_loop3A_303 = arith.index_cast %parallel_loop3A_211 : i32 to index
      %parallel_loop3A_304 = arith.constant 112 : index
      %parallel_loop3A_305 = tpu.vector_load %arg13[%parallel_loop3A_303, %parallel_loop3A_304] {strides = array<i32>} : memref<400x128xf32, #tpu.memory_space<vmem>>, vector<1x16xf32>,
      %parallel_loop3A_306 = vector.shape_cast %parallel_loop3A_305 : vector<1x16xf32> to vector<16xf32>
      %parallel_loop3A_307 = vector.shape_cast %parallel_loop3A_302 : vector<16xf32> to vector<1x16xf32>
      tpu.vector_store %arg13[%parallel_loop3A_303, %parallel_loop3A_304], %parallel_loop3A_307 {strides = array<i32>} : memref<400x128xf32, #tpu.memory_space<vmem>>, vector<1x16xf32>,
      %parallel_loop3A_308 = arith.constant 200 : i32
      %parallel_loop3A_309 = arith.addi %parallel_loop3A_211, %parallel_loop3A_308 : i32
      %parallel_loop3A_310 = arith.index_cast %parallel_loop3A_309 : i32 to index
      %parallel_loop3A_311 = arith.constant 0 : index
      %parallel_loop3A_312 = tpu.vector_load %arg13[%parallel_loop3A_310, %parallel_loop3A_311] {strides = array<i32>} : memref<400x128xf32, #tpu.memory_space<vmem>>, vector<1x16xf32>,
      %parallel_loop3A_313 = vector.shape_cast %parallel_loop3A_312 : vector<1x16xf32> to vector<16xf32>
      %parallel_loop3A_314 = arith.addf %parallel_loop3A_313, %parallel_loop3A_220 : vector<16xf32>
      %parallel_loop3A_315 = arith.index_cast %parallel_loop3A_309 : i32 to index
      %parallel_loop3A_316 = arith.constant 0 : index
      %parallel_loop3A_317 = tpu.vector_load %arg13[%parallel_loop3A_315, %parallel_loop3A_316] {strides = array<i32>} : memref<400x128xf32, #tpu.memory_space<vmem>>, vector<1x16xf32>,
      %parallel_loop3A_318 = vector.shape_cast %parallel_loop3A_317 : vector<1x16xf32> to vector<16xf32>
      %parallel_loop3A_319 = vector.shape_cast %parallel_loop3A_314 : vector<16xf32> to vector<1x16xf32>
      tpu.vector_store %arg13[%parallel_loop3A_315, %parallel_loop3A_316], %parallel_loop3A_319 {strides = array<i32>} : memref<400x128xf32, #tpu.memory_space<vmem>>, vector<1x16xf32>,
      %parallel_loop3A_320 = arith.index_cast %parallel_loop3A_309 : i32 to index
      %parallel_loop3A_321 = arith.constant 16 : index
      %parallel_loop3A_322 = tpu.vector_load %arg13[%parallel_loop3A_320, %parallel_loop3A_321] {strides = array<i32>} : memref<400x128xf32, #tpu.memory_space<vmem>>, vector<1x16xf32>,
      %parallel_loop3A_323 = vector.shape_cast %parallel_loop3A_322 : vector<1x16xf32> to vector<16xf32>
      %parallel_loop3A_324 = arith.addf %parallel_loop3A_323, %parallel_loop3A_221 : vector<16xf32>
      %parallel_loop3A_325 = arith.index_cast %parallel_loop3A_309 : i32 to index
      %parallel_loop3A_326 = arith.constant 16 : index
      %parallel_loop3A_327 = tpu.vector_load %arg13[%parallel_loop3A_325, %parallel_loop3A_326] {strides = array<i32>} : memref<400x128xf32, #tpu.memory_space<vmem>>, vector<1x16xf32>,
      %parallel_loop3A_328 = vector.shape_cast %parallel_loop3A_327 : vector<1x16xf32> to vector<16xf32>
      %parallel_loop3A_329 = vector.shape_cast %parallel_loop3A_324 : vector<16xf32> to vector<1x16xf32>
      tpu.vector_store %arg13[%parallel_loop3A_325, %parallel_loop3A_326], %parallel_loop3A_329 {strides = array<i32>} : memref<400x128xf32, #tpu.memory_space<vmem>>, vector<1x16xf32>,
      %parallel_loop3A_330 = arith.index_cast %parallel_loop3A_309 : i32 to index
      %parallel_loop3A_331 = arith.constant 32 : index
      %parallel_loop3A_332 = tpu.vector_load %arg13[%parallel_loop3A_330, %parallel_loop3A_331] {strides = array<i32>} : memref<400x128xf32, #tpu.memory_space<vmem>>, vector<1x16xf32>,
      %parallel_loop3A_333 = vector.shape_cast %parallel_loop3A_332 : vector<1x16xf32> to vector<16xf32>
      %parallel_loop3A_334 = arith.addf %parallel_loop3A_333, %parallel_loop3A_222 : vector<16xf32>
      %parallel_loop3A_335 = arith.index_cast %parallel_loop3A_309 : i32 to index
      %parallel_loop3A_336 = arith.constant 32 : index
      %parallel_loop3A_337 = tpu.vector_load %arg13[%parallel_loop3A_335, %parallel_loop3A_336] {strides = array<i32>} : memref<400x128xf32, #tpu.memory_space<vmem>>, vector<1x16xf32>,
      %parallel_loop3A_338 = vector.shape_cast %parallel_loop3A_337 : vector<1x16xf32> to vector<16xf32>
      %parallel_loop3A_339 = vector.shape_cast %parallel_loop3A_334 : vector<16xf32> to vector<1x16xf32>
      tpu.vector_store %arg13[%parallel_loop3A_335, %parallel_loop3A_336], %parallel_loop3A_339 {strides = array<i32>} : memref<400x128xf32, #tpu.memory_space<vmem>>, vector<1x16xf32>,
      %parallel_loop3A_340 = arith.index_cast %parallel_loop3A_309 : i32 to index
      %parallel_loop3A_341 = arith.constant 48 : index
      %parallel_loop3A_342 = tpu.vector_load %arg13[%parallel_loop3A_340, %parallel_loop3A_341] {strides = array<i32>} : memref<400x128xf32, #tpu.memory_space<vmem>>, vector<1x16xf32>,
      %parallel_loop3A_343 = vector.shape_cast %parallel_loop3A_342 : vector<1x16xf32> to vector<16xf32>
      %parallel_loop3A_344 = arith.addf %parallel_loop3A_343, %parallel_loop3A_223 : vector<16xf32>
      %parallel_loop3A_345 = arith.index_cast %parallel_loop3A_309 : i32 to index
      %parallel_loop3A_346 = arith.constant 48 : index
      %parallel_loop3A_347 = tpu.vector_load %arg13[%parallel_loop3A_345, %parallel_loop3A_346] {strides = array<i32>} : memref<400x128xf32, #tpu.memory_space<vmem>>, vector<1x16xf32>,
      %parallel_loop3A_348 = vector.shape_cast %parallel_loop3A_347 : vector<1x16xf32> to vector<16xf32>
      %parallel_loop3A_349 = vector.shape_cast %parallel_loop3A_344 : vector<16xf32> to vector<1x16xf32>
      tpu.vector_store %arg13[%parallel_loop3A_345, %parallel_loop3A_346], %parallel_loop3A_349 {strides = array<i32>} : memref<400x128xf32, #tpu.memory_space<vmem>>, vector<1x16xf32>,
      %parallel_loop3A_350 = arith.index_cast %parallel_loop3A_309 : i32 to index
      %parallel_loop3A_351 = arith.constant 64 : index
      %parallel_loop3A_352 = tpu.vector_load %arg13[%parallel_loop3A_350, %parallel_loop3A_351] {strides = array<i32>} : memref<400x128xf32, #tpu.memory_space<vmem>>, vector<1x16xf32>,
      %parallel_loop3A_353 = vector.shape_cast %parallel_loop3A_352 : vector<1x16xf32> to vector<16xf32>
      %parallel_loop3A_354 = arith.addf %parallel_loop3A_353, %parallel_loop3A_224 : vector<16xf32>
      %parallel_loop3A_355 = arith.index_cast %parallel_loop3A_309 : i32 to index
      %parallel_loop3A_356 = arith.constant 64 : index
      %parallel_loop3A_357 = tpu.vector_load %arg13[%parallel_loop3A_355, %parallel_loop3A_356] {strides = array<i32>} : memref<400x128xf32, #tpu.memory_space<vmem>>, vector<1x16xf32>,
      %parallel_loop3A_358 = vector.shape_cast %parallel_loop3A_357 : vector<1x16xf32> to vector<16xf32>
      %parallel_loop3A_359 = vector.shape_cast %parallel_loop3A_354 : vector<16xf32> to vector<1x16xf32>
      tpu.vector_store %arg13[%parallel_loop3A_355, %parallel_loop3A_356], %parallel_loop3A_359 {strides = array<i32>} : memref<400x128xf32, #tpu.memory_space<vmem>>, vector<1x16xf32>,
      %parallel_loop3A_360 = arith.index_cast %parallel_loop3A_309 : i32 to index
      %parallel_loop3A_361 = arith.constant 80 : index
      %parallel_loop3A_362 = tpu.vector_load %arg13[%parallel_loop3A_360, %parallel_loop3A_361] {strides = array<i32>} : memref<400x128xf32, #tpu.memory_space<vmem>>, vector<1x16xf32>,
      %parallel_loop3A_363 = vector.shape_cast %parallel_loop3A_362 : vector<1x16xf32> to vector<16xf32>
      %parallel_loop3A_364 = arith.addf %parallel_loop3A_363, %parallel_loop3A_225 : vector<16xf32>
      %parallel_loop3A_365 = arith.index_cast %parallel_loop3A_309 : i32 to index
      %parallel_loop3A_366 = arith.constant 80 : index
      %parallel_loop3A_367 = tpu.vector_load %arg13[%parallel_loop3A_365, %parallel_loop3A_366] {strides = array<i32>} : memref<400x128xf32, #tpu.memory_space<vmem>>, vector<1x16xf32>,
      %parallel_loop3A_368 = vector.shape_cast %parallel_loop3A_367 : vector<1x16xf32> to vector<16xf32>
      %parallel_loop3A_369 = vector.shape_cast %parallel_loop3A_364 : vector<16xf32> to vector<1x16xf32>
      tpu.vector_store %arg13[%parallel_loop3A_365, %parallel_loop3A_366], %parallel_loop3A_369 {strides = array<i32>} : memref<400x128xf32, #tpu.memory_space<vmem>>, vector<1x16xf32>,
      %parallel_loop3A_370 = arith.index_cast %parallel_loop3A_309 : i32 to index
      %parallel_loop3A_371 = arith.constant 96 : index
      %parallel_loop3A_372 = tpu.vector_load %arg13[%parallel_loop3A_370, %parallel_loop3A_371] {strides = array<i32>} : memref<400x128xf32, #tpu.memory_space<vmem>>, vector<1x16xf32>,
      %parallel_loop3A_373 = vector.shape_cast %parallel_loop3A_372 : vector<1x16xf32> to vector<16xf32>
      %parallel_loop3A_374 = arith.addf %parallel_loop3A_373, %parallel_loop3A_226 : vector<16xf32>
      %parallel_loop3A_375 = arith.index_cast %parallel_loop3A_309 : i32 to index
      %parallel_loop3A_376 = arith.constant 96 : index
      %parallel_loop3A_377 = tpu.vector_load %arg13[%parallel_loop3A_375, %parallel_loop3A_376] {strides = array<i32>} : memref<400x128xf32, #tpu.memory_space<vmem>>, vector<1x16xf32>,
      %parallel_loop3A_378 = vector.shape_cast %parallel_loop3A_377 : vector<1x16xf32> to vector<16xf32>
      %parallel_loop3A_379 = vector.shape_cast %parallel_loop3A_374 : vector<16xf32> to vector<1x16xf32>
      tpu.vector_store %arg13[%parallel_loop3A_375, %parallel_loop3A_376], %parallel_loop3A_379 {strides = array<i32>} : memref<400x128xf32, #tpu.memory_space<vmem>>, vector<1x16xf32>,
      %parallel_loop3A_380 = arith.index_cast %parallel_loop3A_309 : i32 to index
      %parallel_loop3A_381 = arith.constant 112 : index
      %parallel_loop3A_382 = tpu.vector_load %arg13[%parallel_loop3A_380, %parallel_loop3A_381] {strides = array<i32>} : memref<400x128xf32, #tpu.memory_space<vmem>>, vector<1x16xf32>,
      %parallel_loop3A_383 = vector.shape_cast %parallel_loop3A_382 : vector<1x16xf32> to vector<16xf32>
      %parallel_loop3A_384 = arith.addf %parallel_loop3A_383, %parallel_loop3A_227 : vector<16xf32>
      %parallel_loop3A_385 = arith.index_cast %parallel_loop3A_309 : i32 to index
      %parallel_loop3A_386 = arith.constant 112 : index
      %parallel_loop3A_387 = tpu.vector_load %arg13[%parallel_loop3A_385, %parallel_loop3A_386] {strides = array<i32>} : memref<400x128xf32, #tpu.memory_space<vmem>>, vector<1x16xf32>,
      %parallel_loop3A_388 = vector.shape_cast %parallel_loop3A_387 : vector<1x16xf32> to vector<16xf32>
      %parallel_loop3A_389 = vector.shape_cast %parallel_loop3A_384 : vector<16xf32> to vector<1x16xf32>
      tpu.vector_store %arg13[%parallel_loop3A_385, %parallel_loop3A_386], %parallel_loop3A_389 {strides = array<i32>} : memref<400x128xf32, #tpu.memory_space<vmem>>, vector<1x16xf32>,
      scf.yield %parallel_loop3A_212, %parallel_loop3A_213, %parallel_loop3A_214, %parallel_loop3A_215, %parallel_loop3A_216, %parallel_loop3A_217, %parallel_loop3A_218, %parallel_loop3A_219, %parallel_loop3A_220, %parallel_loop3A_221, %parallel_loop3A_222, %parallel_loop3A_223, %parallel_loop3A_224, %parallel_loop3A_225, %parallel_loop3A_226, %parallel_loop3A_227 : vector<16xf32>, vector<16xf32>, vector<16xf32>, vector<16xf32>, vector<16xf32>, vector<16xf32>, vector<16xf32>, vector<16xf32>, vector<16xf32>, vector<16xf32>, vector<16xf32>, vector<16xf32>, vector<16xf32>, vector<16xf32>, vector<16xf32>, vector<16xf32>
    } {sc.loop_unroll_factor = 2 : i64, sc.parallel_access}
    %dma_start3A = arith.constant 0 : i32
    %dma_start3A_131 = arith.constant 0 : i32
    %dma_start3A_132 = tpu.memref_slice %arg8[%dma_start3A, %dma_start3A_131] : memref<50x128xi32, #tpu.memory_space<vmem>> -> memref<1x128xi32, #tpu.memory_space<vmem>>
    %dma_start3A_133 = tpu.memref_squeeze %dma_start3A_132 : memref<1x128xi32, #tpu.memory_space<vmem>> -> memref<128xi32, #tpu.memory_space<vmem>>
    %dma_start3A_134 = arith.constant 0 : i32
    %dma_start3A_135 = arith.constant 0 : i32
    %dma_start3A_136 = tpu.memref_slice %arg4[%dma_start3A_134, %dma_start3A_135] : memref<100000x128xf32, #tpu.memory_space<hbm>> -> memref<100000x128xf32, #tpu.memory_space<hbm>>
    tpu.enqueue_indirect_dma source(%dma_start3A_136 : memref<100000x128xf32, #tpu.memory_space<hbm>>) target(%arg9 : memref<128x128xf32, #tpu.memory_space<vmem>>) offsets(%dma_start3A_133 : memref<128xi32, #tpu.memory_space<vmem>>) semaphore(%arg17 : memref<!tpu.dma_semaphore, #tpu.memory_space<semaphore_mem>>)
    %dma_start3A_137 = arith.constant 0 : i32
    %dma_start3A_138 = arith.constant 0 : i32
    %dma_start3A_139 = arith.constant 0 : i32
    %dma_start3A_140 = tpu.memref_slice %arg15[%dma_start3A_138, %dma_start3A_139] : memref<2x128xi32, #tpu.memory_space<vmem>> -> memref<1x128xi32, #tpu.memory_space<vmem>>
    %dma_start3A_141 = tpu.memref_squeeze %dma_start3A_140 : memref<1x128xi32, #tpu.memory_space<vmem>> -> memref<128xi32, #tpu.memory_space<vmem>>
    %dma_start3A_142 = arith.constant 0 : i32
    %dma_start3A_143 = arith.constant 0 : i32
    %dma_start3A_144 = tpu.memref_slice %arg3[%add3A, %dma_start3A_142, %dma_start3A_143] : memref<32x50x128xi32, #tpu.memory_space<hbm>> -> memref<1x50x128xi32, #tpu.memory_space<hbm>>
    %dma_start3A_145 = tpu.memref_squeeze %dma_start3A_144 : memref<1x50x128xi32, #tpu.memory_space<hbm>> -> memref<50x128xi32, #tpu.memory_space<hbm>>
    %dma_start3A_146 = arith.constant 0 : i32
    %dma_start3A_147 = tpu.memref_slice %dma_start3A_145[%dma_start3A_137, %dma_start3A_146] : memref<50x128xi32, #tpu.memory_space<hbm>> -> memref<1x128xi32, #tpu.memory_space<hbm>>
    %dma_start3A_148 = tpu.memref_squeeze %dma_start3A_147 : memref<1x128xi32, #tpu.memory_space<hbm>> -> memref<128xi32, #tpu.memory_space<hbm>>
    %dma_start3A_149 = arith.constant 0 : i32
    %dma_start3A_150 = tpu.memref_slice %arg15[%dma_start3A_138, %dma_start3A_149] : memref<2x128xi32, #tpu.memory_space<vmem>> -> memref<1x128xi32, #tpu.memory_space<vmem>>
    %dma_start3A_151 = tpu.memref_squeeze %dma_start3A_150 : memref<1x128xi32, #tpu.memory_space<vmem>> -> memref<128xi32, #tpu.memory_space<vmem>>
    %dma_start3A_152 = arith.constant 0 : i32
    %dma_start3A_153 = arith.constant 0 : i32
    %dma_start3A_154 = tpu.memref_slice %arg3[%add3A, %dma_start3A_152, %dma_start3A_153] : memref<32x50x128xi32, #tpu.memory_space<hbm>> -> memref<1x50x128xi32, #tpu.memory_space<hbm>>
    %dma_start3A_155 = tpu.memref_squeeze %dma_start3A_154 : memref<1x50x128xi32, #tpu.memory_space<hbm>> -> memref<50x128xi32, #tpu.memory_space<hbm>>
    %dma_start3A_156 = arith.constant 0 : i32
    %dma_start3A_157 = tpu.memref_slice %dma_start3A_155[%dma_start3A_137, %dma_start3A_156] : memref<50x128xi32, #tpu.memory_space<hbm>> -> memref<1x128xi32, #tpu.memory_space<hbm>>
    %dma_start3A_158 = tpu.memref_squeeze %dma_start3A_157 : memref<1x128xi32, #tpu.memory_space<hbm>> -> memref<128xi32, #tpu.memory_space<hbm>>
    tpu.enqueue_dma source(%dma_start3A_158 : memref<128xi32, #tpu.memory_space<hbm>>) target(%dma_start3A_151 : memref<128xi32, #tpu.memory_space<vmem>>) target_semaphore(%arg21 : memref<!tpu.dma_semaphore, #tpu.memory_space<semaphore_mem>>)
    %dma_start3A_159 = arith.constant 1 : i32
    %dma_start3A_160 = arith.constant 0 : i32
    %dma_start3A_161 = tpu.memref_slice %arg8[%dma_start3A_159, %dma_start3A_160] : memref<50x128xi32, #tpu.memory_space<vmem>> -> memref<1x128xi32, #tpu.memory_space<vmem>>
    %dma_start3A_162 = tpu.memref_squeeze %dma_start3A_161 : memref<1x128xi32, #tpu.memory_space<vmem>> -> memref<128xi32, #tpu.memory_space<vmem>>
    %dma_start3A_163 = arith.constant 0 : i32
    %dma_start3A_164 = arith.constant 0 : i32
    %dma_start3A_165 = tpu.memref_slice %arg4[%dma_start3A_163, %dma_start3A_164] : memref<100000x128xf32, #tpu.memory_space<hbm>> -> memref<100000x128xf32, #tpu.memory_space<hbm>>
    tpu.enqueue_indirect_dma source(%dma_start3A_165 : memref<100000x128xf32, #tpu.memory_space<hbm>>) target(%arg10 : memref<128x128xf32, #tpu.memory_space<vmem>>) offsets(%dma_start3A_162 : memref<128xi32, #tpu.memory_space<vmem>>) semaphore(%arg18 : memref<!tpu.dma_semaphore, #tpu.memory_space<semaphore_mem>>)
    %dma_start3A_166 = arith.constant 1 : i32
    %dma_start3A_167 = arith.constant 1 : i32
    %dma_start3A_168 = arith.constant 0 : i32
    %dma_start3A_169 = tpu.memref_slice %arg15[%dma_start3A_167, %dma_start3A_168] : memref<2x128xi32, #tpu.memory_space<vmem>> -> memref<1x128xi32, #tpu.memory_space<vmem>>
    %dma_start3A_170 = tpu.memref_squeeze %dma_start3A_169 : memref<1x128xi32, #tpu.memory_space<vmem>> -> memref<128xi32, #tpu.memory_space<vmem>>
    %dma_start3A_171 = arith.constant 0 : i32
    %dma_start3A_172 = arith.constant 0 : i32
    %dma_start3A_173 = tpu.memref_slice %arg3[%add3A, %dma_start3A_171, %dma_start3A_172] : memref<32x50x128xi32, #tpu.memory_space<hbm>> -> memref<1x50x128xi32, #tpu.memory_space<hbm>>
    %dma_start3A_174 = tpu.memref_squeeze %dma_start3A_173 : memref<1x50x128xi32, #tpu.memory_space<hbm>> -> memref<50x128xi32, #tpu.memory_space<hbm>>
    %dma_start3A_175 = arith.constant 0 : i32
    %dma_start3A_176 = tpu.memref_slice %dma_start3A_174[%dma_start3A_166, %dma_start3A_175] : memref<50x128xi32, #tpu.memory_space<hbm>> -> memref<1x128xi32, #tpu.memory_space<hbm>>
    %dma_start3A_177 = tpu.memref_squeeze %dma_start3A_176 : memref<1x128xi32, #tpu.memory_space<hbm>> -> memref<128xi32, #tpu.memory_space<hbm>>
    %dma_start3A_178 = arith.constant 0 : i32
    %dma_start3A_179 = tpu.memref_slice %arg15[%dma_start3A_167, %dma_start3A_178] : memref<2x128xi32, #tpu.memory_space<vmem>> -> memref<1x128xi32, #tpu.memory_space<vmem>>
    %dma_start3A_180 = tpu.memref_squeeze %dma_start3A_179 : memref<1x128xi32, #tpu.memory_space<vmem>> -> memref<128xi32, #tpu.memory_space<vmem>>
    %dma_start3A_181 = arith.constant 0 : i32
    %dma_start3A_182 = arith.constant 0 : i32
    %dma_start3A_183 = tpu.memref_slice %arg3[%add3A, %dma_start3A_181, %dma_start3A_182] : memref<32x50x128xi32, #tpu.memory_space<hbm>> -> memref<1x50x128xi32, #tpu.memory_space<hbm>>
    %dma_start3A_184 = tpu.memref_squeeze %dma_start3A_183 : memref<1x50x128xi32, #tpu.memory_space<hbm>> -> memref<50x128xi32, #tpu.memory_space<hbm>>
    %dma_start3A_185 = arith.constant 0 : i32
    %dma_start3A_186 = tpu.memref_slice %dma_start3A_184[%dma_start3A_166, %dma_start3A_185] : memref<50x128xi32, #tpu.memory_space<hbm>> -> memref<1x128xi32, #tpu.memory_space<hbm>>
    %dma_start3A_187 = tpu.memref_squeeze %dma_start3A_186 : memref<1x128xi32, #tpu.memory_space<hbm>> -> memref<128xi32, #tpu.memory_space<hbm>>
    tpu.enqueue_dma source(%dma_start3A_187 : memref<128xi32, #tpu.memory_space<hbm>>) target(%dma_start3A_180 : memref<128xi32, #tpu.memory_space<vmem>>) target_semaphore(%arg22 : memref<!tpu.dma_semaphore, #tpu.memory_space<semaphore_mem>>)
    %mul3A_188 = arith.constant 6400 : i32
    %mul3A_189 = arith.muli %add3A, %mul3A_188 : i32
    %scan3A = arith.constant 0 : i32
    %scan3A_190 = arith.constant 0 : i32
    %scan3A_191 = arith.constant 25 : i32
    %scan3A_192 = arith.addi %scan3A_190, %scan3A_191 : i32
    %scan3A_193 = arith.constant 1 : i32
    scf.for %scan3A_211 = %scan3A_190 to %scan3A_192 step %scan3A_193  : i32 {
      %mul3A_212 = arith.constant 2 : i32
      %mul3A_213 = arith.muli %scan3A_211, %mul3A_212 : i32
      %add3A_214 = arith.constant 0 : i32
      %add3A_215 = arith.addi %mul3A_213, %add3A_214 : i32
      %dma_wait3A_216 = arith.constant 0 : i32
      %dma_wait3A_217 = tpu.memref_slice %arg8[%add3A_215, %dma_wait3A_216] : memref<50x128xi32, #tpu.memory_space<vmem>> -> memref<1x128xi32, #tpu.memory_space<vmem>>
      %dma_wait3A_218 = tpu.memref_squeeze %dma_wait3A_217 : memref<1x128xi32, #tpu.memory_space<vmem>> -> memref<128xi32, #tpu.memory_space<vmem>>
      %dma_wait3A_219 = arith.constant 0 : i32
      %dma_wait3A_220 = arith.constant 0 : i32
      %dma_wait3A_221 = tpu.memref_slice %arg4[%dma_wait3A_219, %dma_wait3A_220] : memref<100000x128xf32, #tpu.memory_space<hbm>> -> memref<100000x128xf32, #tpu.memory_space<hbm>>
      tpu.wait_indirect_dma semaphore(%arg17 : memref<!tpu.dma_semaphore, #tpu.memory_space<semaphore_mem>>) src(%dma_wait3A_221 : memref<100000x128xf32, #tpu.memory_space<hbm>>) dst(%arg9 : memref<128x128xf32, #tpu.memory_space<vmem>>)
      %dma_wait3A_222 = arith.constant 0 : i32
      %dma_wait3A_223 = arith.constant 0 : i32
      %dma_wait3A_224 = tpu.memref_slice %arg15[%dma_wait3A_222, %dma_wait3A_223] : memref<2x128xi32, #tpu.memory_space<vmem>> -> memref<1x128xi32, #tpu.memory_space<vmem>>
      %dma_wait3A_225 = tpu.memref_squeeze %dma_wait3A_224 : memref<1x128xi32, #tpu.memory_space<vmem>> -> memref<128xi32, #tpu.memory_space<vmem>>
      %dma_wait3A_226 = arith.constant 0 : i32
      %dma_wait3A_227 = arith.constant 0 : i32
      %dma_wait3A_228 = tpu.memref_slice %arg3[%add3A, %dma_wait3A_226, %dma_wait3A_227] : memref<32x50x128xi32, #tpu.memory_space<hbm>> -> memref<1x50x128xi32, #tpu.memory_space<hbm>>
      %dma_wait3A_229 = tpu.memref_squeeze %dma_wait3A_228 : memref<1x50x128xi32, #tpu.memory_space<hbm>> -> memref<50x128xi32, #tpu.memory_space<hbm>>
      %dma_wait3A_230 = arith.constant 0 : i32
      %dma_wait3A_231 = tpu.memref_slice %dma_wait3A_229[%add3A_215, %dma_wait3A_230] : memref<50x128xi32, #tpu.memory_space<hbm>> -> memref<1x128xi32, #tpu.memory_space<hbm>>
      %dma_wait3A_232 = tpu.memref_squeeze %dma_wait3A_231 : memref<1x128xi32, #tpu.memory_space<hbm>> -> memref<128xi32, #tpu.memory_space<hbm>>
      %dma_wait3A_233 = arith.constant 0 : i32
      %dma_wait3A_234 = tpu.memref_slice %arg15[%dma_wait3A_222, %dma_wait3A_233] : memref<2x128xi32, #tpu.memory_space<vmem>> -> memref<1x128xi32, #tpu.memory_space<vmem>>
      %dma_wait3A_235 = tpu.memref_squeeze %dma_wait3A_234 : memref<1x128xi32, #tpu.memory_space<vmem>> -> memref<128xi32, #tpu.memory_space<vmem>>
      %dma_wait3A_236 = arith.constant 0 : i32
      %dma_wait3A_237 = arith.constant 0 : i32
      %dma_wait3A_238 = tpu.memref_slice %arg3[%add3A, %dma_wait3A_236, %dma_wait3A_237] : memref<32x50x128xi32, #tpu.memory_space<hbm>> -> memref<1x50x128xi32, #tpu.memory_space<hbm>>
      %dma_wait3A_239 = tpu.memref_squeeze %dma_wait3A_238 : memref<1x50x128xi32, #tpu.memory_space<hbm>> -> memref<50x128xi32, #tpu.memory_space<hbm>>
      %dma_wait3A_240 = arith.constant 0 : i32
      %dma_wait3A_241 = tpu.memref_slice %dma_wait3A_239[%add3A_215, %dma_wait3A_240] : memref<50x128xi32, #tpu.memory_space<hbm>> -> memref<1x128xi32, #tpu.memory_space<hbm>>
      %dma_wait3A_242 = tpu.memref_squeeze %dma_wait3A_241 : memref<1x128xi32, #tpu.memory_space<hbm>> -> memref<128xi32, #tpu.memory_space<hbm>>
      tpu.wait_dma2 semaphore(%arg21 : memref<!tpu.dma_semaphore, #tpu.memory_space<semaphore_mem>>) src(%dma_wait3A_242 : memref<128xi32, #tpu.memory_space<hbm>>) dst(%dma_wait3A_235 : memref<128xi32, #tpu.memory_space<vmem>>)
      %ge3A = arith.constant 2 : i32
      %ge3A_243 = arith.cmpi sge, %add3A_215, %ge3A : i32
      %convert_element_type3A = arith.extui %ge3A_243 : i1 to i32
      %cond3A = arith.constant 0 : i32
      %cond3A_244 = arith.cmpi ne, %convert_element_type3A, %cond3A : i32
      scf.if %cond3A_244 {
        %sub3A = arith.constant 2 : i32
        %sub3A_1941 = arith.subi %add3A_215, %sub3A : i32
        %mul3A_1942 = arith.constant 6400 : i32
        %mul3A_1943 = arith.muli %add3A, %mul3A_1942 : i32
        %mul3A_1944 = arith.constant 128 : i32
        %mul3A_1945 = arith.muli %sub3A_1941, %mul3A_1944 : i32
        %add3A_1946 = arith.addi %mul3A_1943, %mul3A_1945 : i32
        %multiple_of3A_1947 = tpu.assume_multiple %add3A_1946, 128 : i32
        %dma_wait3A_1948 = arith.constant 0 : i32
        %dma_wait3A_1949 = tpu.memref_slice %arg7[%multiple_of3A_1947, %dma_wait3A_1948] : memref<204800x128xf32, #tpu.memory_space<hbm>> -> memref<128x128xf32, #tpu.memory_space<hbm>>
        %dma_wait3A_1950 = arith.constant 0 : i32
        %dma_wait3A_1951 = tpu.memref_slice %arg7[%multiple_of3A_1947, %dma_wait3A_1950] : memref<204800x128xf32, #tpu.memory_space<hbm>> -> memref<128x128xf32, #tpu.memory_space<hbm>>
        tpu.wait_dma2 semaphore(%arg19 : memref<!tpu.dma_semaphore, #tpu.memory_space<semaphore_mem>>) src(%arg11 : memref<128x128xf32, #tpu.memory_space<vmem>>) dst(%dma_wait3A_1951 : memref<128x128xf32, #tpu.memory_space<hbm>>)
      } else {
      }
      %get3A_245 = arith.constant 0 : i32
      %get3A_246 = arith.index_cast %get3A_245 : i32 to index
      %get3A_247 = arith.constant 0 : index
      %get3A_248 = tpu.vector_load %arg15[%get3A_246, %get3A_247] {strides = array<i32>} : memref<2x128xi32, #tpu.memory_space<vmem>>, vector<1x16xi32>,
      %get3A_249 = vector.shape_cast %get3A_248 : vector<1x16xi32> to vector<16xi32>
      %slice3A = vector.extract_strided_slice %get3A_249 {offsets = [0], sizes = [1], strides = [1]} : vector<16xi32> to vector<1xi32>
      %squeeze3A = vector.extract %slice3A[0] : i32 from vector<1xi32>
      %swap3A = arith.constant 0 : i32
      %swap3A_250 = arith.index_cast %swap3A : i32 to index
      %swap3A_251 = memref.load %arg16[%swap3A_250] : memref<128xi32, #tpu.memory_space<smem>>
      memref.store %squeeze3A, %arg16[%swap3A_250] : memref<128xi32, #tpu.memory_space<smem>>
      %slice3A_252 = vector.extract_strided_slice %get3A_249 {offsets = [1], sizes = [1], strides = [1]} : vector<16xi32> to vector<1xi32>
      %squeeze3A_253 = vector.extract %slice3A_252[0] : i32 from vector<1xi32>
      %swap3A_254 = arith.constant 1 : i32
      %swap3A_255 = arith.index_cast %swap3A_254 : i32 to index
      %swap3A_256 = memref.load %arg16[%swap3A_255] : memref<128xi32, #tpu.memory_space<smem>>
      memref.store %squeeze3A_253, %arg16[%swap3A_255] : memref<128xi32, #tpu.memory_space<smem>>
      %slice3A_257 = vector.extract_strided_slice %get3A_249 {offsets = [2], sizes = [1], strides = [1]} : vector<16xi32> to vector<1xi32>
      %squeeze3A_258 = vector.extract %slice3A_257[0] : i32 from vector<1xi32>
      %swap3A_259 = arith.constant 2 : i32
      %swap3A_260 = arith.index_cast %swap3A_259 : i32 to index
      %swap3A_261 = memref.load %arg16[%swap3A_260] : memref<128xi32, #tpu.memory_space<smem>>
      memref.store %squeeze3A_258, %arg16[%swap3A_260] : memref<128xi32, #tpu.memory_space<smem>>
      %slice3A_262 = vector.extract_strided_slice %get3A_249 {offsets = [3], sizes = [1], strides = [1]} : vector<16xi32> to vector<1xi32>
      %squeeze3A_263 = vector.extract %slice3A_262[0] : i32 from vector<1xi32>
      %swap3A_264 = arith.constant 3 : i32
      %swap3A_265 = arith.index_cast %swap3A_264 : i32 to index
      %swap3A_266 = memref.load %arg16[%swap3A_265] : memref<128xi32, #tpu.memory_space<smem>>
      memref.store %squeeze3A_263, %arg16[%swap3A_265] : memref<128xi32, #tpu.memory_space<smem>>
      %slice3A_267 = vector.extract_strided_slice %get3A_249 {offsets = [4], sizes = [1], strides = [1]} : vector<16xi32> to vector<1xi32>
      %squeeze3A_268 = vector.extract %slice3A_267[0] : i32 from vector<1xi32>
      %swap3A_269 = arith.constant 4 : i32
      %swap3A_270 = arith.index_cast %swap3A_269 : i32 to index
      %swap3A_271 = memref.load %arg16[%swap3A_270] : memref<128xi32, #tpu.memory_space<smem>>
      memref.store %squeeze3A_268, %arg16[%swap3A_270] : memref<128xi32, #tpu.memory_space<smem>>
      %slice3A_272 = vector.extract_strided_slice %get3A_249 {offsets = [5], sizes = [1], strides = [1]} : vector<16xi32> to vector<1xi32>
      %squeeze3A_273 = vector.extract %slice3A_272[0] : i32 from vector<1xi32>
      %swap3A_274 = arith.constant 5 : i32
      %swap3A_275 = arith.index_cast %swap3A_274 : i32 to index
      %swap3A_276 = memref.load %arg16[%swap3A_275] : memref<128xi32, #tpu.memory_space<smem>>
      memref.store %squeeze3A_273, %arg16[%swap3A_275] : memref<128xi32, #tpu.memory_space<smem>>
      %slice3A_277 = vector.extract_strided_slice %get3A_249 {offsets = [6], sizes = [1], strides = [1]} : vector<16xi32> to vector<1xi32>
      %squeeze3A_278 = vector.extract %slice3A_277[0] : i32 from vector<1xi32>
      %swap3A_279 = arith.constant 6 : i32
      %swap3A_280 = arith.index_cast %swap3A_279 : i32 to index
      %swap3A_281 = memref.load %arg16[%swap3A_280] : memref<128xi32, #tpu.memory_space<smem>>
      memref.store %squeeze3A_278, %arg16[%swap3A_280] : memref<128xi32, #tpu.memory_space<smem>>
      %slice3A_282 = vector.extract_strided_slice %get3A_249 {offsets = [7], sizes = [1], strides = [1]} : vector<16xi32> to vector<1xi32>
      %squeeze3A_283 = vector.extract %slice3A_282[0] : i32 from vector<1xi32>
      %swap3A_284 = arith.constant 7 : i32
      %swap3A_285 = arith.index_cast %swap3A_284 : i32 to index
      %swap3A_286 = memref.load %arg16[%swap3A_285] : memref<128xi32, #tpu.memory_space<smem>>
      memref.store %squeeze3A_283, %arg16[%swap3A_285] : memref<128xi32, #tpu.memory_space<smem>>
      %slice3A_287 = vector.extract_strided_slice %get3A_249 {offsets = [8], sizes = [1], strides = [1]} : vector<16xi32> to vector<1xi32>
      %squeeze3A_288 = vector.extract %slice3A_287[0] : i32 from vector<1xi32>
      %swap3A_289 = arith.constant 8 : i32
      %swap3A_290 = arith.index_cast %swap3A_289 : i32 to index
      %swap3A_291 = memref.load %arg16[%swap3A_290] : memref<128xi32, #tpu.memory_space<smem>>
      memref.store %squeeze3A_288, %arg16[%swap3A_290] : memref<128xi32, #tpu.memory_space<smem>>
      %slice3A_292 = vector.extract_strided_slice %get3A_249 {offsets = [9], sizes = [1], strides = [1]} : vector<16xi32> to vector<1xi32>
      %squeeze3A_293 = vector.extract %slice3A_292[0] : i32 from vector<1xi32>
      %swap3A_294 = arith.constant 9 : i32
      %swap3A_295 = arith.index_cast %swap3A_294 : i32 to index
      %swap3A_296 = memref.load %arg16[%swap3A_295] : memref<128xi32, #tpu.memory_space<smem>>
      memref.store %squeeze3A_293, %arg16[%swap3A_295] : memref<128xi32, #tpu.memory_space<smem>>
      %slice3A_297 = vector.extract_strided_slice %get3A_249 {offsets = [10], sizes = [1], strides = [1]} : vector<16xi32> to vector<1xi32>
      %squeeze3A_298 = vector.extract %slice3A_297[0] : i32 from vector<1xi32>
      %swap3A_299 = arith.constant 10 : i32
      %swap3A_300 = arith.index_cast %swap3A_299 : i32 to index
      %swap3A_301 = memref.load %arg16[%swap3A_300] : memref<128xi32, #tpu.memory_space<smem>>
      memref.store %squeeze3A_298, %arg16[%swap3A_300] : memref<128xi32, #tpu.memory_space<smem>>
      %slice3A_302 = vector.extract_strided_slice %get3A_249 {offsets = [11], sizes = [1], strides = [1]} : vector<16xi32> to vector<1xi32>
      %squeeze3A_303 = vector.extract %slice3A_302[0] : i32 from vector<1xi32>
      %swap3A_304 = arith.constant 11 : i32
      %swap3A_305 = arith.index_cast %swap3A_304 : i32 to index
      %swap3A_306 = memref.load %arg16[%swap3A_305] : memref<128xi32, #tpu.memory_space<smem>>
      memref.store %squeeze3A_303, %arg16[%swap3A_305] : memref<128xi32, #tpu.memory_space<smem>>
      %slice3A_307 = vector.extract_strided_slice %get3A_249 {offsets = [12], sizes = [1], strides = [1]} : vector<16xi32> to vector<1xi32>
      %squeeze3A_308 = vector.extract %slice3A_307[0] : i32 from vector<1xi32>
      %swap3A_309 = arith.constant 12 : i32
      %swap3A_310 = arith.index_cast %swap3A_309 : i32 to index
      %swap3A_311 = memref.load %arg16[%swap3A_310] : memref<128xi32, #tpu.memory_space<smem>>
      memref.store %squeeze3A_308, %arg16[%swap3A_310] : memref<128xi32, #tpu.memory_space<smem>>
      %slice3A_312 = vector.extract_strided_slice %get3A_249 {offsets = [13], sizes = [1], strides = [1]} : vector<16xi32> to vector<1xi32>
      %squeeze3A_313 = vector.extract %slice3A_312[0] : i32 from vector<1xi32>
      %swap3A_314 = arith.constant 13 : i32
      %swap3A_315 = arith.index_cast %swap3A_314 : i32 to index
      %swap3A_316 = memref.load %arg16[%swap3A_315] : memref<128xi32, #tpu.memory_space<smem>>
      memref.store %squeeze3A_313, %arg16[%swap3A_315] : memref<128xi32, #tpu.memory_space<smem>>
      %slice3A_317 = vector.extract_strided_slice %get3A_249 {offsets = [14], sizes = [1], strides = [1]} : vector<16xi32> to vector<1xi32>
      %squeeze3A_318 = vector.extract %slice3A_317[0] : i32 from vector<1xi32>
      %swap3A_319 = arith.constant 14 : i32
      %swap3A_320 = arith.index_cast %swap3A_319 : i32 to index
      %swap3A_321 = memref.load %arg16[%swap3A_320] : memref<128xi32, #tpu.memory_space<smem>>
      memref.store %squeeze3A_318, %arg16[%swap3A_320] : memref<128xi32, #tpu.memory_space<smem>>
      %slice3A_322 = vector.extract_strided_slice %get3A_249 {offsets = [15], sizes = [1], strides = [1]} : vector<16xi32> to vector<1xi32>
      %squeeze3A_323 = vector.extract %slice3A_322[0] : i32 from vector<1xi32>
      %swap3A_324 = arith.constant 15 : i32
      %swap3A_325 = arith.index_cast %swap3A_324 : i32 to index
      %swap3A_326 = memref.load %arg16[%swap3A_325] : memref<128xi32, #tpu.memory_space<smem>>
      memref.store %squeeze3A_323, %arg16[%swap3A_325] : memref<128xi32, #tpu.memory_space<smem>>
      %get3A_327 = arith.constant 0 : i32
      %get3A_328 = arith.index_cast %get3A_327 : i32 to index
      %get3A_329 = arith.constant 16 : index
      %get3A_330 = tpu.vector_load %arg15[%get3A_328, %get3A_329] {strides = array<i32>} : memref<2x128xi32, #tpu.memory_space<vmem>>, vector<1x16xi32>,
      %get3A_331 = vector.shape_cast %get3A_330 : vector<1x16xi32> to vector<16xi32>
      %slice3A_332 = vector.extract_strided_slice %get3A_331 {offsets = [0], sizes = [1], strides = [1]} : vector<16xi32> to vector<1xi32>
      %squeeze3A_333 = vector.extract %slice3A_332[0] : i32 from vector<1xi32>
      %swap3A_334 = arith.constant 16 : i32
      %swap3A_335 = arith.index_cast %swap3A_334 : i32 to index
      %swap3A_336 = memref.load %arg16[%swap3A_335] : memref<128xi32, #tpu.memory_space<smem>>
      memref.store %squeeze3A_333, %arg16[%swap3A_335] : memref<128xi32, #tpu.memory_space<smem>>
      %slice3A_337 = vector.extract_strided_slice %get3A_331 {offsets = [1], sizes = [1], strides = [1]} : vector<16xi32> to vector<1xi32>
      %squeeze3A_338 = vector.extract %slice3A_337[0] : i32 from vector<1xi32>
      %swap3A_339 = arith.constant 17 : i32
      %swap3A_340 = arith.index_cast %swap3A_339 : i32 to index
      %swap3A_341 = memref.load %arg16[%swap3A_340] : memref<128xi32, #tpu.memory_space<smem>>
      memref.store %squeeze3A_338, %arg16[%swap3A_340] : memref<128xi32, #tpu.memory_space<smem>>
      %slice3A_342 = vector.extract_strided_slice %get3A_331 {offsets = [2], sizes = [1], strides = [1]} : vector<16xi32> to vector<1xi32>
      %squeeze3A_343 = vector.extract %slice3A_342[0] : i32 from vector<1xi32>
      %swap3A_344 = arith.constant 18 : i32
      %swap3A_345 = arith.index_cast %swap3A_344 : i32 to index
      %swap3A_346 = memref.load %arg16[%swap3A_345] : memref<128xi32, #tpu.memory_space<smem>>
      memref.store %squeeze3A_343, %arg16[%swap3A_345] : memref<128xi32, #tpu.memory_space<smem>>
      %slice3A_347 = vector.extract_strided_slice %get3A_331 {offsets = [3], sizes = [1], strides = [1]} : vector<16xi32> to vector<1xi32>
      %squeeze3A_348 = vector.extract %slice3A_347[0] : i32 from vector<1xi32>
      %swap3A_349 = arith.constant 19 : i32
      %swap3A_350 = arith.index_cast %swap3A_349 : i32 to index
      %swap3A_351 = memref.load %arg16[%swap3A_350] : memref<128xi32, #tpu.memory_space<smem>>
      memref.store %squeeze3A_348, %arg16[%swap3A_350] : memref<128xi32, #tpu.memory_space<smem>>
      %slice3A_352 = vector.extract_strided_slice %get3A_331 {offsets = [4], sizes = [1], strides = [1]} : vector<16xi32> to vector<1xi32>
      %squeeze3A_353 = vector.extract %slice3A_352[0] : i32 from vector<1xi32>
      %swap3A_354 = arith.constant 20 : i32
      %swap3A_355 = arith.index_cast %swap3A_354 : i32 to index
      %swap3A_356 = memref.load %arg16[%swap3A_355] : memref<128xi32, #tpu.memory_space<smem>>
      memref.store %squeeze3A_353, %arg16[%swap3A_355] : memref<128xi32, #tpu.memory_space<smem>>
      %slice3A_357 = vector.extract_strided_slice %get3A_331 {offsets = [5], sizes = [1], strides = [1]} : vector<16xi32> to vector<1xi32>
      %squeeze3A_358 = vector.extract %slice3A_357[0] : i32 from vector<1xi32>
      %swap3A_359 = arith.constant 21 : i32
      %swap3A_360 = arith.index_cast %swap3A_359 : i32 to index
      %swap3A_361 = memref.load %arg16[%swap3A_360] : memref<128xi32, #tpu.memory_space<smem>>
      memref.store %squeeze3A_358, %arg16[%swap3A_360] : memref<128xi32, #tpu.memory_space<smem>>
      %slice3A_362 = vector.extract_strided_slice %get3A_331 {offsets = [6], sizes = [1], strides = [1]} : vector<16xi32> to vector<1xi32>
      %squeeze3A_363 = vector.extract %slice3A_362[0] : i32 from vector<1xi32>
      %swap3A_364 = arith.constant 22 : i32
      %swap3A_365 = arith.index_cast %swap3A_364 : i32 to index
      %swap3A_366 = memref.load %arg16[%swap3A_365] : memref<128xi32, #tpu.memory_space<smem>>
      memref.store %squeeze3A_363, %arg16[%swap3A_365] : memref<128xi32, #tpu.memory_space<smem>>
      %slice3A_367 = vector.extract_strided_slice %get3A_331 {offsets = [7], sizes = [1], strides = [1]} : vector<16xi32> to vector<1xi32>
      %squeeze3A_368 = vector.extract %slice3A_367[0] : i32 from vector<1xi32>
      %swap3A_369 = arith.constant 23 : i32
      %swap3A_370 = arith.index_cast %swap3A_369 : i32 to index
      %swap3A_371 = memref.load %arg16[%swap3A_370] : memref<128xi32, #tpu.memory_space<smem>>
      memref.store %squeeze3A_368, %arg16[%swap3A_370] : memref<128xi32, #tpu.memory_space<smem>>
      %slice3A_372 = vector.extract_strided_slice %get3A_331 {offsets = [8], sizes = [1], strides = [1]} : vector<16xi32> to vector<1xi32>
      %squeeze3A_373 = vector.extract %slice3A_372[0] : i32 from vector<1xi32>
      %swap3A_374 = arith.constant 24 : i32
      %swap3A_375 = arith.index_cast %swap3A_374 : i32 to index
      %swap3A_376 = memref.load %arg16[%swap3A_375] : memref<128xi32, #tpu.memory_space<smem>>
      memref.store %squeeze3A_373, %arg16[%swap3A_375] : memref<128xi32, #tpu.memory_space<smem>>
      %slice3A_377 = vector.extract_strided_slice %get3A_331 {offsets = [9], sizes = [1], strides = [1]} : vector<16xi32> to vector<1xi32>
      %squeeze3A_378 = vector.extract %slice3A_377[0] : i32 from vector<1xi32>
      %swap3A_379 = arith.constant 25 : i32
      %swap3A_380 = arith.index_cast %swap3A_379 : i32 to index
      %swap3A_381 = memref.load %arg16[%swap3A_380] : memref<128xi32, #tpu.memory_space<smem>>
      memref.store %squeeze3A_378, %arg16[%swap3A_380] : memref<128xi32, #tpu.memory_space<smem>>
      %slice3A_382 = vector.extract_strided_slice %get3A_331 {offsets = [10], sizes = [1], strides = [1]} : vector<16xi32> to vector<1xi32>
      %squeeze3A_383 = vector.extract %slice3A_382[0] : i32 from vector<1xi32>
      %swap3A_384 = arith.constant 26 : i32
      %swap3A_385 = arith.index_cast %swap3A_384 : i32 to index
      %swap3A_386 = memref.load %arg16[%swap3A_385] : memref<128xi32, #tpu.memory_space<smem>>
      memref.store %squeeze3A_383, %arg16[%swap3A_385] : memref<128xi32, #tpu.memory_space<smem>>
      %slice3A_387 = vector.extract_strided_slice %get3A_331 {offsets = [11], sizes = [1], strides = [1]} : vector<16xi32> to vector<1xi32>
      %squeeze3A_388 = vector.extract %slice3A_387[0] : i32 from vector<1xi32>
      %swap3A_389 = arith.constant 27 : i32
      %swap3A_390 = arith.index_cast %swap3A_389 : i32 to index
      %swap3A_391 = memref.load %arg16[%swap3A_390] : memref<128xi32, #tpu.memory_space<smem>>
      memref.store %squeeze3A_388, %arg16[%swap3A_390] : memref<128xi32, #tpu.memory_space<smem>>
      %slice3A_392 = vector.extract_strided_slice %get3A_331 {offsets = [12], sizes = [1], strides = [1]} : vector<16xi32> to vector<1xi32>
      %squeeze3A_393 = vector.extract %slice3A_392[0] : i32 from vector<1xi32>
      %swap3A_394 = arith.constant 28 : i32
      %swap3A_395 = arith.index_cast %swap3A_394 : i32 to index
      %swap3A_396 = memref.load %arg16[%swap3A_395] : memref<128xi32, #tpu.memory_space<smem>>
      memref.store %squeeze3A_393, %arg16[%swap3A_395] : memref<128xi32, #tpu.memory_space<smem>>
      %slice3A_397 = vector.extract_strided_slice %get3A_331 {offsets = [13], sizes = [1], strides = [1]} : vector<16xi32> to vector<1xi32>
      %squeeze3A_398 = vector.extract %slice3A_397[0] : i32 from vector<1xi32>
      %swap3A_399 = arith.constant 29 : i32
      %swap3A_400 = arith.index_cast %swap3A_399 : i32 to index
      %swap3A_401 = memref.load %arg16[%swap3A_400] : memref<128xi32, #tpu.memory_space<smem>>
      memref.store %squeeze3A_398, %arg16[%swap3A_400] : memref<128xi32, #tpu.memory_space<smem>>
      %slice3A_402 = vector.extract_strided_slice %get3A_331 {offsets = [14], sizes = [1], strides = [1]} : vector<16xi32> to vector<1xi32>
      %squeeze3A_403 = vector.extract %slice3A_402[0] : i32 from vector<1xi32>
      %swap3A_404 = arith.constant 30 : i32
      %swap3A_405 = arith.index_cast %swap3A_404 : i32 to index
      %swap3A_406 = memref.load %arg16[%swap3A_405] : memref<128xi32, #tpu.memory_space<smem>>
      memref.store %squeeze3A_403, %arg16[%swap3A_405] : memref<128xi32, #tpu.memory_space<smem>>
      %slice3A_407 = vector.extract_strided_slice %get3A_331 {offsets = [15], sizes = [1], strides = [1]} : vector<16xi32> to vector<1xi32>
      %squeeze3A_408 = vector.extract %slice3A_407[0] : i32 from vector<1xi32>
      %swap3A_409 = arith.constant 31 : i32
      %swap3A_410 = arith.index_cast %swap3A_409 : i32 to index
      %swap3A_411 = memref.load %arg16[%swap3A_410] : memref<128xi32, #tpu.memory_space<smem>>
      memref.store %squeeze3A_408, %arg16[%swap3A_410] : memref<128xi32, #tpu.memory_space<smem>>
      %get3A_412 = arith.constant 0 : i32
      %get3A_413 = arith.index_cast %get3A_412 : i32 to index
      %get3A_414 = arith.constant 32 : index
      %get3A_415 = tpu.vector_load %arg15[%get3A_413, %get3A_414] {strides = array<i32>} : memref<2x128xi32, #tpu.memory_space<vmem>>, vector<1x16xi32>,
      %get3A_416 = vector.shape_cast %get3A_415 : vector<1x16xi32> to vector<16xi32>
      %slice3A_417 = vector.extract_strided_slice %get3A_416 {offsets = [0], sizes = [1], strides = [1]} : vector<16xi32> to vector<1xi32>
      %squeeze3A_418 = vector.extract %slice3A_417[0] : i32 from vector<1xi32>
      %swap3A_419 = arith.constant 32 : i32
      %swap3A_420 = arith.index_cast %swap3A_419 : i32 to index
      %swap3A_421 = memref.load %arg16[%swap3A_420] : memref<128xi32, #tpu.memory_space<smem>>
      memref.store %squeeze3A_418, %arg16[%swap3A_420] : memref<128xi32, #tpu.memory_space<smem>>
      %slice3A_422 = vector.extract_strided_slice %get3A_416 {offsets = [1], sizes = [1], strides = [1]} : vector<16xi32> to vector<1xi32>
      %squeeze3A_423 = vector.extract %slice3A_422[0] : i32 from vector<1xi32>
      %swap3A_424 = arith.constant 33 : i32
      %swap3A_425 = arith.index_cast %swap3A_424 : i32 to index
      %swap3A_426 = memref.load %arg16[%swap3A_425] : memref<128xi32, #tpu.memory_space<smem>>
      memref.store %squeeze3A_423, %arg16[%swap3A_425] : memref<128xi32, #tpu.memory_space<smem>>
      %slice3A_427 = vector.extract_strided_slice %get3A_416 {offsets = [2], sizes = [1], strides = [1]} : vector<16xi32> to vector<1xi32>
      %squeeze3A_428 = vector.extract %slice3A_427[0] : i32 from vector<1xi32>
      %swap3A_429 = arith.constant 34 : i32
      %swap3A_430 = arith.index_cast %swap3A_429 : i32 to index
      %swap3A_431 = memref.load %arg16[%swap3A_430] : memref<128xi32, #tpu.memory_space<smem>>
      memref.store %squeeze3A_428, %arg16[%swap3A_430] : memref<128xi32, #tpu.memory_space<smem>>
      %slice3A_432 = vector.extract_strided_slice %get3A_416 {offsets = [3], sizes = [1], strides = [1]} : vector<16xi32> to vector<1xi32>
      %squeeze3A_433 = vector.extract %slice3A_432[0] : i32 from vector<1xi32>
      %swap3A_434 = arith.constant 35 : i32
      %swap3A_435 = arith.index_cast %swap3A_434 : i32 to index
      %swap3A_436 = memref.load %arg16[%swap3A_435] : memref<128xi32, #tpu.memory_space<smem>>
      memref.store %squeeze3A_433, %arg16[%swap3A_435] : memref<128xi32, #tpu.memory_space<smem>>
      %slice3A_437 = vector.extract_strided_slice %get3A_416 {offsets = [4], sizes = [1], strides = [1]} : vector<16xi32> to vector<1xi32>
      %squeeze3A_438 = vector.extract %slice3A_437[0] : i32 from vector<1xi32>
      %swap3A_439 = arith.constant 36 : i32
      %swap3A_440 = arith.index_cast %swap3A_439 : i32 to index
      %swap3A_441 = memref.load %arg16[%swap3A_440] : memref<128xi32, #tpu.memory_space<smem>>
      memref.store %squeeze3A_438, %arg16[%swap3A_440] : memref<128xi32, #tpu.memory_space<smem>>
      %slice3A_442 = vector.extract_strided_slice %get3A_416 {offsets = [5], sizes = [1], strides = [1]} : vector<16xi32> to vector<1xi32>
      %squeeze3A_443 = vector.extract %slice3A_442[0] : i32 from vector<1xi32>
      %swap3A_444 = arith.constant 37 : i32
      %swap3A_445 = arith.index_cast %swap3A_444 : i32 to index
      %swap3A_446 = memref.load %arg16[%swap3A_445] : memref<128xi32, #tpu.memory_space<smem>>
      memref.store %squeeze3A_443, %arg16[%swap3A_445] : memref<128xi32, #tpu.memory_space<smem>>
      %slice3A_447 = vector.extract_strided_slice %get3A_416 {offsets = [6], sizes = [1], strides = [1]} : vector<16xi32> to vector<1xi32>
      %squeeze3A_448 = vector.extract %slice3A_447[0] : i32 from vector<1xi32>
      %swap3A_449 = arith.constant 38 : i32
      %swap3A_450 = arith.index_cast %swap3A_449 : i32 to index
      %swap3A_451 = memref.load %arg16[%swap3A_450] : memref<128xi32, #tpu.memory_space<smem>>
      memref.store %squeeze3A_448, %arg16[%swap3A_450] : memref<128xi32, #tpu.memory_space<smem>>
      %slice3A_452 = vector.extract_strided_slice %get3A_416 {offsets = [7], sizes = [1], strides = [1]} : vector<16xi32> to vector<1xi32>
      %squeeze3A_453 = vector.extract %slice3A_452[0] : i32 from vector<1xi32>
      %swap3A_454 = arith.constant 39 : i32
      %swap3A_455 = arith.index_cast %swap3A_454 : i32 to index
      %swap3A_456 = memref.load %arg16[%swap3A_455] : memref<128xi32, #tpu.memory_space<smem>>
      memref.store %squeeze3A_453, %arg16[%swap3A_455] : memref<128xi32, #tpu.memory_space<smem>>
      %slice3A_457 = vector.extract_strided_slice %get3A_416 {offsets = [8], sizes = [1], strides = [1]} : vector<16xi32> to vector<1xi32>
      %squeeze3A_458 = vector.extract %slice3A_457[0] : i32 from vector<1xi32>
      %swap3A_459 = arith.constant 40 : i32
      %swap3A_460 = arith.index_cast %swap3A_459 : i32 to index
      %swap3A_461 = memref.load %arg16[%swap3A_460] : memref<128xi32, #tpu.memory_space<smem>>
      memref.store %squeeze3A_458, %arg16[%swap3A_460] : memref<128xi32, #tpu.memory_space<smem>>
      %slice3A_462 = vector.extract_strided_slice %get3A_416 {offsets = [9], sizes = [1], strides = [1]} : vector<16xi32> to vector<1xi32>
      %squeeze3A_463 = vector.extract %slice3A_462[0] : i32 from vector<1xi32>
      %swap3A_464 = arith.constant 41 : i32
      %swap3A_465 = arith.index_cast %swap3A_464 : i32 to index
      %swap3A_466 = memref.load %arg16[%swap3A_465] : memref<128xi32, #tpu.memory_space<smem>>
      memref.store %squeeze3A_463, %arg16[%swap3A_465] : memref<128xi32, #tpu.memory_space<smem>>
      %slice3A_467 = vector.extract_strided_slice %get3A_416 {offsets = [10], sizes = [1], strides = [1]} : vector<16xi32> to vector<1xi32>
      %squeeze3A_468 = vector.extract %slice3A_467[0] : i32 from vector<1xi32>
      %swap3A_469 = arith.constant 42 : i32
      %swap3A_470 = arith.index_cast %swap3A_469 : i32 to index
      %swap3A_471 = memref.load %arg16[%swap3A_470] : memref<128xi32, #tpu.memory_space<smem>>
      memref.store %squeeze3A_468, %arg16[%swap3A_470] : memref<128xi32, #tpu.memory_space<smem>>
      %slice3A_472 = vector.extract_strided_slice %get3A_416 {offsets = [11], sizes = [1], strides = [1]} : vector<16xi32> to vector<1xi32>
      %squeeze3A_473 = vector.extract %slice3A_472[0] : i32 from vector<1xi32>
      %swap3A_474 = arith.constant 43 : i32
      %swap3A_475 = arith.index_cast %swap3A_474 : i32 to index
      %swap3A_476 = memref.load %arg16[%swap3A_475] : memref<128xi32, #tpu.memory_space<smem>>
      memref.store %squeeze3A_473, %arg16[%swap3A_475] : memref<128xi32, #tpu.memory_space<smem>>
      %slice3A_477 = vector.extract_strided_slice %get3A_416 {offsets = [12], sizes = [1], strides = [1]} : vector<16xi32> to vector<1xi32>
      %squeeze3A_478 = vector.extract %slice3A_477[0] : i32 from vector<1xi32>
      %swap3A_479 = arith.constant 44 : i32
      %swap3A_480 = arith.index_cast %swap3A_479 : i32 to index
      %swap3A_481 = memref.load %arg16[%swap3A_480] : memref<128xi32, #tpu.memory_space<smem>>
      memref.store %squeeze3A_478, %arg16[%swap3A_480] : memref<128xi32, #tpu.memory_space<smem>>
      %slice3A_482 = vector.extract_strided_slice %get3A_416 {offsets = [13], sizes = [1], strides = [1]} : vector<16xi32> to vector<1xi32>
      %squeeze3A_483 = vector.extract %slice3A_482[0] : i32 from vector<1xi32>
      %swap3A_484 = arith.constant 45 : i32
      %swap3A_485 = arith.index_cast %swap3A_484 : i32 to index
      %swap3A_486 = memref.load %arg16[%swap3A_485] : memref<128xi32, #tpu.memory_space<smem>>
      memref.store %squeeze3A_483, %arg16[%swap3A_485] : memref<128xi32, #tpu.memory_space<smem>>
      %slice3A_487 = vector.extract_strided_slice %get3A_416 {offsets = [14], sizes = [1], strides = [1]} : vector<16xi32> to vector<1xi32>
      %squeeze3A_488 = vector.extract %slice3A_487[0] : i32 from vector<1xi32>
      %swap3A_489 = arith.constant 46 : i32
      %swap3A_490 = arith.index_cast %swap3A_489 : i32 to index
      %swap3A_491 = memref.load %arg16[%swap3A_490] : memref<128xi32, #tpu.memory_space<smem>>
      memref.store %squeeze3A_488, %arg16[%swap3A_490] : memref<128xi32, #tpu.memory_space<smem>>
      %slice3A_492 = vector.extract_strided_slice %get3A_416 {offsets = [15], sizes = [1], strides = [1]} : vector<16xi32> to vector<1xi32>
      %squeeze3A_493 = vector.extract %slice3A_492[0] : i32 from vector<1xi32>
      %swap3A_494 = arith.constant 47 : i32
      %swap3A_495 = arith.index_cast %swap3A_494 : i32 to index
      %swap3A_496 = memref.load %arg16[%swap3A_495] : memref<128xi32, #tpu.memory_space<smem>>
      memref.store %squeeze3A_493, %arg16[%swap3A_495] : memref<128xi32, #tpu.memory_space<smem>>
      %get3A_497 = arith.constant 0 : i32
      %get3A_498 = arith.index_cast %get3A_497 : i32 to index
      %get3A_499 = arith.constant 48 : index
      %get3A_500 = tpu.vector_load %arg15[%get3A_498, %get3A_499] {strides = array<i32>} : memref<2x128xi32, #tpu.memory_space<vmem>>, vector<1x16xi32>,
      %get3A_501 = vector.shape_cast %get3A_500 : vector<1x16xi32> to vector<16xi32>
      %slice3A_502 = vector.extract_strided_slice %get3A_501 {offsets = [0], sizes = [1], strides = [1]} : vector<16xi32> to vector<1xi32>
      %squeeze3A_503 = vector.extract %slice3A_502[0] : i32 from vector<1xi32>
      %swap3A_504 = arith.constant 48 : i32
      %swap3A_505 = arith.index_cast %swap3A_504 : i32 to index
      %swap3A_506 = memref.load %arg16[%swap3A_505] : memref<128xi32, #tpu.memory_space<smem>>
      memref.store %squeeze3A_503, %arg16[%swap3A_505] : memref<128xi32, #tpu.memory_space<smem>>
      %slice3A_507 = vector.extract_strided_slice %get3A_501 {offsets = [1], sizes = [1], strides = [1]} : vector<16xi32> to vector<1xi32>
      %squeeze3A_508 = vector.extract %slice3A_507[0] : i32 from vector<1xi32>
      %swap3A_509 = arith.constant 49 : i32
      %swap3A_510 = arith.index_cast %swap3A_509 : i32 to index
      %swap3A_511 = memref.load %arg16[%swap3A_510] : memref<128xi32, #tpu.memory_space<smem>>
      memref.store %squeeze3A_508, %arg16[%swap3A_510] : memref<128xi32, #tpu.memory_space<smem>>
      %slice3A_512 = vector.extract_strided_slice %get3A_501 {offsets = [2], sizes = [1], strides = [1]} : vector<16xi32> to vector<1xi32>
      %squeeze3A_513 = vector.extract %slice3A_512[0] : i32 from vector<1xi32>
      %swap3A_514 = arith.constant 50 : i32
      %swap3A_515 = arith.index_cast %swap3A_514 : i32 to index
      %swap3A_516 = memref.load %arg16[%swap3A_515] : memref<128xi32, #tpu.memory_space<smem>>
      memref.store %squeeze3A_513, %arg16[%swap3A_515] : memref<128xi32, #tpu.memory_space<smem>>
      %slice3A_517 = vector.extract_strided_slice %get3A_501 {offsets = [3], sizes = [1], strides = [1]} : vector<16xi32> to vector<1xi32>
      %squeeze3A_518 = vector.extract %slice3A_517[0] : i32 from vector<1xi32>
      %swap3A_519 = arith.constant 51 : i32
      %swap3A_520 = arith.index_cast %swap3A_519 : i32 to index
      %swap3A_521 = memref.load %arg16[%swap3A_520] : memref<128xi32, #tpu.memory_space<smem>>
      memref.store %squeeze3A_518, %arg16[%swap3A_520] : memref<128xi32, #tpu.memory_space<smem>>
      %slice3A_522 = vector.extract_strided_slice %get3A_501 {offsets = [4], sizes = [1], strides = [1]} : vector<16xi32> to vector<1xi32>
      %squeeze3A_523 = vector.extract %slice3A_522[0] : i32 from vector<1xi32>
      %swap3A_524 = arith.constant 52 : i32
      %swap3A_525 = arith.index_cast %swap3A_524 : i32 to index
      %swap3A_526 = memref.load %arg16[%swap3A_525] : memref<128xi32, #tpu.memory_space<smem>>
      memref.store %squeeze3A_523, %arg16[%swap3A_525] : memref<128xi32, #tpu.memory_space<smem>>
      %slice3A_527 = vector.extract_strided_slice %get3A_501 {offsets = [5], sizes = [1], strides = [1]} : vector<16xi32> to vector<1xi32>
      %squeeze3A_528 = vector.extract %slice3A_527[0] : i32 from vector<1xi32>
      %swap3A_529 = arith.constant 53 : i32
      %swap3A_530 = arith.index_cast %swap3A_529 : i32 to index
      %swap3A_531 = memref.load %arg16[%swap3A_530] : memref<128xi32, #tpu.memory_space<smem>>
      memref.store %squeeze3A_528, %arg16[%swap3A_530] : memref<128xi32, #tpu.memory_space<smem>>
      %slice3A_532 = vector.extract_strided_slice %get3A_501 {offsets = [6], sizes = [1], strides = [1]} : vector<16xi32> to vector<1xi32>
      %squeeze3A_533 = vector.extract %slice3A_532[0] : i32 from vector<1xi32>
      %swap3A_534 = arith.constant 54 : i32
      %swap3A_535 = arith.index_cast %swap3A_534 : i32 to index
      %swap3A_536 = memref.load %arg16[%swap3A_535] : memref<128xi32, #tpu.memory_space<smem>>
      memref.store %squeeze3A_533, %arg16[%swap3A_535] : memref<128xi32, #tpu.memory_space<smem>>
      %slice3A_537 = vector.extract_strided_slice %get3A_501 {offsets = [7], sizes = [1], strides = [1]} : vector<16xi32> to vector<1xi32>
      %squeeze3A_538 = vector.extract %slice3A_537[0] : i32 from vector<1xi32>
      %swap3A_539 = arith.constant 55 : i32
      %swap3A_540 = arith.index_cast %swap3A_539 : i32 to index
      %swap3A_541 = memref.load %arg16[%swap3A_540] : memref<128xi32, #tpu.memory_space<smem>>
      memref.store %squeeze3A_538, %arg16[%swap3A_540] : memref<128xi32, #tpu.memory_space<smem>>
      %slice3A_542 = vector.extract_strided_slice %get3A_501 {offsets = [8], sizes = [1], strides = [1]} : vector<16xi32> to vector<1xi32>
      %squeeze3A_543 = vector.extract %slice3A_542[0] : i32 from vector<1xi32>
      %swap3A_544 = arith.constant 56 : i32
      %swap3A_545 = arith.index_cast %swap3A_544 : i32 to index
      %swap3A_546 = memref.load %arg16[%swap3A_545] : memref<128xi32, #tpu.memory_space<smem>>
      memref.store %squeeze3A_543, %arg16[%swap3A_545] : memref<128xi32, #tpu.memory_space<smem>>
      %slice3A_547 = vector.extract_strided_slice %get3A_501 {offsets = [9], sizes = [1], strides = [1]} : vector<16xi32> to vector<1xi32>
      %squeeze3A_548 = vector.extract %slice3A_547[0] : i32 from vector<1xi32>
      %swap3A_549 = arith.constant 57 : i32
      %swap3A_550 = arith.index_cast %swap3A_549 : i32 to index
      %swap3A_551 = memref.load %arg16[%swap3A_550] : memref<128xi32, #tpu.memory_space<smem>>
      memref.store %squeeze3A_548, %arg16[%swap3A_550] : memref<128xi32, #tpu.memory_space<smem>>
      %slice3A_552 = vector.extract_strided_slice %get3A_501 {offsets = [10], sizes = [1], strides = [1]} : vector<16xi32> to vector<1xi32>
      %squeeze3A_553 = vector.extract %slice3A_552[0] : i32 from vector<1xi32>
      %swap3A_554 = arith.constant 58 : i32
      %swap3A_555 = arith.index_cast %swap3A_554 : i32 to index
      %swap3A_556 = memref.load %arg16[%swap3A_555] : memref<128xi32, #tpu.memory_space<smem>>
      memref.store %squeeze3A_553, %arg16[%swap3A_555] : memref<128xi32, #tpu.memory_space<smem>>
      %slice3A_557 = vector.extract_strided_slice %get3A_501 {offsets = [11], sizes = [1], strides = [1]} : vector<16xi32> to vector<1xi32>
      %squeeze3A_558 = vector.extract %slice3A_557[0] : i32 from vector<1xi32>
      %swap3A_559 = arith.constant 59 : i32
      %swap3A_560 = arith.index_cast %swap3A_559 : i32 to index
      %swap3A_561 = memref.load %arg16[%swap3A_560] : memref<128xi32, #tpu.memory_space<smem>>
      memref.store %squeeze3A_558, %arg16[%swap3A_560] : memref<128xi32, #tpu.memory_space<smem>>
      %slice3A_562 = vector.extract_strided_slice %get3A_501 {offsets = [12], sizes = [1], strides = [1]} : vector<16xi32> to vector<1xi32>
      %squeeze3A_563 = vector.extract %slice3A_562[0] : i32 from vector<1xi32>
      %swap3A_564 = arith.constant 60 : i32
      %swap3A_565 = arith.index_cast %swap3A_564 : i32 to index
      %swap3A_566 = memref.load %arg16[%swap3A_565] : memref<128xi32, #tpu.memory_space<smem>>
      memref.store %squeeze3A_563, %arg16[%swap3A_565] : memref<128xi32, #tpu.memory_space<smem>>
      %slice3A_567 = vector.extract_strided_slice %get3A_501 {offsets = [13], sizes = [1], strides = [1]} : vector<16xi32> to vector<1xi32>
      %squeeze3A_568 = vector.extract %slice3A_567[0] : i32 from vector<1xi32>
      %swap3A_569 = arith.constant 61 : i32
      %swap3A_570 = arith.index_cast %swap3A_569 : i32 to index
      %swap3A_571 = memref.load %arg16[%swap3A_570] : memref<128xi32, #tpu.memory_space<smem>>
      memref.store %squeeze3A_568, %arg16[%swap3A_570] : memref<128xi32, #tpu.memory_space<smem>>
      %slice3A_572 = vector.extract_strided_slice %get3A_501 {offsets = [14], sizes = [1], strides = [1]} : vector<16xi32> to vector<1xi32>
      %squeeze3A_573 = vector.extract %slice3A_572[0] : i32 from vector<1xi32>
      %swap3A_574 = arith.constant 62 : i32
      %swap3A_575 = arith.index_cast %swap3A_574 : i32 to index
      %swap3A_576 = memref.load %arg16[%swap3A_575] : memref<128xi32, #tpu.memory_space<smem>>
      memref.store %squeeze3A_573, %arg16[%swap3A_575] : memref<128xi32, #tpu.memory_space<smem>>
      %slice3A_577 = vector.extract_strided_slice %get3A_501 {offsets = [15], sizes = [1], strides = [1]} : vector<16xi32> to vector<1xi32>
      %squeeze3A_578 = vector.extract %slice3A_577[0] : i32 from vector<1xi32>
      %swap3A_579 = arith.constant 63 : i32
      %swap3A_580 = arith.index_cast %swap3A_579 : i32 to index
      %swap3A_581 = memref.load %arg16[%swap3A_580] : memref<128xi32, #tpu.memory_space<smem>>
      memref.store %squeeze3A_578, %arg16[%swap3A_580] : memref<128xi32, #tpu.memory_space<smem>>
      %get3A_582 = arith.constant 0 : i32
      %get3A_583 = arith.index_cast %get3A_582 : i32 to index
      %get3A_584 = arith.constant 64 : index
      %get3A_585 = tpu.vector_load %arg15[%get3A_583, %get3A_584] {strides = array<i32>} : memref<2x128xi32, #tpu.memory_space<vmem>>, vector<1x16xi32>,
      %get3A_586 = vector.shape_cast %get3A_585 : vector<1x16xi32> to vector<16xi32>
      %slice3A_587 = vector.extract_strided_slice %get3A_586 {offsets = [0], sizes = [1], strides = [1]} : vector<16xi32> to vector<1xi32>
      %squeeze3A_588 = vector.extract %slice3A_587[0] : i32 from vector<1xi32>
      %swap3A_589 = arith.constant 64 : i32
      %swap3A_590 = arith.index_cast %swap3A_589 : i32 to index
      %swap3A_591 = memref.load %arg16[%swap3A_590] : memref<128xi32, #tpu.memory_space<smem>>
      memref.store %squeeze3A_588, %arg16[%swap3A_590] : memref<128xi32, #tpu.memory_space<smem>>
      %slice3A_592 = vector.extract_strided_slice %get3A_586 {offsets = [1], sizes = [1], strides = [1]} : vector<16xi32> to vector<1xi32>
      %squeeze3A_593 = vector.extract %slice3A_592[0] : i32 from vector<1xi32>
      %swap3A_594 = arith.constant 65 : i32
      %swap3A_595 = arith.index_cast %swap3A_594 : i32 to index
      %swap3A_596 = memref.load %arg16[%swap3A_595] : memref<128xi32, #tpu.memory_space<smem>>
      memref.store %squeeze3A_593, %arg16[%swap3A_595] : memref<128xi32, #tpu.memory_space<smem>>
      %slice3A_597 = vector.extract_strided_slice %get3A_586 {offsets = [2], sizes = [1], strides = [1]} : vector<16xi32> to vector<1xi32>
      %squeeze3A_598 = vector.extract %slice3A_597[0] : i32 from vector<1xi32>
      %swap3A_599 = arith.constant 66 : i32
      %swap3A_600 = arith.index_cast %swap3A_599 : i32 to index
      %swap3A_601 = memref.load %arg16[%swap3A_600] : memref<128xi32, #tpu.memory_space<smem>>
      memref.store %squeeze3A_598, %arg16[%swap3A_600] : memref<128xi32, #tpu.memory_space<smem>>
      %slice3A_602 = vector.extract_strided_slice %get3A_586 {offsets = [3], sizes = [1], strides = [1]} : vector<16xi32> to vector<1xi32>
      %squeeze3A_603 = vector.extract %slice3A_602[0] : i32 from vector<1xi32>
      %swap3A_604 = arith.constant 67 : i32
      %swap3A_605 = arith.index_cast %swap3A_604 : i32 to index
      %swap3A_606 = memref.load %arg16[%swap3A_605] : memref<128xi32, #tpu.memory_space<smem>>
      memref.store %squeeze3A_603, %arg16[%swap3A_605] : memref<128xi32, #tpu.memory_space<smem>>
      %slice3A_607 = vector.extract_strided_slice %get3A_586 {offsets = [4], sizes = [1], strides = [1]} : vector<16xi32> to vector<1xi32>
      %squeeze3A_608 = vector.extract %slice3A_607[0] : i32 from vector<1xi32>
      %swap3A_609 = arith.constant 68 : i32
      %swap3A_610 = arith.index_cast %swap3A_609 : i32 to index
      %swap3A_611 = memref.load %arg16[%swap3A_610] : memref<128xi32, #tpu.memory_space<smem>>
      memref.store %squeeze3A_608, %arg16[%swap3A_610] : memref<128xi32, #tpu.memory_space<smem>>
      %slice3A_612 = vector.extract_strided_slice %get3A_586 {offsets = [5], sizes = [1], strides = [1]} : vector<16xi32> to vector<1xi32>
      %squeeze3A_613 = vector.extract %slice3A_612[0] : i32 from vector<1xi32>
      %swap3A_614 = arith.constant 69 : i32
      %swap3A_615 = arith.index_cast %swap3A_614 : i32 to index
      %swap3A_616 = memref.load %arg16[%swap3A_615] : memref<128xi32, #tpu.memory_space<smem>>
      memref.store %squeeze3A_613, %arg16[%swap3A_615] : memref<128xi32, #tpu.memory_space<smem>>
      %slice3A_617 = vector.extract_strided_slice %get3A_586 {offsets = [6], sizes = [1], strides = [1]} : vector<16xi32> to vector<1xi32>
      %squeeze3A_618 = vector.extract %slice3A_617[0] : i32 from vector<1xi32>
      %swap3A_619 = arith.constant 70 : i32
      %swap3A_620 = arith.index_cast %swap3A_619 : i32 to index
      %swap3A_621 = memref.load %arg16[%swap3A_620] : memref<128xi32, #tpu.memory_space<smem>>
      memref.store %squeeze3A_618, %arg16[%swap3A_620] : memref<128xi32, #tpu.memory_space<smem>>
      %slice3A_622 = vector.extract_strided_slice %get3A_586 {offsets = [7], sizes = [1], strides = [1]} : vector<16xi32> to vector<1xi32>
      %squeeze3A_623 = vector.extract %slice3A_622[0] : i32 from vector<1xi32>
      %swap3A_624 = arith.constant 71 : i32
      %swap3A_625 = arith.index_cast %swap3A_624 : i32 to index
      %swap3A_626 = memref.load %arg16[%swap3A_625] : memref<128xi32, #tpu.memory_space<smem>>
      memref.store %squeeze3A_623, %arg16[%swap3A_625] : memref<128xi32, #tpu.memory_space<smem>>
      %slice3A_627 = vector.extract_strided_slice %get3A_586 {offsets = [8], sizes = [1], strides = [1]} : vector<16xi32> to vector<1xi32>
      %squeeze3A_628 = vector.extract %slice3A_627[0] : i32 from vector<1xi32>
      %swap3A_629 = arith.constant 72 : i32
      %swap3A_630 = arith.index_cast %swap3A_629 : i32 to index
      %swap3A_631 = memref.load %arg16[%swap3A_630] : memref<128xi32, #tpu.memory_space<smem>>
      memref.store %squeeze3A_628, %arg16[%swap3A_630] : memref<128xi32, #tpu.memory_space<smem>>
      %slice3A_632 = vector.extract_strided_slice %get3A_586 {offsets = [9], sizes = [1], strides = [1]} : vector<16xi32> to vector<1xi32>
      %squeeze3A_633 = vector.extract %slice3A_632[0] : i32 from vector<1xi32>
      %swap3A_634 = arith.constant 73 : i32
      %swap3A_635 = arith.index_cast %swap3A_634 : i32 to index
      %swap3A_636 = memref.load %arg16[%swap3A_635] : memref<128xi32, #tpu.memory_space<smem>>
      memref.store %squeeze3A_633, %arg16[%swap3A_635] : memref<128xi32, #tpu.memory_space<smem>>
      %slice3A_637 = vector.extract_strided_slice %get3A_586 {offsets = [10], sizes = [1], strides = [1]} : vector<16xi32> to vector<1xi32>
      %squeeze3A_638 = vector.extract %slice3A_637[0] : i32 from vector<1xi32>
      %swap3A_639 = arith.constant 74 : i32
      %swap3A_640 = arith.index_cast %swap3A_639 : i32 to index
      %swap3A_641 = memref.load %arg16[%swap3A_640] : memref<128xi32, #tpu.memory_space<smem>>
      memref.store %squeeze3A_638, %arg16[%swap3A_640] : memref<128xi32, #tpu.memory_space<smem>>
      %slice3A_642 = vector.extract_strided_slice %get3A_586 {offsets = [11], sizes = [1], strides = [1]} : vector<16xi32> to vector<1xi32>
      %squeeze3A_643 = vector.extract %slice3A_642[0] : i32 from vector<1xi32>
      %swap3A_644 = arith.constant 75 : i32
      %swap3A_645 = arith.index_cast %swap3A_644 : i32 to index
      %swap3A_646 = memref.load %arg16[%swap3A_645] : memref<128xi32, #tpu.memory_space<smem>>
      memref.store %squeeze3A_643, %arg16[%swap3A_645] : memref<128xi32, #tpu.memory_space<smem>>
      %slice3A_647 = vector.extract_strided_slice %get3A_586 {offsets = [12], sizes = [1], strides = [1]} : vector<16xi32> to vector<1xi32>
      %squeeze3A_648 = vector.extract %slice3A_647[0] : i32 from vector<1xi32>
      %swap3A_649 = arith.constant 76 : i32
      %swap3A_650 = arith.index_cast %swap3A_649 : i32 to index
      %swap3A_651 = memref.load %arg16[%swap3A_650] : memref<128xi32, #tpu.memory_space<smem>>
      memref.store %squeeze3A_648, %arg16[%swap3A_650] : memref<128xi32, #tpu.memory_space<smem>>
      %slice3A_652 = vector.extract_strided_slice %get3A_586 {offsets = [13], sizes = [1], strides = [1]} : vector<16xi32> to vector<1xi32>
      %squeeze3A_653 = vector.extract %slice3A_652[0] : i32 from vector<1xi32>
      %swap3A_654 = arith.constant 77 : i32
      %swap3A_655 = arith.index_cast %swap3A_654 : i32 to index
      %swap3A_656 = memref.load %arg16[%swap3A_655] : memref<128xi32, #tpu.memory_space<smem>>
      memref.store %squeeze3A_653, %arg16[%swap3A_655] : memref<128xi32, #tpu.memory_space<smem>>
      %slice3A_657 = vector.extract_strided_slice %get3A_586 {offsets = [14], sizes = [1], strides = [1]} : vector<16xi32> to vector<1xi32>
      %squeeze3A_658 = vector.extract %slice3A_657[0] : i32 from vector<1xi32>
      %swap3A_659 = arith.constant 78 : i32
      %swap3A_660 = arith.index_cast %swap3A_659 : i32 to index
      %swap3A_661 = memref.load %arg16[%swap3A_660] : memref<128xi32, #tpu.memory_space<smem>>
      memref.store %squeeze3A_658, %arg16[%swap3A_660] : memref<128xi32, #tpu.memory_space<smem>>
      %slice3A_662 = vector.extract_strided_slice %get3A_586 {offsets = [15], sizes = [1], strides = [1]} : vector<16xi32> to vector<1xi32>
      %squeeze3A_663 = vector.extract %slice3A_662[0] : i32 from vector<1xi32>
      %swap3A_664 = arith.constant 79 : i32
      %swap3A_665 = arith.index_cast %swap3A_664 : i32 to index
      %swap3A_666 = memref.load %arg16[%swap3A_665] : memref<128xi32, #tpu.memory_space<smem>>
      memref.store %squeeze3A_663, %arg16[%swap3A_665] : memref<128xi32, #tpu.memory_space<smem>>
      %get3A_667 = arith.constant 0 : i32
      %get3A_668 = arith.index_cast %get3A_667 : i32 to index
      %get3A_669 = arith.constant 80 : index
      %get3A_670 = tpu.vector_load %arg15[%get3A_668, %get3A_669] {strides = array<i32>} : memref<2x128xi32, #tpu.memory_space<vmem>>, vector<1x16xi32>,
      %get3A_671 = vector.shape_cast %get3A_670 : vector<1x16xi32> to vector<16xi32>
      %slice3A_672 = vector.extract_strided_slice %get3A_671 {offsets = [0], sizes = [1], strides = [1]} : vector<16xi32> to vector<1xi32>
      %squeeze3A_673 = vector.extract %slice3A_672[0] : i32 from vector<1xi32>
      %swap3A_674 = arith.constant 80 : i32
      %swap3A_675 = arith.index_cast %swap3A_674 : i32 to index
      %swap3A_676 = memref.load %arg16[%swap3A_675] : memref<128xi32, #tpu.memory_space<smem>>
      memref.store %squeeze3A_673, %arg16[%swap3A_675] : memref<128xi32, #tpu.memory_space<smem>>
      %slice3A_677 = vector.extract_strided_slice %get3A_671 {offsets = [1], sizes = [1], strides = [1]} : vector<16xi32> to vector<1xi32>
      %squeeze3A_678 = vector.extract %slice3A_677[0] : i32 from vector<1xi32>
      %swap3A_679 = arith.constant 81 : i32
      %swap3A_680 = arith.index_cast %swap3A_679 : i32 to index
      %swap3A_681 = memref.load %arg16[%swap3A_680] : memref<128xi32, #tpu.memory_space<smem>>
      memref.store %squeeze3A_678, %arg16[%swap3A_680] : memref<128xi32, #tpu.memory_space<smem>>
      %slice3A_682 = vector.extract_strided_slice %get3A_671 {offsets = [2], sizes = [1], strides = [1]} : vector<16xi32> to vector<1xi32>
      %squeeze3A_683 = vector.extract %slice3A_682[0] : i32 from vector<1xi32>
      %swap3A_684 = arith.constant 82 : i32
      %swap3A_685 = arith.index_cast %swap3A_684 : i32 to index
      %swap3A_686 = memref.load %arg16[%swap3A_685] : memref<128xi32, #tpu.memory_space<smem>>
      memref.store %squeeze3A_683, %arg16[%swap3A_685] : memref<128xi32, #tpu.memory_space<smem>>
      %slice3A_687 = vector.extract_strided_slice %get3A_671 {offsets = [3], sizes = [1], strides = [1]} : vector<16xi32> to vector<1xi32>
      %squeeze3A_688 = vector.extract %slice3A_687[0] : i32 from vector<1xi32>
      %swap3A_689 = arith.constant 83 : i32
      %swap3A_690 = arith.index_cast %swap3A_689 : i32 to index
      %swap3A_691 = memref.load %arg16[%swap3A_690] : memref<128xi32, #tpu.memory_space<smem>>
      memref.store %squeeze3A_688, %arg16[%swap3A_690] : memref<128xi32, #tpu.memory_space<smem>>
      %slice3A_692 = vector.extract_strided_slice %get3A_671 {offsets = [4], sizes = [1], strides = [1]} : vector<16xi32> to vector<1xi32>
      %squeeze3A_693 = vector.extract %slice3A_692[0] : i32 from vector<1xi32>
      %swap3A_694 = arith.constant 84 : i32
      %swap3A_695 = arith.index_cast %swap3A_694 : i32 to index
      %swap3A_696 = memref.load %arg16[%swap3A_695] : memref<128xi32, #tpu.memory_space<smem>>
      memref.store %squeeze3A_693, %arg16[%swap3A_695] : memref<128xi32, #tpu.memory_space<smem>>
      %slice3A_697 = vector.extract_strided_slice %get3A_671 {offsets = [5], sizes = [1], strides = [1]} : vector<16xi32> to vector<1xi32>
      %squeeze3A_698 = vector.extract %slice3A_697[0] : i32 from vector<1xi32>
      %swap3A_699 = arith.constant 85 : i32
      %swap3A_700 = arith.index_cast %swap3A_699 : i32 to index
      %swap3A_701 = memref.load %arg16[%swap3A_700] : memref<128xi32, #tpu.memory_space<smem>>
      memref.store %squeeze3A_698, %arg16[%swap3A_700] : memref<128xi32, #tpu.memory_space<smem>>
      %slice3A_702 = vector.extract_strided_slice %get3A_671 {offsets = [6], sizes = [1], strides = [1]} : vector<16xi32> to vector<1xi32>
      %squeeze3A_703 = vector.extract %slice3A_702[0] : i32 from vector<1xi32>
      %swap3A_704 = arith.constant 86 : i32
      %swap3A_705 = arith.index_cast %swap3A_704 : i32 to index
      %swap3A_706 = memref.load %arg16[%swap3A_705] : memref<128xi32, #tpu.memory_space<smem>>
      memref.store %squeeze3A_703, %arg16[%swap3A_705] : memref<128xi32, #tpu.memory_space<smem>>
      %slice3A_707 = vector.extract_strided_slice %get3A_671 {offsets = [7], sizes = [1], strides = [1]} : vector<16xi32> to vector<1xi32>
      %squeeze3A_708 = vector.extract %slice3A_707[0] : i32 from vector<1xi32>
      %swap3A_709 = arith.constant 87 : i32
      %swap3A_710 = arith.index_cast %swap3A_709 : i32 to index
      %swap3A_711 = memref.load %arg16[%swap3A_710] : memref<128xi32, #tpu.memory_space<smem>>
      memref.store %squeeze3A_708, %arg16[%swap3A_710] : memref<128xi32, #tpu.memory_space<smem>>
      %slice3A_712 = vector.extract_strided_slice %get3A_671 {offsets = [8], sizes = [1], strides = [1]} : vector<16xi32> to vector<1xi32>
      %squeeze3A_713 = vector.extract %slice3A_712[0] : i32 from vector<1xi32>
      %swap3A_714 = arith.constant 88 : i32
      %swap3A_715 = arith.index_cast %swap3A_714 : i32 to index
      %swap3A_716 = memref.load %arg16[%swap3A_715] : memref<128xi32, #tpu.memory_space<smem>>
      memref.store %squeeze3A_713, %arg16[%swap3A_715] : memref<128xi32, #tpu.memory_space<smem>>
      %slice3A_717 = vector.extract_strided_slice %get3A_671 {offsets = [9], sizes = [1], strides = [1]} : vector<16xi32> to vector<1xi32>
      %squeeze3A_718 = vector.extract %slice3A_717[0] : i32 from vector<1xi32>
      %swap3A_719 = arith.constant 89 : i32
      %swap3A_720 = arith.index_cast %swap3A_719 : i32 to index
      %swap3A_721 = memref.load %arg16[%swap3A_720] : memref<128xi32, #tpu.memory_space<smem>>
      memref.store %squeeze3A_718, %arg16[%swap3A_720] : memref<128xi32, #tpu.memory_space<smem>>
      %slice3A_722 = vector.extract_strided_slice %get3A_671 {offsets = [10], sizes = [1], strides = [1]} : vector<16xi32> to vector<1xi32>
      %squeeze3A_723 = vector.extract %slice3A_722[0] : i32 from vector<1xi32>
      %swap3A_724 = arith.constant 90 : i32
      %swap3A_725 = arith.index_cast %swap3A_724 : i32 to index
      %swap3A_726 = memref.load %arg16[%swap3A_725] : memref<128xi32, #tpu.memory_space<smem>>
      memref.store %squeeze3A_723, %arg16[%swap3A_725] : memref<128xi32, #tpu.memory_space<smem>>
      %slice3A_727 = vector.extract_strided_slice %get3A_671 {offsets = [11], sizes = [1], strides = [1]} : vector<16xi32> to vector<1xi32>
      %squeeze3A_728 = vector.extract %slice3A_727[0] : i32 from vector<1xi32>
      %swap3A_729 = arith.constant 91 : i32
      %swap3A_730 = arith.index_cast %swap3A_729 : i32 to index
      %swap3A_731 = memref.load %arg16[%swap3A_730] : memref<128xi32, #tpu.memory_space<smem>>
      memref.store %squeeze3A_728, %arg16[%swap3A_730] : memref<128xi32, #tpu.memory_space<smem>>
      %slice3A_732 = vector.extract_strided_slice %get3A_671 {offsets = [12], sizes = [1], strides = [1]} : vector<16xi32> to vector<1xi32>
      %squeeze3A_733 = vector.extract %slice3A_732[0] : i32 from vector<1xi32>
      %swap3A_734 = arith.constant 92 : i32
      %swap3A_735 = arith.index_cast %swap3A_734 : i32 to index
      %swap3A_736 = memref.load %arg16[%swap3A_735] : memref<128xi32, #tpu.memory_space<smem>>
      memref.store %squeeze3A_733, %arg16[%swap3A_735] : memref<128xi32, #tpu.memory_space<smem>>
      %slice3A_737 = vector.extract_strided_slice %get3A_671 {offsets = [13], sizes = [1], strides = [1]} : vector<16xi32> to vector<1xi32>
      %squeeze3A_738 = vector.extract %slice3A_737[0] : i32 from vector<1xi32>
      %swap3A_739 = arith.constant 93 : i32
      %swap3A_740 = arith.index_cast %swap3A_739 : i32 to index
      %swap3A_741 = memref.load %arg16[%swap3A_740] : memref<128xi32, #tpu.memory_space<smem>>
      memref.store %squeeze3A_738, %arg16[%swap3A_740] : memref<128xi32, #tpu.memory_space<smem>>
      %slice3A_742 = vector.extract_strided_slice %get3A_671 {offsets = [14], sizes = [1], strides = [1]} : vector<16xi32> to vector<1xi32>
      %squeeze3A_743 = vector.extract %slice3A_742[0] : i32 from vector<1xi32>
      %swap3A_744 = arith.constant 94 : i32
      %swap3A_745 = arith.index_cast %swap3A_744 : i32 to index
      %swap3A_746 = memref.load %arg16[%swap3A_745] : memref<128xi32, #tpu.memory_space<smem>>
      memref.store %squeeze3A_743, %arg16[%swap3A_745] : memref<128xi32, #tpu.memory_space<smem>>
      %slice3A_747 = vector.extract_strided_slice %get3A_671 {offsets = [15], sizes = [1], strides = [1]} : vector<16xi32> to vector<1xi32>
      %squeeze3A_748 = vector.extract %slice3A_747[0] : i32 from vector<1xi32>
      %swap3A_749 = arith.constant 95 : i32
      %swap3A_750 = arith.index_cast %swap3A_749 : i32 to index
      %swap3A_751 = memref.load %arg16[%swap3A_750] : memref<128xi32, #tpu.memory_space<smem>>
      memref.store %squeeze3A_748, %arg16[%swap3A_750] : memref<128xi32, #tpu.memory_space<smem>>
      %get3A_752 = arith.constant 0 : i32
      %get3A_753 = arith.index_cast %get3A_752 : i32 to index
      %get3A_754 = arith.constant 96 : index
      %get3A_755 = tpu.vector_load %arg15[%get3A_753, %get3A_754] {strides = array<i32>} : memref<2x128xi32, #tpu.memory_space<vmem>>, vector<1x16xi32>,
      %get3A_756 = vector.shape_cast %get3A_755 : vector<1x16xi32> to vector<16xi32>
      %slice3A_757 = vector.extract_strided_slice %get3A_756 {offsets = [0], sizes = [1], strides = [1]} : vector<16xi32> to vector<1xi32>
      %squeeze3A_758 = vector.extract %slice3A_757[0] : i32 from vector<1xi32>
      %swap3A_759 = arith.constant 96 : i32
      %swap3A_760 = arith.index_cast %swap3A_759 : i32 to index
      %swap3A_761 = memref.load %arg16[%swap3A_760] : memref<128xi32, #tpu.memory_space<smem>>
      memref.store %squeeze3A_758, %arg16[%swap3A_760] : memref<128xi32, #tpu.memory_space<smem>>
      %slice3A_762 = vector.extract_strided_slice %get3A_756 {offsets = [1], sizes = [1], strides = [1]} : vector<16xi32> to vector<1xi32>
      %squeeze3A_763 = vector.extract %slice3A_762[0] : i32 from vector<1xi32>
      %swap3A_764 = arith.constant 97 : i32
      %swap3A_765 = arith.index_cast %swap3A_764 : i32 to index
      %swap3A_766 = memref.load %arg16[%swap3A_765] : memref<128xi32, #tpu.memory_space<smem>>
      memref.store %squeeze3A_763, %arg16[%swap3A_765] : memref<128xi32, #tpu.memory_space<smem>>
      %slice3A_767 = vector.extract_strided_slice %get3A_756 {offsets = [2], sizes = [1], strides = [1]} : vector<16xi32> to vector<1xi32>
      %squeeze3A_768 = vector.extract %slice3A_767[0] : i32 from vector<1xi32>
      %swap3A_769 = arith.constant 98 : i32
      %swap3A_770 = arith.index_cast %swap3A_769 : i32 to index
      %swap3A_771 = memref.load %arg16[%swap3A_770] : memref<128xi32, #tpu.memory_space<smem>>
      memref.store %squeeze3A_768, %arg16[%swap3A_770] : memref<128xi32, #tpu.memory_space<smem>>
      %slice3A_772 = vector.extract_strided_slice %get3A_756 {offsets = [3], sizes = [1], strides = [1]} : vector<16xi32> to vector<1xi32>
      %squeeze3A_773 = vector.extract %slice3A_772[0] : i32 from vector<1xi32>
      %swap3A_774 = arith.constant 99 : i32
      %swap3A_775 = arith.index_cast %swap3A_774 : i32 to index
      %swap3A_776 = memref.load %arg16[%swap3A_775] : memref<128xi32, #tpu.memory_space<smem>>
      memref.store %squeeze3A_773, %arg16[%swap3A_775] : memref<128xi32, #tpu.memory_space<smem>>
      %slice3A_777 = vector.extract_strided_slice %get3A_756 {offsets = [4], sizes = [1], strides = [1]} : vector<16xi32> to vector<1xi32>
      %squeeze3A_778 = vector.extract %slice3A_777[0] : i32 from vector<1xi32>
      %swap3A_779 = arith.constant 100 : i32
      %swap3A_780 = arith.index_cast %swap3A_779 : i32 to index
      %swap3A_781 = memref.load %arg16[%swap3A_780] : memref<128xi32, #tpu.memory_space<smem>>
      memref.store %squeeze3A_778, %arg16[%swap3A_780] : memref<128xi32, #tpu.memory_space<smem>>
      %slice3A_782 = vector.extract_strided_slice %get3A_756 {offsets = [5], sizes = [1], strides = [1]} : vector<16xi32> to vector<1xi32>
      %squeeze3A_783 = vector.extract %slice3A_782[0] : i32 from vector<1xi32>
      %swap3A_784 = arith.constant 101 : i32
      %swap3A_785 = arith.index_cast %swap3A_784 : i32 to index
      %swap3A_786 = memref.load %arg16[%swap3A_785] : memref<128xi32, #tpu.memory_space<smem>>
      memref.store %squeeze3A_783, %arg16[%swap3A_785] : memref<128xi32, #tpu.memory_space<smem>>
      %slice3A_787 = vector.extract_strided_slice %get3A_756 {offsets = [6], sizes = [1], strides = [1]} : vector<16xi32> to vector<1xi32>
      %squeeze3A_788 = vector.extract %slice3A_787[0] : i32 from vector<1xi32>
      %swap3A_789 = arith.constant 102 : i32
      %swap3A_790 = arith.index_cast %swap3A_789 : i32 to index
      %swap3A_791 = memref.load %arg16[%swap3A_790] : memref<128xi32, #tpu.memory_space<smem>>
      memref.store %squeeze3A_788, %arg16[%swap3A_790] : memref<128xi32, #tpu.memory_space<smem>>
      %slice3A_792 = vector.extract_strided_slice %get3A_756 {offsets = [7], sizes = [1], strides = [1]} : vector<16xi32> to vector<1xi32>
      %squeeze3A_793 = vector.extract %slice3A_792[0] : i32 from vector<1xi32>
      %swap3A_794 = arith.constant 103 : i32
      %swap3A_795 = arith.index_cast %swap3A_794 : i32 to index
      %swap3A_796 = memref.load %arg16[%swap3A_795] : memref<128xi32, #tpu.memory_space<smem>>
      memref.store %squeeze3A_793, %arg16[%swap3A_795] : memref<128xi32, #tpu.memory_space<smem>>
      %slice3A_797 = vector.extract_strided_slice %get3A_756 {offsets = [8], sizes = [1], strides = [1]} : vector<16xi32> to vector<1xi32>
      %squeeze3A_798 = vector.extract %slice3A_797[0] : i32 from vector<1xi32>
      %swap3A_799 = arith.constant 104 : i32
      %swap3A_800 = arith.index_cast %swap3A_799 : i32 to index
      %swap3A_801 = memref.load %arg16[%swap3A_800] : memref<128xi32, #tpu.memory_space<smem>>
      memref.store %squeeze3A_798, %arg16[%swap3A_800] : memref<128xi32, #tpu.memory_space<smem>>
      %slice3A_802 = vector.extract_strided_slice %get3A_756 {offsets = [9], sizes = [1], strides = [1]} : vector<16xi32> to vector<1xi32>
      %squeeze3A_803 = vector.extract %slice3A_802[0] : i32 from vector<1xi32>
      %swap3A_804 = arith.constant 105 : i32
      %swap3A_805 = arith.index_cast %swap3A_804 : i32 to index
      %swap3A_806 = memref.load %arg16[%swap3A_805] : memref<128xi32, #tpu.memory_space<smem>>
      memref.store %squeeze3A_803, %arg16[%swap3A_805] : memref<128xi32, #tpu.memory_space<smem>>
      %slice3A_807 = vector.extract_strided_slice %get3A_756 {offsets = [10], sizes = [1], strides = [1]} : vector<16xi32> to vector<1xi32>
      %squeeze3A_808 = vector.extract %slice3A_807[0] : i32 from vector<1xi32>
      %swap3A_809 = arith.constant 106 : i32
      %swap3A_810 = arith.index_cast %swap3A_809 : i32 to index
      %swap3A_811 = memref.load %arg16[%swap3A_810] : memref<128xi32, #tpu.memory_space<smem>>
      memref.store %squeeze3A_808, %arg16[%swap3A_810] : memref<128xi32, #tpu.memory_space<smem>>
      %slice3A_812 = vector.extract_strided_slice %get3A_756 {offsets = [11], sizes = [1], strides = [1]} : vector<16xi32> to vector<1xi32>
      %squeeze3A_813 = vector.extract %slice3A_812[0] : i32 from vector<1xi32>
      %swap3A_814 = arith.constant 107 : i32
      %swap3A_815 = arith.index_cast %swap3A_814 : i32 to index
      %swap3A_816 = memref.load %arg16[%swap3A_815] : memref<128xi32, #tpu.memory_space<smem>>
      memref.store %squeeze3A_813, %arg16[%swap3A_815] : memref<128xi32, #tpu.memory_space<smem>>
      %slice3A_817 = vector.extract_strided_slice %get3A_756 {offsets = [12], sizes = [1], strides = [1]} : vector<16xi32> to vector<1xi32>
      %squeeze3A_818 = vector.extract %slice3A_817[0] : i32 from vector<1xi32>
      %swap3A_819 = arith.constant 108 : i32
      %swap3A_820 = arith.index_cast %swap3A_819 : i32 to index
      %swap3A_821 = memref.load %arg16[%swap3A_820] : memref<128xi32, #tpu.memory_space<smem>>
      memref.store %squeeze3A_818, %arg16[%swap3A_820] : memref<128xi32, #tpu.memory_space<smem>>
      %slice3A_822 = vector.extract_strided_slice %get3A_756 {offsets = [13], sizes = [1], strides = [1]} : vector<16xi32> to vector<1xi32>
      %squeeze3A_823 = vector.extract %slice3A_822[0] : i32 from vector<1xi32>
      %swap3A_824 = arith.constant 109 : i32
      %swap3A_825 = arith.index_cast %swap3A_824 : i32 to index
      %swap3A_826 = memref.load %arg16[%swap3A_825] : memref<128xi32, #tpu.memory_space<smem>>
      memref.store %squeeze3A_823, %arg16[%swap3A_825] : memref<128xi32, #tpu.memory_space<smem>>
      %slice3A_827 = vector.extract_strided_slice %get3A_756 {offsets = [14], sizes = [1], strides = [1]} : vector<16xi32> to vector<1xi32>
      %squeeze3A_828 = vector.extract %slice3A_827[0] : i32 from vector<1xi32>
      %swap3A_829 = arith.constant 110 : i32
      %swap3A_830 = arith.index_cast %swap3A_829 : i32 to index
      %swap3A_831 = memref.load %arg16[%swap3A_830] : memref<128xi32, #tpu.memory_space<smem>>
      memref.store %squeeze3A_828, %arg16[%swap3A_830] : memref<128xi32, #tpu.memory_space<smem>>
      %slice3A_832 = vector.extract_strided_slice %get3A_756 {offsets = [15], sizes = [1], strides = [1]} : vector<16xi32> to vector<1xi32>
      %squeeze3A_833 = vector.extract %slice3A_832[0] : i32 from vector<1xi32>
      %swap3A_834 = arith.constant 111 : i32
      %swap3A_835 = arith.index_cast %swap3A_834 : i32 to index
      %swap3A_836 = memref.load %arg16[%swap3A_835] : memref<128xi32, #tpu.memory_space<smem>>
      memref.store %squeeze3A_833, %arg16[%swap3A_835] : memref<128xi32, #tpu.memory_space<smem>>
      %get3A_837 = arith.constant 0 : i32
      %get3A_838 = arith.index_cast %get3A_837 : i32 to index
      %get3A_839 = arith.constant 112 : index
      %get3A_840 = tpu.vector_load %arg15[%get3A_838, %get3A_839] {strides = array<i32>} : memref<2x128xi32, #tpu.memory_space<vmem>>, vector<1x16xi32>,
      %get3A_841 = vector.shape_cast %get3A_840 : vector<1x16xi32> to vector<16xi32>
      %slice3A_842 = vector.extract_strided_slice %get3A_841 {offsets = [0], sizes = [1], strides = [1]} : vector<16xi32> to vector<1xi32>
      %squeeze3A_843 = vector.extract %slice3A_842[0] : i32 from vector<1xi32>
      %swap3A_844 = arith.constant 112 : i32
      %swap3A_845 = arith.index_cast %swap3A_844 : i32 to index
      %swap3A_846 = memref.load %arg16[%swap3A_845] : memref<128xi32, #tpu.memory_space<smem>>
      memref.store %squeeze3A_843, %arg16[%swap3A_845] : memref<128xi32, #tpu.memory_space<smem>>
      %slice3A_847 = vector.extract_strided_slice %get3A_841 {offsets = [1], sizes = [1], strides = [1]} : vector<16xi32> to vector<1xi32>
      %squeeze3A_848 = vector.extract %slice3A_847[0] : i32 from vector<1xi32>
      %swap3A_849 = arith.constant 113 : i32
      %swap3A_850 = arith.index_cast %swap3A_849 : i32 to index
      %swap3A_851 = memref.load %arg16[%swap3A_850] : memref<128xi32, #tpu.memory_space<smem>>
      memref.store %squeeze3A_848, %arg16[%swap3A_850] : memref<128xi32, #tpu.memory_space<smem>>
      %slice3A_852 = vector.extract_strided_slice %get3A_841 {offsets = [2], sizes = [1], strides = [1]} : vector<16xi32> to vector<1xi32>
      %squeeze3A_853 = vector.extract %slice3A_852[0] : i32 from vector<1xi32>
      %swap3A_854 = arith.constant 114 : i32
      %swap3A_855 = arith.index_cast %swap3A_854 : i32 to index
      %swap3A_856 = memref.load %arg16[%swap3A_855] : memref<128xi32, #tpu.memory_space<smem>>
      memref.store %squeeze3A_853, %arg16[%swap3A_855] : memref<128xi32, #tpu.memory_space<smem>>
      %slice3A_857 = vector.extract_strided_slice %get3A_841 {offsets = [3], sizes = [1], strides = [1]} : vector<16xi32> to vector<1xi32>
      %squeeze3A_858 = vector.extract %slice3A_857[0] : i32 from vector<1xi32>
      %swap3A_859 = arith.constant 115 : i32
      %swap3A_860 = arith.index_cast %swap3A_859 : i32 to index
      %swap3A_861 = memref.load %arg16[%swap3A_860] : memref<128xi32, #tpu.memory_space<smem>>
      memref.store %squeeze3A_858, %arg16[%swap3A_860] : memref<128xi32, #tpu.memory_space<smem>>
      %slice3A_862 = vector.extract_strided_slice %get3A_841 {offsets = [4], sizes = [1], strides = [1]} : vector<16xi32> to vector<1xi32>
      %squeeze3A_863 = vector.extract %slice3A_862[0] : i32 from vector<1xi32>
      %swap3A_864 = arith.constant 116 : i32
      %swap3A_865 = arith.index_cast %swap3A_864 : i32 to index
      %swap3A_866 = memref.load %arg16[%swap3A_865] : memref<128xi32, #tpu.memory_space<smem>>
      memref.store %squeeze3A_863, %arg16[%swap3A_865] : memref<128xi32, #tpu.memory_space<smem>>
      %slice3A_867 = vector.extract_strided_slice %get3A_841 {offsets = [5], sizes = [1], strides = [1]} : vector<16xi32> to vector<1xi32>
      %squeeze3A_868 = vector.extract %slice3A_867[0] : i32 from vector<1xi32>
      %swap3A_869 = arith.constant 117 : i32
      %swap3A_870 = arith.index_cast %swap3A_869 : i32 to index
      %swap3A_871 = memref.load %arg16[%swap3A_870] : memref<128xi32, #tpu.memory_space<smem>>
      memref.store %squeeze3A_868, %arg16[%swap3A_870] : memref<128xi32, #tpu.memory_space<smem>>
      %slice3A_872 = vector.extract_strided_slice %get3A_841 {offsets = [6], sizes = [1], strides = [1]} : vector<16xi32> to vector<1xi32>
      %squeeze3A_873 = vector.extract %slice3A_872[0] : i32 from vector<1xi32>
      %swap3A_874 = arith.constant 118 : i32
      %swap3A_875 = arith.index_cast %swap3A_874 : i32 to index
      %swap3A_876 = memref.load %arg16[%swap3A_875] : memref<128xi32, #tpu.memory_space<smem>>
      memref.store %squeeze3A_873, %arg16[%swap3A_875] : memref<128xi32, #tpu.memory_space<smem>>
      %slice3A_877 = vector.extract_strided_slice %get3A_841 {offsets = [7], sizes = [1], strides = [1]} : vector<16xi32> to vector<1xi32>
      %squeeze3A_878 = vector.extract %slice3A_877[0] : i32 from vector<1xi32>
      %swap3A_879 = arith.constant 119 : i32
      %swap3A_880 = arith.index_cast %swap3A_879 : i32 to index
      %swap3A_881 = memref.load %arg16[%swap3A_880] : memref<128xi32, #tpu.memory_space<smem>>
      memref.store %squeeze3A_878, %arg16[%swap3A_880] : memref<128xi32, #tpu.memory_space<smem>>
      %slice3A_882 = vector.extract_strided_slice %get3A_841 {offsets = [8], sizes = [1], strides = [1]} : vector<16xi32> to vector<1xi32>
      %squeeze3A_883 = vector.extract %slice3A_882[0] : i32 from vector<1xi32>
      %swap3A_884 = arith.constant 120 : i32
      %swap3A_885 = arith.index_cast %swap3A_884 : i32 to index
      %swap3A_886 = memref.load %arg16[%swap3A_885] : memref<128xi32, #tpu.memory_space<smem>>
      memref.store %squeeze3A_883, %arg16[%swap3A_885] : memref<128xi32, #tpu.memory_space<smem>>
      %slice3A_887 = vector.extract_strided_slice %get3A_841 {offsets = [9], sizes = [1], strides = [1]} : vector<16xi32> to vector<1xi32>
      %squeeze3A_888 = vector.extract %slice3A_887[0] : i32 from vector<1xi32>
      %swap3A_889 = arith.constant 121 : i32
      %swap3A_890 = arith.index_cast %swap3A_889 : i32 to index
      %swap3A_891 = memref.load %arg16[%swap3A_890] : memref<128xi32, #tpu.memory_space<smem>>
      memref.store %squeeze3A_888, %arg16[%swap3A_890] : memref<128xi32, #tpu.memory_space<smem>>
      %slice3A_892 = vector.extract_strided_slice %get3A_841 {offsets = [10], sizes = [1], strides = [1]} : vector<16xi32> to vector<1xi32>
      %squeeze3A_893 = vector.extract %slice3A_892[0] : i32 from vector<1xi32>
      %swap3A_894 = arith.constant 122 : i32
      %swap3A_895 = arith.index_cast %swap3A_894 : i32 to index
      %swap3A_896 = memref.load %arg16[%swap3A_895] : memref<128xi32, #tpu.memory_space<smem>>
      memref.store %squeeze3A_893, %arg16[%swap3A_895] : memref<128xi32, #tpu.memory_space<smem>>
      %slice3A_897 = vector.extract_strided_slice %get3A_841 {offsets = [11], sizes = [1], strides = [1]} : vector<16xi32> to vector<1xi32>
      %squeeze3A_898 = vector.extract %slice3A_897[0] : i32 from vector<1xi32>
      %swap3A_899 = arith.constant 123 : i32
      %swap3A_900 = arith.index_cast %swap3A_899 : i32 to index
      %swap3A_901 = memref.load %arg16[%swap3A_900] : memref<128xi32, #tpu.memory_space<smem>>
      memref.store %squeeze3A_898, %arg16[%swap3A_900] : memref<128xi32, #tpu.memory_space<smem>>
      %slice3A_902 = vector.extract_strided_slice %get3A_841 {offsets = [12], sizes = [1], strides = [1]} : vector<16xi32> to vector<1xi32>
      %squeeze3A_903 = vector.extract %slice3A_902[0] : i32 from vector<1xi32>
      %swap3A_904 = arith.constant 124 : i32
      %swap3A_905 = arith.index_cast %swap3A_904 : i32 to index
      %swap3A_906 = memref.load %arg16[%swap3A_905] : memref<128xi32, #tpu.memory_space<smem>>
      memref.store %squeeze3A_903, %arg16[%swap3A_905] : memref<128xi32, #tpu.memory_space<smem>>
      %slice3A_907 = vector.extract_strided_slice %get3A_841 {offsets = [13], sizes = [1], strides = [1]} : vector<16xi32> to vector<1xi32>
      %squeeze3A_908 = vector.extract %slice3A_907[0] : i32 from vector<1xi32>
      %swap3A_909 = arith.constant 125 : i32
      %swap3A_910 = arith.index_cast %swap3A_909 : i32 to index
      %swap3A_911 = memref.load %arg16[%swap3A_910] : memref<128xi32, #tpu.memory_space<smem>>
      memref.store %squeeze3A_908, %arg16[%swap3A_910] : memref<128xi32, #tpu.memory_space<smem>>
      %slice3A_912 = vector.extract_strided_slice %get3A_841 {offsets = [14], sizes = [1], strides = [1]} : vector<16xi32> to vector<1xi32>
      %squeeze3A_913 = vector.extract %slice3A_912[0] : i32 from vector<1xi32>
      %swap3A_914 = arith.constant 126 : i32
      %swap3A_915 = arith.index_cast %swap3A_914 : i32 to index
      %swap3A_916 = memref.load %arg16[%swap3A_915] : memref<128xi32, #tpu.memory_space<smem>>
      memref.store %squeeze3A_913, %arg16[%swap3A_915] : memref<128xi32, #tpu.memory_space<smem>>
      %slice3A_917 = vector.extract_strided_slice %get3A_841 {offsets = [15], sizes = [1], strides = [1]} : vector<16xi32> to vector<1xi32>
      %squeeze3A_918 = vector.extract %slice3A_917[0] : i32 from vector<1xi32>
      %swap3A_919 = arith.constant 127 : i32
      %swap3A_920 = arith.index_cast %swap3A_919 : i32 to index
      %swap3A_921 = memref.load %arg16[%swap3A_920] : memref<128xi32, #tpu.memory_space<smem>>
      memref.store %squeeze3A_918, %arg16[%swap3A_920] : memref<128xi32, #tpu.memory_space<smem>>
      %mul3A_922 = arith.constant 128 : i32
      %mul3A_923 = arith.muli %add3A_215, %mul3A_922 : i32
      %add3A_924 = arith.addi %mul3A_189, %mul3A_923 : i32
      %get3A_925 = arith.constant 0 : i32
      %get3A_926 = arith.constant 0 : i32
      %get3A_927 = arith.constant 0 : i32
      %get3A_928 = tpu.memref_slice %arg14[%get3A_926, %get3A_927] : memref<4x128xf32, #tpu.memory_space<vmem>> -> memref<2x128xf32, #tpu.memory_space<vmem>>
      %get3A_929 = arith.index_cast %get3A_925 : i32 to index
      %get3A_930 = arith.constant 0 : index
      %get3A_931 = tpu.vector_load %get3A_928[%get3A_929, %get3A_930] {strides = array<i32>} : memref<2x128xf32, #tpu.memory_space<vmem>>, vector<1x16xf32>,
      %get3A_932 = vector.shape_cast %get3A_931 : vector<1x16xf32> to vector<16xf32>
      %get3A_933 = arith.constant 0 : i32
      %get3A_934 = arith.constant 0 : i32
      %get3A_935 = arith.constant 0 : i32
      %get3A_936 = tpu.memref_slice %arg14[%get3A_934, %get3A_935] : memref<4x128xf32, #tpu.memory_space<vmem>> -> memref<2x128xf32, #tpu.memory_space<vmem>>
      %get3A_937 = arith.index_cast %get3A_933 : i32 to index
      %get3A_938 = arith.constant 16 : index
      %get3A_939 = tpu.vector_load %get3A_936[%get3A_937, %get3A_938] {strides = array<i32>} : memref<2x128xf32, #tpu.memory_space<vmem>>, vector<1x16xf32>,
      %get3A_940 = vector.shape_cast %get3A_939 : vector<1x16xf32> to vector<16xf32>
      %get3A_941 = arith.constant 0 : i32
      %get3A_942 = arith.constant 0 : i32
      %get3A_943 = arith.constant 0 : i32
      %get3A_944 = tpu.memref_slice %arg14[%get3A_942, %get3A_943] : memref<4x128xf32, #tpu.memory_space<vmem>> -> memref<2x128xf32, #tpu.memory_space<vmem>>
      %get3A_945 = arith.index_cast %get3A_941 : i32 to index
      %get3A_946 = arith.constant 32 : index
      %get3A_947 = tpu.vector_load %get3A_944[%get3A_945, %get3A_946] {strides = array<i32>} : memref<2x128xf32, #tpu.memory_space<vmem>>, vector<1x16xf32>,
      %get3A_948 = vector.shape_cast %get3A_947 : vector<1x16xf32> to vector<16xf32>
      %get3A_949 = arith.constant 0 : i32
      %get3A_950 = arith.constant 0 : i32
      %get3A_951 = arith.constant 0 : i32
      %get3A_952 = tpu.memref_slice %arg14[%get3A_950, %get3A_951] : memref<4x128xf32, #tpu.memory_space<vmem>> -> memref<2x128xf32, #tpu.memory_space<vmem>>
      %get3A_953 = arith.index_cast %get3A_949 : i32 to index
      %get3A_954 = arith.constant 48 : index
      %get3A_955 = tpu.vector_load %get3A_952[%get3A_953, %get3A_954] {strides = array<i32>} : memref<2x128xf32, #tpu.memory_space<vmem>>, vector<1x16xf32>,
      %get3A_956 = vector.shape_cast %get3A_955 : vector<1x16xf32> to vector<16xf32>
      %get3A_957 = arith.constant 0 : i32
      %get3A_958 = arith.constant 0 : i32
      %get3A_959 = arith.constant 0 : i32
      %get3A_960 = tpu.memref_slice %arg14[%get3A_958, %get3A_959] : memref<4x128xf32, #tpu.memory_space<vmem>> -> memref<2x128xf32, #tpu.memory_space<vmem>>
      %get3A_961 = arith.index_cast %get3A_957 : i32 to index
      %get3A_962 = arith.constant 64 : index
      %get3A_963 = tpu.vector_load %get3A_960[%get3A_961, %get3A_962] {strides = array<i32>} : memref<2x128xf32, #tpu.memory_space<vmem>>, vector<1x16xf32>,
      %get3A_964 = vector.shape_cast %get3A_963 : vector<1x16xf32> to vector<16xf32>
      %get3A_965 = arith.constant 0 : i32
      %get3A_966 = arith.constant 0 : i32
      %get3A_967 = arith.constant 0 : i32
      %get3A_968 = tpu.memref_slice %arg14[%get3A_966, %get3A_967] : memref<4x128xf32, #tpu.memory_space<vmem>> -> memref<2x128xf32, #tpu.memory_space<vmem>>
      %get3A_969 = arith.index_cast %get3A_965 : i32 to index
      %get3A_970 = arith.constant 80 : index
      %get3A_971 = tpu.vector_load %get3A_968[%get3A_969, %get3A_970] {strides = array<i32>} : memref<2x128xf32, #tpu.memory_space<vmem>>, vector<1x16xf32>,
      %get3A_972 = vector.shape_cast %get3A_971 : vector<1x16xf32> to vector<16xf32>
      %get3A_973 = arith.constant 0 : i32
      %get3A_974 = arith.constant 0 : i32
      %get3A_975 = arith.constant 0 : i32
      %get3A_976 = tpu.memref_slice %arg14[%get3A_974, %get3A_975] : memref<4x128xf32, #tpu.memory_space<vmem>> -> memref<2x128xf32, #tpu.memory_space<vmem>>
      %get3A_977 = arith.index_cast %get3A_973 : i32 to index
      %get3A_978 = arith.constant 96 : index
      %get3A_979 = tpu.vector_load %get3A_976[%get3A_977, %get3A_978] {strides = array<i32>} : memref<2x128xf32, #tpu.memory_space<vmem>>, vector<1x16xf32>,
      %get3A_980 = vector.shape_cast %get3A_979 : vector<1x16xf32> to vector<16xf32>
      %get3A_981 = arith.constant 0 : i32
      %get3A_982 = arith.constant 0 : i32
      %get3A_983 = arith.constant 0 : i32
      %get3A_984 = tpu.memref_slice %arg14[%get3A_982, %get3A_983] : memref<4x128xf32, #tpu.memory_space<vmem>> -> memref<2x128xf32, #tpu.memory_space<vmem>>
      %get3A_985 = arith.index_cast %get3A_981 : i32 to index
      %get3A_986 = arith.constant 112 : index
      %get3A_987 = tpu.vector_load %get3A_984[%get3A_985, %get3A_986] {strides = array<i32>} : memref<2x128xf32, #tpu.memory_space<vmem>>, vector<1x16xf32>,
      %get3A_988 = vector.shape_cast %get3A_987 : vector<1x16xf32> to vector<16xf32>
      %get3A_989 = arith.constant 1 : i32
      %get3A_990 = arith.constant 0 : i32
      %get3A_991 = arith.constant 0 : i32
      %get3A_992 = tpu.memref_slice %arg14[%get3A_990, %get3A_991] : memref<4x128xf32, #tpu.memory_space<vmem>> -> memref<2x128xf32, #tpu.memory_space<vmem>>
      %get3A_993 = arith.index_cast %get3A_989 : i32 to index
      %get3A_994 = arith.constant 0 : index
      %get3A_995 = tpu.vector_load %get3A_992[%get3A_993, %get3A_994] {strides = array<i32>} : memref<2x128xf32, #tpu.memory_space<vmem>>, vector<1x16xf32>,
      %get3A_996 = vector.shape_cast %get3A_995 : vector<1x16xf32> to vector<16xf32>
      %get3A_997 = arith.constant 1 : i32
      %get3A_998 = arith.constant 0 : i32
      %get3A_999 = arith.constant 0 : i32
      %get3A_1000 = tpu.memref_slice %arg14[%get3A_998, %get3A_999] : memref<4x128xf32, #tpu.memory_space<vmem>> -> memref<2x128xf32, #tpu.memory_space<vmem>>
      %get3A_1001 = arith.index_cast %get3A_997 : i32 to index
      %get3A_1002 = arith.constant 16 : index
      %get3A_1003 = tpu.vector_load %get3A_1000[%get3A_1001, %get3A_1002] {strides = array<i32>} : memref<2x128xf32, #tpu.memory_space<vmem>>, vector<1x16xf32>,
      %get3A_1004 = vector.shape_cast %get3A_1003 : vector<1x16xf32> to vector<16xf32>
      %get3A_1005 = arith.constant 1 : i32
      %get3A_1006 = arith.constant 0 : i32
      %get3A_1007 = arith.constant 0 : i32
      %get3A_1008 = tpu.memref_slice %arg14[%get3A_1006, %get3A_1007] : memref<4x128xf32, #tpu.memory_space<vmem>> -> memref<2x128xf32, #tpu.memory_space<vmem>>
      %get3A_1009 = arith.index_cast %get3A_1005 : i32 to index
      %get3A_1010 = arith.constant 32 : index
      %get3A_1011 = tpu.vector_load %get3A_1008[%get3A_1009, %get3A_1010] {strides = array<i32>} : memref<2x128xf32, #tpu.memory_space<vmem>>, vector<1x16xf32>,
      %get3A_1012 = vector.shape_cast %get3A_1011 : vector<1x16xf32> to vector<16xf32>
      %get3A_1013 = arith.constant 1 : i32
      %get3A_1014 = arith.constant 0 : i32
      %get3A_1015 = arith.constant 0 : i32
      %get3A_1016 = tpu.memref_slice %arg14[%get3A_1014, %get3A_1015] : memref<4x128xf32, #tpu.memory_space<vmem>> -> memref<2x128xf32, #tpu.memory_space<vmem>>
      %get3A_1017 = arith.index_cast %get3A_1013 : i32 to index
      %get3A_1018 = arith.constant 48 : index
      %get3A_1019 = tpu.vector_load %get3A_1016[%get3A_1017, %get3A_1018] {strides = array<i32>} : memref<2x128xf32, #tpu.memory_space<vmem>>, vector<1x16xf32>,
      %get3A_1020 = vector.shape_cast %get3A_1019 : vector<1x16xf32> to vector<16xf32>
      %get3A_1021 = arith.constant 1 : i32
      %get3A_1022 = arith.constant 0 : i32
      %get3A_1023 = arith.constant 0 : i32
      %get3A_1024 = tpu.memref_slice %arg14[%get3A_1022, %get3A_1023] : memref<4x128xf32, #tpu.memory_space<vmem>> -> memref<2x128xf32, #tpu.memory_space<vmem>>
      %get3A_1025 = arith.index_cast %get3A_1021 : i32 to index
      %get3A_1026 = arith.constant 64 : index
      %get3A_1027 = tpu.vector_load %get3A_1024[%get3A_1025, %get3A_1026] {strides = array<i32>} : memref<2x128xf32, #tpu.memory_space<vmem>>, vector<1x16xf32>,
      %get3A_1028 = vector.shape_cast %get3A_1027 : vector<1x16xf32> to vector<16xf32>
      %get3A_1029 = arith.constant 1 : i32
      %get3A_1030 = arith.constant 0 : i32
      %get3A_1031 = arith.constant 0 : i32
      %get3A_1032 = tpu.memref_slice %arg14[%get3A_1030, %get3A_1031] : memref<4x128xf32, #tpu.memory_space<vmem>> -> memref<2x128xf32, #tpu.memory_space<vmem>>
      %get3A_1033 = arith.index_cast %get3A_1029 : i32 to index
      %get3A_1034 = arith.constant 80 : index
      %get3A_1035 = tpu.vector_load %get3A_1032[%get3A_1033, %get3A_1034] {strides = array<i32>} : memref<2x128xf32, #tpu.memory_space<vmem>>, vector<1x16xf32>,
      %get3A_1036 = vector.shape_cast %get3A_1035 : vector<1x16xf32> to vector<16xf32>
      %get3A_1037 = arith.constant 1 : i32
      %get3A_1038 = arith.constant 0 : i32
      %get3A_1039 = arith.constant 0 : i32
      %get3A_1040 = tpu.memref_slice %arg14[%get3A_1038, %get3A_1039] : memref<4x128xf32, #tpu.memory_space<vmem>> -> memref<2x128xf32, #tpu.memory_space<vmem>>
      %get3A_1041 = arith.index_cast %get3A_1037 : i32 to index
      %get3A_1042 = arith.constant 96 : index
      %get3A_1043 = tpu.vector_load %get3A_1040[%get3A_1041, %get3A_1042] {strides = array<i32>} : memref<2x128xf32, #tpu.memory_space<vmem>>, vector<1x16xf32>,
      %get3A_1044 = vector.shape_cast %get3A_1043 : vector<1x16xf32> to vector<16xf32>
      %get3A_1045 = arith.constant 1 : i32
      %get3A_1046 = arith.constant 0 : i32
      %get3A_1047 = arith.constant 0 : i32
      %get3A_1048 = tpu.memref_slice %arg14[%get3A_1046, %get3A_1047] : memref<4x128xf32, #tpu.memory_space<vmem>> -> memref<2x128xf32, #tpu.memory_space<vmem>>
      %get3A_1049 = arith.index_cast %get3A_1045 : i32 to index
      %get3A_1050 = arith.constant 112 : index
      %get3A_1051 = tpu.vector_load %get3A_1048[%get3A_1049, %get3A_1050] {strides = array<i32>} : memref<2x128xf32, #tpu.memory_space<vmem>>, vector<1x16xf32>,
      %get3A_1052 = vector.shape_cast %get3A_1051 : vector<1x16xf32> to vector<16xf32>
      %parallel_loop3A_1053 = arith.constant 0 : i32
      %parallel_loop3A_1054 = arith.constant 128 : i32
      %parallel_loop3A_1055 = arith.constant 1 : i32
      %parallel_loop3A_1056:16 = scf.for %parallel_loop3A_1941 = %parallel_loop3A_1053 to %parallel_loop3A_1054 step %parallel_loop3A_1055 iter_args(%parallel_loop3A_1942 = %get3A_932, %parallel_loop3A_1943 = %get3A_940, %parallel_loop3A_1944 = %get3A_948, %parallel_loop3A_1945 = %get3A_956, %parallel_loop3A_1946 = %get3A_964, %parallel_loop3A_1947 = %get3A_972, %parallel_loop3A_1948 = %get3A_980, %parallel_loop3A_1949 = %get3A_988, %parallel_loop3A_1950 = %get3A_996, %parallel_loop3A_1951 = %get3A_1004, %parallel_loop3A_1952 = %get3A_1012, %parallel_loop3A_1953 = %get3A_1020, %parallel_loop3A_1954 = %get3A_1028, %parallel_loop3A_1955 = %get3A_1036, %parallel_loop3A_1956 = %get3A_1044, %parallel_loop3A_1957 = %get3A_1052) -> (vector<16xf32>, vector<16xf32>, vector<16xf32>, vector<16xf32>, vector<16xf32>, vector<16xf32>, vector<16xf32>, vector<16xf32>, vector<16xf32>, vector<16xf32>, vector<16xf32>, vector<16xf32>, vector<16xf32>, vector<16xf32>, vector<16xf32>, vector<16xf32>)  : i32 {
        %parallel_loop3A_1958 = arith.addi %add3A_924, %parallel_loop3A_1941 : i32
        %parallel_loop3A_1959 = arith.constant 200 : i32
        %parallel_loop3A_1960 = arith.remsi %parallel_loop3A_1958, %parallel_loop3A_1959 : i32
        %parallel_loop3A_1961 = arith.index_cast %parallel_loop3A_1941 : i32 to index
        %parallel_loop3A_1962 = memref.load %arg16[%parallel_loop3A_1961] : memref<128xi32, #tpu.memory_space<smem>>
        %parallel_loop3A_1963 = arith.constant 200 : i32
        %parallel_loop3A_1964 = arith.muli %parallel_loop3A_1962, %parallel_loop3A_1963 : i32
        %parallel_loop3A_1965 = arith.addi %parallel_loop3A_1964, %parallel_loop3A_1960 : i32
        %parallel_loop3A_1966 = arith.index_cast %parallel_loop3A_1941 : i32 to index
        %parallel_loop3A_1967 = arith.constant 0 : index
        %parallel_loop3A_1968 = tpu.vector_load %arg9[%parallel_loop3A_1966, %parallel_loop3A_1967] {strides = array<i32>} : memref<128x128xf32, #tpu.memory_space<vmem>>, vector<1x16xf32>,
        %parallel_loop3A_1969 = vector.shape_cast %parallel_loop3A_1968 : vector<1x16xf32> to vector<16xf32>
        %parallel_loop3A_1970 = arith.index_cast %parallel_loop3A_1965 : i32 to index
        %parallel_loop3A_1971 = arith.constant 0 : index
        %parallel_loop3A_1972 = tpu.vector_load %arg13[%parallel_loop3A_1970, %parallel_loop3A_1971] {strides = array<i32>} : memref<400x128xf32, #tpu.memory_space<vmem>>, vector<1x16xf32>,
        %parallel_loop3A_1973 = vector.shape_cast %parallel_loop3A_1972 : vector<1x16xf32> to vector<16xf32>
        %parallel_loop3A_1974 = arith.addf %parallel_loop3A_1969, %parallel_loop3A_1973 : vector<16xf32>
        %parallel_loop3A_1975 = arith.index_cast %parallel_loop3A_1941 : i32 to index
        %parallel_loop3A_1976 = arith.constant 16 : index
        %parallel_loop3A_1977 = tpu.vector_load %arg9[%parallel_loop3A_1975, %parallel_loop3A_1976] {strides = array<i32>} : memref<128x128xf32, #tpu.memory_space<vmem>>, vector<1x16xf32>,
        %parallel_loop3A_1978 = vector.shape_cast %parallel_loop3A_1977 : vector<1x16xf32> to vector<16xf32>
        %parallel_loop3A_1979 = arith.index_cast %parallel_loop3A_1965 : i32 to index
        %parallel_loop3A_1980 = arith.constant 16 : index
        %parallel_loop3A_1981 = tpu.vector_load %arg13[%parallel_loop3A_1979, %parallel_loop3A_1980] {strides = array<i32>} : memref<400x128xf32, #tpu.memory_space<vmem>>, vector<1x16xf32>,
        %parallel_loop3A_1982 = vector.shape_cast %parallel_loop3A_1981 : vector<1x16xf32> to vector<16xf32>
        %parallel_loop3A_1983 = arith.addf %parallel_loop3A_1978, %parallel_loop3A_1982 : vector<16xf32>
        %parallel_loop3A_1984 = arith.index_cast %parallel_loop3A_1941 : i32 to index
        %parallel_loop3A_1985 = arith.constant 32 : index
        %parallel_loop3A_1986 = tpu.vector_load %arg9[%parallel_loop3A_1984, %parallel_loop3A_1985] {strides = array<i32>} : memref<128x128xf32, #tpu.memory_space<vmem>>, vector<1x16xf32>,
        %parallel_loop3A_1987 = vector.shape_cast %parallel_loop3A_1986 : vector<1x16xf32> to vector<16xf32>
        %parallel_loop3A_1988 = arith.index_cast %parallel_loop3A_1965 : i32 to index
        %parallel_loop3A_1989 = arith.constant 32 : index
        %parallel_loop3A_1990 = tpu.vector_load %arg13[%parallel_loop3A_1988, %parallel_loop3A_1989] {strides = array<i32>} : memref<400x128xf32, #tpu.memory_space<vmem>>, vector<1x16xf32>,
        %parallel_loop3A_1991 = vector.shape_cast %parallel_loop3A_1990 : vector<1x16xf32> to vector<16xf32>
        %parallel_loop3A_1992 = arith.addf %parallel_loop3A_1987, %parallel_loop3A_1991 : vector<16xf32>
        %parallel_loop3A_1993 = arith.index_cast %parallel_loop3A_1941 : i32 to index
        %parallel_loop3A_1994 = arith.constant 48 : index
        %parallel_loop3A_1995 = tpu.vector_load %arg9[%parallel_loop3A_1993, %parallel_loop3A_1994] {strides = array<i32>} : memref<128x128xf32, #tpu.memory_space<vmem>>, vector<1x16xf32>,
        %parallel_loop3A_1996 = vector.shape_cast %parallel_loop3A_1995 : vector<1x16xf32> to vector<16xf32>
        %parallel_loop3A_1997 = arith.index_cast %parallel_loop3A_1965 : i32 to index
        %parallel_loop3A_1998 = arith.constant 48 : index
        %parallel_loop3A_1999 = tpu.vector_load %arg13[%parallel_loop3A_1997, %parallel_loop3A_1998] {strides = array<i32>} : memref<400x128xf32, #tpu.memory_space<vmem>>, vector<1x16xf32>,
        %parallel_loop3A_2000 = vector.shape_cast %parallel_loop3A_1999 : vector<1x16xf32> to vector<16xf32>
        %parallel_loop3A_2001 = arith.addf %parallel_loop3A_1996, %parallel_loop3A_2000 : vector<16xf32>
        %parallel_loop3A_2002 = arith.index_cast %parallel_loop3A_1941 : i32 to index
        %parallel_loop3A_2003 = arith.constant 64 : index
        %parallel_loop3A_2004 = tpu.vector_load %arg9[%parallel_loop3A_2002, %parallel_loop3A_2003] {strides = array<i32>} : memref<128x128xf32, #tpu.memory_space<vmem>>, vector<1x16xf32>,
        %parallel_loop3A_2005 = vector.shape_cast %parallel_loop3A_2004 : vector<1x16xf32> to vector<16xf32>
        %parallel_loop3A_2006 = arith.index_cast %parallel_loop3A_1965 : i32 to index
        %parallel_loop3A_2007 = arith.constant 64 : index
        %parallel_loop3A_2008 = tpu.vector_load %arg13[%parallel_loop3A_2006, %parallel_loop3A_2007] {strides = array<i32>} : memref<400x128xf32, #tpu.memory_space<vmem>>, vector<1x16xf32>,
        %parallel_loop3A_2009 = vector.shape_cast %parallel_loop3A_2008 : vector<1x16xf32> to vector<16xf32>
        %parallel_loop3A_2010 = arith.addf %parallel_loop3A_2005, %parallel_loop3A_2009 : vector<16xf32>
        %parallel_loop3A_2011 = arith.index_cast %parallel_loop3A_1941 : i32 to index
        %parallel_loop3A_2012 = arith.constant 80 : index
        %parallel_loop3A_2013 = tpu.vector_load %arg9[%parallel_loop3A_2011, %parallel_loop3A_2012] {strides = array<i32>} : memref<128x128xf32, #tpu.memory_space<vmem>>, vector<1x16xf32>,
        %parallel_loop3A_2014 = vector.shape_cast %parallel_loop3A_2013 : vector<1x16xf32> to vector<16xf32>
        %parallel_loop3A_2015 = arith.index_cast %parallel_loop3A_1965 : i32 to index
        %parallel_loop3A_2016 = arith.constant 80 : index
        %parallel_loop3A_2017 = tpu.vector_load %arg13[%parallel_loop3A_2015, %parallel_loop3A_2016] {strides = array<i32>} : memref<400x128xf32, #tpu.memory_space<vmem>>, vector<1x16xf32>,
        %parallel_loop3A_2018 = vector.shape_cast %parallel_loop3A_2017 : vector<1x16xf32> to vector<16xf32>
        %parallel_loop3A_2019 = arith.addf %parallel_loop3A_2014, %parallel_loop3A_2018 : vector<16xf32>
        %parallel_loop3A_2020 = arith.index_cast %parallel_loop3A_1941 : i32 to index
        %parallel_loop3A_2021 = arith.constant 96 : index
        %parallel_loop3A_2022 = tpu.vector_load %arg9[%parallel_loop3A_2020, %parallel_loop3A_2021] {strides = array<i32>} : memref<128x128xf32, #tpu.memory_space<vmem>>, vector<1x16xf32>,
        %parallel_loop3A_2023 = vector.shape_cast %parallel_loop3A_2022 : vector<1x16xf32> to vector<16xf32>
        %parallel_loop3A_2024 = arith.index_cast %parallel_loop3A_1965 : i32 to index
        %parallel_loop3A_2025 = arith.constant 96 : index
        %parallel_loop3A_2026 = tpu.vector_load %arg13[%parallel_loop3A_2024, %parallel_loop3A_2025] {strides = array<i32>} : memref<400x128xf32, #tpu.memory_space<vmem>>, vector<1x16xf32>,
        %parallel_loop3A_2027 = vector.shape_cast %parallel_loop3A_2026 : vector<1x16xf32> to vector<16xf32>
        %parallel_loop3A_2028 = arith.addf %parallel_loop3A_2023, %parallel_loop3A_2027 : vector<16xf32>
        %parallel_loop3A_2029 = arith.index_cast %parallel_loop3A_1941 : i32 to index
        %parallel_loop3A_2030 = arith.constant 112 : index
        %parallel_loop3A_2031 = tpu.vector_load %arg9[%parallel_loop3A_2029, %parallel_loop3A_2030] {strides = array<i32>} : memref<128x128xf32, #tpu.memory_space<vmem>>, vector<1x16xf32>,
        %parallel_loop3A_2032 = vector.shape_cast %parallel_loop3A_2031 : vector<1x16xf32> to vector<16xf32>
        %parallel_loop3A_2033 = arith.index_cast %parallel_loop3A_1965 : i32 to index
        %parallel_loop3A_2034 = arith.constant 112 : index
        %parallel_loop3A_2035 = tpu.vector_load %arg13[%parallel_loop3A_2033, %parallel_loop3A_2034] {strides = array<i32>} : memref<400x128xf32, #tpu.memory_space<vmem>>, vector<1x16xf32>,
        %parallel_loop3A_2036 = vector.shape_cast %parallel_loop3A_2035 : vector<1x16xf32> to vector<16xf32>
        %parallel_loop3A_2037 = arith.addf %parallel_loop3A_2032, %parallel_loop3A_2036 : vector<16xf32>
        %parallel_loop3A_2038 = arith.addf %parallel_loop3A_1974, %parallel_loop3A_1983 : vector<16xf32>
        %parallel_loop3A_2039 = arith.addf %parallel_loop3A_1992, %parallel_loop3A_2001 : vector<16xf32>
        %parallel_loop3A_2040 = arith.addf %parallel_loop3A_2010, %parallel_loop3A_2019 : vector<16xf32>
        %parallel_loop3A_2041 = arith.addf %parallel_loop3A_2028, %parallel_loop3A_2037 : vector<16xf32>
        %parallel_loop3A_2042 = arith.addf %parallel_loop3A_2038, %parallel_loop3A_2039 : vector<16xf32>
        %parallel_loop3A_2043 = arith.addf %parallel_loop3A_2040, %parallel_loop3A_2041 : vector<16xf32>
        %parallel_loop3A_2044 = arith.addf %parallel_loop3A_2042, %parallel_loop3A_2043 : vector<16xf32>
        %parallel_loop3A_2045 = arith.mulf %parallel_loop3A_1974, %parallel_loop3A_1974 : vector<16xf32>
        %parallel_loop3A_2046 = arith.mulf %parallel_loop3A_1983, %parallel_loop3A_1983 : vector<16xf32>
        %parallel_loop3A_2047 = arith.addf %parallel_loop3A_2045, %parallel_loop3A_2046 : vector<16xf32>
        %parallel_loop3A_2048 = arith.mulf %parallel_loop3A_1992, %parallel_loop3A_1992 : vector<16xf32>
        %parallel_loop3A_2049 = arith.mulf %parallel_loop3A_2001, %parallel_loop3A_2001 : vector<16xf32>
        %parallel_loop3A_2050 = arith.addf %parallel_loop3A_2048, %parallel_loop3A_2049 : vector<16xf32>
        %parallel_loop3A_2051 = arith.mulf %parallel_loop3A_2010, %parallel_loop3A_2010 : vector<16xf32>
        %parallel_loop3A_2052 = arith.mulf %parallel_loop3A_2019, %parallel_loop3A_2019 : vector<16xf32>
        %parallel_loop3A_2053 = arith.addf %parallel_loop3A_2051, %parallel_loop3A_2052 : vector<16xf32>
        %parallel_loop3A_2054 = arith.mulf %parallel_loop3A_2028, %parallel_loop3A_2028 : vector<16xf32>
        %parallel_loop3A_2055 = arith.mulf %parallel_loop3A_2037, %parallel_loop3A_2037 : vector<16xf32>
        %parallel_loop3A_2056 = arith.addf %parallel_loop3A_2054, %parallel_loop3A_2055 : vector<16xf32>
        %parallel_loop3A_2057 = arith.addf %parallel_loop3A_2047, %parallel_loop3A_2050 : vector<16xf32>
        %parallel_loop3A_2058 = arith.addf %parallel_loop3A_2053, %parallel_loop3A_2056 : vector<16xf32>
        %parallel_loop3A_2059 = arith.addf %parallel_loop3A_2057, %parallel_loop3A_2058 : vector<16xf32>
        %parallel_loop3A_2060 = tpu.iota {dimensions = array<i32: 0>} : vector<16xi32>
        %parallel_loop3A_2061 = arith.constant 1 : i32
        %parallel_loop3A_2062 = vector.broadcast %parallel_loop3A_2061 : i32 to vector<16xi32>
        %parallel_loop3A_2063 = arith.xori %parallel_loop3A_2060, %parallel_loop3A_2062 : vector<16xi32>
        %parallel_loop3A_2064 = arith.constant 0 : i32
        %parallel_loop3A_2065 = vector.broadcast %parallel_loop3A_2064 : i32 to vector<16xi32>
        %parallel_loop3A_2066 = arith.cmpi slt, %parallel_loop3A_2063, %parallel_loop3A_2065 : vector<16xi32>
        %parallel_loop3A_2067 = arith.constant 16 : i32
        %parallel_loop3A_2068 = vector.broadcast %parallel_loop3A_2067 : i32 to vector<16xi32>
        %parallel_loop3A_2069 = arith.addi %parallel_loop3A_2063, %parallel_loop3A_2068 : vector<16xi32>
        %parallel_loop3A_2070 = arith.select %parallel_loop3A_2066, %parallel_loop3A_2069, %parallel_loop3A_2063 : vector<16xi1>, vector<16xi32>
        %parallel_loop3A_2071 = vector.shape_cast %parallel_loop3A_2070 : vector<16xi32> to vector<16x1xi32>
        %parallel_loop3A_2072 = vector.shape_cast %parallel_loop3A_2071 : vector<16x1xi32> to vector<16xi32>
        %parallel_loop3A_2073 = tpu.dynamic_gather %parallel_loop3A_2044[%parallel_loop3A_2072] in [0] : vector<16xf32>, vector<16xi32> -> vector<16xf32>
        %parallel_loop3A_2074 = arith.addf %parallel_loop3A_2044, %parallel_loop3A_2073 : vector<16xf32>
        %parallel_loop3A_2075 = arith.constant 2 : i32
        %parallel_loop3A_2076 = vector.broadcast %parallel_loop3A_2075 : i32 to vector<16xi32>
        %parallel_loop3A_2077 = arith.xori %parallel_loop3A_2060, %parallel_loop3A_2076 : vector<16xi32>
        %parallel_loop3A_2078 = arith.constant 0 : i32
        %parallel_loop3A_2079 = vector.broadcast %parallel_loop3A_2078 : i32 to vector<16xi32>
        %parallel_loop3A_2080 = arith.cmpi slt, %parallel_loop3A_2077, %parallel_loop3A_2079 : vector<16xi32>
        %parallel_loop3A_2081 = arith.constant 16 : i32
        %parallel_loop3A_2082 = vector.broadcast %parallel_loop3A_2081 : i32 to vector<16xi32>
        %parallel_loop3A_2083 = arith.addi %parallel_loop3A_2077, %parallel_loop3A_2082 : vector<16xi32>
        %parallel_loop3A_2084 = arith.select %parallel_loop3A_2080, %parallel_loop3A_2083, %parallel_loop3A_2077 : vector<16xi1>, vector<16xi32>
        %parallel_loop3A_2085 = vector.shape_cast %parallel_loop3A_2084 : vector<16xi32> to vector<16x1xi32>
        %parallel_loop3A_2086 = vector.shape_cast %parallel_loop3A_2085 : vector<16x1xi32> to vector<16xi32>
        %parallel_loop3A_2087 = tpu.dynamic_gather %parallel_loop3A_2074[%parallel_loop3A_2086] in [0] : vector<16xf32>, vector<16xi32> -> vector<16xf32>
        %parallel_loop3A_2088 = arith.addf %parallel_loop3A_2074, %parallel_loop3A_2087 : vector<16xf32>
        %parallel_loop3A_2089 = arith.constant 4 : i32
        %parallel_loop3A_2090 = vector.broadcast %parallel_loop3A_2089 : i32 to vector<16xi32>
        %parallel_loop3A_2091 = arith.xori %parallel_loop3A_2060, %parallel_loop3A_2090 : vector<16xi32>
        %parallel_loop3A_2092 = arith.constant 0 : i32
        %parallel_loop3A_2093 = vector.broadcast %parallel_loop3A_2092 : i32 to vector<16xi32>
        %parallel_loop3A_2094 = arith.cmpi slt, %parallel_loop3A_2091, %parallel_loop3A_2093 : vector<16xi32>
        %parallel_loop3A_2095 = arith.constant 16 : i32
        %parallel_loop3A_2096 = vector.broadcast %parallel_loop3A_2095 : i32 to vector<16xi32>
        %parallel_loop3A_2097 = arith.addi %parallel_loop3A_2091, %parallel_loop3A_2096 : vector<16xi32>
        %parallel_loop3A_2098 = arith.select %parallel_loop3A_2094, %parallel_loop3A_2097, %parallel_loop3A_2091 : vector<16xi1>, vector<16xi32>
        %parallel_loop3A_2099 = vector.shape_cast %parallel_loop3A_2098 : vector<16xi32> to vector<16x1xi32>
        %parallel_loop3A_2100 = vector.shape_cast %parallel_loop3A_2099 : vector<16x1xi32> to vector<16xi32>
        %parallel_loop3A_2101 = tpu.dynamic_gather %parallel_loop3A_2088[%parallel_loop3A_2100] in [0] : vector<16xf32>, vector<16xi32> -> vector<16xf32>
        %parallel_loop3A_2102 = arith.addf %parallel_loop3A_2088, %parallel_loop3A_2101 : vector<16xf32>
        %parallel_loop3A_2103 = arith.constant 8 : i32
        %parallel_loop3A_2104 = vector.broadcast %parallel_loop3A_2103 : i32 to vector<16xi32>
        %parallel_loop3A_2105 = arith.xori %parallel_loop3A_2060, %parallel_loop3A_2104 : vector<16xi32>
        %parallel_loop3A_2106 = arith.constant 0 : i32
        %parallel_loop3A_2107 = vector.broadcast %parallel_loop3A_2106 : i32 to vector<16xi32>
        %parallel_loop3A_2108 = arith.cmpi slt, %parallel_loop3A_2105, %parallel_loop3A_2107 : vector<16xi32>
        %parallel_loop3A_2109 = arith.constant 16 : i32
        %parallel_loop3A_2110 = vector.broadcast %parallel_loop3A_2109 : i32 to vector<16xi32>
        %parallel_loop3A_2111 = arith.addi %parallel_loop3A_2105, %parallel_loop3A_2110 : vector<16xi32>
        %parallel_loop3A_2112 = arith.select %parallel_loop3A_2108, %parallel_loop3A_2111, %parallel_loop3A_2105 : vector<16xi1>, vector<16xi32>
        %parallel_loop3A_2113 = vector.shape_cast %parallel_loop3A_2112 : vector<16xi32> to vector<16x1xi32>
        %parallel_loop3A_2114 = vector.shape_cast %parallel_loop3A_2113 : vector<16x1xi32> to vector<16xi32>
        %parallel_loop3A_2115 = tpu.dynamic_gather %parallel_loop3A_2102[%parallel_loop3A_2114] in [0] : vector<16xf32>, vector<16xi32> -> vector<16xf32>
        %parallel_loop3A_2116 = arith.addf %parallel_loop3A_2102, %parallel_loop3A_2115 : vector<16xf32>
        %parallel_loop3A_2117 = arith.constant 7.812500e-03 : f32
        %parallel_loop3A_2118 = vector.broadcast %parallel_loop3A_2117 : f32 to vector<16xf32>
        %parallel_loop3A_2119 = arith.mulf %parallel_loop3A_2116, %parallel_loop3A_2118 : vector<16xf32>
        %parallel_loop3A_2120 = tpu.iota {dimensions = array<i32: 0>} : vector<16xi32>
        %parallel_loop3A_2121 = arith.constant 1 : i32
        %parallel_loop3A_2122 = vector.broadcast %parallel_loop3A_2121 : i32 to vector<16xi32>
        %parallel_loop3A_2123 = arith.xori %parallel_loop3A_2120, %parallel_loop3A_2122 : vector<16xi32>
        %parallel_loop3A_2124 = arith.constant 0 : i32
        %parallel_loop3A_2125 = vector.broadcast %parallel_loop3A_2124 : i32 to vector<16xi32>
        %parallel_loop3A_2126 = arith.cmpi slt, %parallel_loop3A_2123, %parallel_loop3A_2125 : vector<16xi32>
        %parallel_loop3A_2127 = arith.constant 16 : i32
        %parallel_loop3A_2128 = vector.broadcast %parallel_loop3A_2127 : i32 to vector<16xi32>
        %parallel_loop3A_2129 = arith.addi %parallel_loop3A_2123, %parallel_loop3A_2128 : vector<16xi32>
        %parallel_loop3A_2130 = arith.select %parallel_loop3A_2126, %parallel_loop3A_2129, %parallel_loop3A_2123 : vector<16xi1>, vector<16xi32>
        %parallel_loop3A_2131 = vector.shape_cast %parallel_loop3A_2130 : vector<16xi32> to vector<16x1xi32>
        %parallel_loop3A_2132 = vector.shape_cast %parallel_loop3A_2131 : vector<16x1xi32> to vector<16xi32>
        %parallel_loop3A_2133 = tpu.dynamic_gather %parallel_loop3A_2059[%parallel_loop3A_2132] in [0] : vector<16xf32>, vector<16xi32> -> vector<16xf32>
        %parallel_loop3A_2134 = arith.addf %parallel_loop3A_2059, %parallel_loop3A_2133 : vector<16xf32>
        %parallel_loop3A_2135 = arith.constant 2 : i32
        %parallel_loop3A_2136 = vector.broadcast %parallel_loop3A_2135 : i32 to vector<16xi32>
        %parallel_loop3A_2137 = arith.xori %parallel_loop3A_2120, %parallel_loop3A_2136 : vector<16xi32>
        %parallel_loop3A_2138 = arith.constant 0 : i32
        %parallel_loop3A_2139 = vector.broadcast %parallel_loop3A_2138 : i32 to vector<16xi32>
        %parallel_loop3A_2140 = arith.cmpi slt, %parallel_loop3A_2137, %parallel_loop3A_2139 : vector<16xi32>
        %parallel_loop3A_2141 = arith.constant 16 : i32
        %parallel_loop3A_2142 = vector.broadcast %parallel_loop3A_2141 : i32 to vector<16xi32>
        %parallel_loop3A_2143 = arith.addi %parallel_loop3A_2137, %parallel_loop3A_2142 : vector<16xi32>
        %parallel_loop3A_2144 = arith.select %parallel_loop3A_2140, %parallel_loop3A_2143, %parallel_loop3A_2137 : vector<16xi1>, vector<16xi32>
        %parallel_loop3A_2145 = vector.shape_cast %parallel_loop3A_2144 : vector<16xi32> to vector<16x1xi32>
        %parallel_loop3A_2146 = vector.shape_cast %parallel_loop3A_2145 : vector<16x1xi32> to vector<16xi32>
        %parallel_loop3A_2147 = tpu.dynamic_gather %parallel_loop3A_2134[%parallel_loop3A_2146] in [0] : vector<16xf32>, vector<16xi32> -> vector<16xf32>
        %parallel_loop3A_2148 = arith.addf %parallel_loop3A_2134, %parallel_loop3A_2147 : vector<16xf32>
        %parallel_loop3A_2149 = arith.constant 4 : i32
        %parallel_loop3A_2150 = vector.broadcast %parallel_loop3A_2149 : i32 to vector<16xi32>
        %parallel_loop3A_2151 = arith.xori %parallel_loop3A_2120, %parallel_loop3A_2150 : vector<16xi32>
        %parallel_loop3A_2152 = arith.constant 0 : i32
        %parallel_loop3A_2153 = vector.broadcast %parallel_loop3A_2152 : i32 to vector<16xi32>
        %parallel_loop3A_2154 = arith.cmpi slt, %parallel_loop3A_2151, %parallel_loop3A_2153 : vector<16xi32>
        %parallel_loop3A_2155 = arith.constant 16 : i32
        %parallel_loop3A_2156 = vector.broadcast %parallel_loop3A_2155 : i32 to vector<16xi32>
        %parallel_loop3A_2157 = arith.addi %parallel_loop3A_2151, %parallel_loop3A_2156 : vector<16xi32>
        %parallel_loop3A_2158 = arith.select %parallel_loop3A_2154, %parallel_loop3A_2157, %parallel_loop3A_2151 : vector<16xi1>, vector<16xi32>
        %parallel_loop3A_2159 = vector.shape_cast %parallel_loop3A_2158 : vector<16xi32> to vector<16x1xi32>
        %parallel_loop3A_2160 = vector.shape_cast %parallel_loop3A_2159 : vector<16x1xi32> to vector<16xi32>
        %parallel_loop3A_2161 = tpu.dynamic_gather %parallel_loop3A_2148[%parallel_loop3A_2160] in [0] : vector<16xf32>, vector<16xi32> -> vector<16xf32>
        %parallel_loop3A_2162 = arith.addf %parallel_loop3A_2148, %parallel_loop3A_2161 : vector<16xf32>
        %parallel_loop3A_2163 = arith.constant 8 : i32
        %parallel_loop3A_2164 = vector.broadcast %parallel_loop3A_2163 : i32 to vector<16xi32>
        %parallel_loop3A_2165 = arith.xori %parallel_loop3A_2120, %parallel_loop3A_2164 : vector<16xi32>
        %parallel_loop3A_2166 = arith.constant 0 : i32
        %parallel_loop3A_2167 = vector.broadcast %parallel_loop3A_2166 : i32 to vector<16xi32>
        %parallel_loop3A_2168 = arith.cmpi slt, %parallel_loop3A_2165, %parallel_loop3A_2167 : vector<16xi32>
        %parallel_loop3A_2169 = arith.constant 16 : i32
        %parallel_loop3A_2170 = vector.broadcast %parallel_loop3A_2169 : i32 to vector<16xi32>
        %parallel_loop3A_2171 = arith.addi %parallel_loop3A_2165, %parallel_loop3A_2170 : vector<16xi32>
        %parallel_loop3A_2172 = arith.select %parallel_loop3A_2168, %parallel_loop3A_2171, %parallel_loop3A_2165 : vector<16xi1>, vector<16xi32>
        %parallel_loop3A_2173 = vector.shape_cast %parallel_loop3A_2172 : vector<16xi32> to vector<16x1xi32>
        %parallel_loop3A_2174 = vector.shape_cast %parallel_loop3A_2173 : vector<16x1xi32> to vector<16xi32>
        %parallel_loop3A_2175 = tpu.dynamic_gather %parallel_loop3A_2162[%parallel_loop3A_2174] in [0] : vector<16xf32>, vector<16xi32> -> vector<16xf32>
        %parallel_loop3A_2176 = arith.addf %parallel_loop3A_2162, %parallel_loop3A_2175 : vector<16xf32>
        %parallel_loop3A_2177 = arith.constant 7.812500e-03 : f32
        %parallel_loop3A_2178 = vector.broadcast %parallel_loop3A_2177 : f32 to vector<16xf32>
        %parallel_loop3A_2179 = arith.mulf %parallel_loop3A_2176, %parallel_loop3A_2178 : vector<16xf32>
        %parallel_loop3A_2180 = arith.mulf %parallel_loop3A_2119, %parallel_loop3A_2119 : vector<16xf32>
        %parallel_loop3A_2181 = arith.subf %parallel_loop3A_2179, %parallel_loop3A_2180 : vector<16xf32>
        %parallel_loop3A_2182 = arith.constant 9.99999997E-7 : f32
        %parallel_loop3A_2183 = vector.broadcast %parallel_loop3A_2182 : f32 to vector<16xf32>
        %parallel_loop3A_2184 = arith.addf %parallel_loop3A_2181, %parallel_loop3A_2183 : vector<16xf32>
        %parallel_loop3A_2185 = tpu.bitcast %parallel_loop3A_2184 : vector<16xf32> -> vector<16xi32>
        %parallel_loop3A_2186 = arith.constant 1 : i32
        %parallel_loop3A_2187 = vector.broadcast %parallel_loop3A_2186 : i32 to vector<16xi32>
        %parallel_loop3A_2188 = arith.shrsi %parallel_loop3A_2185, %parallel_loop3A_2187 : vector<16xi32>
        %parallel_loop3A_2189 = arith.constant 1597463007 : i32
        %parallel_loop3A_2190 = vector.broadcast %parallel_loop3A_2189 : i32 to vector<16xi32>
        %parallel_loop3A_2191 = arith.subi %parallel_loop3A_2190, %parallel_loop3A_2188 : vector<16xi32>
        %parallel_loop3A_2192 = tpu.bitcast %parallel_loop3A_2191 : vector<16xi32> -> vector<16xf32>
        %parallel_loop3A_2193 = arith.constant 5.000000e-01 : f32
        %parallel_loop3A_2194 = vector.broadcast %parallel_loop3A_2193 : f32 to vector<16xf32>
        %parallel_loop3A_2195 = arith.mulf %parallel_loop3A_2194, %parallel_loop3A_2184 : vector<16xf32>
        %parallel_loop3A_2196 = arith.mulf %parallel_loop3A_2195, %parallel_loop3A_2192 : vector<16xf32>
        %parallel_loop3A_2197 = arith.mulf %parallel_loop3A_2196, %parallel_loop3A_2192 : vector<16xf32>
        %parallel_loop3A_2198 = arith.constant 1.500000e+00 : f32
        %parallel_loop3A_2199 = vector.broadcast %parallel_loop3A_2198 : f32 to vector<16xf32>
        %parallel_loop3A_2200 = arith.subf %parallel_loop3A_2199, %parallel_loop3A_2197 : vector<16xf32>
        %parallel_loop3A_2201 = arith.mulf %parallel_loop3A_2192, %parallel_loop3A_2200 : vector<16xf32>
        %parallel_loop3A_2202 = arith.mulf %parallel_loop3A_2195, %parallel_loop3A_2201 : vector<16xf32>
        %parallel_loop3A_2203 = arith.mulf %parallel_loop3A_2202, %parallel_loop3A_2201 : vector<16xf32>
        %parallel_loop3A_2204 = arith.constant 1.500000e+00 : f32
        %parallel_loop3A_2205 = vector.broadcast %parallel_loop3A_2204 : f32 to vector<16xf32>
        %parallel_loop3A_2206 = arith.subf %parallel_loop3A_2205, %parallel_loop3A_2203 : vector<16xf32>
        %parallel_loop3A_2207 = arith.mulf %parallel_loop3A_2201, %parallel_loop3A_2206 : vector<16xf32>
        %parallel_loop3A_2208 = arith.subf %parallel_loop3A_1974, %parallel_loop3A_2119 : vector<16xf32>
        %parallel_loop3A_2209 = arith.mulf %parallel_loop3A_2208, %parallel_loop3A_2207 : vector<16xf32>
        %parallel_loop3A_2210 = arith.mulf %parallel_loop3A_2209, %parallel_loop3A_1942 : vector<16xf32>
        %parallel_loop3A_2211 = arith.addf %parallel_loop3A_2210, %parallel_loop3A_1950 : vector<16xf32>
        %parallel_loop3A_2212 = arith.index_cast %parallel_loop3A_1941 : i32 to index
        %parallel_loop3A_2213 = arith.constant 0 : index
        %parallel_loop3A_2214 = tpu.vector_load %arg11[%parallel_loop3A_2212, %parallel_loop3A_2213] {strides = array<i32>} : memref<128x128xf32, #tpu.memory_space<vmem>>, vector<1x16xf32>,
        %parallel_loop3A_2215 = vector.shape_cast %parallel_loop3A_2214 : vector<1x16xf32> to vector<16xf32>
        %parallel_loop3A_2216 = vector.shape_cast %parallel_loop3A_2211 : vector<16xf32> to vector<1x16xf32>
        tpu.vector_store %arg11[%parallel_loop3A_2212, %parallel_loop3A_2213], %parallel_loop3A_2216 {strides = array<i32>} : memref<128x128xf32, #tpu.memory_space<vmem>>, vector<1x16xf32>,
        %parallel_loop3A_2217 = arith.subf %parallel_loop3A_1983, %parallel_loop3A_2119 : vector<16xf32>
        %parallel_loop3A_2218 = arith.mulf %parallel_loop3A_2217, %parallel_loop3A_2207 : vector<16xf32>
        %parallel_loop3A_2219 = arith.mulf %parallel_loop3A_2218, %parallel_loop3A_1943 : vector<16xf32>
        %parallel_loop3A_2220 = arith.addf %parallel_loop3A_2219, %parallel_loop3A_1951 : vector<16xf32>
        %parallel_loop3A_2221 = arith.index_cast %parallel_loop3A_1941 : i32 to index
        %parallel_loop3A_2222 = arith.constant 16 : index
        %parallel_loop3A_2223 = tpu.vector_load %arg11[%parallel_loop3A_2221, %parallel_loop3A_2222] {strides = array<i32>} : memref<128x128xf32, #tpu.memory_space<vmem>>, vector<1x16xf32>,
        %parallel_loop3A_2224 = vector.shape_cast %parallel_loop3A_2223 : vector<1x16xf32> to vector<16xf32>
        %parallel_loop3A_2225 = vector.shape_cast %parallel_loop3A_2220 : vector<16xf32> to vector<1x16xf32>
        tpu.vector_store %arg11[%parallel_loop3A_2221, %parallel_loop3A_2222], %parallel_loop3A_2225 {strides = array<i32>} : memref<128x128xf32, #tpu.memory_space<vmem>>, vector<1x16xf32>,
        %parallel_loop3A_2226 = arith.subf %parallel_loop3A_1992, %parallel_loop3A_2119 : vector<16xf32>
        %parallel_loop3A_2227 = arith.mulf %parallel_loop3A_2226, %parallel_loop3A_2207 : vector<16xf32>
        %parallel_loop3A_2228 = arith.mulf %parallel_loop3A_2227, %parallel_loop3A_1944 : vector<16xf32>
        %parallel_loop3A_2229 = arith.addf %parallel_loop3A_2228, %parallel_loop3A_1952 : vector<16xf32>
        %parallel_loop3A_2230 = arith.index_cast %parallel_loop3A_1941 : i32 to index
        %parallel_loop3A_2231 = arith.constant 32 : index
        %parallel_loop3A_2232 = tpu.vector_load %arg11[%parallel_loop3A_2230, %parallel_loop3A_2231] {strides = array<i32>} : memref<128x128xf32, #tpu.memory_space<vmem>>, vector<1x16xf32>,
        %parallel_loop3A_2233 = vector.shape_cast %parallel_loop3A_2232 : vector<1x16xf32> to vector<16xf32>
        %parallel_loop3A_2234 = vector.shape_cast %parallel_loop3A_2229 : vector<16xf32> to vector<1x16xf32>
        tpu.vector_store %arg11[%parallel_loop3A_2230, %parallel_loop3A_2231], %parallel_loop3A_2234 {strides = array<i32>} : memref<128x128xf32, #tpu.memory_space<vmem>>, vector<1x16xf32>,
        %parallel_loop3A_2235 = arith.subf %parallel_loop3A_2001, %parallel_loop3A_2119 : vector<16xf32>
        %parallel_loop3A_2236 = arith.mulf %parallel_loop3A_2235, %parallel_loop3A_2207 : vector<16xf32>
        %parallel_loop3A_2237 = arith.mulf %parallel_loop3A_2236, %parallel_loop3A_1945 : vector<16xf32>
        %parallel_loop3A_2238 = arith.addf %parallel_loop3A_2237, %parallel_loop3A_1953 : vector<16xf32>
        %parallel_loop3A_2239 = arith.index_cast %parallel_loop3A_1941 : i32 to index
        %parallel_loop3A_2240 = arith.constant 48 : index
        %parallel_loop3A_2241 = tpu.vector_load %arg11[%parallel_loop3A_2239, %parallel_loop3A_2240] {strides = array<i32>} : memref<128x128xf32, #tpu.memory_space<vmem>>, vector<1x16xf32>,
        %parallel_loop3A_2242 = vector.shape_cast %parallel_loop3A_2241 : vector<1x16xf32> to vector<16xf32>
        %parallel_loop3A_2243 = vector.shape_cast %parallel_loop3A_2238 : vector<16xf32> to vector<1x16xf32>
        tpu.vector_store %arg11[%parallel_loop3A_2239, %parallel_loop3A_2240], %parallel_loop3A_2243 {strides = array<i32>} : memref<128x128xf32, #tpu.memory_space<vmem>>, vector<1x16xf32>,
        %parallel_loop3A_2244 = arith.subf %parallel_loop3A_2010, %parallel_loop3A_2119 : vector<16xf32>
        %parallel_loop3A_2245 = arith.mulf %parallel_loop3A_2244, %parallel_loop3A_2207 : vector<16xf32>
        %parallel_loop3A_2246 = arith.mulf %parallel_loop3A_2245, %parallel_loop3A_1946 : vector<16xf32>
        %parallel_loop3A_2247 = arith.addf %parallel_loop3A_2246, %parallel_loop3A_1954 : vector<16xf32>
        %parallel_loop3A_2248 = arith.index_cast %parallel_loop3A_1941 : i32 to index
        %parallel_loop3A_2249 = arith.constant 64 : index
        %parallel_loop3A_2250 = tpu.vector_load %arg11[%parallel_loop3A_2248, %parallel_loop3A_2249] {strides = array<i32>} : memref<128x128xf32, #tpu.memory_space<vmem>>, vector<1x16xf32>,
        %parallel_loop3A_2251 = vector.shape_cast %parallel_loop3A_2250 : vector<1x16xf32> to vector<16xf32>
        %parallel_loop3A_2252 = vector.shape_cast %parallel_loop3A_2247 : vector<16xf32> to vector<1x16xf32>
        tpu.vector_store %arg11[%parallel_loop3A_2248, %parallel_loop3A_2249], %parallel_loop3A_2252 {strides = array<i32>} : memref<128x128xf32, #tpu.memory_space<vmem>>, vector<1x16xf32>,
        %parallel_loop3A_2253 = arith.subf %parallel_loop3A_2019, %parallel_loop3A_2119 : vector<16xf32>
        %parallel_loop3A_2254 = arith.mulf %parallel_loop3A_2253, %parallel_loop3A_2207 : vector<16xf32>
        %parallel_loop3A_2255 = arith.mulf %parallel_loop3A_2254, %parallel_loop3A_1947 : vector<16xf32>
        %parallel_loop3A_2256 = arith.addf %parallel_loop3A_2255, %parallel_loop3A_1955 : vector<16xf32>
        %parallel_loop3A_2257 = arith.index_cast %parallel_loop3A_1941 : i32 to index
        %parallel_loop3A_2258 = arith.constant 80 : index
        %parallel_loop3A_2259 = tpu.vector_load %arg11[%parallel_loop3A_2257, %parallel_loop3A_2258] {strides = array<i32>} : memref<128x128xf32, #tpu.memory_space<vmem>>, vector<1x16xf32>,
        %parallel_loop3A_2260 = vector.shape_cast %parallel_loop3A_2259 : vector<1x16xf32> to vector<16xf32>
        %parallel_loop3A_2261 = vector.shape_cast %parallel_loop3A_2256 : vector<16xf32> to vector<1x16xf32>
        tpu.vector_store %arg11[%parallel_loop3A_2257, %parallel_loop3A_2258], %parallel_loop3A_2261 {strides = array<i32>} : memref<128x128xf32, #tpu.memory_space<vmem>>, vector<1x16xf32>,
        %parallel_loop3A_2262 = arith.subf %parallel_loop3A_2028, %parallel_loop3A_2119 : vector<16xf32>
        %parallel_loop3A_2263 = arith.mulf %parallel_loop3A_2262, %parallel_loop3A_2207 : vector<16xf32>
        %parallel_loop3A_2264 = arith.mulf %parallel_loop3A_2263, %parallel_loop3A_1948 : vector<16xf32>
        %parallel_loop3A_2265 = arith.addf %parallel_loop3A_2264, %parallel_loop3A_1956 : vector<16xf32>
        %parallel_loop3A_2266 = arith.index_cast %parallel_loop3A_1941 : i32 to index
        %parallel_loop3A_2267 = arith.constant 96 : index
        %parallel_loop3A_2268 = tpu.vector_load %arg11[%parallel_loop3A_2266, %parallel_loop3A_2267] {strides = array<i32>} : memref<128x128xf32, #tpu.memory_space<vmem>>, vector<1x16xf32>,
        %parallel_loop3A_2269 = vector.shape_cast %parallel_loop3A_2268 : vector<1x16xf32> to vector<16xf32>
        %parallel_loop3A_2270 = vector.shape_cast %parallel_loop3A_2265 : vector<16xf32> to vector<1x16xf32>
        tpu.vector_store %arg11[%parallel_loop3A_2266, %parallel_loop3A_2267], %parallel_loop3A_2270 {strides = array<i32>} : memref<128x128xf32, #tpu.memory_space<vmem>>, vector<1x16xf32>,
        %parallel_loop3A_2271 = arith.subf %parallel_loop3A_2037, %parallel_loop3A_2119 : vector<16xf32>
        %parallel_loop3A_2272 = arith.mulf %parallel_loop3A_2271, %parallel_loop3A_2207 : vector<16xf32>
        %parallel_loop3A_2273 = arith.mulf %parallel_loop3A_2272, %parallel_loop3A_1949 : vector<16xf32>
        %parallel_loop3A_2274 = arith.addf %parallel_loop3A_2273, %parallel_loop3A_1957 : vector<16xf32>
        %parallel_loop3A_2275 = arith.index_cast %parallel_loop3A_1941 : i32 to index
        %parallel_loop3A_2276 = arith.constant 112 : index
        %parallel_loop3A_2277 = tpu.vector_load %arg11[%parallel_loop3A_2275, %parallel_loop3A_2276] {strides = array<i32>} : memref<128x128xf32, #tpu.memory_space<vmem>>, vector<1x16xf32>,
        %parallel_loop3A_2278 = vector.shape_cast %parallel_loop3A_2277 : vector<1x16xf32> to vector<16xf32>
        %parallel_loop3A_2279 = vector.shape_cast %parallel_loop3A_2274 : vector<16xf32> to vector<1x16xf32>
        tpu.vector_store %arg11[%parallel_loop3A_2275, %parallel_loop3A_2276], %parallel_loop3A_2279 {strides = array<i32>} : memref<128x128xf32, #tpu.memory_space<vmem>>, vector<1x16xf32>,
        scf.yield %parallel_loop3A_1942, %parallel_loop3A_1943, %parallel_loop3A_1944, %parallel_loop3A_1945, %parallel_loop3A_1946, %parallel_loop3A_1947, %parallel_loop3A_1948, %parallel_loop3A_1949, %parallel_loop3A_1950, %parallel_loop3A_1951, %parallel_loop3A_1952, %parallel_loop3A_1953, %parallel_loop3A_1954, %parallel_loop3A_1955, %parallel_loop3A_1956, %parallel_loop3A_1957 : vector<16xf32>, vector<16xf32>, vector<16xf32>, vector<16xf32>, vector<16xf32>, vector<16xf32>, vector<16xf32>, vector<16xf32>, vector<16xf32>, vector<16xf32>, vector<16xf32>, vector<16xf32>, vector<16xf32>, vector<16xf32>, vector<16xf32>, vector<16xf32>
      } {sc.loop_unroll_factor = 4 : i64, sc.parallel_access}
      %mul3A_1057 = arith.constant 6400 : i32
      %mul3A_1058 = arith.muli %add3A, %mul3A_1057 : i32
      %mul3A_1059 = arith.constant 128 : i32
      %mul3A_1060 = arith.muli %add3A_215, %mul3A_1059 : i32
      %add3A_1061 = arith.addi %mul3A_1058, %mul3A_1060 : i32
      %multiple_of3A_1062 = tpu.assume_multiple %add3A_1061, 128 : i32
      %dma_start3A_1063 = arith.constant 0 : i32
      %dma_start3A_1064 = tpu.memref_slice %arg7[%multiple_of3A_1062, %dma_start3A_1063] : memref<204800x128xf32, #tpu.memory_space<hbm>> -> memref<128x128xf32, #tpu.memory_space<hbm>>
      %dma_start3A_1065 = arith.constant 0 : i32
      %dma_start3A_1066 = tpu.memref_slice %arg7[%multiple_of3A_1062, %dma_start3A_1065] : memref<204800x128xf32, #tpu.memory_space<hbm>> -> memref<128x128xf32, #tpu.memory_space<hbm>>
      tpu.enqueue_dma source(%arg11 : memref<128x128xf32, #tpu.memory_space<vmem>>) target(%dma_start3A_1066 : memref<128x128xf32, #tpu.memory_space<hbm>>) target_semaphore(%arg19 : memref<!tpu.dma_semaphore, #tpu.memory_space<semaphore_mem>>)
      %add3A_1067 = arith.constant 2 : i32
      %add3A_1068 = arith.addi %add3A_215, %add3A_1067 : i32
      %lt3A = arith.constant 50 : i32
      %lt3A_1069 = arith.cmpi slt, %add3A_1068, %lt3A : i32
      %convert_element_type3A_1070 = arith.extui %lt3A_1069 : i1 to i32
      %cond3A_1071 = arith.constant 0 : i32
      %cond3A_1072 = arith.cmpi ne, %convert_element_type3A_1070, %cond3A_1071 : i32
      scf.if %cond3A_1072 {
        %add3A_1941 = arith.constant 2 : i32
        %add3A_1942 = arith.addi %add3A_215, %add3A_1941 : i32
        %dma_start3A_1943 = arith.constant 0 : i32
        %dma_start3A_1944 = tpu.memref_slice %arg8[%add3A_1942, %dma_start3A_1943] : memref<50x128xi32, #tpu.memory_space<vmem>> -> memref<1x128xi32, #tpu.memory_space<vmem>>
        %dma_start3A_1945 = tpu.memref_squeeze %dma_start3A_1944 : memref<1x128xi32, #tpu.memory_space<vmem>> -> memref<128xi32, #tpu.memory_space<vmem>>
        %dma_start3A_1946 = arith.constant 0 : i32
        %dma_start3A_1947 = arith.constant 0 : i32
        %dma_start3A_1948 = tpu.memref_slice %arg4[%dma_start3A_1946, %dma_start3A_1947] : memref<100000x128xf32, #tpu.memory_space<hbm>> -> memref<100000x128xf32, #tpu.memory_space<hbm>>
        tpu.enqueue_indirect_dma source(%dma_start3A_1948 : memref<100000x128xf32, #tpu.memory_space<hbm>>) target(%arg9 : memref<128x128xf32, #tpu.memory_space<vmem>>) offsets(%dma_start3A_1945 : memref<128xi32, #tpu.memory_space<vmem>>) semaphore(%arg17 : memref<!tpu.dma_semaphore, #tpu.memory_space<semaphore_mem>>)
        %add3A_1949 = arith.constant 2 : i32
        %add3A_1950 = arith.addi %add3A_215, %add3A_1949 : i32
        %dma_start3A_1951 = arith.constant 0 : i32
        %dma_start3A_1952 = arith.constant 0 : i32
        %dma_start3A_1953 = tpu.memref_slice %arg15[%dma_start3A_1951, %dma_start3A_1952] : memref<2x128xi32, #tpu.memory_space<vmem>> -> memref<1x128xi32, #tpu.memory_space<vmem>>
        %dma_start3A_1954 = tpu.memref_squeeze %dma_start3A_1953 : memref<1x128xi32, #tpu.memory_space<vmem>> -> memref<128xi32, #tpu.memory_space<vmem>>
        %dma_start3A_1955 = arith.constant 0 : i32
        %dma_start3A_1956 = arith.constant 0 : i32
        %dma_start3A_1957 = tpu.memref_slice %arg3[%add3A, %dma_start3A_1955, %dma_start3A_1956] : memref<32x50x128xi32, #tpu.memory_space<hbm>> -> memref<1x50x128xi32, #tpu.memory_space<hbm>>
        %dma_start3A_1958 = tpu.memref_squeeze %dma_start3A_1957 : memref<1x50x128xi32, #tpu.memory_space<hbm>> -> memref<50x128xi32, #tpu.memory_space<hbm>>
        %dma_start3A_1959 = arith.constant 0 : i32
        %dma_start3A_1960 = tpu.memref_slice %dma_start3A_1958[%add3A_1950, %dma_start3A_1959] : memref<50x128xi32, #tpu.memory_space<hbm>> -> memref<1x128xi32, #tpu.memory_space<hbm>>
        %dma_start3A_1961 = tpu.memref_squeeze %dma_start3A_1960 : memref<1x128xi32, #tpu.memory_space<hbm>> -> memref<128xi32, #tpu.memory_space<hbm>>
        %dma_start3A_1962 = arith.constant 0 : i32
        %dma_start3A_1963 = tpu.memref_slice %arg15[%dma_start3A_1951, %dma_start3A_1962] : memref<2x128xi32, #tpu.memory_space<vmem>> -> memref<1x128xi32, #tpu.memory_space<vmem>>
        %dma_start3A_1964 = tpu.memref_squeeze %dma_start3A_1963 : memref<1x128xi32, #tpu.memory_space<vmem>> -> memref<128xi32, #tpu.memory_space<vmem>>
        %dma_start3A_1965 = arith.constant 0 : i32
        %dma_start3A_1966 = arith.constant 0 : i32
        %dma_start3A_1967 = tpu.memref_slice %arg3[%add3A, %dma_start3A_1965, %dma_start3A_1966] : memref<32x50x128xi32, #tpu.memory_space<hbm>> -> memref<1x50x128xi32, #tpu.memory_space<hbm>>
        %dma_start3A_1968 = tpu.memref_squeeze %dma_start3A_1967 : memref<1x50x128xi32, #tpu.memory_space<hbm>> -> memref<50x128xi32, #tpu.memory_space<hbm>>
        %dma_start3A_1969 = arith.constant 0 : i32
        %dma_start3A_1970 = tpu.memref_slice %dma_start3A_1968[%add3A_1950, %dma_start3A_1969] : memref<50x128xi32, #tpu.memory_space<hbm>> -> memref<1x128xi32, #tpu.memory_space<hbm>>
        %dma_start3A_1971 = tpu.memref_squeeze %dma_start3A_1970 : memref<1x128xi32, #tpu.memory_space<hbm>> -> memref<128xi32, #tpu.memory_space<hbm>>
        tpu.enqueue_dma source(%dma_start3A_1971 : memref<128xi32, #tpu.memory_space<hbm>>) target(%dma_start3A_1964 : memref<128xi32, #tpu.memory_space<vmem>>) target_semaphore(%arg21 : memref<!tpu.dma_semaphore, #tpu.memory_space<semaphore_mem>>)
      } else {
      }
      %mul3A_1073 = arith.constant 2 : i32
      %mul3A_1074 = arith.muli %scan3A_211, %mul3A_1073 : i32
      %add3A_1075 = arith.constant 1 : i32
      %add3A_1076 = arith.addi %mul3A_1074, %add3A_1075 : i32
      %dma_wait3A_1077 = arith.constant 0 : i32
      %dma_wait3A_1078 = tpu.memref_slice %arg8[%add3A_1076, %dma_wait3A_1077] : memref<50x128xi32, #tpu.memory_space<vmem>> -> memref<1x128xi32, #tpu.memory_space<vmem>>
      %dma_wait3A_1079 = tpu.memref_squeeze %dma_wait3A_1078 : memref<1x128xi32, #tpu.memory_space<vmem>> -> memref<128xi32, #tpu.memory_space<vmem>>
      %dma_wait3A_1080 = arith.constant 0 : i32
      %dma_wait3A_1081 = arith.constant 0 : i32
      %dma_wait3A_1082 = tpu.memref_slice %arg4[%dma_wait3A_1080, %dma_wait3A_1081] : memref<100000x128xf32, #tpu.memory_space<hbm>> -> memref<100000x128xf32, #tpu.memory_space<hbm>>
      tpu.wait_indirect_dma semaphore(%arg18 : memref<!tpu.dma_semaphore, #tpu.memory_space<semaphore_mem>>) src(%dma_wait3A_1082 : memref<100000x128xf32, #tpu.memory_space<hbm>>) dst(%arg10 : memref<128x128xf32, #tpu.memory_space<vmem>>)
      %dma_wait3A_1083 = arith.constant 1 : i32
      %dma_wait3A_1084 = arith.constant 0 : i32
      %dma_wait3A_1085 = tpu.memref_slice %arg15[%dma_wait3A_1083, %dma_wait3A_1084] : memref<2x128xi32, #tpu.memory_space<vmem>> -> memref<1x128xi32, #tpu.memory_space<vmem>>
      %dma_wait3A_1086 = tpu.memref_squeeze %dma_wait3A_1085 : memref<1x128xi32, #tpu.memory_space<vmem>> -> memref<128xi32, #tpu.memory_space<vmem>>
      %dma_wait3A_1087 = arith.constant 0 : i32
      %dma_wait3A_1088 = arith.constant 0 : i32
      %dma_wait3A_1089 = tpu.memref_slice %arg3[%add3A, %dma_wait3A_1087, %dma_wait3A_1088] : memref<32x50x128xi32, #tpu.memory_space<hbm>> -> memref<1x50x128xi32, #tpu.memory_space<hbm>>
      %dma_wait3A_1090 = tpu.memref_squeeze %dma_wait3A_1089 : memref<1x50x128xi32, #tpu.memory_space<hbm>> -> memref<50x128xi32, #tpu.memory_space<hbm>>
      %dma_wait3A_1091 = arith.constant 0 : i32
      %dma_wait3A_1092 = tpu.memref_slice %dma_wait3A_1090[%add3A_1076, %dma_wait3A_1091] : memref<50x128xi32, #tpu.memory_space<hbm>> -> memref<1x128xi32, #tpu.memory_space<hbm>>
      %dma_wait3A_1093 = tpu.memref_squeeze %dma_wait3A_1092 : memref<1x128xi32, #tpu.memory_space<hbm>> -> memref<128xi32, #tpu.memory_space<hbm>>
      %dma_wait3A_1094 = arith.constant 0 : i32
      %dma_wait3A_1095 = tpu.memref_slice %arg15[%dma_wait3A_1083, %dma_wait3A_1094] : memref<2x128xi32, #tpu.memory_space<vmem>> -> memref<1x128xi32, #tpu.memory_space<vmem>>
      %dma_wait3A_1096 = tpu.memref_squeeze %dma_wait3A_1095 : memref<1x128xi32, #tpu.memory_space<vmem>> -> memref<128xi32, #tpu.memory_space<vmem>>
      %dma_wait3A_1097 = arith.constant 0 : i32
      %dma_wait3A_1098 = arith.constant 0 : i32
      %dma_wait3A_1099 = tpu.memref_slice %arg3[%add3A, %dma_wait3A_1097, %dma_wait3A_1098] : memref<32x50x128xi32, #tpu.memory_space<hbm>> -> memref<1x50x128xi32, #tpu.memory_space<hbm>>
      %dma_wait3A_1100 = tpu.memref_squeeze %dma_wait3A_1099 : memref<1x50x128xi32, #tpu.memory_space<hbm>> -> memref<50x128xi32, #tpu.memory_space<hbm>>
      %dma_wait3A_1101 = arith.constant 0 : i32
      %dma_wait3A_1102 = tpu.memref_slice %dma_wait3A_1100[%add3A_1076, %dma_wait3A_1101] : memref<50x128xi32, #tpu.memory_space<hbm>> -> memref<1x128xi32, #tpu.memory_space<hbm>>
      %dma_wait3A_1103 = tpu.memref_squeeze %dma_wait3A_1102 : memref<1x128xi32, #tpu.memory_space<hbm>> -> memref<128xi32, #tpu.memory_space<hbm>>
      tpu.wait_dma2 semaphore(%arg22 : memref<!tpu.dma_semaphore, #tpu.memory_space<semaphore_mem>>) src(%dma_wait3A_1103 : memref<128xi32, #tpu.memory_space<hbm>>) dst(%dma_wait3A_1096 : memref<128xi32, #tpu.memory_space<vmem>>)
      %ge3A_1104 = arith.constant 2 : i32
      %ge3A_1105 = arith.cmpi sge, %add3A_1076, %ge3A_1104 : i32
      %convert_element_type3A_1106 = arith.extui %ge3A_1105 : i1 to i32
      %cond3A_1107 = arith.constant 0 : i32
      %cond3A_1108 = arith.cmpi ne, %convert_element_type3A_1106, %cond3A_1107 : i32
      scf.if %cond3A_1108 {
        %sub3A = arith.constant 2 : i32
        %sub3A_1941 = arith.subi %add3A_1076, %sub3A : i32
        %mul3A_1942 = arith.constant 6400 : i32
        %mul3A_1943 = arith.muli %add3A, %mul3A_1942 : i32
        %mul3A_1944 = arith.constant 128 : i32
        %mul3A_1945 = arith.muli %sub3A_1941, %mul3A_1944 : i32
        %add3A_1946 = arith.addi %mul3A_1943, %mul3A_1945 : i32
        %multiple_of3A_1947 = tpu.assume_multiple %add3A_1946, 128 : i32
        %dma_wait3A_1948 = arith.constant 0 : i32
        %dma_wait3A_1949 = tpu.memref_slice %arg7[%multiple_of3A_1947, %dma_wait3A_1948] : memref<204800x128xf32, #tpu.memory_space<hbm>> -> memref<128x128xf32, #tpu.memory_space<hbm>>
        %dma_wait3A_1950 = arith.constant 0 : i32
        %dma_wait3A_1951 = tpu.memref_slice %arg7[%multiple_of3A_1947, %dma_wait3A_1950] : memref<204800x128xf32, #tpu.memory_space<hbm>> -> memref<128x128xf32, #tpu.memory_space<hbm>>
        tpu.wait_dma2 semaphore(%arg20 : memref<!tpu.dma_semaphore, #tpu.memory_space<semaphore_mem>>) src(%arg12 : memref<128x128xf32, #tpu.memory_space<vmem>>) dst(%dma_wait3A_1951 : memref<128x128xf32, #tpu.memory_space<hbm>>)
      } else {
      }
      %get3A_1109 = arith.constant 1 : i32
      %get3A_1110 = arith.index_cast %get3A_1109 : i32 to index
      %get3A_1111 = arith.constant 0 : index
      %get3A_1112 = tpu.vector_load %arg15[%get3A_1110, %get3A_1111] {strides = array<i32>} : memref<2x128xi32, #tpu.memory_space<vmem>>, vector<1x16xi32>,
      %get3A_1113 = vector.shape_cast %get3A_1112 : vector<1x16xi32> to vector<16xi32>
      %slice3A_1114 = vector.extract_strided_slice %get3A_1113 {offsets = [0], sizes = [1], strides = [1]} : vector<16xi32> to vector<1xi32>
      %squeeze3A_1115 = vector.extract %slice3A_1114[0] : i32 from vector<1xi32>
      %swap3A_1116 = arith.constant 0 : i32
      %swap3A_1117 = arith.index_cast %swap3A_1116 : i32 to index
      %swap3A_1118 = memref.load %arg16[%swap3A_1117] : memref<128xi32, #tpu.memory_space<smem>>
      memref.store %squeeze3A_1115, %arg16[%swap3A_1117] : memref<128xi32, #tpu.memory_space<smem>>
      %slice3A_1119 = vector.extract_strided_slice %get3A_1113 {offsets = [1], sizes = [1], strides = [1]} : vector<16xi32> to vector<1xi32>
      %squeeze3A_1120 = vector.extract %slice3A_1119[0] : i32 from vector<1xi32>
      %swap3A_1121 = arith.constant 1 : i32
      %swap3A_1122 = arith.index_cast %swap3A_1121 : i32 to index
      %swap3A_1123 = memref.load %arg16[%swap3A_1122] : memref<128xi32, #tpu.memory_space<smem>>
      memref.store %squeeze3A_1120, %arg16[%swap3A_1122] : memref<128xi32, #tpu.memory_space<smem>>
      %slice3A_1124 = vector.extract_strided_slice %get3A_1113 {offsets = [2], sizes = [1], strides = [1]} : vector<16xi32> to vector<1xi32>
      %squeeze3A_1125 = vector.extract %slice3A_1124[0] : i32 from vector<1xi32>
      %swap3A_1126 = arith.constant 2 : i32
      %swap3A_1127 = arith.index_cast %swap3A_1126 : i32 to index
      %swap3A_1128 = memref.load %arg16[%swap3A_1127] : memref<128xi32, #tpu.memory_space<smem>>
      memref.store %squeeze3A_1125, %arg16[%swap3A_1127] : memref<128xi32, #tpu.memory_space<smem>>
      %slice3A_1129 = vector.extract_strided_slice %get3A_1113 {offsets = [3], sizes = [1], strides = [1]} : vector<16xi32> to vector<1xi32>
      %squeeze3A_1130 = vector.extract %slice3A_1129[0] : i32 from vector<1xi32>
      %swap3A_1131 = arith.constant 3 : i32
      %swap3A_1132 = arith.index_cast %swap3A_1131 : i32 to index
      %swap3A_1133 = memref.load %arg16[%swap3A_1132] : memref<128xi32, #tpu.memory_space<smem>>
      memref.store %squeeze3A_1130, %arg16[%swap3A_1132] : memref<128xi32, #tpu.memory_space<smem>>
      %slice3A_1134 = vector.extract_strided_slice %get3A_1113 {offsets = [4], sizes = [1], strides = [1]} : vector<16xi32> to vector<1xi32>
      %squeeze3A_1135 = vector.extract %slice3A_1134[0] : i32 from vector<1xi32>
      %swap3A_1136 = arith.constant 4 : i32
      %swap3A_1137 = arith.index_cast %swap3A_1136 : i32 to index
      %swap3A_1138 = memref.load %arg16[%swap3A_1137] : memref<128xi32, #tpu.memory_space<smem>>
      memref.store %squeeze3A_1135, %arg16[%swap3A_1137] : memref<128xi32, #tpu.memory_space<smem>>
      %slice3A_1139 = vector.extract_strided_slice %get3A_1113 {offsets = [5], sizes = [1], strides = [1]} : vector<16xi32> to vector<1xi32>
      %squeeze3A_1140 = vector.extract %slice3A_1139[0] : i32 from vector<1xi32>
      %swap3A_1141 = arith.constant 5 : i32
      %swap3A_1142 = arith.index_cast %swap3A_1141 : i32 to index
      %swap3A_1143 = memref.load %arg16[%swap3A_1142] : memref<128xi32, #tpu.memory_space<smem>>
      memref.store %squeeze3A_1140, %arg16[%swap3A_1142] : memref<128xi32, #tpu.memory_space<smem>>
      %slice3A_1144 = vector.extract_strided_slice %get3A_1113 {offsets = [6], sizes = [1], strides = [1]} : vector<16xi32> to vector<1xi32>
      %squeeze3A_1145 = vector.extract %slice3A_1144[0] : i32 from vector<1xi32>
      %swap3A_1146 = arith.constant 6 : i32
      %swap3A_1147 = arith.index_cast %swap3A_1146 : i32 to index
      %swap3A_1148 = memref.load %arg16[%swap3A_1147] : memref<128xi32, #tpu.memory_space<smem>>
      memref.store %squeeze3A_1145, %arg16[%swap3A_1147] : memref<128xi32, #tpu.memory_space<smem>>
      %slice3A_1149 = vector.extract_strided_slice %get3A_1113 {offsets = [7], sizes = [1], strides = [1]} : vector<16xi32> to vector<1xi32>
      %squeeze3A_1150 = vector.extract %slice3A_1149[0] : i32 from vector<1xi32>
      %swap3A_1151 = arith.constant 7 : i32
      %swap3A_1152 = arith.index_cast %swap3A_1151 : i32 to index
      %swap3A_1153 = memref.load %arg16[%swap3A_1152] : memref<128xi32, #tpu.memory_space<smem>>
      memref.store %squeeze3A_1150, %arg16[%swap3A_1152] : memref<128xi32, #tpu.memory_space<smem>>
      %slice3A_1154 = vector.extract_strided_slice %get3A_1113 {offsets = [8], sizes = [1], strides = [1]} : vector<16xi32> to vector<1xi32>
      %squeeze3A_1155 = vector.extract %slice3A_1154[0] : i32 from vector<1xi32>
      %swap3A_1156 = arith.constant 8 : i32
      %swap3A_1157 = arith.index_cast %swap3A_1156 : i32 to index
      %swap3A_1158 = memref.load %arg16[%swap3A_1157] : memref<128xi32, #tpu.memory_space<smem>>
      memref.store %squeeze3A_1155, %arg16[%swap3A_1157] : memref<128xi32, #tpu.memory_space<smem>>
      %slice3A_1159 = vector.extract_strided_slice %get3A_1113 {offsets = [9], sizes = [1], strides = [1]} : vector<16xi32> to vector<1xi32>
      %squeeze3A_1160 = vector.extract %slice3A_1159[0] : i32 from vector<1xi32>
      %swap3A_1161 = arith.constant 9 : i32
      %swap3A_1162 = arith.index_cast %swap3A_1161 : i32 to index
      %swap3A_1163 = memref.load %arg16[%swap3A_1162] : memref<128xi32, #tpu.memory_space<smem>>
      memref.store %squeeze3A_1160, %arg16[%swap3A_1162] : memref<128xi32, #tpu.memory_space<smem>>
      %slice3A_1164 = vector.extract_strided_slice %get3A_1113 {offsets = [10], sizes = [1], strides = [1]} : vector<16xi32> to vector<1xi32>
      %squeeze3A_1165 = vector.extract %slice3A_1164[0] : i32 from vector<1xi32>
      %swap3A_1166 = arith.constant 10 : i32
      %swap3A_1167 = arith.index_cast %swap3A_1166 : i32 to index
      %swap3A_1168 = memref.load %arg16[%swap3A_1167] : memref<128xi32, #tpu.memory_space<smem>>
      memref.store %squeeze3A_1165, %arg16[%swap3A_1167] : memref<128xi32, #tpu.memory_space<smem>>
      %slice3A_1169 = vector.extract_strided_slice %get3A_1113 {offsets = [11], sizes = [1], strides = [1]} : vector<16xi32> to vector<1xi32>
      %squeeze3A_1170 = vector.extract %slice3A_1169[0] : i32 from vector<1xi32>
      %swap3A_1171 = arith.constant 11 : i32
      %swap3A_1172 = arith.index_cast %swap3A_1171 : i32 to index
      %swap3A_1173 = memref.load %arg16[%swap3A_1172] : memref<128xi32, #tpu.memory_space<smem>>
      memref.store %squeeze3A_1170, %arg16[%swap3A_1172] : memref<128xi32, #tpu.memory_space<smem>>
      %slice3A_1174 = vector.extract_strided_slice %get3A_1113 {offsets = [12], sizes = [1], strides = [1]} : vector<16xi32> to vector<1xi32>
      %squeeze3A_1175 = vector.extract %slice3A_1174[0] : i32 from vector<1xi32>
      %swap3A_1176 = arith.constant 12 : i32
      %swap3A_1177 = arith.index_cast %swap3A_1176 : i32 to index
      %swap3A_1178 = memref.load %arg16[%swap3A_1177] : memref<128xi32, #tpu.memory_space<smem>>
      memref.store %squeeze3A_1175, %arg16[%swap3A_1177] : memref<128xi32, #tpu.memory_space<smem>>
      %slice3A_1179 = vector.extract_strided_slice %get3A_1113 {offsets = [13], sizes = [1], strides = [1]} : vector<16xi32> to vector<1xi32>
      %squeeze3A_1180 = vector.extract %slice3A_1179[0] : i32 from vector<1xi32>
      %swap3A_1181 = arith.constant 13 : i32
      %swap3A_1182 = arith.index_cast %swap3A_1181 : i32 to index
      %swap3A_1183 = memref.load %arg16[%swap3A_1182] : memref<128xi32, #tpu.memory_space<smem>>
      memref.store %squeeze3A_1180, %arg16[%swap3A_1182] : memref<128xi32, #tpu.memory_space<smem>>
      %slice3A_1184 = vector.extract_strided_slice %get3A_1113 {offsets = [14], sizes = [1], strides = [1]} : vector<16xi32> to vector<1xi32>
      %squeeze3A_1185 = vector.extract %slice3A_1184[0] : i32 from vector<1xi32>
      %swap3A_1186 = arith.constant 14 : i32
      %swap3A_1187 = arith.index_cast %swap3A_1186 : i32 to index
      %swap3A_1188 = memref.load %arg16[%swap3A_1187] : memref<128xi32, #tpu.memory_space<smem>>
      memref.store %squeeze3A_1185, %arg16[%swap3A_1187] : memref<128xi32, #tpu.memory_space<smem>>
      %slice3A_1189 = vector.extract_strided_slice %get3A_1113 {offsets = [15], sizes = [1], strides = [1]} : vector<16xi32> to vector<1xi32>
      %squeeze3A_1190 = vector.extract %slice3A_1189[0] : i32 from vector<1xi32>
      %swap3A_1191 = arith.constant 15 : i32
      %swap3A_1192 = arith.index_cast %swap3A_1191 : i32 to index
      %swap3A_1193 = memref.load %arg16[%swap3A_1192] : memref<128xi32, #tpu.memory_space<smem>>
      memref.store %squeeze3A_1190, %arg16[%swap3A_1192] : memref<128xi32, #tpu.memory_space<smem>>
      %get3A_1194 = arith.constant 1 : i32
      %get3A_1195 = arith.index_cast %get3A_1194 : i32 to index
      %get3A_1196 = arith.constant 16 : index
      %get3A_1197 = tpu.vector_load %arg15[%get3A_1195, %get3A_1196] {strides = array<i32>} : memref<2x128xi32, #tpu.memory_space<vmem>>, vector<1x16xi32>,
      %get3A_1198 = vector.shape_cast %get3A_1197 : vector<1x16xi32> to vector<16xi32>
      %slice3A_1199 = vector.extract_strided_slice %get3A_1198 {offsets = [0], sizes = [1], strides = [1]} : vector<16xi32> to vector<1xi32>
      %squeeze3A_1200 = vector.extract %slice3A_1199[0] : i32 from vector<1xi32>
      %swap3A_1201 = arith.constant 16 : i32
      %swap3A_1202 = arith.index_cast %swap3A_1201 : i32 to index
      %swap3A_1203 = memref.load %arg16[%swap3A_1202] : memref<128xi32, #tpu.memory_space<smem>>
      memref.store %squeeze3A_1200, %arg16[%swap3A_1202] : memref<128xi32, #tpu.memory_space<smem>>
      %slice3A_1204 = vector.extract_strided_slice %get3A_1198 {offsets = [1], sizes = [1], strides = [1]} : vector<16xi32> to vector<1xi32>
      %squeeze3A_1205 = vector.extract %slice3A_1204[0] : i32 from vector<1xi32>
      %swap3A_1206 = arith.constant 17 : i32
      %swap3A_1207 = arith.index_cast %swap3A_1206 : i32 to index
      %swap3A_1208 = memref.load %arg16[%swap3A_1207] : memref<128xi32, #tpu.memory_space<smem>>
      memref.store %squeeze3A_1205, %arg16[%swap3A_1207] : memref<128xi32, #tpu.memory_space<smem>>
      %slice3A_1209 = vector.extract_strided_slice %get3A_1198 {offsets = [2], sizes = [1], strides = [1]} : vector<16xi32> to vector<1xi32>
      %squeeze3A_1210 = vector.extract %slice3A_1209[0] : i32 from vector<1xi32>
      %swap3A_1211 = arith.constant 18 : i32
      %swap3A_1212 = arith.index_cast %swap3A_1211 : i32 to index
      %swap3A_1213 = memref.load %arg16[%swap3A_1212] : memref<128xi32, #tpu.memory_space<smem>>
      memref.store %squeeze3A_1210, %arg16[%swap3A_1212] : memref<128xi32, #tpu.memory_space<smem>>
      %slice3A_1214 = vector.extract_strided_slice %get3A_1198 {offsets = [3], sizes = [1], strides = [1]} : vector<16xi32> to vector<1xi32>
      %squeeze3A_1215 = vector.extract %slice3A_1214[0] : i32 from vector<1xi32>
      %swap3A_1216 = arith.constant 19 : i32
      %swap3A_1217 = arith.index_cast %swap3A_1216 : i32 to index
      %swap3A_1218 = memref.load %arg16[%swap3A_1217] : memref<128xi32, #tpu.memory_space<smem>>
      memref.store %squeeze3A_1215, %arg16[%swap3A_1217] : memref<128xi32, #tpu.memory_space<smem>>
      %slice3A_1219 = vector.extract_strided_slice %get3A_1198 {offsets = [4], sizes = [1], strides = [1]} : vector<16xi32> to vector<1xi32>
      %squeeze3A_1220 = vector.extract %slice3A_1219[0] : i32 from vector<1xi32>
      %swap3A_1221 = arith.constant 20 : i32
      %swap3A_1222 = arith.index_cast %swap3A_1221 : i32 to index
      %swap3A_1223 = memref.load %arg16[%swap3A_1222] : memref<128xi32, #tpu.memory_space<smem>>
      memref.store %squeeze3A_1220, %arg16[%swap3A_1222] : memref<128xi32, #tpu.memory_space<smem>>
      %slice3A_1224 = vector.extract_strided_slice %get3A_1198 {offsets = [5], sizes = [1], strides = [1]} : vector<16xi32> to vector<1xi32>
      %squeeze3A_1225 = vector.extract %slice3A_1224[0] : i32 from vector<1xi32>
      %swap3A_1226 = arith.constant 21 : i32
      %swap3A_1227 = arith.index_cast %swap3A_1226 : i32 to index
      %swap3A_1228 = memref.load %arg16[%swap3A_1227] : memref<128xi32, #tpu.memory_space<smem>>
      memref.store %squeeze3A_1225, %arg16[%swap3A_1227] : memref<128xi32, #tpu.memory_space<smem>>
      %slice3A_1229 = vector.extract_strided_slice %get3A_1198 {offsets = [6], sizes = [1], strides = [1]} : vector<16xi32> to vector<1xi32>
      %squeeze3A_1230 = vector.extract %slice3A_1229[0] : i32 from vector<1xi32>
      %swap3A_1231 = arith.constant 22 : i32
      %swap3A_1232 = arith.index_cast %swap3A_1231 : i32 to index
      %swap3A_1233 = memref.load %arg16[%swap3A_1232] : memref<128xi32, #tpu.memory_space<smem>>
      memref.store %squeeze3A_1230, %arg16[%swap3A_1232] : memref<128xi32, #tpu.memory_space<smem>>
      %slice3A_1234 = vector.extract_strided_slice %get3A_1198 {offsets = [7], sizes = [1], strides = [1]} : vector<16xi32> to vector<1xi32>
      %squeeze3A_1235 = vector.extract %slice3A_1234[0] : i32 from vector<1xi32>
      %swap3A_1236 = arith.constant 23 : i32
      %swap3A_1237 = arith.index_cast %swap3A_1236 : i32 to index
      %swap3A_1238 = memref.load %arg16[%swap3A_1237] : memref<128xi32, #tpu.memory_space<smem>>
      memref.store %squeeze3A_1235, %arg16[%swap3A_1237] : memref<128xi32, #tpu.memory_space<smem>>
      %slice3A_1239 = vector.extract_strided_slice %get3A_1198 {offsets = [8], sizes = [1], strides = [1]} : vector<16xi32> to vector<1xi32>
      %squeeze3A_1240 = vector.extract %slice3A_1239[0] : i32 from vector<1xi32>
      %swap3A_1241 = arith.constant 24 : i32
      %swap3A_1242 = arith.index_cast %swap3A_1241 : i32 to index
      %swap3A_1243 = memref.load %arg16[%swap3A_1242] : memref<128xi32, #tpu.memory_space<smem>>
      memref.store %squeeze3A_1240, %arg16[%swap3A_1242] : memref<128xi32, #tpu.memory_space<smem>>
      %slice3A_1244 = vector.extract_strided_slice %get3A_1198 {offsets = [9], sizes = [1], strides = [1]} : vector<16xi32> to vector<1xi32>
      %squeeze3A_1245 = vector.extract %slice3A_1244[0] : i32 from vector<1xi32>
      %swap3A_1246 = arith.constant 25 : i32
      %swap3A_1247 = arith.index_cast %swap3A_1246 : i32 to index
      %swap3A_1248 = memref.load %arg16[%swap3A_1247] : memref<128xi32, #tpu.memory_space<smem>>
      memref.store %squeeze3A_1245, %arg16[%swap3A_1247] : memref<128xi32, #tpu.memory_space<smem>>
      %slice3A_1249 = vector.extract_strided_slice %get3A_1198 {offsets = [10], sizes = [1], strides = [1]} : vector<16xi32> to vector<1xi32>
      %squeeze3A_1250 = vector.extract %slice3A_1249[0] : i32 from vector<1xi32>
      %swap3A_1251 = arith.constant 26 : i32
      %swap3A_1252 = arith.index_cast %swap3A_1251 : i32 to index
      %swap3A_1253 = memref.load %arg16[%swap3A_1252] : memref<128xi32, #tpu.memory_space<smem>>
      memref.store %squeeze3A_1250, %arg16[%swap3A_1252] : memref<128xi32, #tpu.memory_space<smem>>
      %slice3A_1254 = vector.extract_strided_slice %get3A_1198 {offsets = [11], sizes = [1], strides = [1]} : vector<16xi32> to vector<1xi32>
      %squeeze3A_1255 = vector.extract %slice3A_1254[0] : i32 from vector<1xi32>
      %swap3A_1256 = arith.constant 27 : i32
      %swap3A_1257 = arith.index_cast %swap3A_1256 : i32 to index
      %swap3A_1258 = memref.load %arg16[%swap3A_1257] : memref<128xi32, #tpu.memory_space<smem>>
      memref.store %squeeze3A_1255, %arg16[%swap3A_1257] : memref<128xi32, #tpu.memory_space<smem>>
      %slice3A_1259 = vector.extract_strided_slice %get3A_1198 {offsets = [12], sizes = [1], strides = [1]} : vector<16xi32> to vector<1xi32>
      %squeeze3A_1260 = vector.extract %slice3A_1259[0] : i32 from vector<1xi32>
      %swap3A_1261 = arith.constant 28 : i32
      %swap3A_1262 = arith.index_cast %swap3A_1261 : i32 to index
      %swap3A_1263 = memref.load %arg16[%swap3A_1262] : memref<128xi32, #tpu.memory_space<smem>>
      memref.store %squeeze3A_1260, %arg16[%swap3A_1262] : memref<128xi32, #tpu.memory_space<smem>>
      %slice3A_1264 = vector.extract_strided_slice %get3A_1198 {offsets = [13], sizes = [1], strides = [1]} : vector<16xi32> to vector<1xi32>
      %squeeze3A_1265 = vector.extract %slice3A_1264[0] : i32 from vector<1xi32>
      %swap3A_1266 = arith.constant 29 : i32
      %swap3A_1267 = arith.index_cast %swap3A_1266 : i32 to index
      %swap3A_1268 = memref.load %arg16[%swap3A_1267] : memref<128xi32, #tpu.memory_space<smem>>
      memref.store %squeeze3A_1265, %arg16[%swap3A_1267] : memref<128xi32, #tpu.memory_space<smem>>
      %slice3A_1269 = vector.extract_strided_slice %get3A_1198 {offsets = [14], sizes = [1], strides = [1]} : vector<16xi32> to vector<1xi32>
      %squeeze3A_1270 = vector.extract %slice3A_1269[0] : i32 from vector<1xi32>
      %swap3A_1271 = arith.constant 30 : i32
      %swap3A_1272 = arith.index_cast %swap3A_1271 : i32 to index
      %swap3A_1273 = memref.load %arg16[%swap3A_1272] : memref<128xi32, #tpu.memory_space<smem>>
      memref.store %squeeze3A_1270, %arg16[%swap3A_1272] : memref<128xi32, #tpu.memory_space<smem>>
      %slice3A_1274 = vector.extract_strided_slice %get3A_1198 {offsets = [15], sizes = [1], strides = [1]} : vector<16xi32> to vector<1xi32>
      %squeeze3A_1275 = vector.extract %slice3A_1274[0] : i32 from vector<1xi32>
      %swap3A_1276 = arith.constant 31 : i32
      %swap3A_1277 = arith.index_cast %swap3A_1276 : i32 to index
      %swap3A_1278 = memref.load %arg16[%swap3A_1277] : memref<128xi32, #tpu.memory_space<smem>>
      memref.store %squeeze3A_1275, %arg16[%swap3A_1277] : memref<128xi32, #tpu.memory_space<smem>>
      %get3A_1279 = arith.constant 1 : i32
      %get3A_1280 = arith.index_cast %get3A_1279 : i32 to index
      %get3A_1281 = arith.constant 32 : index
      %get3A_1282 = tpu.vector_load %arg15[%get3A_1280, %get3A_1281] {strides = array<i32>} : memref<2x128xi32, #tpu.memory_space<vmem>>, vector<1x16xi32>,
      %get3A_1283 = vector.shape_cast %get3A_1282 : vector<1x16xi32> to vector<16xi32>
      %slice3A_1284 = vector.extract_strided_slice %get3A_1283 {offsets = [0], sizes = [1], strides = [1]} : vector<16xi32> to vector<1xi32>
      %squeeze3A_1285 = vector.extract %slice3A_1284[0] : i32 from vector<1xi32>
      %swap3A_1286 = arith.constant 32 : i32
      %swap3A_1287 = arith.index_cast %swap3A_1286 : i32 to index
      %swap3A_1288 = memref.load %arg16[%swap3A_1287] : memref<128xi32, #tpu.memory_space<smem>>
      memref.store %squeeze3A_1285, %arg16[%swap3A_1287] : memref<128xi32, #tpu.memory_space<smem>>
      %slice3A_1289 = vector.extract_strided_slice %get3A_1283 {offsets = [1], sizes = [1], strides = [1]} : vector<16xi32> to vector<1xi32>
      %squeeze3A_1290 = vector.extract %slice3A_1289[0] : i32 from vector<1xi32>
      %swap3A_1291 = arith.constant 33 : i32
      %swap3A_1292 = arith.index_cast %swap3A_1291 : i32 to index
      %swap3A_1293 = memref.load %arg16[%swap3A_1292] : memref<128xi32, #tpu.memory_space<smem>>
      memref.store %squeeze3A_1290, %arg16[%swap3A_1292] : memref<128xi32, #tpu.memory_space<smem>>
      %slice3A_1294 = vector.extract_strided_slice %get3A_1283 {offsets = [2], sizes = [1], strides = [1]} : vector<16xi32> to vector<1xi32>
      %squeeze3A_1295 = vector.extract %slice3A_1294[0] : i32 from vector<1xi32>
      %swap3A_1296 = arith.constant 34 : i32
      %swap3A_1297 = arith.index_cast %swap3A_1296 : i32 to index
      %swap3A_1298 = memref.load %arg16[%swap3A_1297] : memref<128xi32, #tpu.memory_space<smem>>
      memref.store %squeeze3A_1295, %arg16[%swap3A_1297] : memref<128xi32, #tpu.memory_space<smem>>
      %slice3A_1299 = vector.extract_strided_slice %get3A_1283 {offsets = [3], sizes = [1], strides = [1]} : vector<16xi32> to vector<1xi32>
      %squeeze3A_1300 = vector.extract %slice3A_1299[0] : i32 from vector<1xi32>
      %swap3A_1301 = arith.constant 35 : i32
      %swap3A_1302 = arith.index_cast %swap3A_1301 : i32 to index
      %swap3A_1303 = memref.load %arg16[%swap3A_1302] : memref<128xi32, #tpu.memory_space<smem>>
      memref.store %squeeze3A_1300, %arg16[%swap3A_1302] : memref<128xi32, #tpu.memory_space<smem>>
      %slice3A_1304 = vector.extract_strided_slice %get3A_1283 {offsets = [4], sizes = [1], strides = [1]} : vector<16xi32> to vector<1xi32>
      %squeeze3A_1305 = vector.extract %slice3A_1304[0] : i32 from vector<1xi32>
      %swap3A_1306 = arith.constant 36 : i32
      %swap3A_1307 = arith.index_cast %swap3A_1306 : i32 to index
      %swap3A_1308 = memref.load %arg16[%swap3A_1307] : memref<128xi32, #tpu.memory_space<smem>>
      memref.store %squeeze3A_1305, %arg16[%swap3A_1307] : memref<128xi32, #tpu.memory_space<smem>>
      %slice3A_1309 = vector.extract_strided_slice %get3A_1283 {offsets = [5], sizes = [1], strides = [1]} : vector<16xi32> to vector<1xi32>
      %squeeze3A_1310 = vector.extract %slice3A_1309[0] : i32 from vector<1xi32>
      %swap3A_1311 = arith.constant 37 : i32
      %swap3A_1312 = arith.index_cast %swap3A_1311 : i32 to index
      %swap3A_1313 = memref.load %arg16[%swap3A_1312] : memref<128xi32, #tpu.memory_space<smem>>
      memref.store %squeeze3A_1310, %arg16[%swap3A_1312] : memref<128xi32, #tpu.memory_space<smem>>
      %slice3A_1314 = vector.extract_strided_slice %get3A_1283 {offsets = [6], sizes = [1], strides = [1]} : vector<16xi32> to vector<1xi32>
      %squeeze3A_1315 = vector.extract %slice3A_1314[0] : i32 from vector<1xi32>
      %swap3A_1316 = arith.constant 38 : i32
      %swap3A_1317 = arith.index_cast %swap3A_1316 : i32 to index
      %swap3A_1318 = memref.load %arg16[%swap3A_1317] : memref<128xi32, #tpu.memory_space<smem>>
      memref.store %squeeze3A_1315, %arg16[%swap3A_1317] : memref<128xi32, #tpu.memory_space<smem>>
      %slice3A_1319 = vector.extract_strided_slice %get3A_1283 {offsets = [7], sizes = [1], strides = [1]} : vector<16xi32> to vector<1xi32>
      %squeeze3A_1320 = vector.extract %slice3A_1319[0] : i32 from vector<1xi32>
      %swap3A_1321 = arith.constant 39 : i32
      %swap3A_1322 = arith.index_cast %swap3A_1321 : i32 to index
      %swap3A_1323 = memref.load %arg16[%swap3A_1322] : memref<128xi32, #tpu.memory_space<smem>>
      memref.store %squeeze3A_1320, %arg16[%swap3A_1322] : memref<128xi32, #tpu.memory_space<smem>>
      %slice3A_1324 = vector.extract_strided_slice %get3A_1283 {offsets = [8], sizes = [1], strides = [1]} : vector<16xi32> to vector<1xi32>
      %squeeze3A_1325 = vector.extract %slice3A_1324[0] : i32 from vector<1xi32>
      %swap3A_1326 = arith.constant 40 : i32
      %swap3A_1327 = arith.index_cast %swap3A_1326 : i32 to index
      %swap3A_1328 = memref.load %arg16[%swap3A_1327] : memref<128xi32, #tpu.memory_space<smem>>
      memref.store %squeeze3A_1325, %arg16[%swap3A_1327] : memref<128xi32, #tpu.memory_space<smem>>
      %slice3A_1329 = vector.extract_strided_slice %get3A_1283 {offsets = [9], sizes = [1], strides = [1]} : vector<16xi32> to vector<1xi32>
      %squeeze3A_1330 = vector.extract %slice3A_1329[0] : i32 from vector<1xi32>
      %swap3A_1331 = arith.constant 41 : i32
      %swap3A_1332 = arith.index_cast %swap3A_1331 : i32 to index
      %swap3A_1333 = memref.load %arg16[%swap3A_1332] : memref<128xi32, #tpu.memory_space<smem>>
      memref.store %squeeze3A_1330, %arg16[%swap3A_1332] : memref<128xi32, #tpu.memory_space<smem>>
      %slice3A_1334 = vector.extract_strided_slice %get3A_1283 {offsets = [10], sizes = [1], strides = [1]} : vector<16xi32> to vector<1xi32>
      %squeeze3A_1335 = vector.extract %slice3A_1334[0] : i32 from vector<1xi32>
      %swap3A_1336 = arith.constant 42 : i32
      %swap3A_1337 = arith.index_cast %swap3A_1336 : i32 to index
      %swap3A_1338 = memref.load %arg16[%swap3A_1337] : memref<128xi32, #tpu.memory_space<smem>>
      memref.store %squeeze3A_1335, %arg16[%swap3A_1337] : memref<128xi32, #tpu.memory_space<smem>>
      %slice3A_1339 = vector.extract_strided_slice %get3A_1283 {offsets = [11], sizes = [1], strides = [1]} : vector<16xi32> to vector<1xi32>
      %squeeze3A_1340 = vector.extract %slice3A_1339[0] : i32 from vector<1xi32>
      %swap3A_1341 = arith.constant 43 : i32
      %swap3A_1342 = arith.index_cast %swap3A_1341 : i32 to index
      %swap3A_1343 = memref.load %arg16[%swap3A_1342] : memref<128xi32, #tpu.memory_space<smem>>
      memref.store %squeeze3A_1340, %arg16[%swap3A_1342] : memref<128xi32, #tpu.memory_space<smem>>
      %slice3A_1344 = vector.extract_strided_slice %get3A_1283 {offsets = [12], sizes = [1], strides = [1]} : vector<16xi32> to vector<1xi32>
      %squeeze3A_1345 = vector.extract %slice3A_1344[0] : i32 from vector<1xi32>
      %swap3A_1346 = arith.constant 44 : i32
      %swap3A_1347 = arith.index_cast %swap3A_1346 : i32 to index
      %swap3A_1348 = memref.load %arg16[%swap3A_1347] : memref<128xi32, #tpu.memory_space<smem>>
      memref.store %squeeze3A_1345, %arg16[%swap3A_1347] : memref<128xi32, #tpu.memory_space<smem>>
      %slice3A_1349 = vector.extract_strided_slice %get3A_1283 {offsets = [13], sizes = [1], strides = [1]} : vector<16xi32> to vector<1xi32>
      %squeeze3A_1350 = vector.extract %slice3A_1349[0] : i32 from vector<1xi32>
      %swap3A_1351 = arith.constant 45 : i32
      %swap3A_1352 = arith.index_cast %swap3A_1351 : i32 to index
      %swap3A_1353 = memref.load %arg16[%swap3A_1352] : memref<128xi32, #tpu.memory_space<smem>>
      memref.store %squeeze3A_1350, %arg16[%swap3A_1352] : memref<128xi32, #tpu.memory_space<smem>>
      %slice3A_1354 = vector.extract_strided_slice %get3A_1283 {offsets = [14], sizes = [1], strides = [1]} : vector<16xi32> to vector<1xi32>
      %squeeze3A_1355 = vector.extract %slice3A_1354[0] : i32 from vector<1xi32>
      %swap3A_1356 = arith.constant 46 : i32
      %swap3A_1357 = arith.index_cast %swap3A_1356 : i32 to index
      %swap3A_1358 = memref.load %arg16[%swap3A_1357] : memref<128xi32, #tpu.memory_space<smem>>
      memref.store %squeeze3A_1355, %arg16[%swap3A_1357] : memref<128xi32, #tpu.memory_space<smem>>
      %slice3A_1359 = vector.extract_strided_slice %get3A_1283 {offsets = [15], sizes = [1], strides = [1]} : vector<16xi32> to vector<1xi32>
      %squeeze3A_1360 = vector.extract %slice3A_1359[0] : i32 from vector<1xi32>
      %swap3A_1361 = arith.constant 47 : i32
      %swap3A_1362 = arith.index_cast %swap3A_1361 : i32 to index
      %swap3A_1363 = memref.load %arg16[%swap3A_1362] : memref<128xi32, #tpu.memory_space<smem>>
      memref.store %squeeze3A_1360, %arg16[%swap3A_1362] : memref<128xi32, #tpu.memory_space<smem>>
      %get3A_1364 = arith.constant 1 : i32
      %get3A_1365 = arith.index_cast %get3A_1364 : i32 to index
      %get3A_1366 = arith.constant 48 : index
      %get3A_1367 = tpu.vector_load %arg15[%get3A_1365, %get3A_1366] {strides = array<i32>} : memref<2x128xi32, #tpu.memory_space<vmem>>, vector<1x16xi32>,
      %get3A_1368 = vector.shape_cast %get3A_1367 : vector<1x16xi32> to vector<16xi32>
      %slice3A_1369 = vector.extract_strided_slice %get3A_1368 {offsets = [0], sizes = [1], strides = [1]} : vector<16xi32> to vector<1xi32>
      %squeeze3A_1370 = vector.extract %slice3A_1369[0] : i32 from vector<1xi32>
      %swap3A_1371 = arith.constant 48 : i32
      %swap3A_1372 = arith.index_cast %swap3A_1371 : i32 to index
      %swap3A_1373 = memref.load %arg16[%swap3A_1372] : memref<128xi32, #tpu.memory_space<smem>>
      memref.store %squeeze3A_1370, %arg16[%swap3A_1372] : memref<128xi32, #tpu.memory_space<smem>>
      %slice3A_1374 = vector.extract_strided_slice %get3A_1368 {offsets = [1], sizes = [1], strides = [1]} : vector<16xi32> to vector<1xi32>
      %squeeze3A_1375 = vector.extract %slice3A_1374[0] : i32 from vector<1xi32>
      %swap3A_1376 = arith.constant 49 : i32
      %swap3A_1377 = arith.index_cast %swap3A_1376 : i32 to index
      %swap3A_1378 = memref.load %arg16[%swap3A_1377] : memref<128xi32, #tpu.memory_space<smem>>
      memref.store %squeeze3A_1375, %arg16[%swap3A_1377] : memref<128xi32, #tpu.memory_space<smem>>
      %slice3A_1379 = vector.extract_strided_slice %get3A_1368 {offsets = [2], sizes = [1], strides = [1]} : vector<16xi32> to vector<1xi32>
      %squeeze3A_1380 = vector.extract %slice3A_1379[0] : i32 from vector<1xi32>
      %swap3A_1381 = arith.constant 50 : i32
      %swap3A_1382 = arith.index_cast %swap3A_1381 : i32 to index
      %swap3A_1383 = memref.load %arg16[%swap3A_1382] : memref<128xi32, #tpu.memory_space<smem>>
      memref.store %squeeze3A_1380, %arg16[%swap3A_1382] : memref<128xi32, #tpu.memory_space<smem>>
      %slice3A_1384 = vector.extract_strided_slice %get3A_1368 {offsets = [3], sizes = [1], strides = [1]} : vector<16xi32> to vector<1xi32>
      %squeeze3A_1385 = vector.extract %slice3A_1384[0] : i32 from vector<1xi32>
      %swap3A_1386 = arith.constant 51 : i32
      %swap3A_1387 = arith.index_cast %swap3A_1386 : i32 to index
      %swap3A_1388 = memref.load %arg16[%swap3A_1387] : memref<128xi32, #tpu.memory_space<smem>>
      memref.store %squeeze3A_1385, %arg16[%swap3A_1387] : memref<128xi32, #tpu.memory_space<smem>>
      %slice3A_1389 = vector.extract_strided_slice %get3A_1368 {offsets = [4], sizes = [1], strides = [1]} : vector<16xi32> to vector<1xi32>
      %squeeze3A_1390 = vector.extract %slice3A_1389[0] : i32 from vector<1xi32>
      %swap3A_1391 = arith.constant 52 : i32
      %swap3A_1392 = arith.index_cast %swap3A_1391 : i32 to index
      %swap3A_1393 = memref.load %arg16[%swap3A_1392] : memref<128xi32, #tpu.memory_space<smem>>
      memref.store %squeeze3A_1390, %arg16[%swap3A_1392] : memref<128xi32, #tpu.memory_space<smem>>
      %slice3A_1394 = vector.extract_strided_slice %get3A_1368 {offsets = [5], sizes = [1], strides = [1]} : vector<16xi32> to vector<1xi32>
      %squeeze3A_1395 = vector.extract %slice3A_1394[0] : i32 from vector<1xi32>
      %swap3A_1396 = arith.constant 53 : i32
      %swap3A_1397 = arith.index_cast %swap3A_1396 : i32 to index
      %swap3A_1398 = memref.load %arg16[%swap3A_1397] : memref<128xi32, #tpu.memory_space<smem>>
      memref.store %squeeze3A_1395, %arg16[%swap3A_1397] : memref<128xi32, #tpu.memory_space<smem>>
      %slice3A_1399 = vector.extract_strided_slice %get3A_1368 {offsets = [6], sizes = [1], strides = [1]} : vector<16xi32> to vector<1xi32>
      %squeeze3A_1400 = vector.extract %slice3A_1399[0] : i32 from vector<1xi32>
      %swap3A_1401 = arith.constant 54 : i32
      %swap3A_1402 = arith.index_cast %swap3A_1401 : i32 to index
      %swap3A_1403 = memref.load %arg16[%swap3A_1402] : memref<128xi32, #tpu.memory_space<smem>>
      memref.store %squeeze3A_1400, %arg16[%swap3A_1402] : memref<128xi32, #tpu.memory_space<smem>>
      %slice3A_1404 = vector.extract_strided_slice %get3A_1368 {offsets = [7], sizes = [1], strides = [1]} : vector<16xi32> to vector<1xi32>
      %squeeze3A_1405 = vector.extract %slice3A_1404[0] : i32 from vector<1xi32>
      %swap3A_1406 = arith.constant 55 : i32
      %swap3A_1407 = arith.index_cast %swap3A_1406 : i32 to index
      %swap3A_1408 = memref.load %arg16[%swap3A_1407] : memref<128xi32, #tpu.memory_space<smem>>
      memref.store %squeeze3A_1405, %arg16[%swap3A_1407] : memref<128xi32, #tpu.memory_space<smem>>
      %slice3A_1409 = vector.extract_strided_slice %get3A_1368 {offsets = [8], sizes = [1], strides = [1]} : vector<16xi32> to vector<1xi32>
      %squeeze3A_1410 = vector.extract %slice3A_1409[0] : i32 from vector<1xi32>
      %swap3A_1411 = arith.constant 56 : i32
      %swap3A_1412 = arith.index_cast %swap3A_1411 : i32 to index
      %swap3A_1413 = memref.load %arg16[%swap3A_1412] : memref<128xi32, #tpu.memory_space<smem>>
      memref.store %squeeze3A_1410, %arg16[%swap3A_1412] : memref<128xi32, #tpu.memory_space<smem>>
      %slice3A_1414 = vector.extract_strided_slice %get3A_1368 {offsets = [9], sizes = [1], strides = [1]} : vector<16xi32> to vector<1xi32>
      %squeeze3A_1415 = vector.extract %slice3A_1414[0] : i32 from vector<1xi32>
      %swap3A_1416 = arith.constant 57 : i32
      %swap3A_1417 = arith.index_cast %swap3A_1416 : i32 to index
      %swap3A_1418 = memref.load %arg16[%swap3A_1417] : memref<128xi32, #tpu.memory_space<smem>>
      memref.store %squeeze3A_1415, %arg16[%swap3A_1417] : memref<128xi32, #tpu.memory_space<smem>>
      %slice3A_1419 = vector.extract_strided_slice %get3A_1368 {offsets = [10], sizes = [1], strides = [1]} : vector<16xi32> to vector<1xi32>
      %squeeze3A_1420 = vector.extract %slice3A_1419[0] : i32 from vector<1xi32>
      %swap3A_1421 = arith.constant 58 : i32
      %swap3A_1422 = arith.index_cast %swap3A_1421 : i32 to index
      %swap3A_1423 = memref.load %arg16[%swap3A_1422] : memref<128xi32, #tpu.memory_space<smem>>
      memref.store %squeeze3A_1420, %arg16[%swap3A_1422] : memref<128xi32, #tpu.memory_space<smem>>
      %slice3A_1424 = vector.extract_strided_slice %get3A_1368 {offsets = [11], sizes = [1], strides = [1]} : vector<16xi32> to vector<1xi32>
      %squeeze3A_1425 = vector.extract %slice3A_1424[0] : i32 from vector<1xi32>
      %swap3A_1426 = arith.constant 59 : i32
      %swap3A_1427 = arith.index_cast %swap3A_1426 : i32 to index
      %swap3A_1428 = memref.load %arg16[%swap3A_1427] : memref<128xi32, #tpu.memory_space<smem>>
      memref.store %squeeze3A_1425, %arg16[%swap3A_1427] : memref<128xi32, #tpu.memory_space<smem>>
      %slice3A_1429 = vector.extract_strided_slice %get3A_1368 {offsets = [12], sizes = [1], strides = [1]} : vector<16xi32> to vector<1xi32>
      %squeeze3A_1430 = vector.extract %slice3A_1429[0] : i32 from vector<1xi32>
      %swap3A_1431 = arith.constant 60 : i32
      %swap3A_1432 = arith.index_cast %swap3A_1431 : i32 to index
      %swap3A_1433 = memref.load %arg16[%swap3A_1432] : memref<128xi32, #tpu.memory_space<smem>>
      memref.store %squeeze3A_1430, %arg16[%swap3A_1432] : memref<128xi32, #tpu.memory_space<smem>>
      %slice3A_1434 = vector.extract_strided_slice %get3A_1368 {offsets = [13], sizes = [1], strides = [1]} : vector<16xi32> to vector<1xi32>
      %squeeze3A_1435 = vector.extract %slice3A_1434[0] : i32 from vector<1xi32>
      %swap3A_1436 = arith.constant 61 : i32
      %swap3A_1437 = arith.index_cast %swap3A_1436 : i32 to index
      %swap3A_1438 = memref.load %arg16[%swap3A_1437] : memref<128xi32, #tpu.memory_space<smem>>
      memref.store %squeeze3A_1435, %arg16[%swap3A_1437] : memref<128xi32, #tpu.memory_space<smem>>
      %slice3A_1439 = vector.extract_strided_slice %get3A_1368 {offsets = [14], sizes = [1], strides = [1]} : vector<16xi32> to vector<1xi32>
      %squeeze3A_1440 = vector.extract %slice3A_1439[0] : i32 from vector<1xi32>
      %swap3A_1441 = arith.constant 62 : i32
      %swap3A_1442 = arith.index_cast %swap3A_1441 : i32 to index
      %swap3A_1443 = memref.load %arg16[%swap3A_1442] : memref<128xi32, #tpu.memory_space<smem>>
      memref.store %squeeze3A_1440, %arg16[%swap3A_1442] : memref<128xi32, #tpu.memory_space<smem>>
      %slice3A_1444 = vector.extract_strided_slice %get3A_1368 {offsets = [15], sizes = [1], strides = [1]} : vector<16xi32> to vector<1xi32>
      %squeeze3A_1445 = vector.extract %slice3A_1444[0] : i32 from vector<1xi32>
      %swap3A_1446 = arith.constant 63 : i32
      %swap3A_1447 = arith.index_cast %swap3A_1446 : i32 to index
      %swap3A_1448 = memref.load %arg16[%swap3A_1447] : memref<128xi32, #tpu.memory_space<smem>>
      memref.store %squeeze3A_1445, %arg16[%swap3A_1447] : memref<128xi32, #tpu.memory_space<smem>>
      %get3A_1449 = arith.constant 1 : i32
      %get3A_1450 = arith.index_cast %get3A_1449 : i32 to index
      %get3A_1451 = arith.constant 64 : index
      %get3A_1452 = tpu.vector_load %arg15[%get3A_1450, %get3A_1451] {strides = array<i32>} : memref<2x128xi32, #tpu.memory_space<vmem>>, vector<1x16xi32>,
      %get3A_1453 = vector.shape_cast %get3A_1452 : vector<1x16xi32> to vector<16xi32>
      %slice3A_1454 = vector.extract_strided_slice %get3A_1453 {offsets = [0], sizes = [1], strides = [1]} : vector<16xi32> to vector<1xi32>
      %squeeze3A_1455 = vector.extract %slice3A_1454[0] : i32 from vector<1xi32>
      %swap3A_1456 = arith.constant 64 : i32
      %swap3A_1457 = arith.index_cast %swap3A_1456 : i32 to index
      %swap3A_1458 = memref.load %arg16[%swap3A_1457] : memref<128xi32, #tpu.memory_space<smem>>
      memref.store %squeeze3A_1455, %arg16[%swap3A_1457] : memref<128xi32, #tpu.memory_space<smem>>
      %slice3A_1459 = vector.extract_strided_slice %get3A_1453 {offsets = [1], sizes = [1], strides = [1]} : vector<16xi32> to vector<1xi32>
      %squeeze3A_1460 = vector.extract %slice3A_1459[0] : i32 from vector<1xi32>
      %swap3A_1461 = arith.constant 65 : i32
      %swap3A_1462 = arith.index_cast %swap3A_1461 : i32 to index
      %swap3A_1463 = memref.load %arg16[%swap3A_1462] : memref<128xi32, #tpu.memory_space<smem>>
      memref.store %squeeze3A_1460, %arg16[%swap3A_1462] : memref<128xi32, #tpu.memory_space<smem>>
      %slice3A_1464 = vector.extract_strided_slice %get3A_1453 {offsets = [2], sizes = [1], strides = [1]} : vector<16xi32> to vector<1xi32>
      %squeeze3A_1465 = vector.extract %slice3A_1464[0] : i32 from vector<1xi32>
      %swap3A_1466 = arith.constant 66 : i32
      %swap3A_1467 = arith.index_cast %swap3A_1466 : i32 to index
      %swap3A_1468 = memref.load %arg16[%swap3A_1467] : memref<128xi32, #tpu.memory_space<smem>>
      memref.store %squeeze3A_1465, %arg16[%swap3A_1467] : memref<128xi32, #tpu.memory_space<smem>>
      %slice3A_1469 = vector.extract_strided_slice %get3A_1453 {offsets = [3], sizes = [1], strides = [1]} : vector<16xi32> to vector<1xi32>
      %squeeze3A_1470 = vector.extract %slice3A_1469[0] : i32 from vector<1xi32>
      %swap3A_1471 = arith.constant 67 : i32
      %swap3A_1472 = arith.index_cast %swap3A_1471 : i32 to index
      %swap3A_1473 = memref.load %arg16[%swap3A_1472] : memref<128xi32, #tpu.memory_space<smem>>
      memref.store %squeeze3A_1470, %arg16[%swap3A_1472] : memref<128xi32, #tpu.memory_space<smem>>
      %slice3A_1474 = vector.extract_strided_slice %get3A_1453 {offsets = [4], sizes = [1], strides = [1]} : vector<16xi32> to vector<1xi32>
      %squeeze3A_1475 = vector.extract %slice3A_1474[0] : i32 from vector<1xi32>
      %swap3A_1476 = arith.constant 68 : i32
      %swap3A_1477 = arith.index_cast %swap3A_1476 : i32 to index
      %swap3A_1478 = memref.load %arg16[%swap3A_1477] : memref<128xi32, #tpu.memory_space<smem>>
      memref.store %squeeze3A_1475, %arg16[%swap3A_1477] : memref<128xi32, #tpu.memory_space<smem>>
      %slice3A_1479 = vector.extract_strided_slice %get3A_1453 {offsets = [5], sizes = [1], strides = [1]} : vector<16xi32> to vector<1xi32>
      %squeeze3A_1480 = vector.extract %slice3A_1479[0] : i32 from vector<1xi32>
      %swap3A_1481 = arith.constant 69 : i32
      %swap3A_1482 = arith.index_cast %swap3A_1481 : i32 to index
      %swap3A_1483 = memref.load %arg16[%swap3A_1482] : memref<128xi32, #tpu.memory_space<smem>>
      memref.store %squeeze3A_1480, %arg16[%swap3A_1482] : memref<128xi32, #tpu.memory_space<smem>>
      %slice3A_1484 = vector.extract_strided_slice %get3A_1453 {offsets = [6], sizes = [1], strides = [1]} : vector<16xi32> to vector<1xi32>
      %squeeze3A_1485 = vector.extract %slice3A_1484[0] : i32 from vector<1xi32>
      %swap3A_1486 = arith.constant 70 : i32
      %swap3A_1487 = arith.index_cast %swap3A_1486 : i32 to index
      %swap3A_1488 = memref.load %arg16[%swap3A_1487] : memref<128xi32, #tpu.memory_space<smem>>
      memref.store %squeeze3A_1485, %arg16[%swap3A_1487] : memref<128xi32, #tpu.memory_space<smem>>
      %slice3A_1489 = vector.extract_strided_slice %get3A_1453 {offsets = [7], sizes = [1], strides = [1]} : vector<16xi32> to vector<1xi32>
      %squeeze3A_1490 = vector.extract %slice3A_1489[0] : i32 from vector<1xi32>
      %swap3A_1491 = arith.constant 71 : i32
      %swap3A_1492 = arith.index_cast %swap3A_1491 : i32 to index
      %swap3A_1493 = memref.load %arg16[%swap3A_1492] : memref<128xi32, #tpu.memory_space<smem>>
      memref.store %squeeze3A_1490, %arg16[%swap3A_1492] : memref<128xi32, #tpu.memory_space<smem>>
      %slice3A_1494 = vector.extract_strided_slice %get3A_1453 {offsets = [8], sizes = [1], strides = [1]} : vector<16xi32> to vector<1xi32>
      %squeeze3A_1495 = vector.extract %slice3A_1494[0] : i32 from vector<1xi32>
      %swap3A_1496 = arith.constant 72 : i32
      %swap3A_1497 = arith.index_cast %swap3A_1496 : i32 to index
      %swap3A_1498 = memref.load %arg16[%swap3A_1497] : memref<128xi32, #tpu.memory_space<smem>>
      memref.store %squeeze3A_1495, %arg16[%swap3A_1497] : memref<128xi32, #tpu.memory_space<smem>>
      %slice3A_1499 = vector.extract_strided_slice %get3A_1453 {offsets = [9], sizes = [1], strides = [1]} : vector<16xi32> to vector<1xi32>
      %squeeze3A_1500 = vector.extract %slice3A_1499[0] : i32 from vector<1xi32>
      %swap3A_1501 = arith.constant 73 : i32
      %swap3A_1502 = arith.index_cast %swap3A_1501 : i32 to index
      %swap3A_1503 = memref.load %arg16[%swap3A_1502] : memref<128xi32, #tpu.memory_space<smem>>
      memref.store %squeeze3A_1500, %arg16[%swap3A_1502] : memref<128xi32, #tpu.memory_space<smem>>
      %slice3A_1504 = vector.extract_strided_slice %get3A_1453 {offsets = [10], sizes = [1], strides = [1]} : vector<16xi32> to vector<1xi32>
      %squeeze3A_1505 = vector.extract %slice3A_1504[0] : i32 from vector<1xi32>
      %swap3A_1506 = arith.constant 74 : i32
      %swap3A_1507 = arith.index_cast %swap3A_1506 : i32 to index
      %swap3A_1508 = memref.load %arg16[%swap3A_1507] : memref<128xi32, #tpu.memory_space<smem>>
      memref.store %squeeze3A_1505, %arg16[%swap3A_1507] : memref<128xi32, #tpu.memory_space<smem>>
      %slice3A_1509 = vector.extract_strided_slice %get3A_1453 {offsets = [11], sizes = [1], strides = [1]} : vector<16xi32> to vector<1xi32>
      %squeeze3A_1510 = vector.extract %slice3A_1509[0] : i32 from vector<1xi32>
      %swap3A_1511 = arith.constant 75 : i32
      %swap3A_1512 = arith.index_cast %swap3A_1511 : i32 to index
      %swap3A_1513 = memref.load %arg16[%swap3A_1512] : memref<128xi32, #tpu.memory_space<smem>>
      memref.store %squeeze3A_1510, %arg16[%swap3A_1512] : memref<128xi32, #tpu.memory_space<smem>>
      %slice3A_1514 = vector.extract_strided_slice %get3A_1453 {offsets = [12], sizes = [1], strides = [1]} : vector<16xi32> to vector<1xi32>
      %squeeze3A_1515 = vector.extract %slice3A_1514[0] : i32 from vector<1xi32>
      %swap3A_1516 = arith.constant 76 : i32
      %swap3A_1517 = arith.index_cast %swap3A_1516 : i32 to index
      %swap3A_1518 = memref.load %arg16[%swap3A_1517] : memref<128xi32, #tpu.memory_space<smem>>
      memref.store %squeeze3A_1515, %arg16[%swap3A_1517] : memref<128xi32, #tpu.memory_space<smem>>
      %slice3A_1519 = vector.extract_strided_slice %get3A_1453 {offsets = [13], sizes = [1], strides = [1]} : vector<16xi32> to vector<1xi32>
      %squeeze3A_1520 = vector.extract %slice3A_1519[0] : i32 from vector<1xi32>
      %swap3A_1521 = arith.constant 77 : i32
      %swap3A_1522 = arith.index_cast %swap3A_1521 : i32 to index
      %swap3A_1523 = memref.load %arg16[%swap3A_1522] : memref<128xi32, #tpu.memory_space<smem>>
      memref.store %squeeze3A_1520, %arg16[%swap3A_1522] : memref<128xi32, #tpu.memory_space<smem>>
      %slice3A_1524 = vector.extract_strided_slice %get3A_1453 {offsets = [14], sizes = [1], strides = [1]} : vector<16xi32> to vector<1xi32>
      %squeeze3A_1525 = vector.extract %slice3A_1524[0] : i32 from vector<1xi32>
      %swap3A_1526 = arith.constant 78 : i32
      %swap3A_1527 = arith.index_cast %swap3A_1526 : i32 to index
      %swap3A_1528 = memref.load %arg16[%swap3A_1527] : memref<128xi32, #tpu.memory_space<smem>>
      memref.store %squeeze3A_1525, %arg16[%swap3A_1527] : memref<128xi32, #tpu.memory_space<smem>>
      %slice3A_1529 = vector.extract_strided_slice %get3A_1453 {offsets = [15], sizes = [1], strides = [1]} : vector<16xi32> to vector<1xi32>
      %squeeze3A_1530 = vector.extract %slice3A_1529[0] : i32 from vector<1xi32>
      %swap3A_1531 = arith.constant 79 : i32
      %swap3A_1532 = arith.index_cast %swap3A_1531 : i32 to index
      %swap3A_1533 = memref.load %arg16[%swap3A_1532] : memref<128xi32, #tpu.memory_space<smem>>
      memref.store %squeeze3A_1530, %arg16[%swap3A_1532] : memref<128xi32, #tpu.memory_space<smem>>
      %get3A_1534 = arith.constant 1 : i32
      %get3A_1535 = arith.index_cast %get3A_1534 : i32 to index
      %get3A_1536 = arith.constant 80 : index
      %get3A_1537 = tpu.vector_load %arg15[%get3A_1535, %get3A_1536] {strides = array<i32>} : memref<2x128xi32, #tpu.memory_space<vmem>>, vector<1x16xi32>,
      %get3A_1538 = vector.shape_cast %get3A_1537 : vector<1x16xi32> to vector<16xi32>
      %slice3A_1539 = vector.extract_strided_slice %get3A_1538 {offsets = [0], sizes = [1], strides = [1]} : vector<16xi32> to vector<1xi32>
      %squeeze3A_1540 = vector.extract %slice3A_1539[0] : i32 from vector<1xi32>
      %swap3A_1541 = arith.constant 80 : i32
      %swap3A_1542 = arith.index_cast %swap3A_1541 : i32 to index
      %swap3A_1543 = memref.load %arg16[%swap3A_1542] : memref<128xi32, #tpu.memory_space<smem>>
      memref.store %squeeze3A_1540, %arg16[%swap3A_1542] : memref<128xi32, #tpu.memory_space<smem>>
      %slice3A_1544 = vector.extract_strided_slice %get3A_1538 {offsets = [1], sizes = [1], strides = [1]} : vector<16xi32> to vector<1xi32>
      %squeeze3A_1545 = vector.extract %slice3A_1544[0] : i32 from vector<1xi32>
      %swap3A_1546 = arith.constant 81 : i32
      %swap3A_1547 = arith.index_cast %swap3A_1546 : i32 to index
      %swap3A_1548 = memref.load %arg16[%swap3A_1547] : memref<128xi32, #tpu.memory_space<smem>>
      memref.store %squeeze3A_1545, %arg16[%swap3A_1547] : memref<128xi32, #tpu.memory_space<smem>>
      %slice3A_1549 = vector.extract_strided_slice %get3A_1538 {offsets = [2], sizes = [1], strides = [1]} : vector<16xi32> to vector<1xi32>
      %squeeze3A_1550 = vector.extract %slice3A_1549[0] : i32 from vector<1xi32>
      %swap3A_1551 = arith.constant 82 : i32
      %swap3A_1552 = arith.index_cast %swap3A_1551 : i32 to index
      %swap3A_1553 = memref.load %arg16[%swap3A_1552] : memref<128xi32, #tpu.memory_space<smem>>
      memref.store %squeeze3A_1550, %arg16[%swap3A_1552] : memref<128xi32, #tpu.memory_space<smem>>
      %slice3A_1554 = vector.extract_strided_slice %get3A_1538 {offsets = [3], sizes = [1], strides = [1]} : vector<16xi32> to vector<1xi32>
      %squeeze3A_1555 = vector.extract %slice3A_1554[0] : i32 from vector<1xi32>
      %swap3A_1556 = arith.constant 83 : i32
      %swap3A_1557 = arith.index_cast %swap3A_1556 : i32 to index
      %swap3A_1558 = memref.load %arg16[%swap3A_1557] : memref<128xi32, #tpu.memory_space<smem>>
      memref.store %squeeze3A_1555, %arg16[%swap3A_1557] : memref<128xi32, #tpu.memory_space<smem>>
      %slice3A_1559 = vector.extract_strided_slice %get3A_1538 {offsets = [4], sizes = [1], strides = [1]} : vector<16xi32> to vector<1xi32>
      %squeeze3A_1560 = vector.extract %slice3A_1559[0] : i32 from vector<1xi32>
      %swap3A_1561 = arith.constant 84 : i32
      %swap3A_1562 = arith.index_cast %swap3A_1561 : i32 to index
      %swap3A_1563 = memref.load %arg16[%swap3A_1562] : memref<128xi32, #tpu.memory_space<smem>>
      memref.store %squeeze3A_1560, %arg16[%swap3A_1562] : memref<128xi32, #tpu.memory_space<smem>>
      %slice3A_1564 = vector.extract_strided_slice %get3A_1538 {offsets = [5], sizes = [1], strides = [1]} : vector<16xi32> to vector<1xi32>
      %squeeze3A_1565 = vector.extract %slice3A_1564[0] : i32 from vector<1xi32>
      %swap3A_1566 = arith.constant 85 : i32
      %swap3A_1567 = arith.index_cast %swap3A_1566 : i32 to index
      %swap3A_1568 = memref.load %arg16[%swap3A_1567] : memref<128xi32, #tpu.memory_space<smem>>
      memref.store %squeeze3A_1565, %arg16[%swap3A_1567] : memref<128xi32, #tpu.memory_space<smem>>
      %slice3A_1569 = vector.extract_strided_slice %get3A_1538 {offsets = [6], sizes = [1], strides = [1]} : vector<16xi32> to vector<1xi32>
      %squeeze3A_1570 = vector.extract %slice3A_1569[0] : i32 from vector<1xi32>
      %swap3A_1571 = arith.constant 86 : i32
      %swap3A_1572 = arith.index_cast %swap3A_1571 : i32 to index
      %swap3A_1573 = memref.load %arg16[%swap3A_1572] : memref<128xi32, #tpu.memory_space<smem>>
      memref.store %squeeze3A_1570, %arg16[%swap3A_1572] : memref<128xi32, #tpu.memory_space<smem>>
      %slice3A_1574 = vector.extract_strided_slice %get3A_1538 {offsets = [7], sizes = [1], strides = [1]} : vector<16xi32> to vector<1xi32>
      %squeeze3A_1575 = vector.extract %slice3A_1574[0] : i32 from vector<1xi32>
      %swap3A_1576 = arith.constant 87 : i32
      %swap3A_1577 = arith.index_cast %swap3A_1576 : i32 to index
      %swap3A_1578 = memref.load %arg16[%swap3A_1577] : memref<128xi32, #tpu.memory_space<smem>>
      memref.store %squeeze3A_1575, %arg16[%swap3A_1577] : memref<128xi32, #tpu.memory_space<smem>>
      %slice3A_1579 = vector.extract_strided_slice %get3A_1538 {offsets = [8], sizes = [1], strides = [1]} : vector<16xi32> to vector<1xi32>
      %squeeze3A_1580 = vector.extract %slice3A_1579[0] : i32 from vector<1xi32>
      %swap3A_1581 = arith.constant 88 : i32
      %swap3A_1582 = arith.index_cast %swap3A_1581 : i32 to index
      %swap3A_1583 = memref.load %arg16[%swap3A_1582] : memref<128xi32, #tpu.memory_space<smem>>
      memref.store %squeeze3A_1580, %arg16[%swap3A_1582] : memref<128xi32, #tpu.memory_space<smem>>
      %slice3A_1584 = vector.extract_strided_slice %get3A_1538 {offsets = [9], sizes = [1], strides = [1]} : vector<16xi32> to vector<1xi32>
      %squeeze3A_1585 = vector.extract %slice3A_1584[0] : i32 from vector<1xi32>
      %swap3A_1586 = arith.constant 89 : i32
      %swap3A_1587 = arith.index_cast %swap3A_1586 : i32 to index
      %swap3A_1588 = memref.load %arg16[%swap3A_1587] : memref<128xi32, #tpu.memory_space<smem>>
      memref.store %squeeze3A_1585, %arg16[%swap3A_1587] : memref<128xi32, #tpu.memory_space<smem>>
      %slice3A_1589 = vector.extract_strided_slice %get3A_1538 {offsets = [10], sizes = [1], strides = [1]} : vector<16xi32> to vector<1xi32>
      %squeeze3A_1590 = vector.extract %slice3A_1589[0] : i32 from vector<1xi32>
      %swap3A_1591 = arith.constant 90 : i32
      %swap3A_1592 = arith.index_cast %swap3A_1591 : i32 to index
      %swap3A_1593 = memref.load %arg16[%swap3A_1592] : memref<128xi32, #tpu.memory_space<smem>>
      memref.store %squeeze3A_1590, %arg16[%swap3A_1592] : memref<128xi32, #tpu.memory_space<smem>>
      %slice3A_1594 = vector.extract_strided_slice %get3A_1538 {offsets = [11], sizes = [1], strides = [1]} : vector<16xi32> to vector<1xi32>
      %squeeze3A_1595 = vector.extract %slice3A_1594[0] : i32 from vector<1xi32>
      %swap3A_1596 = arith.constant 91 : i32
      %swap3A_1597 = arith.index_cast %swap3A_1596 : i32 to index
      %swap3A_1598 = memref.load %arg16[%swap3A_1597] : memref<128xi32, #tpu.memory_space<smem>>
      memref.store %squeeze3A_1595, %arg16[%swap3A_1597] : memref<128xi32, #tpu.memory_space<smem>>
      %slice3A_1599 = vector.extract_strided_slice %get3A_1538 {offsets = [12], sizes = [1], strides = [1]} : vector<16xi32> to vector<1xi32>
      %squeeze3A_1600 = vector.extract %slice3A_1599[0] : i32 from vector<1xi32>
      %swap3A_1601 = arith.constant 92 : i32
      %swap3A_1602 = arith.index_cast %swap3A_1601 : i32 to index
      %swap3A_1603 = memref.load %arg16[%swap3A_1602] : memref<128xi32, #tpu.memory_space<smem>>
      memref.store %squeeze3A_1600, %arg16[%swap3A_1602] : memref<128xi32, #tpu.memory_space<smem>>
      %slice3A_1604 = vector.extract_strided_slice %get3A_1538 {offsets = [13], sizes = [1], strides = [1]} : vector<16xi32> to vector<1xi32>
      %squeeze3A_1605 = vector.extract %slice3A_1604[0] : i32 from vector<1xi32>
      %swap3A_1606 = arith.constant 93 : i32
      %swap3A_1607 = arith.index_cast %swap3A_1606 : i32 to index
      %swap3A_1608 = memref.load %arg16[%swap3A_1607] : memref<128xi32, #tpu.memory_space<smem>>
      memref.store %squeeze3A_1605, %arg16[%swap3A_1607] : memref<128xi32, #tpu.memory_space<smem>>
      %slice3A_1609 = vector.extract_strided_slice %get3A_1538 {offsets = [14], sizes = [1], strides = [1]} : vector<16xi32> to vector<1xi32>
      %squeeze3A_1610 = vector.extract %slice3A_1609[0] : i32 from vector<1xi32>
      %swap3A_1611 = arith.constant 94 : i32
      %swap3A_1612 = arith.index_cast %swap3A_1611 : i32 to index
      %swap3A_1613 = memref.load %arg16[%swap3A_1612] : memref<128xi32, #tpu.memory_space<smem>>
      memref.store %squeeze3A_1610, %arg16[%swap3A_1612] : memref<128xi32, #tpu.memory_space<smem>>
      %slice3A_1614 = vector.extract_strided_slice %get3A_1538 {offsets = [15], sizes = [1], strides = [1]} : vector<16xi32> to vector<1xi32>
      %squeeze3A_1615 = vector.extract %slice3A_1614[0] : i32 from vector<1xi32>
      %swap3A_1616 = arith.constant 95 : i32
      %swap3A_1617 = arith.index_cast %swap3A_1616 : i32 to index
      %swap3A_1618 = memref.load %arg16[%swap3A_1617] : memref<128xi32, #tpu.memory_space<smem>>
      memref.store %squeeze3A_1615, %arg16[%swap3A_1617] : memref<128xi32, #tpu.memory_space<smem>>
      %get3A_1619 = arith.constant 1 : i32
      %get3A_1620 = arith.index_cast %get3A_1619 : i32 to index
      %get3A_1621 = arith.constant 96 : index
      %get3A_1622 = tpu.vector_load %arg15[%get3A_1620, %get3A_1621] {strides = array<i32>} : memref<2x128xi32, #tpu.memory_space<vmem>>, vector<1x16xi32>,
      %get3A_1623 = vector.shape_cast %get3A_1622 : vector<1x16xi32> to vector<16xi32>
      %slice3A_1624 = vector.extract_strided_slice %get3A_1623 {offsets = [0], sizes = [1], strides = [1]} : vector<16xi32> to vector<1xi32>
      %squeeze3A_1625 = vector.extract %slice3A_1624[0] : i32 from vector<1xi32>
      %swap3A_1626 = arith.constant 96 : i32
      %swap3A_1627 = arith.index_cast %swap3A_1626 : i32 to index
      %swap3A_1628 = memref.load %arg16[%swap3A_1627] : memref<128xi32, #tpu.memory_space<smem>>
      memref.store %squeeze3A_1625, %arg16[%swap3A_1627] : memref<128xi32, #tpu.memory_space<smem>>
      %slice3A_1629 = vector.extract_strided_slice %get3A_1623 {offsets = [1], sizes = [1], strides = [1]} : vector<16xi32> to vector<1xi32>
      %squeeze3A_1630 = vector.extract %slice3A_1629[0] : i32 from vector<1xi32>
      %swap3A_1631 = arith.constant 97 : i32
      %swap3A_1632 = arith.index_cast %swap3A_1631 : i32 to index
      %swap3A_1633 = memref.load %arg16[%swap3A_1632] : memref<128xi32, #tpu.memory_space<smem>>
      memref.store %squeeze3A_1630, %arg16[%swap3A_1632] : memref<128xi32, #tpu.memory_space<smem>>
      %slice3A_1634 = vector.extract_strided_slice %get3A_1623 {offsets = [2], sizes = [1], strides = [1]} : vector<16xi32> to vector<1xi32>
      %squeeze3A_1635 = vector.extract %slice3A_1634[0] : i32 from vector<1xi32>
      %swap3A_1636 = arith.constant 98 : i32
      %swap3A_1637 = arith.index_cast %swap3A_1636 : i32 to index
      %swap3A_1638 = memref.load %arg16[%swap3A_1637] : memref<128xi32, #tpu.memory_space<smem>>
      memref.store %squeeze3A_1635, %arg16[%swap3A_1637] : memref<128xi32, #tpu.memory_space<smem>>
      %slice3A_1639 = vector.extract_strided_slice %get3A_1623 {offsets = [3], sizes = [1], strides = [1]} : vector<16xi32> to vector<1xi32>
      %squeeze3A_1640 = vector.extract %slice3A_1639[0] : i32 from vector<1xi32>
      %swap3A_1641 = arith.constant 99 : i32
      %swap3A_1642 = arith.index_cast %swap3A_1641 : i32 to index
      %swap3A_1643 = memref.load %arg16[%swap3A_1642] : memref<128xi32, #tpu.memory_space<smem>>
      memref.store %squeeze3A_1640, %arg16[%swap3A_1642] : memref<128xi32, #tpu.memory_space<smem>>
      %slice3A_1644 = vector.extract_strided_slice %get3A_1623 {offsets = [4], sizes = [1], strides = [1]} : vector<16xi32> to vector<1xi32>
      %squeeze3A_1645 = vector.extract %slice3A_1644[0] : i32 from vector<1xi32>
      %swap3A_1646 = arith.constant 100 : i32
      %swap3A_1647 = arith.index_cast %swap3A_1646 : i32 to index
      %swap3A_1648 = memref.load %arg16[%swap3A_1647] : memref<128xi32, #tpu.memory_space<smem>>
      memref.store %squeeze3A_1645, %arg16[%swap3A_1647] : memref<128xi32, #tpu.memory_space<smem>>
      %slice3A_1649 = vector.extract_strided_slice %get3A_1623 {offsets = [5], sizes = [1], strides = [1]} : vector<16xi32> to vector<1xi32>
      %squeeze3A_1650 = vector.extract %slice3A_1649[0] : i32 from vector<1xi32>
      %swap3A_1651 = arith.constant 101 : i32
      %swap3A_1652 = arith.index_cast %swap3A_1651 : i32 to index
      %swap3A_1653 = memref.load %arg16[%swap3A_1652] : memref<128xi32, #tpu.memory_space<smem>>
      memref.store %squeeze3A_1650, %arg16[%swap3A_1652] : memref<128xi32, #tpu.memory_space<smem>>
      %slice3A_1654 = vector.extract_strided_slice %get3A_1623 {offsets = [6], sizes = [1], strides = [1]} : vector<16xi32> to vector<1xi32>
      %squeeze3A_1655 = vector.extract %slice3A_1654[0] : i32 from vector<1xi32>
      %swap3A_1656 = arith.constant 102 : i32
      %swap3A_1657 = arith.index_cast %swap3A_1656 : i32 to index
      %swap3A_1658 = memref.load %arg16[%swap3A_1657] : memref<128xi32, #tpu.memory_space<smem>>
      memref.store %squeeze3A_1655, %arg16[%swap3A_1657] : memref<128xi32, #tpu.memory_space<smem>>
      %slice3A_1659 = vector.extract_strided_slice %get3A_1623 {offsets = [7], sizes = [1], strides = [1]} : vector<16xi32> to vector<1xi32>
      %squeeze3A_1660 = vector.extract %slice3A_1659[0] : i32 from vector<1xi32>
      %swap3A_1661 = arith.constant 103 : i32
      %swap3A_1662 = arith.index_cast %swap3A_1661 : i32 to index
      %swap3A_1663 = memref.load %arg16[%swap3A_1662] : memref<128xi32, #tpu.memory_space<smem>>
      memref.store %squeeze3A_1660, %arg16[%swap3A_1662] : memref<128xi32, #tpu.memory_space<smem>>
      %slice3A_1664 = vector.extract_strided_slice %get3A_1623 {offsets = [8], sizes = [1], strides = [1]} : vector<16xi32> to vector<1xi32>
      %squeeze3A_1665 = vector.extract %slice3A_1664[0] : i32 from vector<1xi32>
      %swap3A_1666 = arith.constant 104 : i32
      %swap3A_1667 = arith.index_cast %swap3A_1666 : i32 to index
      %swap3A_1668 = memref.load %arg16[%swap3A_1667] : memref<128xi32, #tpu.memory_space<smem>>
      memref.store %squeeze3A_1665, %arg16[%swap3A_1667] : memref<128xi32, #tpu.memory_space<smem>>
      %slice3A_1669 = vector.extract_strided_slice %get3A_1623 {offsets = [9], sizes = [1], strides = [1]} : vector<16xi32> to vector<1xi32>
      %squeeze3A_1670 = vector.extract %slice3A_1669[0] : i32 from vector<1xi32>
      %swap3A_1671 = arith.constant 105 : i32
      %swap3A_1672 = arith.index_cast %swap3A_1671 : i32 to index
      %swap3A_1673 = memref.load %arg16[%swap3A_1672] : memref<128xi32, #tpu.memory_space<smem>>
      memref.store %squeeze3A_1670, %arg16[%swap3A_1672] : memref<128xi32, #tpu.memory_space<smem>>
      %slice3A_1674 = vector.extract_strided_slice %get3A_1623 {offsets = [10], sizes = [1], strides = [1]} : vector<16xi32> to vector<1xi32>
      %squeeze3A_1675 = vector.extract %slice3A_1674[0] : i32 from vector<1xi32>
      %swap3A_1676 = arith.constant 106 : i32
      %swap3A_1677 = arith.index_cast %swap3A_1676 : i32 to index
      %swap3A_1678 = memref.load %arg16[%swap3A_1677] : memref<128xi32, #tpu.memory_space<smem>>
      memref.store %squeeze3A_1675, %arg16[%swap3A_1677] : memref<128xi32, #tpu.memory_space<smem>>
      %slice3A_1679 = vector.extract_strided_slice %get3A_1623 {offsets = [11], sizes = [1], strides = [1]} : vector<16xi32> to vector<1xi32>
      %squeeze3A_1680 = vector.extract %slice3A_1679[0] : i32 from vector<1xi32>
      %swap3A_1681 = arith.constant 107 : i32
      %swap3A_1682 = arith.index_cast %swap3A_1681 : i32 to index
      %swap3A_1683 = memref.load %arg16[%swap3A_1682] : memref<128xi32, #tpu.memory_space<smem>>
      memref.store %squeeze3A_1680, %arg16[%swap3A_1682] : memref<128xi32, #tpu.memory_space<smem>>
      %slice3A_1684 = vector.extract_strided_slice %get3A_1623 {offsets = [12], sizes = [1], strides = [1]} : vector<16xi32> to vector<1xi32>
      %squeeze3A_1685 = vector.extract %slice3A_1684[0] : i32 from vector<1xi32>
      %swap3A_1686 = arith.constant 108 : i32
      %swap3A_1687 = arith.index_cast %swap3A_1686 : i32 to index
      %swap3A_1688 = memref.load %arg16[%swap3A_1687] : memref<128xi32, #tpu.memory_space<smem>>
      memref.store %squeeze3A_1685, %arg16[%swap3A_1687] : memref<128xi32, #tpu.memory_space<smem>>
      %slice3A_1689 = vector.extract_strided_slice %get3A_1623 {offsets = [13], sizes = [1], strides = [1]} : vector<16xi32> to vector<1xi32>
      %squeeze3A_1690 = vector.extract %slice3A_1689[0] : i32 from vector<1xi32>
      %swap3A_1691 = arith.constant 109 : i32
      %swap3A_1692 = arith.index_cast %swap3A_1691 : i32 to index
      %swap3A_1693 = memref.load %arg16[%swap3A_1692] : memref<128xi32, #tpu.memory_space<smem>>
      memref.store %squeeze3A_1690, %arg16[%swap3A_1692] : memref<128xi32, #tpu.memory_space<smem>>
      %slice3A_1694 = vector.extract_strided_slice %get3A_1623 {offsets = [14], sizes = [1], strides = [1]} : vector<16xi32> to vector<1xi32>
      %squeeze3A_1695 = vector.extract %slice3A_1694[0] : i32 from vector<1xi32>
      %swap3A_1696 = arith.constant 110 : i32
      %swap3A_1697 = arith.index_cast %swap3A_1696 : i32 to index
      %swap3A_1698 = memref.load %arg16[%swap3A_1697] : memref<128xi32, #tpu.memory_space<smem>>
      memref.store %squeeze3A_1695, %arg16[%swap3A_1697] : memref<128xi32, #tpu.memory_space<smem>>
      %slice3A_1699 = vector.extract_strided_slice %get3A_1623 {offsets = [15], sizes = [1], strides = [1]} : vector<16xi32> to vector<1xi32>
      %squeeze3A_1700 = vector.extract %slice3A_1699[0] : i32 from vector<1xi32>
      %swap3A_1701 = arith.constant 111 : i32
      %swap3A_1702 = arith.index_cast %swap3A_1701 : i32 to index
      %swap3A_1703 = memref.load %arg16[%swap3A_1702] : memref<128xi32, #tpu.memory_space<smem>>
      memref.store %squeeze3A_1700, %arg16[%swap3A_1702] : memref<128xi32, #tpu.memory_space<smem>>
      %get3A_1704 = arith.constant 1 : i32
      %get3A_1705 = arith.index_cast %get3A_1704 : i32 to index
      %get3A_1706 = arith.constant 112 : index
      %get3A_1707 = tpu.vector_load %arg15[%get3A_1705, %get3A_1706] {strides = array<i32>} : memref<2x128xi32, #tpu.memory_space<vmem>>, vector<1x16xi32>,
      %get3A_1708 = vector.shape_cast %get3A_1707 : vector<1x16xi32> to vector<16xi32>
      %slice3A_1709 = vector.extract_strided_slice %get3A_1708 {offsets = [0], sizes = [1], strides = [1]} : vector<16xi32> to vector<1xi32>
      %squeeze3A_1710 = vector.extract %slice3A_1709[0] : i32 from vector<1xi32>
      %swap3A_1711 = arith.constant 112 : i32
      %swap3A_1712 = arith.index_cast %swap3A_1711 : i32 to index
      %swap3A_1713 = memref.load %arg16[%swap3A_1712] : memref<128xi32, #tpu.memory_space<smem>>
      memref.store %squeeze3A_1710, %arg16[%swap3A_1712] : memref<128xi32, #tpu.memory_space<smem>>
      %slice3A_1714 = vector.extract_strided_slice %get3A_1708 {offsets = [1], sizes = [1], strides = [1]} : vector<16xi32> to vector<1xi32>
      %squeeze3A_1715 = vector.extract %slice3A_1714[0] : i32 from vector<1xi32>
      %swap3A_1716 = arith.constant 113 : i32
      %swap3A_1717 = arith.index_cast %swap3A_1716 : i32 to index
      %swap3A_1718 = memref.load %arg16[%swap3A_1717] : memref<128xi32, #tpu.memory_space<smem>>
      memref.store %squeeze3A_1715, %arg16[%swap3A_1717] : memref<128xi32, #tpu.memory_space<smem>>
      %slice3A_1719 = vector.extract_strided_slice %get3A_1708 {offsets = [2], sizes = [1], strides = [1]} : vector<16xi32> to vector<1xi32>
      %squeeze3A_1720 = vector.extract %slice3A_1719[0] : i32 from vector<1xi32>
      %swap3A_1721 = arith.constant 114 : i32
      %swap3A_1722 = arith.index_cast %swap3A_1721 : i32 to index
      %swap3A_1723 = memref.load %arg16[%swap3A_1722] : memref<128xi32, #tpu.memory_space<smem>>
      memref.store %squeeze3A_1720, %arg16[%swap3A_1722] : memref<128xi32, #tpu.memory_space<smem>>
      %slice3A_1724 = vector.extract_strided_slice %get3A_1708 {offsets = [3], sizes = [1], strides = [1]} : vector<16xi32> to vector<1xi32>
      %squeeze3A_1725 = vector.extract %slice3A_1724[0] : i32 from vector<1xi32>
      %swap3A_1726 = arith.constant 115 : i32
      %swap3A_1727 = arith.index_cast %swap3A_1726 : i32 to index
      %swap3A_1728 = memref.load %arg16[%swap3A_1727] : memref<128xi32, #tpu.memory_space<smem>>
      memref.store %squeeze3A_1725, %arg16[%swap3A_1727] : memref<128xi32, #tpu.memory_space<smem>>
      %slice3A_1729 = vector.extract_strided_slice %get3A_1708 {offsets = [4], sizes = [1], strides = [1]} : vector<16xi32> to vector<1xi32>
      %squeeze3A_1730 = vector.extract %slice3A_1729[0] : i32 from vector<1xi32>
      %swap3A_1731 = arith.constant 116 : i32
      %swap3A_1732 = arith.index_cast %swap3A_1731 : i32 to index
      %swap3A_1733 = memref.load %arg16[%swap3A_1732] : memref<128xi32, #tpu.memory_space<smem>>
      memref.store %squeeze3A_1730, %arg16[%swap3A_1732] : memref<128xi32, #tpu.memory_space<smem>>
      %slice3A_1734 = vector.extract_strided_slice %get3A_1708 {offsets = [5], sizes = [1], strides = [1]} : vector<16xi32> to vector<1xi32>
      %squeeze3A_1735 = vector.extract %slice3A_1734[0] : i32 from vector<1xi32>
      %swap3A_1736 = arith.constant 117 : i32
      %swap3A_1737 = arith.index_cast %swap3A_1736 : i32 to index
      %swap3A_1738 = memref.load %arg16[%swap3A_1737] : memref<128xi32, #tpu.memory_space<smem>>
      memref.store %squeeze3A_1735, %arg16[%swap3A_1737] : memref<128xi32, #tpu.memory_space<smem>>
      %slice3A_1739 = vector.extract_strided_slice %get3A_1708 {offsets = [6], sizes = [1], strides = [1]} : vector<16xi32> to vector<1xi32>
      %squeeze3A_1740 = vector.extract %slice3A_1739[0] : i32 from vector<1xi32>
      %swap3A_1741 = arith.constant 118 : i32
      %swap3A_1742 = arith.index_cast %swap3A_1741 : i32 to index
      %swap3A_1743 = memref.load %arg16[%swap3A_1742] : memref<128xi32, #tpu.memory_space<smem>>
      memref.store %squeeze3A_1740, %arg16[%swap3A_1742] : memref<128xi32, #tpu.memory_space<smem>>
      %slice3A_1744 = vector.extract_strided_slice %get3A_1708 {offsets = [7], sizes = [1], strides = [1]} : vector<16xi32> to vector<1xi32>
      %squeeze3A_1745 = vector.extract %slice3A_1744[0] : i32 from vector<1xi32>
      %swap3A_1746 = arith.constant 119 : i32
      %swap3A_1747 = arith.index_cast %swap3A_1746 : i32 to index
      %swap3A_1748 = memref.load %arg16[%swap3A_1747] : memref<128xi32, #tpu.memory_space<smem>>
      memref.store %squeeze3A_1745, %arg16[%swap3A_1747] : memref<128xi32, #tpu.memory_space<smem>>
      %slice3A_1749 = vector.extract_strided_slice %get3A_1708 {offsets = [8], sizes = [1], strides = [1]} : vector<16xi32> to vector<1xi32>
      %squeeze3A_1750 = vector.extract %slice3A_1749[0] : i32 from vector<1xi32>
      %swap3A_1751 = arith.constant 120 : i32
      %swap3A_1752 = arith.index_cast %swap3A_1751 : i32 to index
      %swap3A_1753 = memref.load %arg16[%swap3A_1752] : memref<128xi32, #tpu.memory_space<smem>>
      memref.store %squeeze3A_1750, %arg16[%swap3A_1752] : memref<128xi32, #tpu.memory_space<smem>>
      %slice3A_1754 = vector.extract_strided_slice %get3A_1708 {offsets = [9], sizes = [1], strides = [1]} : vector<16xi32> to vector<1xi32>
      %squeeze3A_1755 = vector.extract %slice3A_1754[0] : i32 from vector<1xi32>
      %swap3A_1756 = arith.constant 121 : i32
      %swap3A_1757 = arith.index_cast %swap3A_1756 : i32 to index
      %swap3A_1758 = memref.load %arg16[%swap3A_1757] : memref<128xi32, #tpu.memory_space<smem>>
      memref.store %squeeze3A_1755, %arg16[%swap3A_1757] : memref<128xi32, #tpu.memory_space<smem>>
      %slice3A_1759 = vector.extract_strided_slice %get3A_1708 {offsets = [10], sizes = [1], strides = [1]} : vector<16xi32> to vector<1xi32>
      %squeeze3A_1760 = vector.extract %slice3A_1759[0] : i32 from vector<1xi32>
      %swap3A_1761 = arith.constant 122 : i32
      %swap3A_1762 = arith.index_cast %swap3A_1761 : i32 to index
      %swap3A_1763 = memref.load %arg16[%swap3A_1762] : memref<128xi32, #tpu.memory_space<smem>>
      memref.store %squeeze3A_1760, %arg16[%swap3A_1762] : memref<128xi32, #tpu.memory_space<smem>>
      %slice3A_1764 = vector.extract_strided_slice %get3A_1708 {offsets = [11], sizes = [1], strides = [1]} : vector<16xi32> to vector<1xi32>
      %squeeze3A_1765 = vector.extract %slice3A_1764[0] : i32 from vector<1xi32>
      %swap3A_1766 = arith.constant 123 : i32
      %swap3A_1767 = arith.index_cast %swap3A_1766 : i32 to index
      %swap3A_1768 = memref.load %arg16[%swap3A_1767] : memref<128xi32, #tpu.memory_space<smem>>
      memref.store %squeeze3A_1765, %arg16[%swap3A_1767] : memref<128xi32, #tpu.memory_space<smem>>
      %slice3A_1769 = vector.extract_strided_slice %get3A_1708 {offsets = [12], sizes = [1], strides = [1]} : vector<16xi32> to vector<1xi32>
      %squeeze3A_1770 = vector.extract %slice3A_1769[0] : i32 from vector<1xi32>
      %swap3A_1771 = arith.constant 124 : i32
      %swap3A_1772 = arith.index_cast %swap3A_1771 : i32 to index
      %swap3A_1773 = memref.load %arg16[%swap3A_1772] : memref<128xi32, #tpu.memory_space<smem>>
      memref.store %squeeze3A_1770, %arg16[%swap3A_1772] : memref<128xi32, #tpu.memory_space<smem>>
      %slice3A_1774 = vector.extract_strided_slice %get3A_1708 {offsets = [13], sizes = [1], strides = [1]} : vector<16xi32> to vector<1xi32>
      %squeeze3A_1775 = vector.extract %slice3A_1774[0] : i32 from vector<1xi32>
      %swap3A_1776 = arith.constant 125 : i32
      %swap3A_1777 = arith.index_cast %swap3A_1776 : i32 to index
      %swap3A_1778 = memref.load %arg16[%swap3A_1777] : memref<128xi32, #tpu.memory_space<smem>>
      memref.store %squeeze3A_1775, %arg16[%swap3A_1777] : memref<128xi32, #tpu.memory_space<smem>>
      %slice3A_1779 = vector.extract_strided_slice %get3A_1708 {offsets = [14], sizes = [1], strides = [1]} : vector<16xi32> to vector<1xi32>
      %squeeze3A_1780 = vector.extract %slice3A_1779[0] : i32 from vector<1xi32>
      %swap3A_1781 = arith.constant 126 : i32
      %swap3A_1782 = arith.index_cast %swap3A_1781 : i32 to index
      %swap3A_1783 = memref.load %arg16[%swap3A_1782] : memref<128xi32, #tpu.memory_space<smem>>
      memref.store %squeeze3A_1780, %arg16[%swap3A_1782] : memref<128xi32, #tpu.memory_space<smem>>
      %slice3A_1784 = vector.extract_strided_slice %get3A_1708 {offsets = [15], sizes = [1], strides = [1]} : vector<16xi32> to vector<1xi32>
      %squeeze3A_1785 = vector.extract %slice3A_1784[0] : i32 from vector<1xi32>
      %swap3A_1786 = arith.constant 127 : i32
      %swap3A_1787 = arith.index_cast %swap3A_1786 : i32 to index
      %swap3A_1788 = memref.load %arg16[%swap3A_1787] : memref<128xi32, #tpu.memory_space<smem>>
      memref.store %squeeze3A_1785, %arg16[%swap3A_1787] : memref<128xi32, #tpu.memory_space<smem>>
      %mul3A_1789 = arith.constant 128 : i32
      %mul3A_1790 = arith.muli %add3A_1076, %mul3A_1789 : i32
      %add3A_1791 = arith.addi %mul3A_189, %mul3A_1790 : i32
      %get3A_1792 = arith.constant 0 : i32
      %get3A_1793 = arith.constant 0 : i32
      %get3A_1794 = arith.constant 0 : i32
      %get3A_1795 = tpu.memref_slice %arg14[%get3A_1793, %get3A_1794] : memref<4x128xf32, #tpu.memory_space<vmem>> -> memref<2x128xf32, #tpu.memory_space<vmem>>
      %get3A_1796 = arith.index_cast %get3A_1792 : i32 to index
      %get3A_1797 = arith.constant 0 : index
      %get3A_1798 = tpu.vector_load %get3A_1795[%get3A_1796, %get3A_1797] {strides = array<i32>} : memref<2x128xf32, #tpu.memory_space<vmem>>, vector<1x16xf32>,
      %get3A_1799 = vector.shape_cast %get3A_1798 : vector<1x16xf32> to vector<16xf32>
      %get3A_1800 = arith.constant 0 : i32
      %get3A_1801 = arith.constant 0 : i32
      %get3A_1802 = arith.constant 0 : i32
      %get3A_1803 = tpu.memref_slice %arg14[%get3A_1801, %get3A_1802] : memref<4x128xf32, #tpu.memory_space<vmem>> -> memref<2x128xf32, #tpu.memory_space<vmem>>
      %get3A_1804 = arith.index_cast %get3A_1800 : i32 to index
      %get3A_1805 = arith.constant 16 : index
      %get3A_1806 = tpu.vector_load %get3A_1803[%get3A_1804, %get3A_1805] {strides = array<i32>} : memref<2x128xf32, #tpu.memory_space<vmem>>, vector<1x16xf32>,
      %get3A_1807 = vector.shape_cast %get3A_1806 : vector<1x16xf32> to vector<16xf32>
      %get3A_1808 = arith.constant 0 : i32
      %get3A_1809 = arith.constant 0 : i32
      %get3A_1810 = arith.constant 0 : i32
      %get3A_1811 = tpu.memref_slice %arg14[%get3A_1809, %get3A_1810] : memref<4x128xf32, #tpu.memory_space<vmem>> -> memref<2x128xf32, #tpu.memory_space<vmem>>
      %get3A_1812 = arith.index_cast %get3A_1808 : i32 to index
      %get3A_1813 = arith.constant 32 : index
      %get3A_1814 = tpu.vector_load %get3A_1811[%get3A_1812, %get3A_1813] {strides = array<i32>} : memref<2x128xf32, #tpu.memory_space<vmem>>, vector<1x16xf32>,
      %get3A_1815 = vector.shape_cast %get3A_1814 : vector<1x16xf32> to vector<16xf32>
      %get3A_1816 = arith.constant 0 : i32
      %get3A_1817 = arith.constant 0 : i32
      %get3A_1818 = arith.constant 0 : i32
      %get3A_1819 = tpu.memref_slice %arg14[%get3A_1817, %get3A_1818] : memref<4x128xf32, #tpu.memory_space<vmem>> -> memref<2x128xf32, #tpu.memory_space<vmem>>
      %get3A_1820 = arith.index_cast %get3A_1816 : i32 to index
      %get3A_1821 = arith.constant 48 : index
      %get3A_1822 = tpu.vector_load %get3A_1819[%get3A_1820, %get3A_1821] {strides = array<i32>} : memref<2x128xf32, #tpu.memory_space<vmem>>, vector<1x16xf32>,
      %get3A_1823 = vector.shape_cast %get3A_1822 : vector<1x16xf32> to vector<16xf32>
      %get3A_1824 = arith.constant 0 : i32
      %get3A_1825 = arith.constant 0 : i32
      %get3A_1826 = arith.constant 0 : i32
      %get3A_1827 = tpu.memref_slice %arg14[%get3A_1825, %get3A_1826] : memref<4x128xf32, #tpu.memory_space<vmem>> -> memref<2x128xf32, #tpu.memory_space<vmem>>
      %get3A_1828 = arith.index_cast %get3A_1824 : i32 to index
      %get3A_1829 = arith.constant 64 : index
      %get3A_1830 = tpu.vector_load %get3A_1827[%get3A_1828, %get3A_1829] {strides = array<i32>} : memref<2x128xf32, #tpu.memory_space<vmem>>, vector<1x16xf32>,
      %get3A_1831 = vector.shape_cast %get3A_1830 : vector<1x16xf32> to vector<16xf32>
      %get3A_1832 = arith.constant 0 : i32
      %get3A_1833 = arith.constant 0 : i32
      %get3A_1834 = arith.constant 0 : i32
      %get3A_1835 = tpu.memref_slice %arg14[%get3A_1833, %get3A_1834] : memref<4x128xf32, #tpu.memory_space<vmem>> -> memref<2x128xf32, #tpu.memory_space<vmem>>
      %get3A_1836 = arith.index_cast %get3A_1832 : i32 to index
      %get3A_1837 = arith.constant 80 : index
      %get3A_1838 = tpu.vector_load %get3A_1835[%get3A_1836, %get3A_1837] {strides = array<i32>} : memref<2x128xf32, #tpu.memory_space<vmem>>, vector<1x16xf32>,
      %get3A_1839 = vector.shape_cast %get3A_1838 : vector<1x16xf32> to vector<16xf32>
      %get3A_1840 = arith.constant 0 : i32
      %get3A_1841 = arith.constant 0 : i32
      %get3A_1842 = arith.constant 0 : i32
      %get3A_1843 = tpu.memref_slice %arg14[%get3A_1841, %get3A_1842] : memref<4x128xf32, #tpu.memory_space<vmem>> -> memref<2x128xf32, #tpu.memory_space<vmem>>
      %get3A_1844 = arith.index_cast %get3A_1840 : i32 to index
      %get3A_1845 = arith.constant 96 : index
      %get3A_1846 = tpu.vector_load %get3A_1843[%get3A_1844, %get3A_1845] {strides = array<i32>} : memref<2x128xf32, #tpu.memory_space<vmem>>, vector<1x16xf32>,
      %get3A_1847 = vector.shape_cast %get3A_1846 : vector<1x16xf32> to vector<16xf32>
      %get3A_1848 = arith.constant 0 : i32
      %get3A_1849 = arith.constant 0 : i32
      %get3A_1850 = arith.constant 0 : i32
      %get3A_1851 = tpu.memref_slice %arg14[%get3A_1849, %get3A_1850] : memref<4x128xf32, #tpu.memory_space<vmem>> -> memref<2x128xf32, #tpu.memory_space<vmem>>
      %get3A_1852 = arith.index_cast %get3A_1848 : i32 to index
      %get3A_1853 = arith.constant 112 : index
      %get3A_1854 = tpu.vector_load %get3A_1851[%get3A_1852, %get3A_1853] {strides = array<i32>} : memref<2x128xf32, #tpu.memory_space<vmem>>, vector<1x16xf32>,
      %get3A_1855 = vector.shape_cast %get3A_1854 : vector<1x16xf32> to vector<16xf32>
      %get3A_1856 = arith.constant 1 : i32
      %get3A_1857 = arith.constant 0 : i32
      %get3A_1858 = arith.constant 0 : i32
      %get3A_1859 = tpu.memref_slice %arg14[%get3A_1857, %get3A_1858] : memref<4x128xf32, #tpu.memory_space<vmem>> -> memref<2x128xf32, #tpu.memory_space<vmem>>
      %get3A_1860 = arith.index_cast %get3A_1856 : i32 to index
      %get3A_1861 = arith.constant 0 : index
      %get3A_1862 = tpu.vector_load %get3A_1859[%get3A_1860, %get3A_1861] {strides = array<i32>} : memref<2x128xf32, #tpu.memory_space<vmem>>, vector<1x16xf32>,
      %get3A_1863 = vector.shape_cast %get3A_1862 : vector<1x16xf32> to vector<16xf32>
      %get3A_1864 = arith.constant 1 : i32
      %get3A_1865 = arith.constant 0 : i32
      %get3A_1866 = arith.constant 0 : i32
      %get3A_1867 = tpu.memref_slice %arg14[%get3A_1865, %get3A_1866] : memref<4x128xf32, #tpu.memory_space<vmem>> -> memref<2x128xf32, #tpu.memory_space<vmem>>
      %get3A_1868 = arith.index_cast %get3A_1864 : i32 to index
      %get3A_1869 = arith.constant 16 : index
      %get3A_1870 = tpu.vector_load %get3A_1867[%get3A_1868, %get3A_1869] {strides = array<i32>} : memref<2x128xf32, #tpu.memory_space<vmem>>, vector<1x16xf32>,
      %get3A_1871 = vector.shape_cast %get3A_1870 : vector<1x16xf32> to vector<16xf32>
      %get3A_1872 = arith.constant 1 : i32
      %get3A_1873 = arith.constant 0 : i32
      %get3A_1874 = arith.constant 0 : i32
      %get3A_1875 = tpu.memref_slice %arg14[%get3A_1873, %get3A_1874] : memref<4x128xf32, #tpu.memory_space<vmem>> -> memref<2x128xf32, #tpu.memory_space<vmem>>
      %get3A_1876 = arith.index_cast %get3A_1872 : i32 to index
      %get3A_1877 = arith.constant 32 : index
      %get3A_1878 = tpu.vector_load %get3A_1875[%get3A_1876, %get3A_1877] {strides = array<i32>} : memref<2x128xf32, #tpu.memory_space<vmem>>, vector<1x16xf32>,
      %get3A_1879 = vector.shape_cast %get3A_1878 : vector<1x16xf32> to vector<16xf32>
      %get3A_1880 = arith.constant 1 : i32
      %get3A_1881 = arith.constant 0 : i32
      %get3A_1882 = arith.constant 0 : i32
      %get3A_1883 = tpu.memref_slice %arg14[%get3A_1881, %get3A_1882] : memref<4x128xf32, #tpu.memory_space<vmem>> -> memref<2x128xf32, #tpu.memory_space<vmem>>
      %get3A_1884 = arith.index_cast %get3A_1880 : i32 to index
      %get3A_1885 = arith.constant 48 : index
      %get3A_1886 = tpu.vector_load %get3A_1883[%get3A_1884, %get3A_1885] {strides = array<i32>} : memref<2x128xf32, #tpu.memory_space<vmem>>, vector<1x16xf32>,
      %get3A_1887 = vector.shape_cast %get3A_1886 : vector<1x16xf32> to vector<16xf32>
      %get3A_1888 = arith.constant 1 : i32
      %get3A_1889 = arith.constant 0 : i32
      %get3A_1890 = arith.constant 0 : i32
      %get3A_1891 = tpu.memref_slice %arg14[%get3A_1889, %get3A_1890] : memref<4x128xf32, #tpu.memory_space<vmem>> -> memref<2x128xf32, #tpu.memory_space<vmem>>
      %get3A_1892 = arith.index_cast %get3A_1888 : i32 to index
      %get3A_1893 = arith.constant 64 : index
      %get3A_1894 = tpu.vector_load %get3A_1891[%get3A_1892, %get3A_1893] {strides = array<i32>} : memref<2x128xf32, #tpu.memory_space<vmem>>, vector<1x16xf32>,
      %get3A_1895 = vector.shape_cast %get3A_1894 : vector<1x16xf32> to vector<16xf32>
      %get3A_1896 = arith.constant 1 : i32
      %get3A_1897 = arith.constant 0 : i32
      %get3A_1898 = arith.constant 0 : i32
      %get3A_1899 = tpu.memref_slice %arg14[%get3A_1897, %get3A_1898] : memref<4x128xf32, #tpu.memory_space<vmem>> -> memref<2x128xf32, #tpu.memory_space<vmem>>
      %get3A_1900 = arith.index_cast %get3A_1896 : i32 to index
      %get3A_1901 = arith.constant 80 : index
      %get3A_1902 = tpu.vector_load %get3A_1899[%get3A_1900, %get3A_1901] {strides = array<i32>} : memref<2x128xf32, #tpu.memory_space<vmem>>, vector<1x16xf32>,
      %get3A_1903 = vector.shape_cast %get3A_1902 : vector<1x16xf32> to vector<16xf32>
      %get3A_1904 = arith.constant 1 : i32
      %get3A_1905 = arith.constant 0 : i32
      %get3A_1906 = arith.constant 0 : i32
      %get3A_1907 = tpu.memref_slice %arg14[%get3A_1905, %get3A_1906] : memref<4x128xf32, #tpu.memory_space<vmem>> -> memref<2x128xf32, #tpu.memory_space<vmem>>
      %get3A_1908 = arith.index_cast %get3A_1904 : i32 to index
      %get3A_1909 = arith.constant 96 : index
      %get3A_1910 = tpu.vector_load %get3A_1907[%get3A_1908, %get3A_1909] {strides = array<i32>} : memref<2x128xf32, #tpu.memory_space<vmem>>, vector<1x16xf32>,
      %get3A_1911 = vector.shape_cast %get3A_1910 : vector<1x16xf32> to vector<16xf32>
      %get3A_1912 = arith.constant 1 : i32
      %get3A_1913 = arith.constant 0 : i32
      %get3A_1914 = arith.constant 0 : i32
      %get3A_1915 = tpu.memref_slice %arg14[%get3A_1913, %get3A_1914] : memref<4x128xf32, #tpu.memory_space<vmem>> -> memref<2x128xf32, #tpu.memory_space<vmem>>
      %get3A_1916 = arith.index_cast %get3A_1912 : i32 to index
      %get3A_1917 = arith.constant 112 : index
      %get3A_1918 = tpu.vector_load %get3A_1915[%get3A_1916, %get3A_1917] {strides = array<i32>} : memref<2x128xf32, #tpu.memory_space<vmem>>, vector<1x16xf32>,
      %get3A_1919 = vector.shape_cast %get3A_1918 : vector<1x16xf32> to vector<16xf32>
      %parallel_loop3A_1920 = arith.constant 0 : i32
      %parallel_loop3A_1921 = arith.constant 128 : i32
      %parallel_loop3A_1922 = arith.constant 1 : i32
      %parallel_loop3A_1923:16 = scf.for %parallel_loop3A_1941 = %parallel_loop3A_1920 to %parallel_loop3A_1921 step %parallel_loop3A_1922 iter_args(%parallel_loop3A_1942 = %get3A_1799, %parallel_loop3A_1943 = %get3A_1807, %parallel_loop3A_1944 = %get3A_1815, %parallel_loop3A_1945 = %get3A_1823, %parallel_loop3A_1946 = %get3A_1831, %parallel_loop3A_1947 = %get3A_1839, %parallel_loop3A_1948 = %get3A_1847, %parallel_loop3A_1949 = %get3A_1855, %parallel_loop3A_1950 = %get3A_1863, %parallel_loop3A_1951 = %get3A_1871, %parallel_loop3A_1952 = %get3A_1879, %parallel_loop3A_1953 = %get3A_1887, %parallel_loop3A_1954 = %get3A_1895, %parallel_loop3A_1955 = %get3A_1903, %parallel_loop3A_1956 = %get3A_1911, %parallel_loop3A_1957 = %get3A_1919) -> (vector<16xf32>, vector<16xf32>, vector<16xf32>, vector<16xf32>, vector<16xf32>, vector<16xf32>, vector<16xf32>, vector<16xf32>, vector<16xf32>, vector<16xf32>, vector<16xf32>, vector<16xf32>, vector<16xf32>, vector<16xf32>, vector<16xf32>, vector<16xf32>)  : i32 {
        %parallel_loop3A_1958 = arith.addi %add3A_1791, %parallel_loop3A_1941 : i32
        %parallel_loop3A_1959 = arith.constant 200 : i32
        %parallel_loop3A_1960 = arith.remsi %parallel_loop3A_1958, %parallel_loop3A_1959 : i32
        %parallel_loop3A_1961 = arith.index_cast %parallel_loop3A_1941 : i32 to index
        %parallel_loop3A_1962 = memref.load %arg16[%parallel_loop3A_1961] : memref<128xi32, #tpu.memory_space<smem>>
        %parallel_loop3A_1963 = arith.constant 200 : i32
        %parallel_loop3A_1964 = arith.muli %parallel_loop3A_1962, %parallel_loop3A_1963 : i32
        %parallel_loop3A_1965 = arith.addi %parallel_loop3A_1964, %parallel_loop3A_1960 : i32
        %parallel_loop3A_1966 = arith.index_cast %parallel_loop3A_1941 : i32 to index
        %parallel_loop3A_1967 = arith.constant 0 : index
        %parallel_loop3A_1968 = tpu.vector_load %arg10[%parallel_loop3A_1966, %parallel_loop3A_1967] {strides = array<i32>} : memref<128x128xf32, #tpu.memory_space<vmem>>, vector<1x16xf32>,
        %parallel_loop3A_1969 = vector.shape_cast %parallel_loop3A_1968 : vector<1x16xf32> to vector<16xf32>
        %parallel_loop3A_1970 = arith.index_cast %parallel_loop3A_1965 : i32 to index
        %parallel_loop3A_1971 = arith.constant 0 : index
        %parallel_loop3A_1972 = tpu.vector_load %arg13[%parallel_loop3A_1970, %parallel_loop3A_1971] {strides = array<i32>} : memref<400x128xf32, #tpu.memory_space<vmem>>, vector<1x16xf32>,
        %parallel_loop3A_1973 = vector.shape_cast %parallel_loop3A_1972 : vector<1x16xf32> to vector<16xf32>
        %parallel_loop3A_1974 = arith.addf %parallel_loop3A_1969, %parallel_loop3A_1973 : vector<16xf32>
        %parallel_loop3A_1975 = arith.index_cast %parallel_loop3A_1941 : i32 to index
        %parallel_loop3A_1976 = arith.constant 16 : index
        %parallel_loop3A_1977 = tpu.vector_load %arg10[%parallel_loop3A_1975, %parallel_loop3A_1976] {strides = array<i32>} : memref<128x128xf32, #tpu.memory_space<vmem>>, vector<1x16xf32>,
        %parallel_loop3A_1978 = vector.shape_cast %parallel_loop3A_1977 : vector<1x16xf32> to vector<16xf32>
        %parallel_loop3A_1979 = arith.index_cast %parallel_loop3A_1965 : i32 to index
        %parallel_loop3A_1980 = arith.constant 16 : index
        %parallel_loop3A_1981 = tpu.vector_load %arg13[%parallel_loop3A_1979, %parallel_loop3A_1980] {strides = array<i32>} : memref<400x128xf32, #tpu.memory_space<vmem>>, vector<1x16xf32>,
        %parallel_loop3A_1982 = vector.shape_cast %parallel_loop3A_1981 : vector<1x16xf32> to vector<16xf32>
        %parallel_loop3A_1983 = arith.addf %parallel_loop3A_1978, %parallel_loop3A_1982 : vector<16xf32>
        %parallel_loop3A_1984 = arith.index_cast %parallel_loop3A_1941 : i32 to index
        %parallel_loop3A_1985 = arith.constant 32 : index
        %parallel_loop3A_1986 = tpu.vector_load %arg10[%parallel_loop3A_1984, %parallel_loop3A_1985] {strides = array<i32>} : memref<128x128xf32, #tpu.memory_space<vmem>>, vector<1x16xf32>,
        %parallel_loop3A_1987 = vector.shape_cast %parallel_loop3A_1986 : vector<1x16xf32> to vector<16xf32>
        %parallel_loop3A_1988 = arith.index_cast %parallel_loop3A_1965 : i32 to index
        %parallel_loop3A_1989 = arith.constant 32 : index
        %parallel_loop3A_1990 = tpu.vector_load %arg13[%parallel_loop3A_1988, %parallel_loop3A_1989] {strides = array<i32>} : memref<400x128xf32, #tpu.memory_space<vmem>>, vector<1x16xf32>,
        %parallel_loop3A_1991 = vector.shape_cast %parallel_loop3A_1990 : vector<1x16xf32> to vector<16xf32>
        %parallel_loop3A_1992 = arith.addf %parallel_loop3A_1987, %parallel_loop3A_1991 : vector<16xf32>
        %parallel_loop3A_1993 = arith.index_cast %parallel_loop3A_1941 : i32 to index
        %parallel_loop3A_1994 = arith.constant 48 : index
        %parallel_loop3A_1995 = tpu.vector_load %arg10[%parallel_loop3A_1993, %parallel_loop3A_1994] {strides = array<i32>} : memref<128x128xf32, #tpu.memory_space<vmem>>, vector<1x16xf32>,
        %parallel_loop3A_1996 = vector.shape_cast %parallel_loop3A_1995 : vector<1x16xf32> to vector<16xf32>
        %parallel_loop3A_1997 = arith.index_cast %parallel_loop3A_1965 : i32 to index
        %parallel_loop3A_1998 = arith.constant 48 : index
        %parallel_loop3A_1999 = tpu.vector_load %arg13[%parallel_loop3A_1997, %parallel_loop3A_1998] {strides = array<i32>} : memref<400x128xf32, #tpu.memory_space<vmem>>, vector<1x16xf32>,
        %parallel_loop3A_2000 = vector.shape_cast %parallel_loop3A_1999 : vector<1x16xf32> to vector<16xf32>
        %parallel_loop3A_2001 = arith.addf %parallel_loop3A_1996, %parallel_loop3A_2000 : vector<16xf32>
        %parallel_loop3A_2002 = arith.index_cast %parallel_loop3A_1941 : i32 to index
        %parallel_loop3A_2003 = arith.constant 64 : index
        %parallel_loop3A_2004 = tpu.vector_load %arg10[%parallel_loop3A_2002, %parallel_loop3A_2003] {strides = array<i32>} : memref<128x128xf32, #tpu.memory_space<vmem>>, vector<1x16xf32>,
        %parallel_loop3A_2005 = vector.shape_cast %parallel_loop3A_2004 : vector<1x16xf32> to vector<16xf32>
        %parallel_loop3A_2006 = arith.index_cast %parallel_loop3A_1965 : i32 to index
        %parallel_loop3A_2007 = arith.constant 64 : index
        %parallel_loop3A_2008 = tpu.vector_load %arg13[%parallel_loop3A_2006, %parallel_loop3A_2007] {strides = array<i32>} : memref<400x128xf32, #tpu.memory_space<vmem>>, vector<1x16xf32>,
        %parallel_loop3A_2009 = vector.shape_cast %parallel_loop3A_2008 : vector<1x16xf32> to vector<16xf32>
        %parallel_loop3A_2010 = arith.addf %parallel_loop3A_2005, %parallel_loop3A_2009 : vector<16xf32>
        %parallel_loop3A_2011 = arith.index_cast %parallel_loop3A_1941 : i32 to index
        %parallel_loop3A_2012 = arith.constant 80 : index
        %parallel_loop3A_2013 = tpu.vector_load %arg10[%parallel_loop3A_2011, %parallel_loop3A_2012] {strides = array<i32>} : memref<128x128xf32, #tpu.memory_space<vmem>>, vector<1x16xf32>,
        %parallel_loop3A_2014 = vector.shape_cast %parallel_loop3A_2013 : vector<1x16xf32> to vector<16xf32>
        %parallel_loop3A_2015 = arith.index_cast %parallel_loop3A_1965 : i32 to index
        %parallel_loop3A_2016 = arith.constant 80 : index
        %parallel_loop3A_2017 = tpu.vector_load %arg13[%parallel_loop3A_2015, %parallel_loop3A_2016] {strides = array<i32>} : memref<400x128xf32, #tpu.memory_space<vmem>>, vector<1x16xf32>,
        %parallel_loop3A_2018 = vector.shape_cast %parallel_loop3A_2017 : vector<1x16xf32> to vector<16xf32>
        %parallel_loop3A_2019 = arith.addf %parallel_loop3A_2014, %parallel_loop3A_2018 : vector<16xf32>
        %parallel_loop3A_2020 = arith.index_cast %parallel_loop3A_1941 : i32 to index
        %parallel_loop3A_2021 = arith.constant 96 : index
        %parallel_loop3A_2022 = tpu.vector_load %arg10[%parallel_loop3A_2020, %parallel_loop3A_2021] {strides = array<i32>} : memref<128x128xf32, #tpu.memory_space<vmem>>, vector<1x16xf32>,
        %parallel_loop3A_2023 = vector.shape_cast %parallel_loop3A_2022 : vector<1x16xf32> to vector<16xf32>
        %parallel_loop3A_2024 = arith.index_cast %parallel_loop3A_1965 : i32 to index
        %parallel_loop3A_2025 = arith.constant 96 : index
        %parallel_loop3A_2026 = tpu.vector_load %arg13[%parallel_loop3A_2024, %parallel_loop3A_2025] {strides = array<i32>} : memref<400x128xf32, #tpu.memory_space<vmem>>, vector<1x16xf32>,
        %parallel_loop3A_2027 = vector.shape_cast %parallel_loop3A_2026 : vector<1x16xf32> to vector<16xf32>
        %parallel_loop3A_2028 = arith.addf %parallel_loop3A_2023, %parallel_loop3A_2027 : vector<16xf32>
        %parallel_loop3A_2029 = arith.index_cast %parallel_loop3A_1941 : i32 to index
        %parallel_loop3A_2030 = arith.constant 112 : index
        %parallel_loop3A_2031 = tpu.vector_load %arg10[%parallel_loop3A_2029, %parallel_loop3A_2030] {strides = array<i32>} : memref<128x128xf32, #tpu.memory_space<vmem>>, vector<1x16xf32>,
        %parallel_loop3A_2032 = vector.shape_cast %parallel_loop3A_2031 : vector<1x16xf32> to vector<16xf32>
        %parallel_loop3A_2033 = arith.index_cast %parallel_loop3A_1965 : i32 to index
        %parallel_loop3A_2034 = arith.constant 112 : index
        %parallel_loop3A_2035 = tpu.vector_load %arg13[%parallel_loop3A_2033, %parallel_loop3A_2034] {strides = array<i32>} : memref<400x128xf32, #tpu.memory_space<vmem>>, vector<1x16xf32>,
        %parallel_loop3A_2036 = vector.shape_cast %parallel_loop3A_2035 : vector<1x16xf32> to vector<16xf32>
        %parallel_loop3A_2037 = arith.addf %parallel_loop3A_2032, %parallel_loop3A_2036 : vector<16xf32>
        %parallel_loop3A_2038 = arith.addf %parallel_loop3A_1974, %parallel_loop3A_1983 : vector<16xf32>
        %parallel_loop3A_2039 = arith.addf %parallel_loop3A_1992, %parallel_loop3A_2001 : vector<16xf32>
        %parallel_loop3A_2040 = arith.addf %parallel_loop3A_2010, %parallel_loop3A_2019 : vector<16xf32>
        %parallel_loop3A_2041 = arith.addf %parallel_loop3A_2028, %parallel_loop3A_2037 : vector<16xf32>
        %parallel_loop3A_2042 = arith.addf %parallel_loop3A_2038, %parallel_loop3A_2039 : vector<16xf32>
        %parallel_loop3A_2043 = arith.addf %parallel_loop3A_2040, %parallel_loop3A_2041 : vector<16xf32>
        %parallel_loop3A_2044 = arith.addf %parallel_loop3A_2042, %parallel_loop3A_2043 : vector<16xf32>
        %parallel_loop3A_2045 = arith.mulf %parallel_loop3A_1974, %parallel_loop3A_1974 : vector<16xf32>
        %parallel_loop3A_2046 = arith.mulf %parallel_loop3A_1983, %parallel_loop3A_1983 : vector<16xf32>
        %parallel_loop3A_2047 = arith.addf %parallel_loop3A_2045, %parallel_loop3A_2046 : vector<16xf32>
        %parallel_loop3A_2048 = arith.mulf %parallel_loop3A_1992, %parallel_loop3A_1992 : vector<16xf32>
        %parallel_loop3A_2049 = arith.mulf %parallel_loop3A_2001, %parallel_loop3A_2001 : vector<16xf32>
        %parallel_loop3A_2050 = arith.addf %parallel_loop3A_2048, %parallel_loop3A_2049 : vector<16xf32>
        %parallel_loop3A_2051 = arith.mulf %parallel_loop3A_2010, %parallel_loop3A_2010 : vector<16xf32>
        %parallel_loop3A_2052 = arith.mulf %parallel_loop3A_2019, %parallel_loop3A_2019 : vector<16xf32>
        %parallel_loop3A_2053 = arith.addf %parallel_loop3A_2051, %parallel_loop3A_2052 : vector<16xf32>
        %parallel_loop3A_2054 = arith.mulf %parallel_loop3A_2028, %parallel_loop3A_2028 : vector<16xf32>
        %parallel_loop3A_2055 = arith.mulf %parallel_loop3A_2037, %parallel_loop3A_2037 : vector<16xf32>
        %parallel_loop3A_2056 = arith.addf %parallel_loop3A_2054, %parallel_loop3A_2055 : vector<16xf32>
        %parallel_loop3A_2057 = arith.addf %parallel_loop3A_2047, %parallel_loop3A_2050 : vector<16xf32>
        %parallel_loop3A_2058 = arith.addf %parallel_loop3A_2053, %parallel_loop3A_2056 : vector<16xf32>
        %parallel_loop3A_2059 = arith.addf %parallel_loop3A_2057, %parallel_loop3A_2058 : vector<16xf32>
        %parallel_loop3A_2060 = tpu.iota {dimensions = array<i32: 0>} : vector<16xi32>
        %parallel_loop3A_2061 = arith.constant 1 : i32
        %parallel_loop3A_2062 = vector.broadcast %parallel_loop3A_2061 : i32 to vector<16xi32>
        %parallel_loop3A_2063 = arith.xori %parallel_loop3A_2060, %parallel_loop3A_2062 : vector<16xi32>
        %parallel_loop3A_2064 = arith.constant 0 : i32
        %parallel_loop3A_2065 = vector.broadcast %parallel_loop3A_2064 : i32 to vector<16xi32>
        %parallel_loop3A_2066 = arith.cmpi slt, %parallel_loop3A_2063, %parallel_loop3A_2065 : vector<16xi32>
        %parallel_loop3A_2067 = arith.constant 16 : i32
        %parallel_loop3A_2068 = vector.broadcast %parallel_loop3A_2067 : i32 to vector<16xi32>
        %parallel_loop3A_2069 = arith.addi %parallel_loop3A_2063, %parallel_loop3A_2068 : vector<16xi32>
        %parallel_loop3A_2070 = arith.select %parallel_loop3A_2066, %parallel_loop3A_2069, %parallel_loop3A_2063 : vector<16xi1>, vector<16xi32>
        %parallel_loop3A_2071 = vector.shape_cast %parallel_loop3A_2070 : vector<16xi32> to vector<16x1xi32>
        %parallel_loop3A_2072 = vector.shape_cast %parallel_loop3A_2071 : vector<16x1xi32> to vector<16xi32>
        %parallel_loop3A_2073 = tpu.dynamic_gather %parallel_loop3A_2044[%parallel_loop3A_2072] in [0] : vector<16xf32>, vector<16xi32> -> vector<16xf32>
        %parallel_loop3A_2074 = arith.addf %parallel_loop3A_2044, %parallel_loop3A_2073 : vector<16xf32>
        %parallel_loop3A_2075 = arith.constant 2 : i32
        %parallel_loop3A_2076 = vector.broadcast %parallel_loop3A_2075 : i32 to vector<16xi32>
        %parallel_loop3A_2077 = arith.xori %parallel_loop3A_2060, %parallel_loop3A_2076 : vector<16xi32>
        %parallel_loop3A_2078 = arith.constant 0 : i32
        %parallel_loop3A_2079 = vector.broadcast %parallel_loop3A_2078 : i32 to vector<16xi32>
        %parallel_loop3A_2080 = arith.cmpi slt, %parallel_loop3A_2077, %parallel_loop3A_2079 : vector<16xi32>
        %parallel_loop3A_2081 = arith.constant 16 : i32
        %parallel_loop3A_2082 = vector.broadcast %parallel_loop3A_2081 : i32 to vector<16xi32>
        %parallel_loop3A_2083 = arith.addi %parallel_loop3A_2077, %parallel_loop3A_2082 : vector<16xi32>
        %parallel_loop3A_2084 = arith.select %parallel_loop3A_2080, %parallel_loop3A_2083, %parallel_loop3A_2077 : vector<16xi1>, vector<16xi32>
        %parallel_loop3A_2085 = vector.shape_cast %parallel_loop3A_2084 : vector<16xi32> to vector<16x1xi32>
        %parallel_loop3A_2086 = vector.shape_cast %parallel_loop3A_2085 : vector<16x1xi32> to vector<16xi32>
        %parallel_loop3A_2087 = tpu.dynamic_gather %parallel_loop3A_2074[%parallel_loop3A_2086] in [0] : vector<16xf32>, vector<16xi32> -> vector<16xf32>
        %parallel_loop3A_2088 = arith.addf %parallel_loop3A_2074, %parallel_loop3A_2087 : vector<16xf32>
        %parallel_loop3A_2089 = arith.constant 4 : i32
        %parallel_loop3A_2090 = vector.broadcast %parallel_loop3A_2089 : i32 to vector<16xi32>
        %parallel_loop3A_2091 = arith.xori %parallel_loop3A_2060, %parallel_loop3A_2090 : vector<16xi32>
        %parallel_loop3A_2092 = arith.constant 0 : i32
        %parallel_loop3A_2093 = vector.broadcast %parallel_loop3A_2092 : i32 to vector<16xi32>
        %parallel_loop3A_2094 = arith.cmpi slt, %parallel_loop3A_2091, %parallel_loop3A_2093 : vector<16xi32>
        %parallel_loop3A_2095 = arith.constant 16 : i32
        %parallel_loop3A_2096 = vector.broadcast %parallel_loop3A_2095 : i32 to vector<16xi32>
        %parallel_loop3A_2097 = arith.addi %parallel_loop3A_2091, %parallel_loop3A_2096 : vector<16xi32>
        %parallel_loop3A_2098 = arith.select %parallel_loop3A_2094, %parallel_loop3A_2097, %parallel_loop3A_2091 : vector<16xi1>, vector<16xi32>
        %parallel_loop3A_2099 = vector.shape_cast %parallel_loop3A_2098 : vector<16xi32> to vector<16x1xi32>
        %parallel_loop3A_2100 = vector.shape_cast %parallel_loop3A_2099 : vector<16x1xi32> to vector<16xi32>
        %parallel_loop3A_2101 = tpu.dynamic_gather %parallel_loop3A_2088[%parallel_loop3A_2100] in [0] : vector<16xf32>, vector<16xi32> -> vector<16xf32>
        %parallel_loop3A_2102 = arith.addf %parallel_loop3A_2088, %parallel_loop3A_2101 : vector<16xf32>
        %parallel_loop3A_2103 = arith.constant 8 : i32
        %parallel_loop3A_2104 = vector.broadcast %parallel_loop3A_2103 : i32 to vector<16xi32>
        %parallel_loop3A_2105 = arith.xori %parallel_loop3A_2060, %parallel_loop3A_2104 : vector<16xi32>
        %parallel_loop3A_2106 = arith.constant 0 : i32
        %parallel_loop3A_2107 = vector.broadcast %parallel_loop3A_2106 : i32 to vector<16xi32>
        %parallel_loop3A_2108 = arith.cmpi slt, %parallel_loop3A_2105, %parallel_loop3A_2107 : vector<16xi32>
        %parallel_loop3A_2109 = arith.constant 16 : i32
        %parallel_loop3A_2110 = vector.broadcast %parallel_loop3A_2109 : i32 to vector<16xi32>
        %parallel_loop3A_2111 = arith.addi %parallel_loop3A_2105, %parallel_loop3A_2110 : vector<16xi32>
        %parallel_loop3A_2112 = arith.select %parallel_loop3A_2108, %parallel_loop3A_2111, %parallel_loop3A_2105 : vector<16xi1>, vector<16xi32>
        %parallel_loop3A_2113 = vector.shape_cast %parallel_loop3A_2112 : vector<16xi32> to vector<16x1xi32>
        %parallel_loop3A_2114 = vector.shape_cast %parallel_loop3A_2113 : vector<16x1xi32> to vector<16xi32>
        %parallel_loop3A_2115 = tpu.dynamic_gather %parallel_loop3A_2102[%parallel_loop3A_2114] in [0] : vector<16xf32>, vector<16xi32> -> vector<16xf32>
        %parallel_loop3A_2116 = arith.addf %parallel_loop3A_2102, %parallel_loop3A_2115 : vector<16xf32>
        %parallel_loop3A_2117 = arith.constant 7.812500e-03 : f32
        %parallel_loop3A_2118 = vector.broadcast %parallel_loop3A_2117 : f32 to vector<16xf32>
        %parallel_loop3A_2119 = arith.mulf %parallel_loop3A_2116, %parallel_loop3A_2118 : vector<16xf32>
        %parallel_loop3A_2120 = tpu.iota {dimensions = array<i32: 0>} : vector<16xi32>
        %parallel_loop3A_2121 = arith.constant 1 : i32
        %parallel_loop3A_2122 = vector.broadcast %parallel_loop3A_2121 : i32 to vector<16xi32>
        %parallel_loop3A_2123 = arith.xori %parallel_loop3A_2120, %parallel_loop3A_2122 : vector<16xi32>
        %parallel_loop3A_2124 = arith.constant 0 : i32
        %parallel_loop3A_2125 = vector.broadcast %parallel_loop3A_2124 : i32 to vector<16xi32>
        %parallel_loop3A_2126 = arith.cmpi slt, %parallel_loop3A_2123, %parallel_loop3A_2125 : vector<16xi32>
        %parallel_loop3A_2127 = arith.constant 16 : i32
        %parallel_loop3A_2128 = vector.broadcast %parallel_loop3A_2127 : i32 to vector<16xi32>
        %parallel_loop3A_2129 = arith.addi %parallel_loop3A_2123, %parallel_loop3A_2128 : vector<16xi32>
        %parallel_loop3A_2130 = arith.select %parallel_loop3A_2126, %parallel_loop3A_2129, %parallel_loop3A_2123 : vector<16xi1>, vector<16xi32>
        %parallel_loop3A_2131 = vector.shape_cast %parallel_loop3A_2130 : vector<16xi32> to vector<16x1xi32>
        %parallel_loop3A_2132 = vector.shape_cast %parallel_loop3A_2131 : vector<16x1xi32> to vector<16xi32>
        %parallel_loop3A_2133 = tpu.dynamic_gather %parallel_loop3A_2059[%parallel_loop3A_2132] in [0] : vector<16xf32>, vector<16xi32> -> vector<16xf32>
        %parallel_loop3A_2134 = arith.addf %parallel_loop3A_2059, %parallel_loop3A_2133 : vector<16xf32>
        %parallel_loop3A_2135 = arith.constant 2 : i32
        %parallel_loop3A_2136 = vector.broadcast %parallel_loop3A_2135 : i32 to vector<16xi32>
        %parallel_loop3A_2137 = arith.xori %parallel_loop3A_2120, %parallel_loop3A_2136 : vector<16xi32>
        %parallel_loop3A_2138 = arith.constant 0 : i32
        %parallel_loop3A_2139 = vector.broadcast %parallel_loop3A_2138 : i32 to vector<16xi32>
        %parallel_loop3A_2140 = arith.cmpi slt, %parallel_loop3A_2137, %parallel_loop3A_2139 : vector<16xi32>
        %parallel_loop3A_2141 = arith.constant 16 : i32
        %parallel_loop3A_2142 = vector.broadcast %parallel_loop3A_2141 : i32 to vector<16xi32>
        %parallel_loop3A_2143 = arith.addi %parallel_loop3A_2137, %parallel_loop3A_2142 : vector<16xi32>
        %parallel_loop3A_2144 = arith.select %parallel_loop3A_2140, %parallel_loop3A_2143, %parallel_loop3A_2137 : vector<16xi1>, vector<16xi32>
        %parallel_loop3A_2145 = vector.shape_cast %parallel_loop3A_2144 : vector<16xi32> to vector<16x1xi32>
        %parallel_loop3A_2146 = vector.shape_cast %parallel_loop3A_2145 : vector<16x1xi32> to vector<16xi32>
        %parallel_loop3A_2147 = tpu.dynamic_gather %parallel_loop3A_2134[%parallel_loop3A_2146] in [0] : vector<16xf32>, vector<16xi32> -> vector<16xf32>
        %parallel_loop3A_2148 = arith.addf %parallel_loop3A_2134, %parallel_loop3A_2147 : vector<16xf32>
        %parallel_loop3A_2149 = arith.constant 4 : i32
        %parallel_loop3A_2150 = vector.broadcast %parallel_loop3A_2149 : i32 to vector<16xi32>
        %parallel_loop3A_2151 = arith.xori %parallel_loop3A_2120, %parallel_loop3A_2150 : vector<16xi32>
        %parallel_loop3A_2152 = arith.constant 0 : i32
        %parallel_loop3A_2153 = vector.broadcast %parallel_loop3A_2152 : i32 to vector<16xi32>
        %parallel_loop3A_2154 = arith.cmpi slt, %parallel_loop3A_2151, %parallel_loop3A_2153 : vector<16xi32>
        %parallel_loop3A_2155 = arith.constant 16 : i32
        %parallel_loop3A_2156 = vector.broadcast %parallel_loop3A_2155 : i32 to vector<16xi32>
        %parallel_loop3A_2157 = arith.addi %parallel_loop3A_2151, %parallel_loop3A_2156 : vector<16xi32>
        %parallel_loop3A_2158 = arith.select %parallel_loop3A_2154, %parallel_loop3A_2157, %parallel_loop3A_2151 : vector<16xi1>, vector<16xi32>
        %parallel_loop3A_2159 = vector.shape_cast %parallel_loop3A_2158 : vector<16xi32> to vector<16x1xi32>
        %parallel_loop3A_2160 = vector.shape_cast %parallel_loop3A_2159 : vector<16x1xi32> to vector<16xi32>
        %parallel_loop3A_2161 = tpu.dynamic_gather %parallel_loop3A_2148[%parallel_loop3A_2160] in [0] : vector<16xf32>, vector<16xi32> -> vector<16xf32>
        %parallel_loop3A_2162 = arith.addf %parallel_loop3A_2148, %parallel_loop3A_2161 : vector<16xf32>
        %parallel_loop3A_2163 = arith.constant 8 : i32
        %parallel_loop3A_2164 = vector.broadcast %parallel_loop3A_2163 : i32 to vector<16xi32>
        %parallel_loop3A_2165 = arith.xori %parallel_loop3A_2120, %parallel_loop3A_2164 : vector<16xi32>
        %parallel_loop3A_2166 = arith.constant 0 : i32
        %parallel_loop3A_2167 = vector.broadcast %parallel_loop3A_2166 : i32 to vector<16xi32>
        %parallel_loop3A_2168 = arith.cmpi slt, %parallel_loop3A_2165, %parallel_loop3A_2167 : vector<16xi32>
        %parallel_loop3A_2169 = arith.constant 16 : i32
        %parallel_loop3A_2170 = vector.broadcast %parallel_loop3A_2169 : i32 to vector<16xi32>
        %parallel_loop3A_2171 = arith.addi %parallel_loop3A_2165, %parallel_loop3A_2170 : vector<16xi32>
        %parallel_loop3A_2172 = arith.select %parallel_loop3A_2168, %parallel_loop3A_2171, %parallel_loop3A_2165 : vector<16xi1>, vector<16xi32>
        %parallel_loop3A_2173 = vector.shape_cast %parallel_loop3A_2172 : vector<16xi32> to vector<16x1xi32>
        %parallel_loop3A_2174 = vector.shape_cast %parallel_loop3A_2173 : vector<16x1xi32> to vector<16xi32>
        %parallel_loop3A_2175 = tpu.dynamic_gather %parallel_loop3A_2162[%parallel_loop3A_2174] in [0] : vector<16xf32>, vector<16xi32> -> vector<16xf32>
        %parallel_loop3A_2176 = arith.addf %parallel_loop3A_2162, %parallel_loop3A_2175 : vector<16xf32>
        %parallel_loop3A_2177 = arith.constant 7.812500e-03 : f32
        %parallel_loop3A_2178 = vector.broadcast %parallel_loop3A_2177 : f32 to vector<16xf32>
        %parallel_loop3A_2179 = arith.mulf %parallel_loop3A_2176, %parallel_loop3A_2178 : vector<16xf32>
        %parallel_loop3A_2180 = arith.mulf %parallel_loop3A_2119, %parallel_loop3A_2119 : vector<16xf32>
        %parallel_loop3A_2181 = arith.subf %parallel_loop3A_2179, %parallel_loop3A_2180 : vector<16xf32>
        %parallel_loop3A_2182 = arith.constant 9.99999997E-7 : f32
        %parallel_loop3A_2183 = vector.broadcast %parallel_loop3A_2182 : f32 to vector<16xf32>
        %parallel_loop3A_2184 = arith.addf %parallel_loop3A_2181, %parallel_loop3A_2183 : vector<16xf32>
        %parallel_loop3A_2185 = tpu.bitcast %parallel_loop3A_2184 : vector<16xf32> -> vector<16xi32>
        %parallel_loop3A_2186 = arith.constant 1 : i32
        %parallel_loop3A_2187 = vector.broadcast %parallel_loop3A_2186 : i32 to vector<16xi32>
        %parallel_loop3A_2188 = arith.shrsi %parallel_loop3A_2185, %parallel_loop3A_2187 : vector<16xi32>
        %parallel_loop3A_2189 = arith.constant 1597463007 : i32
        %parallel_loop3A_2190 = vector.broadcast %parallel_loop3A_2189 : i32 to vector<16xi32>
        %parallel_loop3A_2191 = arith.subi %parallel_loop3A_2190, %parallel_loop3A_2188 : vector<16xi32>
        %parallel_loop3A_2192 = tpu.bitcast %parallel_loop3A_2191 : vector<16xi32> -> vector<16xf32>
        %parallel_loop3A_2193 = arith.constant 5.000000e-01 : f32
        %parallel_loop3A_2194 = vector.broadcast %parallel_loop3A_2193 : f32 to vector<16xf32>
        %parallel_loop3A_2195 = arith.mulf %parallel_loop3A_2194, %parallel_loop3A_2184 : vector<16xf32>
        %parallel_loop3A_2196 = arith.mulf %parallel_loop3A_2195, %parallel_loop3A_2192 : vector<16xf32>
        %parallel_loop3A_2197 = arith.mulf %parallel_loop3A_2196, %parallel_loop3A_2192 : vector<16xf32>
        %parallel_loop3A_2198 = arith.constant 1.500000e+00 : f32
        %parallel_loop3A_2199 = vector.broadcast %parallel_loop3A_2198 : f32 to vector<16xf32>
        %parallel_loop3A_2200 = arith.subf %parallel_loop3A_2199, %parallel_loop3A_2197 : vector<16xf32>
        %parallel_loop3A_2201 = arith.mulf %parallel_loop3A_2192, %parallel_loop3A_2200 : vector<16xf32>
        %parallel_loop3A_2202 = arith.mulf %parallel_loop3A_2195, %parallel_loop3A_2201 : vector<16xf32>
        %parallel_loop3A_2203 = arith.mulf %parallel_loop3A_2202, %parallel_loop3A_2201 : vector<16xf32>
        %parallel_loop3A_2204 = arith.constant 1.500000e+00 : f32
        %parallel_loop3A_2205 = vector.broadcast %parallel_loop3A_2204 : f32 to vector<16xf32>
        %parallel_loop3A_2206 = arith.subf %parallel_loop3A_2205, %parallel_loop3A_2203 : vector<16xf32>
        %parallel_loop3A_2207 = arith.mulf %parallel_loop3A_2201, %parallel_loop3A_2206 : vector<16xf32>
        %parallel_loop3A_2208 = arith.subf %parallel_loop3A_1974, %parallel_loop3A_2119 : vector<16xf32>
        %parallel_loop3A_2209 = arith.mulf %parallel_loop3A_2208, %parallel_loop3A_2207 : vector<16xf32>
        %parallel_loop3A_2210 = arith.mulf %parallel_loop3A_2209, %parallel_loop3A_1942 : vector<16xf32>
        %parallel_loop3A_2211 = arith.addf %parallel_loop3A_2210, %parallel_loop3A_1950 : vector<16xf32>
        %parallel_loop3A_2212 = arith.index_cast %parallel_loop3A_1941 : i32 to index
        %parallel_loop3A_2213 = arith.constant 0 : index
        %parallel_loop3A_2214 = tpu.vector_load %arg12[%parallel_loop3A_2212, %parallel_loop3A_2213] {strides = array<i32>} : memref<128x128xf32, #tpu.memory_space<vmem>>, vector<1x16xf32>,
        %parallel_loop3A_2215 = vector.shape_cast %parallel_loop3A_2214 : vector<1x16xf32> to vector<16xf32>
        %parallel_loop3A_2216 = vector.shape_cast %parallel_loop3A_2211 : vector<16xf32> to vector<1x16xf32>
        tpu.vector_store %arg12[%parallel_loop3A_2212, %parallel_loop3A_2213], %parallel_loop3A_2216 {strides = array<i32>} : memref<128x128xf32, #tpu.memory_space<vmem>>, vector<1x16xf32>,
        %parallel_loop3A_2217 = arith.subf %parallel_loop3A_1983, %parallel_loop3A_2119 : vector<16xf32>
        %parallel_loop3A_2218 = arith.mulf %parallel_loop3A_2217, %parallel_loop3A_2207 : vector<16xf32>
        %parallel_loop3A_2219 = arith.mulf %parallel_loop3A_2218, %parallel_loop3A_1943 : vector<16xf32>
        %parallel_loop3A_2220 = arith.addf %parallel_loop3A_2219, %parallel_loop3A_1951 : vector<16xf32>
        %parallel_loop3A_2221 = arith.index_cast %parallel_loop3A_1941 : i32 to index
        %parallel_loop3A_2222 = arith.constant 16 : index
        %parallel_loop3A_2223 = tpu.vector_load %arg12[%parallel_loop3A_2221, %parallel_loop3A_2222] {strides = array<i32>} : memref<128x128xf32, #tpu.memory_space<vmem>>, vector<1x16xf32>,
        %parallel_loop3A_2224 = vector.shape_cast %parallel_loop3A_2223 : vector<1x16xf32> to vector<16xf32>
        %parallel_loop3A_2225 = vector.shape_cast %parallel_loop3A_2220 : vector<16xf32> to vector<1x16xf32>
        tpu.vector_store %arg12[%parallel_loop3A_2221, %parallel_loop3A_2222], %parallel_loop3A_2225 {strides = array<i32>} : memref<128x128xf32, #tpu.memory_space<vmem>>, vector<1x16xf32>,
        %parallel_loop3A_2226 = arith.subf %parallel_loop3A_1992, %parallel_loop3A_2119 : vector<16xf32>
        %parallel_loop3A_2227 = arith.mulf %parallel_loop3A_2226, %parallel_loop3A_2207 : vector<16xf32>
        %parallel_loop3A_2228 = arith.mulf %parallel_loop3A_2227, %parallel_loop3A_1944 : vector<16xf32>
        %parallel_loop3A_2229 = arith.addf %parallel_loop3A_2228, %parallel_loop3A_1952 : vector<16xf32>
        %parallel_loop3A_2230 = arith.index_cast %parallel_loop3A_1941 : i32 to index
        %parallel_loop3A_2231 = arith.constant 32 : index
        %parallel_loop3A_2232 = tpu.vector_load %arg12[%parallel_loop3A_2230, %parallel_loop3A_2231] {strides = array<i32>} : memref<128x128xf32, #tpu.memory_space<vmem>>, vector<1x16xf32>,
        %parallel_loop3A_2233 = vector.shape_cast %parallel_loop3A_2232 : vector<1x16xf32> to vector<16xf32>
        %parallel_loop3A_2234 = vector.shape_cast %parallel_loop3A_2229 : vector<16xf32> to vector<1x16xf32>
        tpu.vector_store %arg12[%parallel_loop3A_2230, %parallel_loop3A_2231], %parallel_loop3A_2234 {strides = array<i32>} : memref<128x128xf32, #tpu.memory_space<vmem>>, vector<1x16xf32>,
        %parallel_loop3A_2235 = arith.subf %parallel_loop3A_2001, %parallel_loop3A_2119 : vector<16xf32>
        %parallel_loop3A_2236 = arith.mulf %parallel_loop3A_2235, %parallel_loop3A_2207 : vector<16xf32>
        %parallel_loop3A_2237 = arith.mulf %parallel_loop3A_2236, %parallel_loop3A_1945 : vector<16xf32>
        %parallel_loop3A_2238 = arith.addf %parallel_loop3A_2237, %parallel_loop3A_1953 : vector<16xf32>
        %parallel_loop3A_2239 = arith.index_cast %parallel_loop3A_1941 : i32 to index
        %parallel_loop3A_2240 = arith.constant 48 : index
        %parallel_loop3A_2241 = tpu.vector_load %arg12[%parallel_loop3A_2239, %parallel_loop3A_2240] {strides = array<i32>} : memref<128x128xf32, #tpu.memory_space<vmem>>, vector<1x16xf32>,
        %parallel_loop3A_2242 = vector.shape_cast %parallel_loop3A_2241 : vector<1x16xf32> to vector<16xf32>
        %parallel_loop3A_2243 = vector.shape_cast %parallel_loop3A_2238 : vector<16xf32> to vector<1x16xf32>
        tpu.vector_store %arg12[%parallel_loop3A_2239, %parallel_loop3A_2240], %parallel_loop3A_2243 {strides = array<i32>} : memref<128x128xf32, #tpu.memory_space<vmem>>, vector<1x16xf32>,
        %parallel_loop3A_2244 = arith.subf %parallel_loop3A_2010, %parallel_loop3A_2119 : vector<16xf32>
        %parallel_loop3A_2245 = arith.mulf %parallel_loop3A_2244, %parallel_loop3A_2207 : vector<16xf32>
        %parallel_loop3A_2246 = arith.mulf %parallel_loop3A_2245, %parallel_loop3A_1946 : vector<16xf32>
        %parallel_loop3A_2247 = arith.addf %parallel_loop3A_2246, %parallel_loop3A_1954 : vector<16xf32>
        %parallel_loop3A_2248 = arith.index_cast %parallel_loop3A_1941 : i32 to index
        %parallel_loop3A_2249 = arith.constant 64 : index
        %parallel_loop3A_2250 = tpu.vector_load %arg12[%parallel_loop3A_2248, %parallel_loop3A_2249] {strides = array<i32>} : memref<128x128xf32, #tpu.memory_space<vmem>>, vector<1x16xf32>,
        %parallel_loop3A_2251 = vector.shape_cast %parallel_loop3A_2250 : vector<1x16xf32> to vector<16xf32>
        %parallel_loop3A_2252 = vector.shape_cast %parallel_loop3A_2247 : vector<16xf32> to vector<1x16xf32>
        tpu.vector_store %arg12[%parallel_loop3A_2248, %parallel_loop3A_2249], %parallel_loop3A_2252 {strides = array<i32>} : memref<128x128xf32, #tpu.memory_space<vmem>>, vector<1x16xf32>,
        %parallel_loop3A_2253 = arith.subf %parallel_loop3A_2019, %parallel_loop3A_2119 : vector<16xf32>
        %parallel_loop3A_2254 = arith.mulf %parallel_loop3A_2253, %parallel_loop3A_2207 : vector<16xf32>
        %parallel_loop3A_2255 = arith.mulf %parallel_loop3A_2254, %parallel_loop3A_1947 : vector<16xf32>
        %parallel_loop3A_2256 = arith.addf %parallel_loop3A_2255, %parallel_loop3A_1955 : vector<16xf32>
        %parallel_loop3A_2257 = arith.index_cast %parallel_loop3A_1941 : i32 to index
        %parallel_loop3A_2258 = arith.constant 80 : index
        %parallel_loop3A_2259 = tpu.vector_load %arg12[%parallel_loop3A_2257, %parallel_loop3A_2258] {strides = array<i32>} : memref<128x128xf32, #tpu.memory_space<vmem>>, vector<1x16xf32>,
        %parallel_loop3A_2260 = vector.shape_cast %parallel_loop3A_2259 : vector<1x16xf32> to vector<16xf32>
        %parallel_loop3A_2261 = vector.shape_cast %parallel_loop3A_2256 : vector<16xf32> to vector<1x16xf32>
        tpu.vector_store %arg12[%parallel_loop3A_2257, %parallel_loop3A_2258], %parallel_loop3A_2261 {strides = array<i32>} : memref<128x128xf32, #tpu.memory_space<vmem>>, vector<1x16xf32>,
        %parallel_loop3A_2262 = arith.subf %parallel_loop3A_2028, %parallel_loop3A_2119 : vector<16xf32>
        %parallel_loop3A_2263 = arith.mulf %parallel_loop3A_2262, %parallel_loop3A_2207 : vector<16xf32>
        %parallel_loop3A_2264 = arith.mulf %parallel_loop3A_2263, %parallel_loop3A_1948 : vector<16xf32>
        %parallel_loop3A_2265 = arith.addf %parallel_loop3A_2264, %parallel_loop3A_1956 : vector<16xf32>
        %parallel_loop3A_2266 = arith.index_cast %parallel_loop3A_1941 : i32 to index
        %parallel_loop3A_2267 = arith.constant 96 : index
        %parallel_loop3A_2268 = tpu.vector_load %arg12[%parallel_loop3A_2266, %parallel_loop3A_2267] {strides = array<i32>} : memref<128x128xf32, #tpu.memory_space<vmem>>, vector<1x16xf32>,
        %parallel_loop3A_2269 = vector.shape_cast %parallel_loop3A_2268 : vector<1x16xf32> to vector<16xf32>
        %parallel_loop3A_2270 = vector.shape_cast %parallel_loop3A_2265 : vector<16xf32> to vector<1x16xf32>
        tpu.vector_store %arg12[%parallel_loop3A_2266, %parallel_loop3A_2267], %parallel_loop3A_2270 {strides = array<i32>} : memref<128x128xf32, #tpu.memory_space<vmem>>, vector<1x16xf32>,
        %parallel_loop3A_2271 = arith.subf %parallel_loop3A_2037, %parallel_loop3A_2119 : vector<16xf32>
        %parallel_loop3A_2272 = arith.mulf %parallel_loop3A_2271, %parallel_loop3A_2207 : vector<16xf32>
        %parallel_loop3A_2273 = arith.mulf %parallel_loop3A_2272, %parallel_loop3A_1949 : vector<16xf32>
        %parallel_loop3A_2274 = arith.addf %parallel_loop3A_2273, %parallel_loop3A_1957 : vector<16xf32>
        %parallel_loop3A_2275 = arith.index_cast %parallel_loop3A_1941 : i32 to index
        %parallel_loop3A_2276 = arith.constant 112 : index
        %parallel_loop3A_2277 = tpu.vector_load %arg12[%parallel_loop3A_2275, %parallel_loop3A_2276] {strides = array<i32>} : memref<128x128xf32, #tpu.memory_space<vmem>>, vector<1x16xf32>,
        %parallel_loop3A_2278 = vector.shape_cast %parallel_loop3A_2277 : vector<1x16xf32> to vector<16xf32>
        %parallel_loop3A_2279 = vector.shape_cast %parallel_loop3A_2274 : vector<16xf32> to vector<1x16xf32>
        tpu.vector_store %arg12[%parallel_loop3A_2275, %parallel_loop3A_2276], %parallel_loop3A_2279 {strides = array<i32>} : memref<128x128xf32, #tpu.memory_space<vmem>>, vector<1x16xf32>,
        scf.yield %parallel_loop3A_1942, %parallel_loop3A_1943, %parallel_loop3A_1944, %parallel_loop3A_1945, %parallel_loop3A_1946, %parallel_loop3A_1947, %parallel_loop3A_1948, %parallel_loop3A_1949, %parallel_loop3A_1950, %parallel_loop3A_1951, %parallel_loop3A_1952, %parallel_loop3A_1953, %parallel_loop3A_1954, %parallel_loop3A_1955, %parallel_loop3A_1956, %parallel_loop3A_1957 : vector<16xf32>, vector<16xf32>, vector<16xf32>, vector<16xf32>, vector<16xf32>, vector<16xf32>, vector<16xf32>, vector<16xf32>, vector<16xf32>, vector<16xf32>, vector<16xf32>, vector<16xf32>, vector<16xf32>, vector<16xf32>, vector<16xf32>, vector<16xf32>
      } {sc.loop_unroll_factor = 4 : i64, sc.parallel_access}
      %mul3A_1924 = arith.constant 6400 : i32
      %mul3A_1925 = arith.muli %add3A, %mul3A_1924 : i32
      %mul3A_1926 = arith.constant 128 : i32
      %mul3A_1927 = arith.muli %add3A_1076, %mul3A_1926 : i32
      %add3A_1928 = arith.addi %mul3A_1925, %mul3A_1927 : i32
      %multiple_of3A_1929 = tpu.assume_multiple %add3A_1928, 128 : i32
      %dma_start3A_1930 = arith.constant 0 : i32
      %dma_start3A_1931 = tpu.memref_slice %arg7[%multiple_of3A_1929, %dma_start3A_1930] : memref<204800x128xf32, #tpu.memory_space<hbm>> -> memref<128x128xf32, #tpu.memory_space<hbm>>
      %dma_start3A_1932 = arith.constant 0 : i32
      %dma_start3A_1933 = tpu.memref_slice %arg7[%multiple_of3A_1929, %dma_start3A_1932] : memref<204800x128xf32, #tpu.memory_space<hbm>> -> memref<128x128xf32, #tpu.memory_space<hbm>>
      tpu.enqueue_dma source(%arg12 : memref<128x128xf32, #tpu.memory_space<vmem>>) target(%dma_start3A_1933 : memref<128x128xf32, #tpu.memory_space<hbm>>) target_semaphore(%arg20 : memref<!tpu.dma_semaphore, #tpu.memory_space<semaphore_mem>>)
      %add3A_1934 = arith.constant 2 : i32
      %add3A_1935 = arith.addi %add3A_1076, %add3A_1934 : i32
      %lt3A_1936 = arith.constant 50 : i32
      %lt3A_1937 = arith.cmpi slt, %add3A_1935, %lt3A_1936 : i32
      %convert_element_type3A_1938 = arith.extui %lt3A_1937 : i1 to i32
      %cond3A_1939 = arith.constant 0 : i32
      %cond3A_1940 = arith.cmpi ne, %convert_element_type3A_1938, %cond3A_1939 : i32
      scf.if %cond3A_1940 {
        %add3A_1941 = arith.constant 2 : i32
        %add3A_1942 = arith.addi %add3A_1076, %add3A_1941 : i32
        %dma_start3A_1943 = arith.constant 0 : i32
        %dma_start3A_1944 = tpu.memref_slice %arg8[%add3A_1942, %dma_start3A_1943] : memref<50x128xi32, #tpu.memory_space<vmem>> -> memref<1x128xi32, #tpu.memory_space<vmem>>
        %dma_start3A_1945 = tpu.memref_squeeze %dma_start3A_1944 : memref<1x128xi32, #tpu.memory_space<vmem>> -> memref<128xi32, #tpu.memory_space<vmem>>
        %dma_start3A_1946 = arith.constant 0 : i32
        %dma_start3A_1947 = arith.constant 0 : i32
        %dma_start3A_1948 = tpu.memref_slice %arg4[%dma_start3A_1946, %dma_start3A_1947] : memref<100000x128xf32, #tpu.memory_space<hbm>> -> memref<100000x128xf32, #tpu.memory_space<hbm>>
        tpu.enqueue_indirect_dma source(%dma_start3A_1948 : memref<100000x128xf32, #tpu.memory_space<hbm>>) target(%arg10 : memref<128x128xf32, #tpu.memory_space<vmem>>) offsets(%dma_start3A_1945 : memref<128xi32, #tpu.memory_space<vmem>>) semaphore(%arg18 : memref<!tpu.dma_semaphore, #tpu.memory_space<semaphore_mem>>)
        %add3A_1949 = arith.constant 2 : i32
        %add3A_1950 = arith.addi %add3A_1076, %add3A_1949 : i32
        %dma_start3A_1951 = arith.constant 1 : i32
        %dma_start3A_1952 = arith.constant 0 : i32
        %dma_start3A_1953 = tpu.memref_slice %arg15[%dma_start3A_1951, %dma_start3A_1952] : memref<2x128xi32, #tpu.memory_space<vmem>> -> memref<1x128xi32, #tpu.memory_space<vmem>>
        %dma_start3A_1954 = tpu.memref_squeeze %dma_start3A_1953 : memref<1x128xi32, #tpu.memory_space<vmem>> -> memref<128xi32, #tpu.memory_space<vmem>>
        %dma_start3A_1955 = arith.constant 0 : i32
        %dma_start3A_1956 = arith.constant 0 : i32
        %dma_start3A_1957 = tpu.memref_slice %arg3[%add3A, %dma_start3A_1955, %dma_start3A_1956] : memref<32x50x128xi32, #tpu.memory_space<hbm>> -> memref<1x50x128xi32, #tpu.memory_space<hbm>>
        %dma_start3A_1958 = tpu.memref_squeeze %dma_start3A_1957 : memref<1x50x128xi32, #tpu.memory_space<hbm>> -> memref<50x128xi32, #tpu.memory_space<hbm>>
        %dma_start3A_1959 = arith.constant 0 : i32
        %dma_start3A_1960 = tpu.memref_slice %dma_start3A_1958[%add3A_1950, %dma_start3A_1959] : memref<50x128xi32, #tpu.memory_space<hbm>> -> memref<1x128xi32, #tpu.memory_space<hbm>>
        %dma_start3A_1961 = tpu.memref_squeeze %dma_start3A_1960 : memref<1x128xi32, #tpu.memory_space<hbm>> -> memref<128xi32, #tpu.memory_space<hbm>>
        %dma_start3A_1962 = arith.constant 0 : i32
        %dma_start3A_1963 = tpu.memref_slice %arg15[%dma_start3A_1951, %dma_start3A_1962] : memref<2x128xi32, #tpu.memory_space<vmem>> -> memref<1x128xi32, #tpu.memory_space<vmem>>
        %dma_start3A_1964 = tpu.memref_squeeze %dma_start3A_1963 : memref<1x128xi32, #tpu.memory_space<vmem>> -> memref<128xi32, #tpu.memory_space<vmem>>
        %dma_start3A_1965 = arith.constant 0 : i32
        %dma_start3A_1966 = arith.constant 0 : i32
        %dma_start3A_1967 = tpu.memref_slice %arg3[%add3A, %dma_start3A_1965, %dma_start3A_1966] : memref<32x50x128xi32, #tpu.memory_space<hbm>> -> memref<1x50x128xi32, #tpu.memory_space<hbm>>
        %dma_start3A_1968 = tpu.memref_squeeze %dma_start3A_1967 : memref<1x50x128xi32, #tpu.memory_space<hbm>> -> memref<50x128xi32, #tpu.memory_space<hbm>>
        %dma_start3A_1969 = arith.constant 0 : i32
        %dma_start3A_1970 = tpu.memref_slice %dma_start3A_1968[%add3A_1950, %dma_start3A_1969] : memref<50x128xi32, #tpu.memory_space<hbm>> -> memref<1x128xi32, #tpu.memory_space<hbm>>
        %dma_start3A_1971 = tpu.memref_squeeze %dma_start3A_1970 : memref<1x128xi32, #tpu.memory_space<hbm>> -> memref<128xi32, #tpu.memory_space<hbm>>
        tpu.enqueue_dma source(%dma_start3A_1971 : memref<128xi32, #tpu.memory_space<hbm>>) target(%dma_start3A_1964 : memref<128xi32, #tpu.memory_space<vmem>>) target_semaphore(%arg22 : memref<!tpu.dma_semaphore, #tpu.memory_space<semaphore_mem>>)
      } else {
      }
    }
    %scan3A_194 = arith.constant 25 : i32
    %mul3A_195 = arith.constant 6400 : i32
    %mul3A_196 = arith.muli %add3A, %mul3A_195 : i32
    %add3A_197 = arith.constant 6144 : i32
    %add3A_198 = arith.addi %mul3A_196, %add3A_197 : i32
    %multiple_of3A = tpu.assume_multiple %add3A_198, 128 : i32
    %dma_wait3A = arith.constant 0 : i32
    %dma_wait3A_199 = tpu.memref_slice %arg7[%multiple_of3A, %dma_wait3A] : memref<204800x128xf32, #tpu.memory_space<hbm>> -> memref<128x128xf32, #tpu.memory_space<hbm>>
    %dma_wait3A_200 = arith.constant 0 : i32
    %dma_wait3A_201 = tpu.memref_slice %arg7[%multiple_of3A, %dma_wait3A_200] : memref<204800x128xf32, #tpu.memory_space<hbm>> -> memref<128x128xf32, #tpu.memory_space<hbm>>
    tpu.wait_dma2 semaphore(%arg19 : memref<!tpu.dma_semaphore, #tpu.memory_space<semaphore_mem>>) src(%arg11 : memref<128x128xf32, #tpu.memory_space<vmem>>) dst(%dma_wait3A_201 : memref<128x128xf32, #tpu.memory_space<hbm>>)
    %mul3A_202 = arith.constant 6400 : i32
    %mul3A_203 = arith.muli %add3A, %mul3A_202 : i32
    %add3A_204 = arith.constant 6272 : i32
    %add3A_205 = arith.addi %mul3A_203, %add3A_204 : i32
    %multiple_of3A_206 = tpu.assume_multiple %add3A_205, 128 : i32
    %dma_wait3A_207 = arith.constant 0 : i32
    %dma_wait3A_208 = tpu.memref_slice %arg7[%multiple_of3A_206, %dma_wait3A_207] : memref<204800x128xf32, #tpu.memory_space<hbm>> -> memref<128x128xf32, #tpu.memory_space<hbm>>
    %dma_wait3A_209 = arith.constant 0 : i32
    %dma_wait3A_210 = tpu.memref_slice %arg7[%multiple_of3A_206, %dma_wait3A_209] : memref<204800x128xf32, #tpu.memory_space<hbm>> -> memref<128x128xf32, #tpu.memory_space<hbm>>
    tpu.wait_dma2 semaphore(%arg20 : memref<!tpu.dma_semaphore, #tpu.memory_space<semaphore_mem>>) src(%arg12 : memref<128x128xf32, #tpu.memory_space<vmem>>) dst(%dma_wait3A_210 : memref<128x128xf32, #tpu.memory_space<hbm>>)
    return
  }
}

</mosaic_0001>

<sc_bundles>
// kernel: _run.3.cloned.1.call-start
scs
__scs_entry_jumppad:
0x0: {  	(pc) =	sbr.rel $0x88, $3  }
0x1: {  	(tag) =	ssettag $0x0;
	lr =	simm.s32 $0x1  }
0x2: {  	[smem:$0x3F9C] =	sst lr;
	_ =	strace $0xD0000000  }
0x3: {  	_ = 	snop  }
0x4: {  	_ = 	snop  }
0x5: {  	_ = 	snop  }
0x6: {  	_ = 	snop  }
0x7: {  	_ = 	snop  }
__scs_overlays_trampoline_lowered:
0x8: {  	[smem:$0x3FAB] =	sst s0  }
0x9: {  	[smem:$0x3FAC] =	sst s1  }
0xa: {  	[smem:$0x3FAD] =	sst s2  }
0xb: {  	[smem:$0x3FAE] =	sst s3  }
0xc: {  	[smem:$0x3FAF] =	sst s4  }
0xd: {  	[smem:$0x3FB0] =	sst s5  }
0xe: {  	[smem:$0x3FB1] =	sst s6  }
0xf: {  	[smem:$0x3FB2] =	sst s7  }
0x10: {  	[smem:$0x3FB3] =	sst s8  }
0x11: {  	[smem:$0x3FB4] =	sst s9;
	s0 =	simm.s32 @!p0 $0x0  }
0x12: {  	s1 =	sld [smem:$0x3F9A];
	s0 =	simm.s32 @p0 $0x1  }
0x13: {  	[smem:$0x3FB5] =	sst s0;
	s0 =	simm.s32 @!p1 $0x0  }
0x14: {  	s2 =	sld [smem:$0x3F99];
	s0 =	simm.s32 @p1 $0x1  }
0x15: {  	[smem:$0x3FB6] =	sst s0;
	s0 =	simm.s32 @!p2 $0x0  }
0x16: {  	s3 =	sld [smem:$0x3FDB];
	s0 =	simm.s32 @p2 $0x1  }
0x17: {  	s4 =	simm.s32 $0x1BF5;
	[smem:$0x3FB8] =	sst s0  }
0x18: {  	s0 =	sld [smem:$0x3F9B];
	_ =	swait.ge [sflag:s4], $0x0  }
0x19: {  	s7 =	sld [smem:$0x3F9C]  }
0x1a: {  	s8 =	sadd.s32 $0xFFFFE003, lr  }
0x1b: {  	s9 =	sadd.s32 $0xFFFFFEF7, lr;
	s5 =	simm.s32 $0xFFFFFFFF;
	p2 =	slt.u32 s8, $0xFFFFF086  }
0x1c: {  	p1 =	slt.u32 s9, $0xF7A;
	s5 =	simm.s32 @!p2 $0x0  }
0x1d: {  	s5 =	simm.s32 @p1 $0x1;
	p0 =	seq.s32 s7, s2  }
0x1e: {  	s7 =	smul.u32 @!p0 $0xF7A, s2;
	p2 =	seq.s32 @!p0 s5, $0x0  }
0x1f: {  	s9 =	smul.u32 $0xF7A, s1;
	s8 =	simm.s32 @!p0 $0x1BF5;
	p2 =	por !p2, p0  }
0x20: {  	[sflag:s8] =	ssyncset.s32 @!p0 $0xFFFFF086;
	s6 =	sadd.s32 @!p0 s3, s7;
	s7 =	simm.s32 @!p0 $0x108  }
0x21: {  	s3 =	sadd.s32 s3, s9;
	s6 =	sadd.s32 @!p0 $0x88, s6;
	s7 =	simm.s32 @p2 $0x1082  }
0x22: {  	[simem:s7], [sflag:s8] =	dma.local @!p0 [hbm:s6], $0xF7A  }
0x23: {  	s9 =	sor.u32 $0xD0000000, s2;
	s6 =	simm.s32 $0x108;
	_ =	swait.ge @!p0 [sflag:s8], $0x0  }
0x24: {  	s3 =	sadd.s32 $0x88, s3;
	s6 =	simm.s32 @!p1 $0x1082;
	[sflag:s4] =	ssyncset.s32 $0xFFFFF086  }
0x25: {  	[simem:s6], [sflag:s4] =	dma.local [hbm:s3], $0xF7A  }
0x26: {  	[smem:$0x3F9C] =	sst s1;
	(tag) =	ssettag s2;
	_ =	strace s9  }
0x27: {  	s1 =	sld [smem:$0x3FAC]  }
0x28: {  	s2 =	sld [smem:$0x3FAD]  }
0x29: {  	s4 =	sld [smem:$0x3FAF]  }
0x2a: {  	p0 =	seq.s32 s5, $0x0;
	s5 =	sld [smem:$0x3FB0]  }
0x2b: {  	s6 =	sld [smem:$0x3FB1]  }
0x2c: {  	s7 =	sld [smem:$0x3FB2]  }
0x2d: {  	s3 =	simm.s32 $0x108;
	s8 =	sld [smem:$0x3FB3]  }
0x2e: {  	s3 =	simm.s32 @!p0 $0x1082;
	s9 =	sld [smem:$0x3FB4]  }
0x2f: {  	lr =	sadd.s32 s0, s3;
	s0 =	sld [smem:$0x3FAB]  }
0x30: {  	s3 =	sld [smem:$0x3FAE]  }
0x31: {  	[smem:$0x3FB7] =	sst s10  }
0x32: {  	s10 =	sld [smem:$0x3FB5];
	_ =	sdelay $0x3  }
0x33: {  	p0 =	seq.s32 s10, $0x1;
	s10 =	sld [smem:$0x3FB7];
	_ =	sdelay $0x3  }
0x34: {  	[smem:$0x3FB7] =	sst s10  }
0x35: {  	s10 =	sld [smem:$0x3FB6];
	_ =	sdelay $0x3  }
0x36: {  	p1 =	seq.s32 s10, $0x1;
	s10 =	sld [smem:$0x3FB7];
	_ =	sdelay $0x3  }
0x37: {  	[smem:$0x3FB7] =	sst s10  }
0x38: {  	s10 =	sld [smem:$0x3FB8]  }
0x39: {  	_ = 	snop;
	(pc) =	sbr.ind lr, $3  }
0x3a: {  	_ = 	snop  }
0x3b: {  	_ = 	snop  }
0x3c: {  	p2 =	seq.s32 s10, $0x1;
	s10 =	sld [smem:$0x3FB7]  }
0x3d: {  	_ =	shalt  }
0x3e: {  	_ =	shalt  }
0x3f: {  	_ =	shalt  }
0x40: {  	_ =	shalt  }
0x41: {  	_ =	shalt  }
0x42: {  	_ =	shalt  }
0x43: {  	_ =	shalt  }
0x44: {  	_ =	shalt  }
0x45: {  	_ =	shalt  }
0x46: {  	_ =	shalt  }
0x47: {  	_ =	shalt  }
0x48: {  	_ =	shalt  }
0x49: {  	_ =	shalt  }
0x4a: {  	_ =	shalt  }
0x4b: {  	_ =	shalt  }
0x4c: {  	_ =	shalt  }
0x4d: {  	_ =	shalt  }
0x4e: {  	_ =	shalt  }
0x4f: {  	_ =	shalt  }
0x50: {  	_ =	shalt  }
0x51: {  	_ =	shalt  }
0x52: {  	_ =	shalt  }
0x53: {  	_ =	shalt  }
0x54: {  	_ =	shalt  }
0x55: {  	_ =	shalt  }
0x56: {  	_ =	shalt  }
0x57: {  	_ =	shalt  }
0x58: {  	_ =	shalt  }
0x59: {  	_ =	shalt  }
0x5a: {  	_ =	shalt  }
0x5b: {  	_ =	shalt  }
0x5c: {  	_ =	shalt  }
0x5d: {  	_ =	shalt  }
0x5e: {  	_ =	shalt  }
0x5f: {  	_ =	shalt  }
0x60: {  	_ =	shalt  }
0x61: {  	_ =	shalt  }
0x62: {  	_ =	shalt  }
0x63: {  	_ =	shalt  }
0x64: {  	_ =	shalt  }
0x65: {  	_ =	shalt  }
0x66: {  	_ =	shalt  }
0x67: {  	_ =	shalt  }
0x68: {  	_ =	shalt  }
0x69: {  	_ =	shalt  }
0x6a: {  	_ =	shalt  }
0x6b: {  	_ =	shalt  }
0x6c: {  	_ =	shalt  }
0x6d: {  	_ =	shalt  }
0x6e: {  	_ =	shalt  }
0x6f: {  	_ =	shalt  }
0x70: {  	_ =	shalt  }
0x71: {  	_ =	shalt  }
0x72: {  	_ =	shalt  }
0x73: {  	_ =	shalt  }
0x74: {  	_ =	shalt  }
0x75: {  	_ =	shalt  }
0x76: {  	_ =	shalt  }
0x77: {  	_ =	shalt  }
0x78: {  	_ =	shalt  }
0x79: {  	_ =	shalt  }
0x7a: {  	_ =	shalt  }
0x7b: {  	_ =	shalt  }
0x7c: {  	_ =	shalt  }
0x7d: {  	_ =	shalt  }
0x7e: {  	_ =	shalt  }
0x7f: {  	_ =	shalt  }
0x80: {  	_ =	shalt  }
0x81: {  	_ =	shalt  }
0x82: {  	_ =	shalt  }
0x83: {  	_ =	shalt  }
0x84: {  	_ =	shalt  }
0x85: {  	_ =	shalt  }
0x86: {  	_ =	shalt  }
0x87: {  	_ =	shalt  }
.Lfunc_end0:
.L_simem_size_0:
called_computation_lowered:
.L_overlay_start_0:
0x88: {  	s2 =	sld [smem:$0x3FD9]  }
0x89: {  	s3 =	sld [smem:$0x3FFE];
	_ =	sdelay $0x1  }
0x8a: {  	s1 =	srdreg.scid  }
0x8b: {  	s0 =	sand.u32 $0x1, s1  }
0x8c: {  	s17 =	sshll.u32 s0, $0xA;
	s2 =	sadd.s32 s3, s2  }
0x8d: {  	s2 =	sadd.s32 s2, s17  }
0x8e: {  	[smem:$0x3FC3] =	sst s2  }
0x8f: {  	_ = 	snop  }
0x90: {  	s2 =	sld [smem:$0x3FC7]  }
0x91: {  	s18 =	sld [smem:$0x3FC6]  }
0x92: {  	s4 =	sld [smem:$0x3FC5]  }
0x93: {  	s5 =	sld [smem:$0x3FD0];
	(tm) =	ssettm $0x1  }
0x94: {  	s6 =	sld [smem:$0x3FFB];
	_ =	sdelay $0x3  }
0x95: {  	_ =	strace s6  }
0x96: {  	s6 =	sld [smem:$0x3FFC];
	_ =	sdelay $0x3  }
0x97: {  	_ =	strace s6  }
0x98: {  	s6 =	sld [smem:$0x3FFD];
	_ =	sdelay $0x3  }
0x99: {  	_ =	strace s6  }
0x9a: {  	_ =	strace $0x8FFFFFFF  }
0x9b: {  	s19 =	sld [smem:$0x3FDB];
	_ =	sdelay $0x1  }
0x9c: {  	s7 =	simm.s32 $_scs_section_size  }
0x9d: {  	s8 =	simm.s32 $_size__tile_overlayer_lowered;
	s9 =	simm.s32 $_tile_overlayer_lowered  }
0x9e: {  	s22 =	simm.s32 $0x1BFF;
	s21 =	sshll.u32 s9, $0x1;
	s6 =	sadd.s32 s7, s19  }
0x9f: {  	s10 =	simm.s32 $0x0;
	s20 =	sshll.u32 s8, $0x1;
	s8 =	sadd.s32 s21, s6  }
0xa0: {  	[timem:s10], [sflag:s22] =	dma.local [hbm:s8], s20  }
0xa1: {  	_ =	swait.ge [sflag:s22], s20  }
0xa2: {  	s7 =	ssub.s32 $0x0, s20;
	[sflag:s22] =	ssyncset.done $0x0  }
0xa3: {  	[sflag:s22] =	ssyncadd.s32 s7;
	_ =	sdelay $0x1  }
0xa4: {  	s23 =	simm.s32 $0x1B8B  }
0xa5: {  	_ =	swait.ge [sflag:s23], $0x1  }
0xa6: {  	[sflag:s23] =	ssyncset.done $0x0  }
0xa7: {  	s25 =	simm.s32 $0x1B8E;
	s24 =	sld [smem:$0x3FFE];
	[sflag:s23] =	ssyncadd.s32 $0xFFFFFFFF  }
0xa8: {  	s26 =	simm.s32 $execute0_lowered;
	[smem:$0x3FD2] =	sst s25  }
0xa9: {  	s8 =	sshll.u32 s26, $0x1;
	_ =	strace $0x80000046;
	[dreg:$0x1] =	wrdreg $0xFFFFFFFF  }
0xaa: {  	s28 =	simm.s32 $_size_execute0_lowered;
	s6 =	sadd.s32 s6, s8;
	[dreg:$0x0] =	wrdreg $0x0  }
0xab: {  	s8 =	sshll.u32 s28, $0x1;
	[dreg:$0x2] =	wrdreg s6  }
0xac: {  	[dreg:$0x3] =	wrdreg s8  }
0xad: {  	[dreg:$0x4] =	wrdreg $0xC0  }
0xae: {  	_ =	task [dreg:s10], $0x5FFFF  }
0xaf: {  	[dreg:$0x1] =	wrdreg $0xFFFFFFFF  }
0xb0: {  	[dreg:$0x0] =	wrdreg $0x60  }
0xb1: {  	[dreg:$0x2] =	wrdreg s24  }
0xb2: {  	[dreg:$0x3] =	wrdreg s2  }
0xb3: {  	[dreg:$0x4] =	wrdreg s18  }
0xb4: {  	[dreg:$0x5] =	wrdreg s4  }
0xb5: {  	[dreg:$0x6] =	wrdreg s5  }
0xb6: {  	[dreg:$0x7] =	wrdreg $0x9  }
0xb7: {  	_ =	task.clear_ibuf [dreg:s10], $0x8FFFF;
	_ =	strace $0x90000046  }
0xb8: {  	s29 =	simm.s32 $0x9;
	_ =	strace $0x80000048  }
0xb9: {  	_ =	swait.ge [sflag:s29], $0x1  }
0xba: {  	[sflag:s29] =	ssyncadd.s32 $0xFFFFFFFF  }
0xbb: {  	_ =	strace $0x90000048  }
0xbc: {  	_ =	sfence  }
0xbd: {  	s30 =	sld [smem:$0x0];
	_ =	sdelay $0x2  }
0xbe: {  	s31 =	sshll.u32 s1, $0xD;
	s1 =	sshrl.u32 s1, $0x2  }
0xbf: {  	s3 =	sand.u32 $0x4000, s31;
	s1 =	sadd.s32 s1, s30  }
0xc0: {  	s0 =	sor.u32 s3, s0;
	s1 =	sshll.u32 s1, $0x11  }
0xc1: {  	s0 =	sor.u32 s1, s0  }
0xc2: {  	s0 =	sadd.s32 $0x8F2B, s0  }
0xc3: {  	[sflag:s0] =	ssyncadd.remote.s32 $0x1  }
0xc4: {  	_ =	sfence.sel $0xFFFF  }
0xc5: {  	[dreg:$0x0] =	wrdreg $0xFFFFFFFF;
	(pc) =	sbr.abs _section_cstart, $3  }
0xc6: {  	[dreg:$0x1] =	wrdreg $0xFFFFFFFF  }
0xc7: {  	_ =	task.clear_ibuf [dreg:s10], $0x2FFFF;
	_ =	strace $0x9FFFFFFF  }
0xc8: {  	(tm) =	ssettm $0x7FFFFFFF  }
0xc9: {  	_ =	shalt  }
tec
execute0_lowered:
.L_overlay_start_1:
0x0: {  	(tag) =	ssettag $0x1  }
0x1: {  	s0 =	rddreg [dreg:$0x0]  }
0x2: {  	s21 =	rddreg [dreg:$0x1];
	v0 =	vimm.s32 $0xEFCDAB89;
	v1 =	vimm.s32 $0x67452301  }
0x3: {  	s2 =	srdreg.scid;
	s1 =	stileid.u32;
	v2 =	vimm.s32 $0xDCFE98BA;
	v3 =	vimm.s32 $0x54761032;
	v4 =	vimm.s32 $0xBA98FEDC  }
0x4: {  	s6 =	simm.s32 $0x0;
	v5 =	vimm.s32 $0x32107654;
	v6 =	vimm.s32 $0xFEDCBA98;
	v7 =	vimm.s32 $0x76543210;
	s23 =	simm.s32 $0x1;
	s24 =	simm.s32 $0x5  }
0x5: {  	s2 =	sand.u32 $0x1, s2;
	s3 =	sshll.u32 s1, $0x1;
	v0 =	vunpack.c.l.s4.s8 v0;
	v1 =	vunpack.c.l.s4.s8 v1;
	v2 =	vunpack.c.l.s4.s8 v2;
	s1 =	smul.u32 $0x3200, s1  }
0x6: {  	s28 =	simm.s32 $0x6;
	[smem:$0x7FF] =	sst s6;
	v3 =	vunpack.c.l.s4.s8 v3;
	v4 =	vunpack.c.l.s4.s8 v4;
	v5 =	vunpack.c.l.s4.s8 v5;
	s7 =	smul.u32 $0x1900, s2  }
0x7: {  	v6 =	vunpack.c.l.s4.s8 v6;
	s3 =	sor.u32 s2, s3;
	s8 =	ssub.s32 $0x2, s2;
	_ =	strace $0x80000047;
	v0 =	vunpack.c.0.s8.s32 v0;
	v1 =	vunpack.c.0.s8.s32 v1  }
0x8: {  	v7 =	vunpack.c.l.s4.s8 v7;
	s4 =	smul.u32 $0x380, s3;
	v2 =	vunpack.c.0.s8.s32 v2;
	[dreg:$0xa] =	wrdreg s1;
	v3 =	vunpack.c.0.s8.s32 v3;
	s26 =	sor.u32 $0x3, s7  }
0x9: {  	s9 =	sshrl.u32 s8, $0x1;
	v4 =	vunpack.c.0.s8.s32 v4;
	v5 =	vunpack.c.0.s8.s32 v5;
	s29 =	sor.u32 $0x1, s7;
	[dreg:$0x6] =	wrdreg s26;
	v0 =	vcombine.low v1, v0  }
0xa: {  	s25 =	ssub.s32 s8, s9;
	s30 =	sor.u32 $0x2, s7;
	[dreg:$0x7] =	wrdreg s29;
	v1 =	vunpack.c.0.s8.s32 v6;
	v2 =	vcombine.low v3, v2  }
.Ltmp0:
0xb: {  	s1 =	sadd.s32 s7, s1;
	[dreg:$0x8] =	wrdreg s30;
	v3 =	vcombine.low v5, v4;
	v4 =	vunpack.c.0.s8.s32 v7;
	v0 =	vand.u32 $0xF, v0;
	(pc) =	sbr.rel .LBB2_1-.Ltmp0, $4  }
0xc: {  	s11 =	smul.u32 $0x1900, s3;
	s2 =	smax.u32 s25, $0x1;
	[dreg:$0xc] =	wrdreg s1;
	v5 =	vand.u32 $0xF, v1;
	v1 =	vand.u32 $0xF, v2;
	[tilespmem:$0x1FFC0] =	vst v0  }
0xd: {  	s0 =	sadd.s32 s4, s0;
	s31 =	sor.u32 $0x80, s1;
	[dreg:$0xb] =	wrdreg s2;
	v2 =	vand.u32 $0xF, v3;
	v3 =	vcombine.low v5, v4;
	[tilespmem:$0x1FFD0] =	vst v1  }
0xe: {  	s26 =	simm.s32 $0x2;
	s4 =	sadd.s32 $0x400, s0;
	[dreg:$0xd] =	wrdreg s31;
	[tilespmem:$0x1FFE0] =	vst v2  }
0xf: {  	s9 =	sadd.s32 $0x7400, s0;
	s2 =	simm.s32 $0x0;
	[dreg:$0x9] =	wrdreg s4;
	[tilespmem:$0x1FFF0] =	vst v3  }
.LBB2_10:
0x10: {  	s0 =	simm.s32 $0x3  }
0x11: {  	_ =	swait.ge [sflag:s0], $0x4000  }
0x12: {  	[sflag:s0] =	ssyncset.done $0x0  }
0x13: {  	s1 =	simm.s32 $0x4;
	[sflag:s0] =	ssyncadd.s32 $0xFFFFC000  }
0x14: {  	_ =	swait.ge [sflag:s1], $0x4000  }
0x15: {  	s2 =	rddreg [dreg:$0xe]  }
0x16: {  	s31 =	rddreg [dreg:$0xb];
	s2 =	sadd.s32 $0x1, s2  }
0x17: {  	p0 =	sne.s32 s2, s31  }
.Ltmp1:
0x18: {  	_ = 	snop;
	(pc) =	sbr.rel @!p0 .LBB2_11-.Ltmp1, $3  }
0x19: {  	_ =	sdelay $0x1  }
0x1a: {  	[sflag:s1] =	ssyncset.done $0x0  }
0x1b: {  	v0 =	vmovc v19;
	v1 =	vmov v20;
	v2 =	vmov v21;
	v3 =	vmov v22;
	[sflag:s1] =	ssyncadd.s32 $0xFFFFC000  }
.LBB2_1:
0x1c: {  	[dreg:$0xe] =	wrdreg s2  }
0x1d: {  	s0 =	rddreg [dreg:$0x9];
	s29 =	simm.s32 $0x7  }
0x1e: {  	[tilespmem:s6], [sflag:$0x7] =	stream.linear.gather [hbm4b:s0+s6], $0x1900, $0x38;
	[tilespmem:$0x1E700] =	vst v63  }
0x1f: {  	_ =	swait.ge [sflag:s29], $0x1900  }
0x20: {  	[sflag:s29] =	ssyncset.done $0x0  }
0x21: {  	[sflag:s29] =	ssyncadd.s32 $0xFFFFE700  }
0x22: {  	s1 =	simm.s32 $0x1E400;
	s30 =	rddreg [dreg:$0x3]  }
0x23: {  	[tilespmem:s1], [sflag:$0x7] =	stream.linear.gather [hbm4b:s30+s6], $0x200, $0x38;
	[tilespmem:$0x1E700] =	vst v63  }
0x24: {  	_ =	swait.ge [sflag:s29], $0x200  }
0x25: {  	[sflag:s29] =	ssyncset.done $0x0  }
0x26: {  	[sflag:s29] =	ssyncadd.s32 $0xFFFFFE00  }
0x27: {  	s0 =	simm.s32 $0x11C00;
	s31 =	rddreg [dreg:$0x2]  }
0x28: {  	[tilespmem:s0], [sflag:$0x7] =	stream.linear.gather [hbm4b:s31+s6], $0x6400, $0x38;
	[tilespmem:$0x1E700] =	vst v63  }
0x29: {  	_ =	swait.ge [sflag:s29], $0x6400  }
0x2a: {  	[sflag:s29] =	ssyncset.done $0x0  }
0x2b: {  	s3 =	simm.s32 $0x18000;
	[sflag:s29] =	ssyncadd.s32 $0xFFFF9C00  }
0x2c: {  	[tilespmem:s3], [sflag:$0x7] =	stream.linear.gather [hbm4b:s31+s6], $0x6400, $0x38;
	[tilespmem:$0x1E700] =	vst v63  }
0x2d: {  	_ =	swait.ge [sflag:s29], $0x6400  }
0x2e: {  	[sflag:s29] =	ssyncset.done $0x0  }
0x2f: {  	[sflag:s29] =	ssyncadd.s32 $0xFFFF9C00  }
0x30: {  	v4 =	vld [tilespmem:$0x1E500]  }
0x31: {  	v5 =	vld [tilespmem:$0x1E510]  }
0x32: {  	v6 =	vld [tilespmem:$0x1E520]  }
0x33: {  	v7 =	vld [tilespmem:$0x1E530]  }
0x34: {  	v8 =	vld [tilespmem:$0x1E540]  }
0x35: {  	v9 =	vld [tilespmem:$0x1E550]  }
0x36: {  	v11 =	vld [tilespmem:$0x1E560]  }
0x37: {  	v13 =	vld [tilespmem:$0x1E570]  }
0x38: {  	v15 =	vld [tilespmem:$0x1E580]  }
0x39: {  	v17 =	vld [tilespmem:$0x1E590]  }
0x3a: {  	v18 =	vld [tilespmem:$0x1E5A0]  }
0x3b: {  	v16 =	vld [tilespmem:$0x1E5B0]  }
0x3c: {  	v14 =	vld [tilespmem:$0x1E5C0]  }
0x3d: {  	v12 =	vld [tilespmem:$0x1E5D0]  }
0x3e: {  	v10 =	vld [tilespmem:$0x1E5E0]  }
0x3f: {  	v19 =	vld [tilespmem:$0x1E5F0]  }
0x40: {  	v20 =	vld [tilespmem:s0+$0x10]  }
0x41: {  	v21 =	vld [tilespmem:s0+$0x20]  }
0x42: {  	v22 =	vld [tilespmem:s0+$0x30]  }
0x43: {  	v25 =	vld [tilespmem:s0+$0x60]  }
0x44: {  	v23 =	vld [tilespmem:s0+$0x40]  }
0x45: {  	v24 =	vld [tilespmem:s0+$0x50]  }
0x46: {  	v26 =	vld [tilespmem:s0+$0x70];
	v20 =	vadd.f32 v20, v5  }
0x47: {  	v27 =	vld [tilespmem:s0+$0x64F0];
	v21 =	vadd.f32 v21, v6  }
0x48: {  	v28 =	vld [tilespmem:s0+$0x90];
	v25 =	vadd.f32 v25, v11;
	[tilespmem:s0+$0x10] =	vst v20  }
0x49: {  	v29 =	vld [tilespmem:s0+$0xA0];
	v22 =	vadd.f32 v22, v7;
	[tilespmem:s0+$0x20] =	vst v21  }
0x4a: {  	v23 =	vadd.f32 v23, v8;
	[tilespmem:s0+$0x60] =	vst v25;
	v25 =	vld [tilespmem:s0+$0x80]  }
0x4b: {  	v24 =	vadd.f32 v24, v9;
	v20 =	vld [tilespmem:s0+$0x6400];
	[tilespmem:s0+$0x30] =	vst v22  }
0x4c: {  	v26 =	vadd.f32 v26, v13;
	v21 =	vld [tilespmem:s0+$0x6410];
	[tilespmem:s0+$0x40] =	vst v23  }
0x4d: {  	v28 =	vadd.f32 v28, v5;
	v22 =	vld [tilespmem:s0+$0x6420];
	[tilespmem:s0+$0x50] =	vst v24  }
0x4e: {  	v30 =	vld [tilespmem:s0+$0xB0];
	v24 =	vadd.f32 v27, v19;
	[tilespmem:s0+$0x70] =	vst v26  }
0x4f: {  	v23 =	vld [tilespmem:s0+$0x6430];
	[tilespmem:s0+$0x90] =	vst v28;
	v25 =	vadd.f32 v25, v4  }
0x50: {  	v27 =	vld [tilespmem:s0+$0x6440];
	[tilespmem:s0+$0x64F0] =	vst v24;
	v20 =	vadd.f32 v20, v15  }
0x51: {  	v24 =	vld [tilespmem:s0+$0x6450];
	v21 =	vadd.f32 v21, v17;
	[tilespmem:s0+$0x80] =	vst v25  }
0x52: {  	v31 =	vld [tilespmem:s0+$0xC0];
	v22 =	vadd.f32 v22, v18;
	[tilespmem:s0+$0x6400] =	vst v20  }
0x53: {  	v32 =	vld [tilespmem:s0+$0xD0];
	v20 =	vadd.f32 v29, v6;
	[tilespmem:s0+$0x6410] =	vst v21  }
0x54: {  	v26 =	vld [tilespmem:s0+$0xE0];
	v21 =	vadd.f32 v23, v16;
	[tilespmem:s0+$0x6420] =	vst v22  }
0x55: {  	v33 =	vld [tilespmem:s0+$0xF0];
	v22 =	vadd.f32 v27, v14;
	[tilespmem:s0+$0xA0] =	vst v20  }
0x56: {  	v61 =	vld [tilespmem:s0+$0x6470];
	v23 =	vadd.f32 v24, v12;
	[tilespmem:s0+$0x6430] =	vst v21  }
0x57: {  	v62 =	vld [tilespmem:s0+$0x6480];
	v20 =	vadd.f32 v30, v7;
	[tilespmem:s0+$0x6440] =	vst v22  }
0x58: {  	v25 =	vld [tilespmem:s0+$0x6460];
	v21 =	vadd.f32 v32, v9;
	[tilespmem:s0+$0x6450] =	vst v23  }
0x59: {  	v22 =	vadd.f32 v26, v11;
	[tilespmem:s0+$0xB0] =	vst v20  }
0x5a: {  	v63 =	vld [tilespmem:s0+$0x6490];
	v20 =	vadd.f32 v31, v8;
	[tilespmem:s0+$0xD0] =	vst v21  }
0x5b: {  	v27 =	vld [tilespmem:s0+$0x64A0];
	v23 =	vadd.f32 v33, v13;
	[tilespmem:s0+$0xE0] =	vst v22  }
0x5c: {  	v26 =	vadd.f32 v62, v15;
	[tilespmem:s0+$0xC0] =	vst v20;
	v20 =	vld [tilespmem:s0+$0x64B0]  }
0x5d: {  	v21 =	vld [tilespmem:s0+$0x64C0];
	[tilespmem:s0+$0xF0] =	vst v23;
	v24 =	vadd.f32 v25, v10;
	v25 =	vadd.f32 v61, v19  }
0x5e: {  	v22 =	vld [tilespmem:s0+$0x64D0];
	[tilespmem:s0+$0x6480] =	vst v26  }
0x5f: {  	v23 =	vld [tilespmem:s0+$0x64E0];
	[tilespmem:s0+$0x6470] =	vst v25;
	v25 =	vadd.f32 v63, v17  }
0x60: {  	s2 =	simm.s32 $0x0;
	s4 =	simm.s32 $0x11D00;
	v26 =	vadd.f32 v27, v18;
	[tilespmem:s0+$0x6460] =	vst v24;
	v24 =	vld [tilespmem:s0+$0x0]  }
.LBB2_2:
0x61: {  	v27 =	vld [tilespmem:s4+$0x64F0];
	s2 =	sadd.s32 $0x2, s2;
	[tilespmem:s0+$0x6490] =	vst v25;
	v20 =	vadd.f32 v20, v16  }
0x62: {  	v25 =	vld [tilespmem:s4+$0x10];
	p0 =	slt.u32 s2, $0xC6;
	[tilespmem:s0+$0x64A0] =	vst v26;
	v21 =	vadd.f32 v21, v14  }
0x63: {  	v26 =	vld [tilespmem:s4+$0x20];
	[tilespmem:s0+$0x64B0] =	vst v20;
	v20 =	vadd.f32 v22, v12  }
0x64: {  	v22 =	vld [tilespmem:s4+$0x30];
	[tilespmem:s0+$0x64C0] =	vst v21;
	v21 =	vadd.f32 v23, v10  }
0x65: {  	v23 =	vld [tilespmem:s4+$0x40];
	v24 =	vadd.f32 v24, v4;
	[tilespmem:s0+$0x64D0] =	vst v20  }
0x66: {  	v20 =	vld [tilespmem:s4+$0x50];
	v27 =	vadd.f32 v27, v19;
	[tilespmem:s0+$0x64E0] =	vst v21  }
0x67: {  	v21 =	vadd.f32 v25, v5;
	v25 =	vld [tilespmem:s4+$0x60];
	[tilespmem:s0+$0x0] =	vst v24;
	s0 =	smov.u32 s4  }
0x68: {  	v24 =	vadd.f32 v26, v6;
	v26 =	vld [tilespmem:s4+$0x70];
	[tilespmem:s4+$0x64F0] =	vst v27  }
0x69: {  	[tilespmem:s4+$0x10] =	vst v21;
	v21 =	vadd.f32 v22, v7;
	v22 =	vld [tilespmem:s4+$0x6400]  }
0x6a: {  	[tilespmem:s4+$0x20] =	vst v24;
	v23 =	vadd.f32 v23, v8;
	v24 =	vld [tilespmem:s4+$0x6410]  }
0x6b: {  	[tilespmem:s4+$0x30] =	vst v21;
	v20 =	vadd.f32 v20, v9;
	v21 =	vld [tilespmem:s4+$0x6420]  }
0x6c: {  	[tilespmem:s4+$0x40] =	vst v23;
	v23 =	vadd.f32 v25, v11;
	v25 =	vld [tilespmem:s4+$0x6430]  }
0x6d: {  	[tilespmem:s4+$0x50] =	vst v20;
	v20 =	vadd.f32 v26, v13;
	v26 =	vld [tilespmem:s4+$0x6440]  }
0x6e: {  	[tilespmem:s4+$0x60] =	vst v23;
	v22 =	vadd.f32 v22, v15;
	v23 =	vld [tilespmem:s4+$0x6450]  }
0x6f: {  	[tilespmem:s4+$0x70] =	vst v20;
	v20 =	vadd.f32 v24, v17;
	v24 =	vld [tilespmem:s4+$0x6460]  }
0x70: {  	[tilespmem:s4+$0x6400] =	vst v22;
	v21 =	vadd.f32 v21, v18;
	v22 =	vld [tilespmem:s4+$0x6470]  }
0x71: {  	[tilespmem:s4+$0x6410] =	vst v20;
	v20 =	vadd.f32 v25, v16;
	v25 =	vld [tilespmem:s4+$0x80]  }
0x72: {  	[tilespmem:s4+$0x6420] =	vst v21;
	v21 =	vadd.f32 v26, v14;
	v26 =	vld [tilespmem:s4+$0x90]  }
0x73: {  	[tilespmem:s4+$0x6430] =	vst v20;
	v20 =	vadd.f32 v23, v12;
	v23 =	vld [tilespmem:s4+$0xA0]  }
0x74: {  	[tilespmem:s4+$0x6440] =	vst v21;
	v21 =	vadd.f32 v24, v10;
	v24 =	vld [tilespmem:s4+$0xB0]  }
0x75: {  	[tilespmem:s4+$0x6450] =	vst v20;
	v20 =	vadd.f32 v22, v19;
	v22 =	vld [tilespmem:s4+$0xC0]  }
0x76: {  	[tilespmem:s4+$0x6460] =	vst v21;
	v21 =	vadd.f32 v25, v4;
	v25 =	vld [tilespmem:s4+$0xD0]  }
0x77: {  	[tilespmem:s4+$0x6470] =	vst v20;
	v20 =	vadd.f32 v26, v5;
	v26 =	vld [tilespmem:s4+$0xE0]  }
0x78: {  	[tilespmem:s4+$0x80] =	vst v21;
	v21 =	vadd.f32 v23, v6;
	v23 =	vld [tilespmem:s4+$0xF0]  }
0x79: {  	[tilespmem:s4+$0x90] =	vst v20;
	v20 =	vadd.f32 v24, v7;
	v24 =	vld [tilespmem:s4+$0x6480]  }
0x7a: {  	[tilespmem:s4+$0xA0] =	vst v21;
	v21 =	vadd.f32 v22, v8;
	v27 =	vld [tilespmem:s4+$0x6490]  }
0x7b: {  	[tilespmem:s4+$0xB0] =	vst v20;
	v22 =	vadd.f32 v25, v9;
	v28 =	vld [tilespmem:s4+$0x64A0]  }
.Ltmp2:
0x7c: {  	[tilespmem:s4+$0xC0] =	vst v21;
	v25 =	vadd.f32 v26, v11;
	v20 =	vld [tilespmem:s4+$0x64B0];
	(pc) =	sbr.rel @p0 .LBB2_2-.Ltmp2, $4  }
0x7d: {  	[tilespmem:s4+$0xD0] =	vst v22;
	v23 =	vadd.f32 v23, v13;
	v21 =	vld [tilespmem:s4+$0x64C0]  }
0x7e: {  	[tilespmem:s4+$0xE0] =	vst v25;
	v26 =	vadd.f32 v24, v15;
	v22 =	vld [tilespmem:s4+$0x64D0]  }
0x7f: {  	[tilespmem:s4+$0xF0] =	vst v23;
	v25 =	vadd.f32 v27, v17;
	v23 =	vld [tilespmem:s4+$0x64E0]  }
0x80: {  	s4 =	sadd.s32 $0x100, s4;
	v24 =	vld [tilespmem:s0+$0x0];
	[tilespmem:s0+$0x6480] =	vst v26;
	v26 =	vadd.f32 v28, v18  }
0x81: {  	[tilespmem:s0+$0x6490] =	vst v25;
	v5 =	vadd.f32 v20, v16  }
0x82: {  	[tilespmem:s0+$0x64A0] =	vst v26;
	v6 =	vadd.f32 v21, v14  }
0x83: {  	[tilespmem:s0+$0x64B0] =	vst v5;
	v5 =	vadd.f32 v22, v12  }
0x84: {  	[tilespmem:s0+$0x64C0] =	vst v6;
	v63 =	vadd.f32 v23, v10  }
0x85: {  	v4 =	vadd.f32 v24, v4;
	[tilespmem:s0+$0x64D0] =	vst v5  }
0x86: {  	[tilespmem:s0+$0x64E0] =	vst v63  }
0x87: {  	s1 =	simm.s32 $0x80;
	s2 =	simm.s32 $0x1C00;
	[tilespmem:s0+$0x0] =	vst v4;
	s0 =	simm.s32 $0x0  }
0x88: {  	[tilespmem:s2], [sflag:$0x1] =	stream.indirect.gather [hbm4b:s21+s1], $0x80, s0, s1, $0xb8;
	[tilespmem:$0x1E700] =	vst v63  }
0x89: {  	s25 =	simm.s32 $0x1E600;
	s14 =	rddreg [dreg:$0xd]  }
0x8a: {  	[tilespmem:s25], [sflag:$0x5] =	stream.linear.gather [hbm4b:s9+s0], $0x80, $0x38;
	[tilespmem:$0x1E700] =	vst v63  }
0x8b: {  	s29 =	simm.s32 $0x5C00;
	s13 =	rddreg [dreg:$0xc]  }
0x8c: {  	[tilespmem:s29], [sflag:$0x2] =	stream.indirect.gather [hbm4b:s21+s1], $0x80, s1, s1, $0xb8;
	[tilespmem:$0x1E700] =	vst v63  }
0x8d: {  	s30 =	sadd.s32 $0x10, s9;
	s31 =	simm.s32 $0x1E680;
	s10 =	rddreg [dreg:$0xa]  }
0x8e: {  	[tilespmem:s31], [sflag:$0x6] =	stream.linear.gather [hbm4b:s30+s0], $0x80, $0x38;
	[tilespmem:$0x1E700] =	vst v63  }
.LBB2_4:
0x8f: {  	_ =	swait.ge [sflag:s23], $0x4000  }
0x90: {  	[sflag:s23] =	ssyncset.done $0x0  }
0x91: {  	[sflag:s23] =	ssyncadd.s32 $0xFFFFC000  }
0x92: {  	_ =	swait.ge [sflag:s24], $0x80  }
0x93: {  	p0 =	seq.s32 s0, $0x0;
	[sflag:s24] =	ssyncset.done $0x0  }
0x94: {  	s2 =	simm.s32 @!p0 $0x3;
	[sflag:s24] =	ssyncadd.s32 $0xFFFFFF80  }
0x95: {  	_ =	swait.ge @!p0 [sflag:s2], $0x4000  }
0x96: {  	[sflag:s2] =	ssyncset.done @!p0 $0x0  }
0x97: {  	[sflag:s2] =	ssyncadd.s32 @!p0 $0xFFFFC000  }
0x98: {  	v4 =	vld [tilespmem:$0x1E600];
	_ =	sdelay $0x4  }
0x99: {  	(v2sf) =	vpush v4, $0x0  }
0x9a: {  	(v2sf) =	vpush v4, $0x1  }
0x9b: {  	(v2sf) =	vpush v4, $0x2  }
0x9c: {  	(v2sf) =	vpush v4, $0x3  }
0x9d: {  	(v2sf) =	vpush v4, $0x4  }
0x9e: {  	(v2sf) =	vpush v4, $0x5  }
0x9f: {  	(v2sf) =	vpush v4, $0x6  }
0xa0: {  	(v2sf) =	vpush v4, $0x7  }
0xa1: {  	(v2sf) =	vpush v4, $0x8  }
0xa2: {  	(v2sf) =	vpush v4, $0x9  }
0xa3: {  	(v2sf) =	vpush v4, $0xA  }
0xa4: {  	v5 =	vld [tilespmem:$0x1E610];
	(v2sf) =	vpush v4, $0xB  }
0xa5: {  	(v2sf) =	vpush v4, $0xC  }
0xa6: {  	(v2sf) =	vpush v4, $0xD  }
0xa7: {  	(v2sf) =	vpush v4, $0xE  }
0xa8: {  	s8 =	spop (v2sf);
	(v2sf) =	vpush v4, $0xF  }
0xa9: {  	s12 =	spop (v2sf);
	(v2sf) =	vpush v5, $0x0  }
0xaa: {  	s15 =	spop (v2sf);
	(v2sf) =	vpush v5, $0x1  }
0xab: {  	s16 =	spop (v2sf);
	(v2sf) =	vpush v5, $0x2  }
0xac: {  	s17 =	spop (v2sf)  }
0xad: {  	s18 =	spop (v2sf);
	(v2sf) =	vpush v5, $0x3  }
0xae: {  	s19 =	spop (v2sf)  }
0xaf: {  	s20 =	spop (v2sf)  }
0xb0: {  	s21 =	spop (v2sf)  }
0xb1: {  	s22 =	spop (v2sf)  }
0xb2: {  	s25 =	spop (v2sf)  }
0xb3: {  	[smem:$0x0] =	sst s8;
	s29 =	spop (v2sf)  }
0xb4: {  	[smem:$0x1] =	sst s12;
	s31 =	spop (v2sf)  }
0xb5: {  	[smem:$0x2] =	sst s15;
	s1 =	spop (v2sf)  }
0xb6: {  	[smem:$0x3] =	sst s16;
	s3 =	spop (v2sf)  }
0xb7: {  	[smem:$0x4] =	sst s17;
	s4 =	spop (v2sf);
	(v2sf) =	vpush v5, $0x4  }
0xb8: {  	[smem:$0x5] =	sst s18;
	s5 =	spop (v2sf);
	(v2sf) =	vpush v5, $0x5  }
0xb9: {  	[smem:$0x6] =	sst s19;
	s8 =	spop (v2sf);
	(v2sf) =	vpush v5, $0x6  }
0xba: {  	[smem:$0x7] =	sst s20;
	s12 =	spop (v2sf);
	(v2sf) =	vpush v5, $0x7  }
0xbb: {  	[smem:$0x8] =	sst s21;
	(v2sf) =	vpush v5, $0x8  }
0xbc: {  	[smem:$0x9] =	sst s22;
	s15 =	spop (v2sf);
	(v2sf) =	vpush v5, $0x9  }
0xbd: {  	[smem:$0xA] =	sst s25;
	(v2sf) =	vpush v5, $0xA  }
0xbe: {  	v4 =	vld [tilespmem:$0x1E620];
	[smem:$0xB] =	sst s29;
	(v2sf) =	vpush v5, $0xB  }
0xbf: {  	[smem:$0xC] =	sst s31;
	(v2sf) =	vpush v5, $0xC  }
0xc0: {  	[smem:$0xD] =	sst s1;
	(v2sf) =	vpush v5, $0xD  }
0xc1: {  	[smem:$0xE] =	sst s3;
	(v2sf) =	vpush v5, $0xE  }
0xc2: {  	[smem:$0xF] =	sst s4;
	(v2sf) =	vpush v5, $0xF  }
0xc3: {  	[smem:$0x10] =	sst s5;
	(v2sf) =	vpush v4, $0x0  }
0xc4: {  	[smem:$0x11] =	sst s8;
	(v2sf) =	vpush v4, $0x1  }
0xc5: {  	[smem:$0x12] =	sst s12;
	(v2sf) =	vpush v4, $0x2  }
0xc6: {  	[smem:$0x13] =	sst s15;
	s16 =	spop (v2sf);
	(v2sf) =	vpush v4, $0x3  }
0xc7: {  	[smem:$0x14] =	sst s16;
	s17 =	spop (v2sf);
	(v2sf) =	vpush v4, $0x4  }
0xc8: {  	[smem:$0x15] =	sst s17;
	s18 =	spop (v2sf);
	(v2sf) =	vpush v4, $0x5  }
0xc9: {  	[smem:$0x16] =	sst s18;
	s19 =	spop (v2sf);
	(v2sf) =	vpush v4, $0x6  }
0xca: {  	[smem:$0x17] =	sst s19;
	s20 =	spop (v2sf);
	(v2sf) =	vpush v4, $0x7  }
0xcb: {  	[smem:$0x18] =	sst s20;
	s21 =	spop (v2sf);
	(v2sf) =	vpush v4, $0x8  }
0xcc: {  	[smem:$0x19] =	sst s21;
	s22 =	spop (v2sf);
	(v2sf) =	vpush v4, $0x9  }
0xcd: {  	[smem:$0x1A] =	sst s22;
	s25 =	spop (v2sf);
	(v2sf) =	vpush v4, $0xA  }
0xce: {  	v5 =	vld [tilespmem:$0x1E630];
	[smem:$0x1B] =	sst s25;
	s29 =	spop (v2sf);
	(v2sf) =	vpush v4, $0xB  }
0xcf: {  	[smem:$0x1C] =	sst s29;
	s31 =	spop (v2sf);
	(v2sf) =	vpush v4, $0xC  }
0xd0: {  	[smem:$0x1D] =	sst s31;
	s1 =	spop (v2sf);
	(v2sf) =	vpush v4, $0xD  }
0xd1: {  	[smem:$0x1E] =	sst s1;
	s3 =	spop (v2sf);
	(v2sf) =	vpush v4, $0xE  }
0xd2: {  	[smem:$0x1F] =	sst s3;
	s4 =	spop (v2sf);
	(v2sf) =	vpush v4, $0xF  }
0xd3: {  	[smem:$0x20] =	sst s4;
	s5 =	spop (v2sf);
	(v2sf) =	vpush v5, $0x0  }
0xd4: {  	[smem:$0x21] =	sst s5;
	s8 =	spop (v2sf);
	(v2sf) =	vpush v5, $0x1  }
0xd5: {  	[smem:$0x22] =	sst s8;
	s12 =	spop (v2sf);
	(v2sf) =	vpush v5, $0x2  }
0xd6: {  	[smem:$0x23] =	sst s12;
	s15 =	spop (v2sf);
	(v2sf) =	vpush v5, $0x3  }
0xd7: {  	[smem:$0x24] =	sst s15;
	s16 =	spop (v2sf);
	(v2sf) =	vpush v5, $0x4  }
0xd8: {  	[smem:$0x25] =	sst s16;
	s17 =	spop (v2sf);
	(v2sf) =	vpush v5, $0x5  }
0xd9: {  	[smem:$0x26] =	sst s17;
	s18 =	spop (v2sf);
	(v2sf) =	vpush v5, $0x6  }
0xda: {  	[smem:$0x27] =	sst s18;
	s19 =	spop (v2sf);
	(v2sf) =	vpush v5, $0x7  }
0xdb: {  	[smem:$0x28] =	sst s19;
	s20 =	spop (v2sf);
	(v2sf) =	vpush v5, $0x8  }
0xdc: {  	[smem:$0x29] =	sst s20;
	s21 =	spop (v2sf);
	(v2sf) =	vpush v5, $0x9  }
0xdd: {  	[smem:$0x2A] =	sst s21;
	s22 =	spop (v2sf);
	(v2sf) =	vpush v5, $0xA  }
0xde: {  	v4 =	vld [tilespmem:$0x1E640];
	[smem:$0x2B] =	sst s22;
	s25 =	spop (v2sf);
	(v2sf) =	vpush v5, $0xB  }
0xdf: {  	[smem:$0x2C] =	sst s25;
	s29 =	spop (v2sf);
	(v2sf) =	vpush v5, $0xC  }
0xe0: {  	[smem:$0x2D] =	sst s29;
	s31 =	spop (v2sf);
	(v2sf) =	vpush v5, $0xD  }
0xe1: {  	[smem:$0x2E] =	sst s31;
	s1 =	spop (v2sf);
	(v2sf) =	vpush v5, $0xE  }
0xe2: {  	[smem:$0x2F] =	sst s1;
	s3 =	spop (v2sf);
	(v2sf) =	vpush v5, $0xF  }
0xe3: {  	[smem:$0x30] =	sst s3;
	s4 =	spop (v2sf);
	(v2sf) =	vpush v4, $0x0  }
0xe4: {  	[smem:$0x31] =	sst s4;
	s5 =	spop (v2sf);
	(v2sf) =	vpush v4, $0x1  }
0xe5: {  	[smem:$0x32] =	sst s5;
	s8 =	spop (v2sf);
	(v2sf) =	vpush v4, $0x2  }
0xe6: {  	[smem:$0x33] =	sst s8;
	s12 =	spop (v2sf);
	(v2sf) =	vpush v4, $0x3  }
0xe7: {  	[smem:$0x34] =	sst s12;
	s15 =	spop (v2sf);
	(v2sf) =	vpush v4, $0x4  }
0xe8: {  	[smem:$0x35] =	sst s15;
	s16 =	spop (v2sf);
	(v2sf) =	vpush v4, $0x5  }
0xe9: {  	[smem:$0x36] =	sst s16;
	s17 =	spop (v2sf);
	(v2sf) =	vpush v4, $0x6  }
0xea: {  	[smem:$0x37] =	sst s17;
	s18 =	spop (v2sf);
	(v2sf) =	vpush v4, $0x7  }
0xeb: {  	[smem:$0x38] =	sst s18;
	s19 =	spop (v2sf);
	(v2sf) =	vpush v4, $0x8  }
0xec: {  	[smem:$0x39] =	sst s19;
	s20 =	spop (v2sf);
	(v2sf) =	vpush v4, $0x9  }
0xed: {  	[smem:$0x3A] =	sst s20;
	s21 =	spop (v2sf)  }
0xee: {  	(v2sf) =	vpush v4, $0xA;
	[smem:$0x3B] =	sst s21;
	s22 =	spop (v2sf)  }
0xef: {  	v5 =	vld [tilespmem:$0x1E650];
	(v2sf) =	vpush v4, $0xB;
	[smem:$0x3C] =	sst s22;
	s25 =	spop (v2sf)  }
0xf0: {  	(v2sf) =	vpush v4, $0xC;
	[smem:$0x3D] =	sst s25;
	s29 =	spop (v2sf)  }
0xf1: {  	(v2sf) =	vpush v4, $0xD;
	[smem:$0x3E] =	sst s29;
	s31 =	spop (v2sf)  }
0xf2: {  	(v2sf) =	vpush v4, $0xE;
	[smem:$0x3F] =	sst s31;
	s1 =	spop (v2sf)  }
0xf3: {  	(v2sf) =	vpush v4, $0xF;
	[smem:$0x40] =	sst s1;
	s3 =	spop (v2sf)  }
0xf4: {  	(v2sf) =	vpush v5, $0x0;
	[smem:$0x41] =	sst s3;
	s4 =	spop (v2sf)  }
0xf5: {  	(v2sf) =	vpush v5, $0x1;
	[smem:$0x42] =	sst s4;
	s5 =	spop (v2sf)  }
0xf6: {  	(v2sf) =	vpush v5, $0x2;
	[smem:$0x43] =	sst s5;
	s8 =	spop (v2sf)  }
0xf7: {  	(v2sf) =	vpush v5, $0x3;
	[smem:$0x44] =	sst s8;
	s12 =	spop (v2sf)  }
0xf8: {  	(v2sf) =	vpush v5, $0x4;
	[smem:$0x45] =	sst s12;
	s15 =	spop (v2sf)  }
0xf9: {  	(v2sf) =	vpush v5, $0x5;
	[smem:$0x46] =	sst s15;
	s16 =	spop (v2sf)  }
0xfa: {  	(v2sf) =	vpush v5, $0x6;
	[smem:$0x47] =	sst s16;
	s17 =	spop (v2sf)  }
0xfb: {  	(v2sf) =	vpush v5, $0x7;
	[smem:$0x48] =	sst s17;
	s18 =	spop (v2sf)  }
0xfc: {  	(v2sf) =	vpush v5, $0x8  }
0xfd: {  	s19 =	spop (v2sf);
	(v2sf) =	vpush v5, $0x9  }
0xfe: {  	s20 =	spop (v2sf);
	(v2sf) =	vpush v5, $0xA  }
0xff: {  	v4 =	vld [tilespmem:$0x1E660];
	s21 =	spop (v2sf);
	(v2sf) =	vpush v5, $0xB  }
0x100: {  	s22 =	spop (v2sf);
	(v2sf) =	vpush v5, $0xC  }
0x101: {  	s25 =	spop (v2sf);
	(v2sf) =	vpush v5, $0xD  }
0x102: {  	s29 =	spop (v2sf);
	(v2sf) =	vpush v5, $0xE  }
0x103: {  	s31 =	spop (v2sf);
	(v2sf) =	vpush v5, $0xF  }
0x104: {  	s1 =	spop (v2sf);
	(v2sf) =	vpush v4, $0x0  }
0x105: {  	s3 =	spop (v2sf);
	(v2sf) =	vpush v4, $0x1  }
0x106: {  	s4 =	spop (v2sf);
	(v2sf) =	vpush v4, $0x2  }
0x107: {  	s5 =	spop (v2sf);
	(v2sf) =	vpush v4, $0x3  }
0x108: {  	s8 =	spop (v2sf);
	(v2sf) =	vpush v4, $0x4  }
0x109: {  	s12 =	spop (v2sf);
	(v2sf) =	vpush v4, $0x5  }
0x10a: {  	s15 =	spop (v2sf);
	(v2sf) =	vpush v4, $0x6  }
0x10b: {  	s16 =	spop (v2sf);
	(v2sf) =	vpush v4, $0x7  }
0x10c: {  	s17 =	spop (v2sf);
	(v2sf) =	vpush v4, $0x8  }
0x10d: {  	[smem:$0x49] =	sst s18;
	s18 =	spop (v2sf);
	(v2sf) =	vpush v4, $0x9  }
0x10e: {  	[smem:$0x4A] =	sst s19;
	s19 =	spop (v2sf);
	(v2sf) =	vpush v4, $0xA  }
0x10f: {  	[smem:$0x4B] =	sst s20;
	s20 =	spop (v2sf);
	(v2sf) =	vpush v4, $0xB  }
0x110: {  	[smem:$0x4C] =	sst s21;
	s21 =	spop (v2sf);
	(v2sf) =	vpush v4, $0xC  }
0x111: {  	[smem:$0x4D] =	sst s22;
	s22 =	spop (v2sf);
	(v2sf) =	vpush v4, $0xD  }
0x112: {  	[smem:$0x4E] =	sst s25;
	s25 =	spop (v2sf);
	(v2sf) =	vpush v4, $0xE  }
0x113: {  	[smem:$0x4F] =	sst s29;
	s29 =	spop (v2sf);
	(v2sf) =	vpush v4, $0xF;
	v4 =	vld [tilespmem:$0x1E400]  }
0x114: {  	_ =	sdelay $0x3  }
0x115: {  	[tilespmem:$0x1FC30] =	vst v4;
	v4 =	vld [tilespmem:$0x1E410];
	_ =	sdelay $0x4  }
0x116: {  	[tilespmem:$0x1FC50] =	vst v4;
	v4 =	vld [tilespmem:$0x1E420];
	_ =	sdelay $0x4  }
0x117: {  	[tilespmem:$0x1FC70] =	vst v4;
	v4 =	vld [tilespmem:$0x1E430];
	_ =	sdelay $0x4  }
0x118: {  	[tilespmem:$0x1FC90] =	vst v4;
	v4 =	vld [tilespmem:$0x1E440]  }
0x119: {  	[smem:$0x50] =	sst s31  }
0x11a: {  	[smem:$0x51] =	sst s1  }
0x11b: {  	[smem:$0x52] =	sst s3  }
0x11c: {  	[smem:$0x53] =	sst s4  }
0x11d: {  	[smem:$0x54] =	sst s5;
	[tilespmem:$0x1FCC0] =	vst v4;
	v4 =	vld [tilespmem:$0x1E450]  }
0x11e: {  	[smem:$0x55] =	sst s8  }
0x11f: {  	[smem:$0x56] =	sst s12  }
0x120: {  	[smem:$0x57] =	sst s15  }
0x121: {  	[smem:$0x58] =	sst s16  }
0x122: {  	[smem:$0x59] =	sst s17;
	[tilespmem:$0x1FCE0] =	vst v4;
	v4 =	vld [tilespmem:$0x1E460]  }
0x123: {  	[smem:$0x5A] =	sst s18  }
0x124: {  	[smem:$0x5B] =	sst s19  }
0x125: {  	v5 =	vld [tilespmem:$0x1E670];
	[smem:$0x5C] =	sst s20  }
0x126: {  	[smem:$0x5D] =	sst s21  }
0x127: {  	[smem:$0x5E] =	sst s22;
	[tilespmem:$0x1FD00] =	vst v4;
	v4 =	vld [tilespmem:$0x1E480]  }
0x128: {  	[smem:$0x5F] =	sst s25  }
0x129: {  	[smem:$0x60] =	sst s29;
	s31 =	spop (v2sf)  }
0x12a: {  	(v2sf) =	vpush v5, $0x0;
	[smem:$0x61] =	sst s31;
	s1 =	spop (v2sf)  }
0x12b: {  	(v2sf) =	vpush v5, $0x1;
	[smem:$0x62] =	sst s1;
	s3 =	spop (v2sf)  }
0x12c: {  	(v2sf) =	vpush v5, $0x2;
	[smem:$0x63] =	sst s3;
	s4 =	spop (v2sf);
	[tilespmem:$0x1FCB0] =	vst v4;
	v4 =	vld [tilespmem:$0x1E490]  }
0x12d: {  	(v2sf) =	vpush v5, $0x3;
	[smem:$0x64] =	sst s4;
	s5 =	spop (v2sf)  }
0x12e: {  	(v2sf) =	vpush v5, $0x4;
	[smem:$0x65] =	sst s5;
	s8 =	spop (v2sf)  }
0x12f: {  	(v2sf) =	vpush v5, $0x5;
	[smem:$0x66] =	sst s8;
	s12 =	spop (v2sf)  }
0x130: {  	[smem:$0x67] =	sst s12;
	s15 =	spop (v2sf)  }
0x131: {  	(v2sf) =	vpush v5, $0x6;
	[smem:$0x68] =	sst s15;
	s16 =	spop (v2sf);
	[tilespmem:$0x1FD20] =	vst v4;
	v4 =	vld [tilespmem:$0x1E4A0]  }
0x132: {  	(v2sf) =	vpush v5, $0x7;
	[smem:$0x69] =	sst s16;
	s17 =	spop (v2sf)  }
0x133: {  	(v2sf) =	vpush v5, $0x8;
	[smem:$0x6A] =	sst s17;
	s18 =	spop (v2sf)  }
0x134: {  	(v2sf) =	vpush v5, $0x9;
	[smem:$0x6B] =	sst s18;
	s19 =	spop (v2sf)  }
0x135: {  	(v2sf) =	vpush v5, $0xA;
	[smem:$0x6C] =	sst s19;
	s20 =	spop (v2sf)  }
0x136: {  	(v2sf) =	vpush v5, $0xB;
	[smem:$0x6D] =	sst s20;
	s21 =	spop (v2sf);
	[tilespmem:$0x1FD60] =	vst v4;
	v4 =	vld [tilespmem:$0x1E4B0]  }
0x137: {  	(v2sf) =	vpush v5, $0xC;
	[smem:$0x6E] =	sst s21;
	s22 =	spop (v2sf)  }
0x138: {  	(v2sf) =	vpush v5, $0xD;
	[smem:$0x6F] =	sst s22  }
0x139: {  	(v2sf) =	vpush v5, $0xE;
	s25 =	spop (v2sf);
	s22 =	rddreg [dreg:$0x8]  }
0x13a: {  	(v2sf) =	vpush v5, $0xF;
	s3 =	spop (v2sf);
	[smem:$0x70] =	sst s25  }
0x13b: {  	s29 =	spop (v2sf);
	[smem:$0x71] =	sst s3;
	[tilespmem:$0x1FD90] =	vst v4;
	v4 =	vld [tilespmem:$0x1E4C0]  }
0x13c: {  	s31 =	spop (v2sf);
	[smem:$0x72] =	sst s29  }
0x13d: {  	s1 =	spop (v2sf);
	[smem:$0x73] =	sst s31  }
0x13e: {  	s4 =	spop (v2sf);
	[smem:$0x74] =	sst s1  }
0x13f: {  	[smem:$0x75] =	sst s4  }
0x140: {  	s5 =	spop (v2sf);
	s4 =	rddreg [dreg:$0x7];
	[tilespmem:$0x1FDC0] =	vst v4;
	v4 =	vld [tilespmem:$0x1E4D0]  }
0x141: {  	s8 =	spop (v2sf);
	[smem:$0x76] =	sst s5  }
0x142: {  	s12 =	spop (v2sf);
	[smem:$0x77] =	sst s8  }
0x143: {  	v19 =	vld [tilespmem:$0x1E470];
	s15 =	spop (v2sf);
	[smem:$0x78] =	sst s12  }
0x144: {  	v18 =	vld [tilespmem:$0x1E4F0];
	s16 =	spop (v2sf);
	[smem:$0x79] =	sst s15  }
0x145: {  	s17 =	spop (v2sf);
	[smem:$0x7A] =	sst s16;
	[tilespmem:$0x1FDF0] =	vst v4;
	v4 =	vld [tilespmem:$0x1E4E0]  }
0x146: {  	s18 =	spop (v2sf);
	[smem:$0x7B] =	sst s17  }
0x147: {  	s19 =	spop (v2sf);
	[smem:$0x7C] =	sst s18  }
0x148: {  	[tilespmem:$0x1FD30] =	vst v19;
	s20 =	spop (v2sf);
	[smem:$0x7D] =	sst s19  }
0x149: {  	[tilespmem:$0x1FE40] =	vst v18;
	[smem:$0x7E] =	sst s20;
	s21 =	spop (v2sf)  }
0x14a: {  	s12 =	smulhi.u32 $0x51EB851F, s13;
	[smem:$0x7F] =	sst s21;
	[tilespmem:$0x1FE20] =	vst v4  }
0x14b: {  	s8 =	sld [smem:$0x3]  }
0x14c: {  	s25 =	simm.s32 $0x1D00;
	s12 =	sshrl.u32 s12, $0x6;
	s15 =	sld [smem:$0x0]  }
0x14d: {  	s12 =	smul.u32 $0xC8, s12;
	s16 =	rddreg [dreg:$0x6];
	v4 =	vld [tilespmem:s25+$0x80]  }
0x14e: {  	s17 =	sld [smem:$0x1];
	v5 =	vld [tilespmem:s25+$0x90];
	s8 =	smul.u32 $0xC8, s8  }
0x14f: {  	s20 =	sadd.s32 $0xFFFFFFFC, s10;
	s19 =	sld [smem:$0x2];
	v6 =	vld [tilespmem:s25+$0xA0]  }
0x150: {  	s16 =	ssub.s32 s16, s12;
	v7 =	vld [tilespmem:s25+$0xB0];
	s8 =	sadd.s32 s8, s20  }
0x151: {  	v8 =	vld [tilespmem:s25+$0xC0];
	s8 =	sadd.s32 s16, s8  }
0x152: {  	v9 =	vld [tilespmem:s25+$0xD0];
	s8 =	sshll.u32 s8, $0x9  }
0x153: {  	v10 =	vld [tilespmem:s25+$0xE0];
	s8 =	sadd.s32 $0x800, s8  }
0x154: {  	v11 =	vld [tilespmem:s25+$0xF0];
	s8 =	sshra.s32 s8, $0x2  }
0x155: {  	v12 =	vld [tilespmem:s8+$0x11C00]  }
0x156: {  	s15 =	smul.u32 $0xC8, s15;
	v13 =	vld [tilespmem:s8+$0x11C10]  }
0x157: {  	v14 =	vld [tilespmem:s8+$0x11C20]  }
0x158: {  	s29 =	ssub.s32 s7, s12;
	s15 =	sadd.s32 s15, s20;
	v15 =	vld [tilespmem:s8+$0x11C30]  }
0x159: {  	s15 =	sadd.s32 s29, s15;
	v16 =	vld [tilespmem:s8+$0x11C40]  }
0x15a: {  	s15 =	sshll.u32 s15, $0x9;
	v17 =	vld [tilespmem:s8+$0x11C50]  }
0x15b: {  	s15 =	sadd.s32 $0x800, s15;
	v20 =	vld [tilespmem:s8+$0x11C60]  }
0x15c: {  	s15 =	sshra.s32 s15, $0x2;
	v21 =	vld [tilespmem:s8+$0x11C70]  }
0x15d: {  	v22 =	vld [tilespmem:s15+$0x11C00]  }
0x15e: {  	v23 =	vld [tilespmem:s15+$0x11C10]  }
0x15f: {  	v24 =	vld [tilespmem:s15+$0x11C20]  }
0x160: {  	s31 =	smul.u32 $0xC8, s17;
	v25 =	vld [tilespmem:s15+$0x11C30]  }
0x161: {  	v26 =	vld [tilespmem:s15+$0x11C40];
	v12 =	vadd.f32 v12, v4  }
0x162: {  	s4 =	ssub.s32 s4, s12;
	s8 =	sadd.s32 s31, s20;
	v28 =	vld [tilespmem:s15+$0x11C50];
	v27 =	vadd.f32 v13, v5  }
0x163: {  	s4 =	sadd.s32 s4, s8;
	v29 =	vld [tilespmem:s15+$0x11C60];
	v30 =	vadd.f32 v14, v6;
	[tilespmem:$0x1FBC0] =	vst v12  }
0x164: {  	s4 =	sshll.u32 s4, $0x9;
	v32 =	vadd.f32 v15, v7;
	[tilespmem:$0x1FBD0] =	vst v27  }
0x165: {  	s4 =	sadd.s32 $0x800, s4;
	v31 =	vadd.f32 v17, v9;
	v5 =	vld [tilespmem:s15+$0x11C70];
	[tilespmem:$0x1FBE0] =	vst v30  }
0x166: {  	s4 =	sshra.s32 s4, $0x2;
	v34 =	vadd.f32 v20, v10;
	[tilespmem:$0x1FBF0] =	vst v32  }
0x167: {  	v6 =	vld [tilespmem:s4+$0x11C00];
	[tilespmem:$0x1FC10] =	vst v31  }
0x168: {  	s1 =	smul.u32 $0xC8, s19;
	v33 =	vadd.f32 v16, v8;
	v7 =	vld [tilespmem:s4+$0x11C10];
	[tilespmem:$0x1FC20] =	vst v34  }
0x169: {  	v4 =	vadd.f32 v21, v11;
	v8 =	vld [tilespmem:s4+$0x11C20]  }
0x16a: {  	s3 =	ssub.s32 s22, s12;
	s8 =	sadd.s32 s1, s20;
	v9 =	vadd.f32 v27, v12;
	v10 =	vadd.f32 v32, v30;
	v11 =	vmul.f32 v12, v12;
	v12 =	vld [tilespmem:s4+$0x11C30];
	[tilespmem:$0x1FC00] =	vst v33  }
0x16b: {  	s3 =	sadd.s32 s3, s8;
	v13 =	vadd.f32 v31, v33;
	v14 =	vmul.f32 v27, v27;
	v15 =	vmul.f32 v30, v30;
	v16 =	vld [tilespmem:s4+$0x11C40]  }
0x16c: {  	s3 =	sshll.u32 s3, $0x9;
	v17 =	vadd.f32 v4, v34;
	v20 =	vmul.f32 v32, v32;
	v21 =	vmul.f32 v33, v33;
	v30 =	vld [tilespmem:s4+$0x11C50]  }
0x16d: {  	s3 =	sadd.s32 $0x800, s3;
	v27 =	vmul.f32 v31, v31;
	v31 =	vmul.f32 v34, v34;
	v32 =	vld [tilespmem:s4+$0x11C60]  }
0x16e: {  	s3 =	sshra.s32 s3, $0x2;
	v9 =	vadd.f32 v10, v9;
	v10 =	vadd.f32 v17, v13;
	v13 =	vmul.f32 v4, v4;
	v17 =	vld [tilespmem:s4+$0x11C70]  }
0x16f: {  	v11 =	vadd.f32 v14, v11;
	v14 =	vadd.f32 v20, v15;
	v15 =	vld [tilespmem:s3+$0x11C00]  }
0x170: {  	v20 =	vadd.f32 v27, v21;
	v13 =	vadd.f32 v13, v31;
	v21 =	vld [tilespmem:s3+$0x11C10]  }
0x171: {  	v9 =	vadd.f32 v10, v9;
	v10 =	vld [tilespmem:s3+$0x11C20]  }
0x172: {  	v11 =	vadd.f32 v14, v11;
	v14 =	vld [tilespmem:s3+$0x11C30];
	v13 =	vadd.f32 v13, v20  }
0x173: {  	v31 =	vld [tilespmem:s3+$0x11C50]  }
0x174: {  	v33 =	vld [tilespmem:s3+$0x11C60];
	v11 =	vadd.f32 v13, v11;
	v13 =	vperm.xlane v9, v0  }
0x175: {  	v34 =	vld [tilespmem:s3+$0x11C70]  }
0x176: {  	v27 =	vld [tilespmem:s25+$0xFFFFFF00];
	v9 =	vadd.f32 v9, v13;
	v13 =	vperm.xlane v11, v0  }
0x177: {  	v37 =	vld [tilespmem:s25+$0xFFFFFF20]  }
0x178: {  	v38 =	vld [tilespmem:s25+$0xFFFFFF30];
	v35 =	vperm.xlane v9, v1;
	v11 =	vadd.f32 v13, v11  }
0x179: {  	v39 =	vld [tilespmem:s25+$0xFFFFFF40]  }
0x17a: {  	v42 =	vld [tilespmem:s25+$0xFFFFFF50];
	v9 =	vadd.f32 v9, v35;
	v56 =	vperm.xlane v11, v1  }
0x17b: {  	v43 =	vld [tilespmem:s25+$0xFFFFFF60]  }
0x17c: {  	v45 =	vld [tilespmem:s25+$0xFFFFFF70];
	v36 =	vperm.xlane v9, v2;
	v11 =	vadd.f32 v56, v11  }
0x17d: {  	v13 =	vld [tilespmem:s25+$0xFFFFFF10]  }
0x17e: {  	v47 =	vld [tilespmem:s25+$0xFFFFFF80];
	v9 =	vadd.f32 v9, v36;
	v35 =	vperm.xlane v11, v2  }
0x17f: {  	v48 =	vld [tilespmem:s25+$0xFFFFFF90];
	v27 =	vadd.f32 v22, v27  }
0x180: {  	v49 =	vld [tilespmem:s25+$0xFFFFFFA0];
	v57 =	vadd.f32 v24, v37;
	v36 =	vperm.xlane v9, v3;
	v11 =	vadd.f32 v35, v11  }
0x181: {  	v50 =	vld [tilespmem:s25+$0xFFFFFFB0];
	v58 =	vadd.f32 v25, v38;
	v38 =	vadd.f32 v26, v39  }
0x182: {  	v20 =	vld [tilespmem:s3+$0x11C40];
	[tilespmem:$0x1F9D0] =	vst v27;
	v46 =	vadd.f32 v23, v13;
	v9 =	vadd.f32 v9, v36;
	v40 =	vperm.xlane v11, v3  }
0x183: {  	v39 =	vadd.f32 v28, v42;
	v37 =	vadd.f32 v29, v43;
	v13 =	vld [tilespmem:s25+$0xFFFFFFC0]  }
0x184: {  	v61 =	vadd.f32 v5, v45;
	v35 =	vmul.f32 $7.812500000e-03, v9;
	v9 =	vadd.f32 v40, v11;
	v11 =	vld [tilespmem:s25+$0xFFFFFFD0];
	[tilespmem:$0x1F9E0] =	vst v46  }
0x185: {  	v63 =	vadd.f32 v8, v49;
	v26 =	vadd.f32 v58, v57;
	v29 =	vmul.f32 v27, v27;
	v59 =	vmovc v46;
	v23 =	vld [tilespmem:s25+$0xFFFFFFE0]  }
0x186: {  	v22 =	vadd.f32 v46, v27;
	v27 =	vadd.f32 v6, v47;
	v6 =	vmul.f32 v59, v59;
	v25 =	vld [tilespmem:s25+$0xFFFFFFF0];
	[tilespmem:$0x1F9F0] =	vst v57  }
0x187: {  	v47 =	vadd.f32 v12, v50;
	v9 =	vmul.f32 $7.812500000e-03, v9;
	v24 =	vmul.f32 v35, v35;
	v28 =	vld [tilespmem:s25+$0x0]  }
0x188: {  	v53 =	vadd.f32 v16, v13;
	v6 =	vadd.f32 v6, v29;
	v5 =	vld [tilespmem:s25+$0x20]  }
0x189: {  	v40 =	vadd.f32 v7, v48;
	v7 =	vld [tilespmem:s25+$0x30];
	v9 =	vsub.f32 v9, v24  }
0x18a: {  	v12 =	vld [tilespmem:s25+$0x40];
	v4 =	vsub.f32 v4, v35;
	v30 =	vadd.f32 v30, v11  }
0x18b: {  	v16 =	vld [tilespmem:s25+$0x60];
	v9 =	vadd.f32 $9.999999970e-07, v9;
	v56 =	vadd.f32 v32, v23  }
0x18c: {  	v24 =	vld [tilespmem:s25+$0x10];
	v25 =	vadd.f32 v17, v25;
	v17 =	vadd.f32 v39, v38  }
0x18d: {  	v8 =	vmul.f32 v57, v57;
	v46 =	vmovc v58;
	v51 =	vadd.f32 v15, v28;
	v54 =	vadd.f32 v10, v5  }
0x18e: {  	v5 =	vmul.f32 v46, v46;
	v55 =	vadd.f32 v14, v7;
	v7 =	vmul.f32 v38, v38  }
0x18f: {  	v11 =	vld [tilespmem:s25+$0x50];
	[tilespmem:$0x1FA00] =	vst v38;
	v57 =	vadd.f32 v20, v12;
	v13 =	vshra.s32 v9, $0x1;
	v9 =	vmul.f32 $5.000000000e-01, v9  }
0x190: {  	[tilespmem:$0x1FA10] =	vst v39;
	v10 =	vadd.f32 v61, v37;
	v59 =	vadd.f32 v33, v16;
	v13 =	vsub.s32 $0x5F3759DF, v13  }
0x191: {  	v15 =	vld [tilespmem:s25+$0x70];
	v14 =	vmul.f32 v37, v37;
	v52 =	vadd.f32 v21, v24;
	v21 =	vmul.f32 v13, v9  }
0x192: {  	v16 =	vadd.f32 v26, v22;
	v10 =	vadd.f32 v10, v17;
	v17 =	vmul.f32 v27, v27  }
0x193: {  	v5 =	vadd.f32 v5, v8;
	v8 =	vmul.f32 v40, v40;
	v12 =	vmul.f32 v13, v21  }
0x194: {  	v20 =	vadd.f32 v40, v27;
	v22 =	vmul.f32 v25, v25;
	v58 =	vadd.f32 v31, v11  }
0x195: {  	v11 =	vmul.f32 v39, v39;
	v8 =	vadd.f32 v8, v17;
	v12 =	vsub.f32 $1.500000000e+00, v12  }
0x196: {  	v17 =	vmul.f32 v30, v30;
	v10 =	vadd.f32 v10, v16;
	v60 =	vadd.f32 v34, v15  }
0x197: {  	v15 =	vmul.f32 v61, v61;
	v21 =	vadd.f32 v30, v53;
	v12 =	vmul.f32 v13, v12  }
0x198: {  	v23 =	vmul.f32 v52, v52;
	v7 =	vadd.f32 v11, v7;
	v11 =	vadd.f32 v25, v56  }
0x199: {  	v5 =	vadd.f32 v5, v6;
	v14 =	vadd.f32 v15, v14;
	v9 =	vmul.f32 v12, v9  }
0x19a: {  	v15 =	vmul.f32 v63, v63;
	v11 =	vadd.f32 v11, v21;
	v13 =	vadd.f32 v47, v63  }
0x19b: {  	v24 =	vadd.f32 v60, v59;
	v6 =	vadd.f32 v14, v7;
	v9 =	vmul.f32 v9, v12  }
0x19c: {  	v14 =	vperm.xlane v10, v0;
	v13 =	vadd.f32 v13, v20;
	v20 =	vmul.f32 v47, v47  }
0x19d: {  	v21 =	vmul.f32 v53, v53;
	v5 =	vadd.f32 v6, v5;
	v9 =	vsub.f32 $1.500000000e+00, v9  }
0x19e: {  	[tilespmem:$0x1FA60] =	vst v25;
	v25 =	vmul.f32 v55, v55;
	v10 =	vadd.f32 v10, v14;
	v15 =	vadd.f32 v20, v15  }
0x19f: {  	v20 =	vmul.f32 v56, v56;
	v38 =	vmul.f32 v9, v12;
	v9 =	vadd.f32 v17, v21  }
0x1a0: {  	v26 =	vmul.f32 v60, v60;
	v12 =	vadd.f32 v52, v51;
	v21 =	vadd.f32 v55, v54  }
0x1a1: {  	v17 =	vadd.f32 v22, v20;
	v22 =	vadd.f32 v58, v57;
	v4 =	vmul.f32 v38, v4  }
0x1a2: {  	v7 =	vadd.f32 v11, v13;
	v20 =	vmul.f32 v51, v51;
	v12 =	vadd.f32 v21, v12  }
0x1a3: {  	[tilespmem:$0x1FA20] =	vst v37;
	v21 =	vmul.f32 v54, v54;
	v22 =	vadd.f32 v24, v22;
	v4 =	vmul.f32 v4, v19  }
0x1a4: {  	[tilespmem:$0x1FA30] =	vst v27;
	v20 =	vadd.f32 v23, v20;
	v23 =	vmul.f32 v57, v57;
	v24 =	vmul.f32 v58, v58  }
0x1a5: {  	[tilespmem:$0x1FA40] =	vst v40;
	v21 =	vadd.f32 v25, v21;
	v25 =	vmul.f32 v59, v59;
	v4 =	vadd.f32 v4, v18  }
0x1a6: {  	s2 =	simm.s32 $0x9D00;
	s1 =	rddreg [dreg:$0x8];
	s8 =	sadd.s32 $0x4, s13;
	[tilespmem:$0x1FA50] =	vst v30;
	v8 =	vadd.f32 v15, v8;
	v9 =	vadd.f32 v17, v9  }
0x1a7: {  	s16 =	smulhi.u32 $0x51EB851F, s8;
	s4 =	rddreg [dreg:$0x7];
	v23 =	vadd.f32 v24, v23;
	[tilespmem:s2+$0xF0] =	vst v4;
	v4 =	vadd.f32 v26, v25  }
0x1a8: {  	v6 =	vperm.xlane v7, v0;
	v12 =	vadd.f32 v22, v12;
	v8 =	vadd.f32 v9, v8;
	s5 =	sld [smem:$0x7]  }
0x1a9: {  	s12 =	simm.s32 $0x1F00;
	s20 =	sshrl.u32 s16, $0x6;
	v11 =	vadd.f32 v21, v20;
	s18 =	sld [smem:$0x4];
	v4 =	vadd.f32 v4, v23  }
0x1aa: {  	s16 =	smul.u32 $0xC8, s20;
	v14 =	vperm.xlane v5, v0;
	v6 =	vadd.f32 v7, v6;
	v7 =	vperm.xlane v8, v0;
	s30 =	rddreg [dreg:$0x6];
	v13 =	vld [tilespmem:s12+$0x80]  }
0x1ab: {  	v17 =	vperm.xlane v10, v1;
	s21 =	sld [smem:$0x5];
	v9 =	vld [tilespmem:s12+$0x90];
	v4 =	vadd.f32 v4, v11;
	v11 =	vperm.xlane v12, v0;
	s31 =	smul.u32 $0xC8, s5  }
0x1ac: {  	s25 =	sadd.s32 $0x0, s10;
	v5 =	vadd.f32 v14, v5;
	v14 =	vperm.xlane v6, v1;
	v7 =	vadd.f32 v7, v8;
	s22 =	sld [smem:$0x6];
	v16 =	vld [tilespmem:s12+$0xA0]  }
0x1ad: {  	v10 =	vadd.f32 v10, v17;
	s30 =	ssub.s32 s30, s16;
	v8 =	vld [tilespmem:s12+$0xC0];
	v15 =	vperm.xlane v4, v0;
	v11 =	vadd.f32 v12, v11;
	s31 =	sadd.s32 s31, s25  }
0x1ae: {  	v17 =	vperm.xlane v5, v1;
	v6 =	vadd.f32 v6, v14;
	v14 =	vperm.xlane v7, v1;
	v20 =	vld [tilespmem:s12+$0xD0];
	s30 =	sadd.s32 s30, s31  }
0x1af: {  	v28 =	vld [tilespmem:s12+$0xE0];
	v4 =	vadd.f32 v15, v4;
	v15 =	vperm.xlane v11, v1;
	s30 =	sshll.u32 s30, $0x9  }
0x1b0: {  	v5 =	vadd.f32 v17, v5;
	v17 =	vld [tilespmem:s12+$0xF0];
	v7 =	vadd.f32 v14, v7;
	v14 =	vperm.xlane v6, v2;
	s30 =	sadd.s32 $0x800, s30  }
0x1b1: {  	v12 =	vld [tilespmem:s12+$0xB0];
	v21 =	vperm.xlane v4, v1;
	v11 =	vadd.f32 v11, v15;
	s30 =	sshra.s32 s30, $0x2;
	v15 =	vperm.xlane v10, v2  }
0x1b2: {  	v6 =	vadd.f32 v6, v14;
	v14 =	vperm.xlane v7, v2;
	v23 =	vld [tilespmem:s30+$0x11C10]  }
0x1b3: {  	v29 =	vld [tilespmem:s30+$0x11C20];
	v4 =	vadd.f32 v21, v4;
	v10 =	vadd.f32 v10, v15;
	v15 =	vperm.xlane v11, v2  }
0x1b4: {  	v22 =	vperm.xlane v5, v2;
	v7 =	vadd.f32 v14, v7;
	v14 =	vperm.xlane v6, v3;
	v21 =	vld [tilespmem:s30+$0x11C00]  }
0x1b5: {  	v30 =	vld [tilespmem:s30+$0x11C40];
	v24 =	vperm.xlane v4, v2;
	v11 =	vadd.f32 v11, v15;
	v15 =	vperm.xlane v10, v3  }
0x1b6: {  	v5 =	vadd.f32 v22, v5;
	v6 =	vadd.f32 v6, v14;
	v14 =	vperm.xlane v7, v3;
	v22 =	vld [tilespmem:s30+$0x11C30]  }
0x1b7: {  	v31 =	vld [tilespmem:s30+$0x11C50];
	v4 =	vadd.f32 v24, v4;
	v10 =	vadd.f32 v10, v15;
	v15 =	vperm.xlane v11, v3  }
0x1b8: {  	s3 =	smul.u32 $0xC8, s18;
	v43 =	vld [tilespmem:s30+$0x11C60];
	v7 =	vadd.f32 v14, v7;
	v24 =	vperm.xlane v5, v3  }
0x1b9: {  	v26 =	vadd.f32 v21, v13;
	v25 =	vperm.xlane v4, v3;
	v11 =	vadd.f32 v11, v15;
	v15 =	vld [tilespmem:s30+$0x11C70]  }
0x1ba: {  	s29 =	ssub.s32 s7, s16;
	s3 =	sadd.s32 s3, s25;
	v21 =	vadd.f32 v30, v8;
	v5 =	vadd.f32 v24, v5  }
0x1bb: {  	s3 =	sadd.s32 s29, s3;
	v24 =	vadd.f32 v29, v16;
	v27 =	vadd.f32 v25, v4  }
0x1bc: {  	s3 =	sshll.u32 s3, $0x9;
	v34 =	vmul.f32 v21, v21;
	v25 =	vadd.f32 v23, v9;
	v23 =	vadd.f32 v22, v12  }
0x1bd: {  	s3 =	sadd.s32 $0x800, s3;
	v22 =	vadd.f32 v31, v20;
	v4 =	vadd.f32 v43, v28;
	v12 =	vmul.f32 v26, v26  }
0x1be: {  	s3 =	sshra.s32 s3, $0x2;
	v14 =	vmul.f32 v25, v25;
	v28 =	vmul.f32 v23, v23;
	v17 =	vadd.f32 v15, v17  }
0x1bf: {  	v50 =	vld [tilespmem:s3+$0x11C00];
	v13 =	vadd.f32 v22, v21;
	v44 =	vmul.f32 v22, v22;
	v15 =	vmul.f32 v24, v24  }
0x1c0: {  	v48 =	vld [tilespmem:s3+$0x11C10];
	v12 =	vadd.f32 v14, v12;
	v16 =	vadd.f32 v17, v4  }
0x1c1: {  	s15 =	smul.u32 $0xC8, s21;
	[tilespmem:$0x1FE90] =	vst v17;
	v14 =	vadd.f32 v28, v15;
	v15 =	vadd.f32 v44, v34;
	v34 =	vmul.f32 $7.812500000e-03, v6;
	v6 =	vld [tilespmem:$0x1F9D0]  }
0x1c2: {  	v8 =	vadd.f32 v25, v26;
	v9 =	vadd.f32 v23, v24;
	v49 =	vld [tilespmem:s3+$0x11C20]  }
0x1c3: {  	s19 =	ssub.s32 s4, s16;
	s15 =	sadd.s32 s15, s25;
	v62 =	vmul.f32 v17, v17;
	v18 =	vld [tilespmem:s3+$0x11C30];
	v13 =	vadd.f32 v16, v13;
	v16 =	vmul.f32 v4, v4  }
0x1c4: {  	s15 =	sadd.s32 s19, s15;
	v45 =	vld [tilespmem:s3+$0x11C40]  }
0x1c5: {  	s15 =	sshll.u32 s15, $0x9;
	v8 =	vadd.f32 v9, v8;
	v19 =	vld [tilespmem:s3+$0x11C50];
	v16 =	vadd.f32 v62, v16  }
0x1c6: {  	s15 =	sadd.s32 $0x800, s15;
	v43 =	vld [tilespmem:s3+$0x11C60];
	[tilespmem:$0x1F9B0] =	vst v21;
	v12 =	vadd.f32 v14, v12  }
0x1c7: {  	s15 =	sshra.s32 s15, $0x2;
	v41 =	vld [tilespmem:s3+$0x11C70];
	[tilespmem:$0x1F9C0] =	vst v4;
	v8 =	vadd.f32 v13, v8;
	v13 =	vadd.f32 v16, v15  }
0x1c8: {  	v4 =	vmul.f32 $7.812500000e-03, v11;
	v37 =	vld [tilespmem:s15+$0x11C00]  }
0x1c9: {  	v28 =	vld [tilespmem:s15+$0x11C10];
	v12 =	vadd.f32 v13, v12  }
0x1ca: {  	s31 =	smul.u32 $0xC8, s22;
	v17 =	vld [tilespmem:s15+$0x11C20];
	v13 =	vmul.f32 $7.812500000e-03, v27;
	v27 =	vmul.f32 v4, v4  }
0x1cb: {  	v10 =	vmul.f32 $7.812500000e-03, v10;
	v44 =	vld [tilespmem:s15+$0x11C40];
	v62 =	vperm.xlane v12, v0  }
0x1cc: {  	s4 =	ssub.s32 s1, s16;
	s3 =	sadd.s32 s31, s25;
	v40 =	vld [tilespmem:s15+$0x11C50];
	v13 =	vsub.f32 v13, v27  }
0x1cd: {  	s3 =	sadd.s32 s4, s3;
	v27 =	vadd.f32 v62, v12;
	v62 =	vsub.f32 v6, v10;
	v6 =	vld [tilespmem:$0x1F9E0]  }
0x1ce: {  	v42 =	vld [tilespmem:s15+$0x11C60];
	s3 =	sshll.u32 s3, $0x9  }
0x1cf: {  	v36 =	vld [tilespmem:s15+$0x11C70];
	s3 =	sadd.s32 $0x800, s3  }
0x1d0: {  	v15 =	vld [tilespmem:s15+$0x11C30];
	s3 =	sshra.s32 s3, $0x2  }
0x1d1: {  	v32 =	vld [tilespmem:s3+$0x11C00]  }
0x1d2: {  	v33 =	vld [tilespmem:s3+$0x11C10];
	v6 =	vsub.f32 v6, v10  }
0x1d3: {  	v31 =	vld [tilespmem:s3+$0x11C20]  }
0x1d4: {  	[tilespmem:$0x1FA70] =	vst v6;
	v6 =	vld [tilespmem:$0x1F9F0];
	_ =	sdelay $0x4  }
0x1d5: {  	v6 =	vsub.f32 v6, v10;
	_ =	sdelay $0x1  }
0x1d6: {  	[tilespmem:$0x1FA80] =	vst v6;
	v6 =	vsub.f32 v46, v10  }
0x1d7: {  	v30 =	vld [tilespmem:s3+$0x11C30]  }
0x1d8: {  	[tilespmem:$0x1FA90] =	vst v6;
	v6 =	vld [tilespmem:$0x1FA00];
	_ =	sdelay $0x4  }
0x1d9: {  	v6 =	vsub.f32 v6, v10;
	_ =	sdelay $0x1  }
0x1da: {  	[tilespmem:$0x1FAA0] =	vst v6;
	v6 =	vld [tilespmem:$0x1FA10];
	_ =	sdelay $0x4  }
0x1db: {  	v6 =	vsub.f32 v6, v10  }
0x1dc: {  	v14 =	vperm.xlane v8, v0;
	v29 =	vld [tilespmem:s3+$0x11C40]  }
0x1dd: {  	[tilespmem:$0x1FAB0] =	vst v6;
	v6 =	vld [tilespmem:$0x1FA20]  }
0x1de: {  	v5 =	vmul.f32 $7.812500000e-03, v5;
	v8 =	vadd.f32 v8, v14;
	v14 =	vmul.f32 v10, v10;
	_ =	sdelay $0x1  }
0x1df: {  	v9 =	vsub.f32 v5, v14;
	v14 =	vperm.xlane v8, v1;
	_ =	sdelay $0x1  }
0x1e0: {  	v5 =	vadd.f32 v8, v14;
	v6 =	vsub.f32 v6, v10;
	_ =	sdelay $0x1  }
0x1e1: {  	[tilespmem:$0x1FAC0] =	vst v6;
	v6 =	vperm.xlane v5, v2;
	_ =	sdelay $0x1  }
0x1e2: {  	v6 =	vadd.f32 v5, v6;
	v5 =	vld [tilespmem:$0x1FA30];
	_ =	sdelay $0x2  }
0x1e3: {  	v7 =	vmul.f32 $7.812500000e-03, v7;
	v16 =	vmul.f32 v34, v34;
	v8 =	vsub.f32 v61, v10;
	_ =	sdelay $0x1  }
0x1e4: {  	v11 =	vsub.f32 v7, v16;
	v16 =	vld [tilespmem:s3+$0x11C50];
	[tilespmem:$0x1FAD0] =	vst v8;
	v5 =	vsub.f32 v5, v34  }
0x1e5: {  	v14 =	vld [tilespmem:s3+$0x11C60]  }
0x1e6: {  	[tilespmem:$0x1FAE0] =	vst v5;
	v5 =	vld [tilespmem:$0x1FA40];
	_ =	sdelay $0x4  }
0x1e7: {  	v5 =	vsub.f32 v5, v34;
	_ =	sdelay $0x1  }
0x1e8: {  	v12 =	vld [tilespmem:s3+$0x11C70];
	[tilespmem:$0x1FAF0] =	vst v5;
	v5 =	vsub.f32 v63, v34;
	_ =	sdelay $0x1  }
0x1e9: {  	v7 =	vperm.xlane v27, v1;
	[tilespmem:$0x1FB00] =	vst v5;
	v5 =	vsub.f32 v47, v34;
	_ =	sdelay $0x1  }
0x1ea: {  	v7 =	vadd.f32 v7, v27;
	v27 =	vld [tilespmem:s12+$0xFFFFFF00];
	[tilespmem:$0x1FB10] =	vst v5;
	v5 =	vsub.f32 v53, v34;
	_ =	sdelay $0x1  }
0x1eb: {  	[tilespmem:$0x1FB20] =	vst v5;
	v5 =	vld [tilespmem:$0x1FA50];
	_ =	sdelay $0x4  }
0x1ec: {  	v5 =	vsub.f32 v5, v34  }
0x1ed: {  	v10 =	vld [tilespmem:$0x1FA60]  }
0x1ee: {  	v39 =	vld [tilespmem:s12+$0xFFFFFF10];
	[tilespmem:$0x1FB30] =	vst v5;
	v5 =	vsub.f32 v56, v34;
	_ =	sdelay $0x1  }
0x1ef: {  	[tilespmem:$0x1FB40] =	vst v5;
	v5 =	vperm.xlane v6, v3;
	_ =	sdelay $0x1  }
0x1f0: {  	v8 =	vperm.xlane v7, v2;
	v5 =	vadd.f32 v6, v5;
	v6 =	vsub.f32 v51, v4  }
0x1f1: {  	v63 =	vsub.f32 v10, v34;
	v10 =	vsub.f32 v52, v4;
	v46 =	vld [tilespmem:s12+$0xFFFFFF20]  }
0x1f2: {  	v8 =	vadd.f32 v8, v7;
	v7 =	vld [tilespmem:s12+$0xFFFFFF30];
	[tilespmem:$0x1FB50] =	vst v6  }
0x1f3: {  	v6 =	vld [tilespmem:s12+$0xFFFFFF40];
	[tilespmem:$0x1FB60] =	vst v10;
	v10 =	vsub.f32 v54, v4;
	_ =	sdelay $0x1  }
0x1f4: {  	[tilespmem:$0x1FB70] =	vst v10;
	v10 =	vsub.f32 v57, v4  }
0x1f5: {  	v20 =	vsub.f32 v58, v4  }
0x1f6: {  	v51 =	vld [tilespmem:s12+$0xFFFFFF50];
	[tilespmem:$0x1FB80] =	vst v10  }
0x1f7: {  	v10 =	vld [tilespmem:s12+$0xFFFFFF60];
	[tilespmem:$0x1FB90] =	vst v20;
	v20 =	vsub.f32 v59, v4  }
0x1f8: {  	v52 =	vsub.f32 v55, v4;
	v47 =	vperm.xlane v8, v3;
	v4 =	vsub.f32 v60, v4  }
0x1f9: {  	[tilespmem:$0x1FBA0] =	vst v20  }
0x1fa: {  	v8 =	vadd.f32 v47, v8;
	v58 =	vld [tilespmem:s12+$0xFFFFFF70];
	[tilespmem:$0x1FBB0] =	vst v4  }
0x1fb: {  	v53 =	vmul.f32 $7.812500000e-03, v5;
	v34 =	vld [tilespmem:s12+$0xFFFFFF80]  }
0x1fc: {  	v8 =	vmul.f32 $7.812500000e-03, v8;
	v5 =	vld [tilespmem:s12+$0xFFFFFF90]  }
0x1fd: {  	v61 =	vadd.f32 v48, v39;
	v18 =	vadd.f32 v18, v7;
	v39 =	vmul.f32 v53, v53;
	v7 =	vld [tilespmem:s12+$0xFFFFFFA0]  }
0x1fe: {  	v9 =	vadd.f32 $9.999999970e-07, v9;
	v48 =	vld [tilespmem:s12+$0xFFFFFFB0]  }
0x1ff: {  	v54 =	vadd.f32 v49, v46;
	v20 =	vsub.f32 v8, v39;
	v8 =	vld [tilespmem:s12+$0xFFFFFFD0]  }
0x200: {  	v60 =	vadd.f32 v50, v27;
	v50 =	vadd.f32 v45, v6  }
0x201: {  	v55 =	vadd.f32 v43, v10;
	v43 =	vadd.f32 v37, v34  }
0x202: {  	v46 =	vadd.f32 v28, v5;
	v5 =	vadd.f32 $9.999999970e-07, v11  }
0x203: {  	v34 =	vld [tilespmem:s12+$0xFFFFFFE0];
	v56 =	vadd.f32 v17, v7;
	v21 =	vadd.f32 v15, v48;
	v7 =	vshra.s32 v9, $0x1  }
0x204: {  	v28 =	vld [tilespmem:s12+$0xFFFFFFF0];
	v9 =	vmul.f32 $5.000000000e-01, v9;
	v11 =	vadd.f32 $9.999999970e-07, v13;
	v59 =	vadd.f32 v40, v8  }
0x205: {  	v15 =	vld [tilespmem:s12+$0x0];
	v7 =	vsub.s32 $0x5F3759DF, v7;
	v13 =	vshra.s32 v5, $0x1;
	v5 =	vmul.f32 $5.000000000e-01, v5  }
0x206: {  	v40 =	vld [tilespmem:s12+$0x70];
	v39 =	vshra.s32 v11, $0x1;
	v48 =	vmul.f32 $5.000000000e-01, v11;
	v11 =	vmul.f32 v7, v9  }
0x207: {  	v57 =	vadd.f32 v19, v51;
	v19 =	vadd.f32 v41, v58;
	v17 =	vld [tilespmem:s12+$0x10];
	v13 =	vsub.s32 $0x5F3759DF, v13  }
0x208: {  	v10 =	vld [tilespmem:s12+$0x30];
	v45 =	vsub.s32 $0x5F3759DF, v39;
	v47 =	vmul.f32 v13, v5;
	v8 =	vmul.f32 v7, v11  }
0x209: {  	v4 =	vld [tilespmem:s12+$0x50];
	v49 =	vmul.f32 v45, v48;
	v34 =	vadd.f32 v42, v34;
	v42 =	vadd.f32 v36, v28  }
0x20a: {  	v39 =	vadd.f32 v32, v15;
	v28 =	vmul.f32 v13, v47;
	v8 =	vsub.f32 $1.500000000e+00, v8  }
0x20b: {  	v36 =	vld [tilespmem:s12+$0x60];
	v37 =	vadd.f32 v12, v40;
	v12 =	vadd.f32 v57, v50;
	v32 =	vmul.f32 v45, v49  }
0x20c: {  	v47 =	vadd.f32 v33, v17;
	v17 =	vsub.f32 $1.500000000e+00, v28;
	v7 =	vmul.f32 v7, v8  }
0x20d: {  	v33 =	vadd.f32 v30, v10;
	v8 =	vsub.f32 $1.500000000e+00, v32  }
0x20e: {  	v32 =	vadd.f32 v16, v4;
	v13 =	vmul.f32 v13, v17;
	v4 =	vmul.f32 v7, v9  }
0x20f: {  	v10 =	vadd.f32 v18, v54;
	v16 =	vmul.f32 v61, v61;
	v9 =	vadd.f32 v61, v60  }
0x210: {  	v36 =	vadd.f32 v14, v36;
	v5 =	vmul.f32 v13, v5;
	v4 =	vmul.f32 v4, v7  }
0x211: {  	v14 =	vadd.f32 v19, v55;
	v15 =	vadd.f32 v10, v9;
	v10 =	vmul.f32 v60, v60  }
0x212: {  	v5 =	vmul.f32 v5, v13;
	v4 =	vsub.f32 $1.500000000e+00, v4  }
0x213: {  	v12 =	vadd.f32 v14, v12;
	v14 =	vmul.f32 v54, v54;
	v11 =	vadd.f32 v16, v10  }
0x214: {  	v16 =	vmul.f32 v18, v18;
	v5 =	vsub.f32 $1.500000000e+00, v5;
	v4 =	vmul.f32 v4, v7  }
0x215: {  	v51 =	vld [tilespmem:s12+$0xFFFFFFC0]  }
0x216: {  	v6 =	vld [tilespmem:s12+$0x40];
	v10 =	vadd.f32 v16, v14;
	v14 =	vmul.f32 v5, v13;
	v5 =	vmul.f32 v4, v62  }
0x217: {  	v41 =	vld [tilespmem:s12+$0x20]  }
0x218: {  	[tilespmem:$0x1FC40] =	vst v5;
	v5 =	vld [tilespmem:$0x1FA70];
	_ =	sdelay $0x4  }
0x219: {  	v5 =	vmul.f32 v4, v5;
	_ =	sdelay $0x1  }
0x21a: {  	[tilespmem:$0x1FC60] =	vst v5;
	v5 =	vld [tilespmem:$0x1FA80];
	_ =	sdelay $0x4  }
0x21b: {  	v5 =	vmul.f32 v4, v5;
	_ =	sdelay $0x1  }
0x21c: {  	[tilespmem:$0x1FC80] =	vst v5;
	v5 =	vld [tilespmem:$0x1FA90];
	_ =	sdelay $0x4  }
0x21d: {  	v27 =	vadd.f32 v29, v6;
	v6 =	vmul.f32 v45, v8;
	v5 =	vmul.f32 v4, v5;
	_ =	sdelay $0x1  }
0x21e: {  	v8 =	vmul.f32 v6, v48;
	[tilespmem:$0x1FCA0] =	vst v5;
	v5 =	vld [tilespmem:$0x1FAA0]  }
0x21f: {  	v28 =	vmul.f32 v57, v57;
	v17 =	vmul.f32 v50, v50  }
0x220: {  	v58 =	vadd.f32 v44, v51;
	v29 =	vmul.f32 v55, v55;
	v8 =	vmul.f32 v8, v6  }
0x221: {  	v49 =	vadd.f32 v31, v41;
	v30 =	vmul.f32 v19, v19;
	v9 =	vadd.f32 v28, v17  }
0x222: {  	v28 =	vadd.f32 v42, v34;
	v8 =	vsub.f32 $1.500000000e+00, v8  }
0x223: {  	v16 =	vadd.f32 v59, v58;
	v13 =	vadd.f32 v30, v29;
	v5 =	vmul.f32 v4, v5  }
0x224: {  	v17 =	vmul.f32 v8, v6;
	v6 =	vadd.f32 v46, v43;
	v8 =	vadd.f32 v21, v56  }
0x225: {  	v16 =	vadd.f32 v28, v16;
	v28 =	vmul.f32 v56, v56;
	v30 =	vmul.f32 v21, v21;
	[tilespmem:$0x1FCD0] =	vst v5;
	v5 =	vld [tilespmem:$0x1FAB0]  }
0x226: {  	v29 =	vmul.f32 v46, v46;
	v7 =	vadd.f32 v8, v6;
	v8 =	vmul.f32 v43, v43  }
0x227: {  	v51 =	vmul.f32 v42, v42;
	v28 =	vadd.f32 v30, v28;
	v30 =	vmul.f32 v34, v34  }
0x228: {  	v31 =	vmul.f32 v59, v59;
	v8 =	vadd.f32 v29, v8;
	v29 =	vmul.f32 v58, v58  }
0x229: {  	v44 =	vadd.f32 v51, v30;
	v30 =	vadd.f32 v33, v49  }
0x22a: {  	v41 =	vadd.f32 v31, v29;
	v29 =	vadd.f32 v47, v39;
	v5 =	vmul.f32 v4, v5;
	_ =	sdelay $0x1  }
0x22b: {  	v48 =	vadd.f32 v30, v29;
	v29 =	vmul.f32 v39, v39;
	v30 =	vmul.f32 v47, v47;
	[tilespmem:$0x1FCF0] =	vst v5;
	v5 =	vld [tilespmem:$0x1FAC0]  }
0x22c: {  	[tilespmem:$0x1FFA0] =	vst v27  }
0x22d: {  	[tilespmem:$0x1FF30] =	vst v47;
	v40 =	vadd.f32 v32, v27;
	v47 =	vadd.f32 v30, v29;
	v29 =	vmul.f32 v27, v27;
	v27 =	vld [tilespmem:$0x1FAD0];
	_ =	sdelay $0x2  }
0x22e: {  	[tilespmem:$0x1FF10] =	vst v39;
	v5 =	vmul.f32 v4, v5  }
0x22f: {  	[tilespmem:$0x1FF70] =	vst v33;
	v39 =	vmul.f32 v33, v33;
	v33 =	vmul.f32 v36, v36  }
0x230: {  	v4 =	vmul.f32 v4, v27;
	[tilespmem:$0x1FD10] =	vst v5;
	v5 =	vmul.f32 v37, v37;
	_ =	sdelay $0x1  }
0x231: {  	[tilespmem:$0x1FD40] =	vst v4;
	v4 =	vadd.f32 v5, v33;
	v5 =	vadd.f32 v10, v11;
	v10 =	vld [tilespmem:$0x1FAE0];
	_ =	sdelay $0x4  }
0x232: {  	v10 =	vmul.f32 v14, v10;
	_ =	sdelay $0x1  }
0x233: {  	[tilespmem:$0x1FD50] =	vst v10;
	v10 =	vld [tilespmem:$0x1FAF0];
	_ =	sdelay $0x4  }
0x234: {  	v10 =	vmul.f32 v14, v10;
	_ =	sdelay $0x1  }
0x235: {  	[tilespmem:$0x1FD70] =	vst v10;
	v10 =	vld [tilespmem:$0x1FB00];
	_ =	sdelay $0x4  }
0x236: {  	v7 =	vadd.f32 v16, v7;
	v16 =	vadd.f32 v28, v8;
	v8 =	vld [tilespmem:$0x1FB30];
	v10 =	vmul.f32 v14, v10;
	_ =	sdelay $0x1  }
0x237: {  	v6 =	vmul.f32 v32, v32;
	[tilespmem:$0x1FD80] =	vst v10;
	v10 =	vld [tilespmem:$0x1FB10];
	_ =	sdelay $0x1  }
0x238: {  	v6 =	vadd.f32 v6, v29  }
0x239: {  	v15 =	vadd.f32 v12, v15;
	v9 =	vadd.f32 v13, v9;
	v8 =	vmul.f32 v14, v8  }
0x23a: {  	v4 =	vadd.f32 v4, v6  }
0x23b: {  	[tilespmem:$0x1FDD0] =	vst v8;
	v8 =	vld [tilespmem:$0x1FB40];
	v5 =	vadd.f32 v9, v5;
	v6 =	vperm.xlane v15, v0;
	v10 =	vmul.f32 v14, v10  }
0x23c: {  	v62 =	vadd.f32 v37, v36  }
0x23d: {  	v6 =	vadd.f32 v15, v6;
	v15 =	vperm.xlane v5, v0;
	[tilespmem:$0x1FDA0] =	vst v10;
	v10 =	vld [tilespmem:$0x1FB20]  }
0x23e: {  	v45 =	vadd.f32 v62, v40  }
0x23f: {  	v40 =	vmul.f32 v49, v49;
	v5 =	vadd.f32 v15, v5;
	v15 =	vperm.xlane v6, v1  }
0x240: {  	v51 =	vld [tilespmem:$0x1FB80];
	v8 =	vmul.f32 v14, v8  }
0x241: {  	[tilespmem:$0x1FF40] =	vst v49;
	v49 =	vadd.f32 v39, v40;
	v6 =	vadd.f32 v6, v15;
	v15 =	vperm.xlane v5, v1  }
0x242: {  	[tilespmem:$0x1FDE0] =	vst v8;
	v8 =	vmul.f32 v14, v63;
	v10 =	vmul.f32 v14, v10;
	v14 =	vadd.f32 v44, v41  }
0x243: {  	v28 =	vadd.f32 v49, v47;
	v49 =	vld [tilespmem:$0x1FB70];
	v5 =	vadd.f32 v15, v5;
	v15 =	vperm.xlane v6, v2  }
0x244: {  	v9 =	vadd.f32 v45, v48;
	v14 =	vadd.f32 v14, v16;
	v16 =	vperm.xlane v7, v0  }
0x245: {  	v39 =	vmul.f32 v17, v51;
	v6 =	vadd.f32 v6, v15;
	v15 =	vperm.xlane v5, v2  }
0x246: {  	v4 =	vadd.f32 v4, v28;
	v7 =	vadd.f32 v7, v16;
	v16 =	vperm.xlane v9, v0  }
0x247: {  	v5 =	vadd.f32 v15, v5;
	v15 =	vperm.xlane v6, v3;
	v28 =	vperm.xlane v14, v0  }
0x248: {  	v30 =	vmul.f32 v17, v49;
	v45 =	vld [tilespmem:$0x1FB50];
	v9 =	vadd.f32 v9, v16;
	v16 =	vperm.xlane v7, v1  }
0x249: {  	v6 =	vadd.f32 v6, v15;
	v15 =	vperm.xlane v5, v3;
	v14 =	vadd.f32 v28, v14  }
0x24a: {  	v44 =	vperm.xlane v4, v0;
	v7 =	vadd.f32 v7, v16;
	v16 =	vperm.xlane v9, v1  }
0x24b: {  	v33 =	vmul.f32 v17, v52;
	v5 =	vadd.f32 v15, v5;
	v28 =	vperm.xlane v14, v1  }
0x24c: {  	v47 =	vld [tilespmem:$0x1FB60];
	v4 =	vadd.f32 v44, v4;
	v9 =	vadd.f32 v9, v16;
	v16 =	vperm.xlane v7, v2  }
0x24d: {  	v40 =	vmul.f32 v17, v45;
	v5 =	vmul.f32 $7.812500000e-03, v5;
	v14 =	vadd.f32 v28, v14  }
0x24e: {  	v52 =	vld [tilespmem:$0x1FB90];
	v41 =	vperm.xlane v4, v1;
	v7 =	vadd.f32 v7, v16;
	v16 =	vperm.xlane v9, v2  }
0x24f: {  	v44 =	vmul.f32 $7.812500000e-03, v6;
	v28 =	vperm.xlane v14, v2  }
0x250: {  	v4 =	vadd.f32 v41, v4;
	v9 =	vadd.f32 v9, v16;
	v16 =	vperm.xlane v7, v3  }
0x251: {  	v0 =	vmul.f32 v17, v47;
	v48 =	vmul.f32 v44, v44;
	v14 =	vadd.f32 v28, v14  }
0x252: {  	v62 =	vld [tilespmem:$0x1FBA0];
	v41 =	vperm.xlane v4, v2;
	v7 =	vadd.f32 v7, v16;
	v16 =	vadd.f32 $9.999999970e-07, v20  }
0x253: {  	v51 =	vld [tilespmem:$0x1FC00];
	v50 =	vsub.f32 v50, v44;
	[tilespmem:$0x1FE30] =	vst v0;
	v5 =	vsub.f32 v5, v48;
	v0 =	vmul.f32 v17, v52  }
0x254: {  	v4 =	vadd.f32 v41, v4;
	v41 =	vld [tilespmem:$0x1FBD0];
	v28 =	vperm.xlane v14, v3;
	v6 =	vmul.f32 $5.000000000e-01, v16  }
0x255: {  	v63 =	vld [tilespmem:$0x1FBB0];
	v16 =	vshra.s32 v16, $0x1;
	v45 =	vmul.f32 $7.812500000e-03, v7;
	v7 =	vperm.xlane v9, v3  }
0x256: {  	[tilespmem:$0x1FFB0] =	vst v32;
	v32 =	vld [tilespmem:$0x1FBC0];
	v14 =	vadd.f32 v28, v14;
	v28 =	vperm.xlane v4, v3;
	v16 =	vsub.s32 $0x5F3759DF, v16  }
0x257: {  	[tilespmem:$0x1FE70] =	vst v0;
	v0 =	vmul.f32 v17, v62;
	v7 =	vadd.f32 v9, v7;
	v9 =	vmul.f32 v16, v6  }
0x258: {  	v48 =	vld [tilespmem:$0x1FBE0];
	v4 =	vadd.f32 v28, v4;
	v14 =	vmul.f32 $7.812500000e-03, v14;
	v28 =	vmul.f32 v45, v45  }
0x259: {  	v52 =	vsub.f32 v51, v35;
	v47 =	vsub.f32 v41, v35;
	v9 =	vmul.f32 v16, v9  }
0x25a: {  	v5 =	vadd.f32 $9.999999970e-07, v5;
	[tilespmem:$0x1FEA0] =	vst v0;
	v0 =	vmul.f32 v17, v63;
	v14 =	vsub.f32 v14, v28  }
0x25b: {  	v41 =	vld [tilespmem:$0x1FC10];
	v63 =	vmul.f32 v38, v47;
	v28 =	vsub.f32 v32, v35;
	v9 =	vsub.f32 $1.500000000e+00, v9  }
0x25c: {  	v62 =	vmul.f32 $7.812500000e-03, v7;
	v4 =	vmul.f32 $7.812500000e-03, v4;
	v7 =	vadd.f32 $9.999999970e-07, v14  }
0x25d: {  	v32 =	vmul.f32 v38, v28;
	v16 =	vmul.f32 v16, v9;
	v9 =	vsub.f32 v48, v35  }
0x25e: {  	v49 =	vld [tilespmem:$0x1FBF0];
	v14 =	vshra.s32 v5, $0x1;
	v28 =	vshra.s32 v7, $0x1;
	v1 =	vmul.f32 $5.000000000e-01, v7  }
0x25f: {  	v17 =	vmul.f32 v38, v9;
	v9 =	vsub.s32 $0x5F3759DF, v14;
	v14 =	vsub.s32 $0x5F3759DF, v28  }
0x260: {  	v47 =	vsub.f32 v41, v35;
	v41 =	vld [tilespmem:$0x1FC20];
	v7 =	vmul.f32 v62, v62;
	v28 =	vmul.f32 v14, v1  }
0x261: {  	v51 =	vmul.f32 v38, v52;
	[tilespmem:$0x1FEF0] =	vst v63;
	v63 =	vsub.f32 v46, v45;
	v5 =	vmul.f32 $5.000000000e-01, v5  }
0x262: {  	v27 =	vsub.f32 v56, v45;
	v4 =	vsub.f32 v4, v7;
	v28 =	vmul.f32 v14, v28  }
0x263: {  	v29 =	vld [tilespmem:$0x1FCB0];
	v56 =	vsub.f32 v58, v45;
	v48 =	vsub.f32 v49, v35;
	v7 =	vmul.f32 v9, v5  }
0x264: {  	[tilespmem:$0x1FEC0] =	vst v0;
	v0 =	vld [tilespmem:$0x1FD20];
	v47 =	vmul.f32 v38, v47;
	v4 =	vadd.f32 $9.999999970e-07, v4;
	v28 =	vsub.f32 $1.500000000e+00, v28  }
0x265: {  	v20 =	vld [tilespmem:$0x1FC30];
	v35 =	vsub.f32 v41, v35;
	v31 =	vmul.f32 v38, v48;
	v7 =	vmul.f32 v9, v7  }
0x266: {  	v3 =	vld [tilespmem:$0x1FCC0];
	v49 =	vshra.s32 v4, $0x1;
	v15 =	vmul.f32 $5.000000000e-01, v4;
	v4 =	vmul.f32 v14, v28  }
0x267: {  	v46 =	vsub.f32 v59, v45;
	v58 =	vld [tilespmem:$0x1FCF0];
	v6 =	vmul.f32 v16, v6;
	v48 =	vmul.f32 v38, v35  }
0x268: {  	v59 =	vld [tilespmem:$0x1FD10];
	[tilespmem:$0x1FF50] =	vst v47;
	v47 =	vsub.f32 v42, v45;
	v7 =	vsub.f32 $1.500000000e+00, v7;
	v1 =	vmul.f32 v4, v1  }
0x269: {  	v41 =	vsub.f32 v18, v44;
	v38 =	vld [tilespmem:$0x1FC40];
	[tilespmem:$0x1FF80] =	vst v48;
	v6 =	vmul.f32 v6, v16;
	v48 =	vsub.f32 v19, v44  }
0x26a: {  	v42 =	vld [tilespmem:$0x1FC60];
	v52 =	vmul.f32 v9, v7;
	v14 =	vsub.s32 $0x5F3759DF, v49;
	v1 =	vmul.f32 v1, v4  }
0x26b: {  	v18 =	vld [tilespmem:$0x1FC90];
	v28 =	vsub.f32 $1.500000000e+00, v6;
	v7 =	vsub.f32 v61, v44;
	v6 =	vmul.f32 v14, v15  }
0x26c: {  	v19 =	vld [tilespmem:$0x1FC50];
	v61 =	vsub.f32 v55, v44;
	v2 =	vsub.f32 $1.500000000e+00, v1  }
0x26d: {  	v49 =	vsub.f32 v43, v45;
	v43 =	vld [tilespmem:$0x1FC80];
	v35 =	vmul.f32 v14, v6;
	v6 =	vsub.f32 v57, v44  }
0x26e: {  	v57 =	vsub.f32 v21, v45;
	v21 =	vld [tilespmem:$0x1FC70];
	v55 =	vmul.f32 v2, v4;
	v4 =	vmul.f32 v38, v20  }
0x26f: {  	v9 =	vsub.f32 v60, v44;
	v60 =	vsub.f32 v54, v44;
	v44 =	vld [tilespmem:$0x1FCA0]  }
0x270: {  	[tilespmem:$0x1FE00] =	vst v8;
	v54 =	vsub.f32 v34, v45;
	v45 =	vld [tilespmem:$0x1FCD0];
	v4 =	vadd.f32 v4, v29  }
0x271: {  	[tilespmem:$0x1FDB0] =	vst v10;
	v5 =	vmul.f32 v52, v5;
	v1 =	vld [tilespmem:$0x1FD00]  }
0x272: {  	v2 =	vld [tilespmem:$0x1FCE0];
	[tilespmem:s2+$0xFFFFFF00] =	vst v4  }
0x273: {  	v5 =	vmul.f32 v5, v52;
	v13 =	vld [tilespmem:$0x1FD50]  }
0x274: {  	v35 =	vsub.f32 $1.500000000e+00, v35  }
0x275: {  	v5 =	vsub.f32 $1.500000000e+00, v5  }
0x276: {  	v28 =	vmul.f32 v28, v16;
	v16 =	vmul.f32 v14, v35  }
0x277: {  	v14 =	vmul.f32 v5, v52;
	v5 =	vmul.f32 v42, v19  }
0x278: {  	v42 =	vmul.f32 v58, v2;
	v58 =	vmul.f32 v13, v20;
	v13 =	vld [tilespmem:$0x1FD60]  }
0x279: {  	v5 =	vadd.f32 v5, v0  }
0x27a: {  	v35 =	vmul.f32 v44, v18;
	v44 =	vld [tilespmem:$0x1FD30]  }
0x27b: {  	v34 =	vmul.f32 v43, v21;
	v4 =	vld [tilespmem:$0x1FD40];
	[tilespmem:s2+$0xFFFFFF10] =	vst v5  }
0x27c: {  	v10 =	vld [tilespmem:$0x1FD80]  }
0x27d: {  	v11 =	vld [tilespmem:$0x1FD90];
	v34 =	vadd.f32 v34, v13;
	_ =	sdelay $0x1  }
0x27e: {  	v5 =	vld [tilespmem:$0x1FD70];
	[tilespmem:s2+$0xFFFFFF20] =	vst v34  }
0x27f: {  	v52 =	vmul.f32 v45, v3;
	v45 =	vld [tilespmem:$0x1FDC0]  }
0x280: {  	v43 =	vmul.f32 v59, v1;
	v59 =	vmul.f32 v10, v21;
	v10 =	vld [tilespmem:$0x1FDA0]  }
0x281: {  	v35 =	vadd.f32 v35, v11;
	v8 =	vld [tilespmem:$0x1FDB0];
	_ =	sdelay $0x1  }
0x282: {  	[tilespmem:s2+$0xFFFFFF30] =	vst v35  }
0x283: {  	v12 =	vld [tilespmem:$0x1FDE0];
	v38 =	vadd.f32 v52, v45  }
0x284: {  	v40 =	vmul.f32 v40, v20;
	v52 =	vld [tilespmem:$0x1FDF0]  }
0x285: {  	v34 =	vmul.f32 v10, v18;
	v10 =	vmul.f32 v8, v3;
	v8 =	vld [tilespmem:$0x1FDD0];
	[tilespmem:s2+$0xFFFFFF40] =	vst v38  }
0x286: {  	v38 =	vld [tilespmem:$0x1FE00]  }
0x287: {  	[tilespmem:$0x1FE10] =	vst v40;
	v40 =	vld [tilespmem:$0x1FE20];
	_ =	sdelay $0x1  }
0x288: {  	v35 =	vadd.f32 v42, v52;
	_ =	sdelay $0x1  }
0x289: {  	[tilespmem:s2+$0xFFFFFF50] =	vst v35  }
0x28a: {  	v42 =	vmul.f32 v38, v44;
	v38 =	vadd.f32 v43, v40;
	v43 =	vmul.f32 v30, v21;
	v30 =	vld [tilespmem:$0x1FE40];
	_ =	sdelay $0x2  }
0x28b: {  	v33 =	vmul.f32 v33, v18;
	v4 =	vmul.f32 v4, v44  }
0x28c: {  	v39 =	vmul.f32 v39, v3;
	v35 =	vld [tilespmem:$0x1FE30];
	[tilespmem:s2+$0xFFFFFF60] =	vst v38  }
0x28d: {  	[tilespmem:$0x1FE50] =	vst v33;
	v4 =	vadd.f32 v4, v30  }
0x28e: {  	[tilespmem:$0x1FE60] =	vst v39  }
0x28f: {  	[tilespmem:s2+$0xFFFFFF70] =	vst v4  }
0x290: {  	v4 =	vld [tilespmem:$0x1FE70];
	_ =	sdelay $0x4  }
0x291: {  	v4 =	vmul.f32 v4, v2  }
0x292: {  	v29 =	vadd.f32 v58, v29  }
0x293: {  	[tilespmem:$0x1FE80] =	vst v4  }
0x294: {  	v38 =	vld [tilespmem:$0x1FE90];
	[tilespmem:s2+$0xFFFFFF80] =	vst v29  }
0x295: {  	v39 =	vld [tilespmem:$0x1FEA0];
	_ =	sdelay $0x1  }
0x296: {  	v58 =	vld [tilespmem:$0x1FEC0]  }
0x297: {  	v5 =	vmul.f32 v5, v19;
	_ =	sdelay $0x1  }
0x298: {  	v4 =	vadd.f32 v5, v0;
	v0 =	vmul.f32 v39, v1;
	_ =	sdelay $0x1  }
0x299: {  	[tilespmem:$0x1FEB0] =	vst v0;
	v0 =	vmul.f32 v58, v44;
	_ =	sdelay $0x1  }
0x29a: {  	v29 =	vadd.f32 v59, v13;
	v59 =	vmul.f32 v32, v20;
	[tilespmem:$0x1FED0] =	vst v0  }
0x29b: {  	[tilespmem:s2+$0xFFFFFF90] =	vst v4  }
0x29c: {  	[tilespmem:$0x1FEE0] =	vst v59  }
0x29d: {  	[tilespmem:s2+$0xFFFFFFA0] =	vst v29  }
0x29e: {  	v32 =	vld [tilespmem:$0x1FEF0];
	_ =	sdelay $0x4  }
0x29f: {  	v0 =	vmul.f32 v32, v19  }
0x2a0: {  	v8 =	vmul.f32 v8, v2;
	v4 =	vadd.f32 v34, v11  }
0x2a1: {  	v12 =	vmul.f32 v12, v1;
	v10 =	vadd.f32 v10, v45;
	[tilespmem:$0x1FF00] =	vst v0  }
0x2a2: {  	[tilespmem:s2+$0xFFFFFFB0] =	vst v4;
	v4 =	vadd.f32 v8, v52  }
0x2a3: {  	[tilespmem:s2+$0xFFFFFFC0] =	vst v10;
	v10 =	vadd.f32 v12, v40  }
0x2a4: {  	v34 =	vmul.f32 v51, v3;
	[tilespmem:s2+$0xFFFFFFD0] =	vst v4  }
0x2a5: {  	v11 =	vadd.f32 v42, v30;
	v33 =	vld [tilespmem:$0x1FF10];
	[tilespmem:s2+$0xFFFFFFE0] =	vst v10  }
0x2a6: {  	v5 =	vsub.f32 v38, v53;
	[tilespmem:$0x1FF20] =	vst v34;
	v38 =	vld [tilespmem:$0x1FF30]  }
0x2a7: {  	v39 =	vld [tilespmem:$0x1FF40];
	[tilespmem:s2+$0xFFFFFFF0] =	vst v11  }
0x2a8: {  	v42 =	vld [tilespmem:$0x1FF50];
	_ =	sdelay $0x1  }
0x2a9: {  	v5 =	vmul.f32 v28, v5;
	_ =	sdelay $0x1  }
0x2aa: {  	v5 =	vmul.f32 v5, v44;
	v40 =	vmov v2  }
0x2ab: {  	v0 =	vmul.f32 v42, v40  }
0x2ac: {  	v5 =	vadd.f32 v5, v30  }
0x2ad: {  	s4 =	simm.s32 $0x9F00;
	[tilespmem:$0x1FF60] =	vst v0  }
0x2ae: {  	v44 =	vld [tilespmem:$0x1FF70];
	[tilespmem:s4+$0xF0] =	vst v5  }
0x2af: {  	v8 =	vmul.f32 v16, v15;
	v51 =	vld [tilespmem:$0x1FF80]  }
0x2b0: {  	v52 =	vld [tilespmem:$0x1FFA0]  }
0x2b1: {  	v12 =	vmul.f32 v8, v16;
	v59 =	vld [tilespmem:$0x1FFB0];
	_ =	sdelay $0x1  }
0x2b2: {  	v31 =	vmul.f32 v31, v18;
	v45 =	vmov v1;
	v12 =	vsub.f32 $1.500000000e+00, v12  }
0x2b3: {  	s20 =	sshll.u32 s0, $0x8;
	v58 =	vsub.f32 v33, v62;
	v10 =	vsub.f32 v38, v62;
	v0 =	vmul.f32 v51, v45  }
0x2b4: {  	s17 =	sadd.s32 s11, s20;
	v35 =	vmul.f32 v35, v19;
	v8 =	vsub.f32 v39, v62;
	v4 =	vsub.f32 v44, v62  }
0x2b5: {  	s16 =	simm.s32 $0x6;
	s19 =	sshll.u32 s0, $0x1;
	s30 =	simm.s32 $0x4;
	v29 =	vmul.f32 v17, v21;
	v11 =	vsub.f32 v52, v62;
	v5 =	vsub.f32 v59, v62;
	[tilespmem:$0x1FF90] =	vst v0  }
.LBB2_5:
0x2b6: {  	v0 =	vld [tilespmem:$0x1F9B0]  }
0x2b7: {  	v45 =	vld [tilespmem:$0x1F9C0]  }
0x2b8: {  	v13 =	vld [tilespmem:$0x1FCB0]  }
0x2b9: {  	v2 =	vld [tilespmem:$0x1FE10]  }
0x2ba: {  	s12 =	sadd.s32 $0x200, s12;
	v33 =	vld [tilespmem:$0x1FD90]  }
0x2bb: {  	v15 =	vld [tilespmem:s12+$0x80];
	v3 =	vmul.f32 v55, v27  }
0x2bc: {  	v19 =	vld [tilespmem:s12+$0x90]  }
0x2bd: {  	v20 =	vmul.f32 v55, v49;
	v49 =	vld [tilespmem:s12+$0xB0];
	[tilespmem:$0x1F850] =	vst v3;
	v3 =	vmul.f32 v55, v57  }
0x2be: {  	v44 =	vmul.f32 v55, v63;
	v63 =	vld [tilespmem:$0x1FC30]  }
0x2bf: {  	v32 =	vmul.f32 v14, v7;
	v7 =	vadd.f32 v2, v13;
	v2 =	vld [tilespmem:$0x1FD20];
	[tilespmem:$0x1F860] =	vst v3;
	v3 =	vmul.f32 v55, v56  }
0x2c0: {  	v17 =	vmul.f32 v12, v16;
	v12 =	vmul.f32 v14, v48;
	v48 =	vld [tilespmem:$0x1FC50]  }
0x2c1: {  	v59 =	vsub.f32 v36, v62;
	v9 =	vmul.f32 v14, v9;
	v60 =	vmul.f32 v14, v60;
	[tilespmem:$0x1F870] =	vst v3;
	v3 =	vld [tilespmem:$0x1FE50]  }
0x2c2: {  	v62 =	vsub.f32 v37, v62;
	v1 =	vmul.f32 v14, v41;
	v37 =	vmul.f32 v55, v47;
	v47 =	vld [tilespmem:$0x1FC70]  }
0x2c3: {  	v18 =	vmul.f32 v14, v50;
	v61 =	vmul.f32 v14, v61;
	v57 =	vld [tilespmem:s12+$0xF0]  }
0x2c4: {  	v30 =	vsub.f32 v0, v53;
	v0 =	vmul.f32 v14, v6;
	v14 =	vadd.f32 v35, v2;
	v35 =	vld [tilespmem:$0x1FD60]  }
0x2c5: {  	s8 =	sadd.s32 $0x4, s8;
	v6 =	vld [tilespmem:$0x1FE60]  }
0x2c6: {  	s3 =	rddreg [dreg:$0x7];
	s16 =	sadd.s32 $0x4, s16;
	s15 =	smulhi.u32 $0x51EB851F, s8;
	[tilespmem:s2+$0x10] =	vst v14;
	v14 =	vadd.f32 v3, v33;
	v3 =	vld [tilespmem:$0x1FDC0]  }
0x2c7: {  	s22 =	sld [smem:s16+$0xFFFFFFFE];
	v40 =	vmul.f32 v17, v8;
	v8 =	vld [tilespmem:$0x1FEB0]  }
0x2c8: {  	s31 =	rddreg [dreg:$0x8];
	s15 =	sshrl.u32 s15, $0x6;
	v51 =	vmul.f32 v17, v4;
	v4 =	vld [tilespmem:$0x1FED0]  }
0x2c9: {  	s21 =	sld [smem:s16+$0x1];
	v38 =	vmul.f32 v17, v5;
	v5 =	vld [tilespmem:$0x1FEE0];
	s15 =	smul.u32 $0xC8, s15;
	v16 =	vadd.f32 v43, v35  }
0x2ca: {  	s25 =	rddreg [dreg:$0x6];
	v21 =	vsub.f32 v22, v53;
	s22 =	smul.u32 $0xC8, s22;
	v22 =	vld [tilespmem:$0x1FDF0]  }
0x2cb: {  	s18 =	sadd.s32 s30, s10;
	s29 =	sld [smem:s16+$0xFFFFFFFF];
	v50 =	vsub.f32 v45, v53;
	v45 =	vld [tilespmem:s12+$0xA0];
	[tilespmem:s2+$0x20] =	vst v16;
	v16 =	vadd.f32 v6, v3  }
0x2cc: {  	s21 =	smul.u32 $0xC8, s21;
	s1 =	ssub.s32 s7, s15;
	s22 =	sadd.s32 s22, s18;
	v6 =	vld [tilespmem:$0x1FE80]  }
0x2cd: {  	s5 =	sld [smem:s16+$0x0];
	v25 =	vsub.f32 v25, v53;
	s1 =	sadd.s32 s1, s22;
	[tilespmem:s2+$0x40] =	vst v16;
	v16 =	vmul.f32 v17, v11;
	v11 =	vld [tilespmem:$0x1FE40]  }
0x2ce: {  	v56 =	vld [tilespmem:s12+$0xE0];
	s25 =	ssub.s32 s25, s15;
	s21 =	sadd.s32 s21, s18;
	s1 =	sshll.u32 s1, $0x9  }
0x2cf: {  	s29 =	smul.u32 $0xC8, s29;
	v34 =	vmul.f32 v28, v25;
	v25 =	vld [tilespmem:$0x1FD00];
	s21 =	sadd.s32 s25, s21;
	s1 =	sadd.s32 $0x800, s1  }
0x2d0: {  	s5 =	smul.u32 $0xC8, s5;
	[tilespmem:s2+$0x0] =	vst v7;
	v7 =	vld [tilespmem:s12+$0xD0];
	s21 =	sshll.u32 s21, $0x9;
	s22 =	sshra.s32 s1, $0x2  }
0x2d1: {  	v36 =	vmul.f32 v55, v46;
	s3 =	ssub.s32 s3, s15;
	s15 =	ssub.s32 s31, s15;
	s21 =	sadd.s32 $0x800, s21;
	v46 =	vld [tilespmem:s22+$0x11C00]  }
0x2d2: {  	s31 =	sadd.s32 s29, s18;
	s5 =	sadd.s32 s5, s18;
	s18 =	sshra.s32 s21, $0x2;
	[tilespmem:s2+$0x30] =	vst v14;
	v14 =	vadd.f32 v6, v22;
	v6 =	vld [tilespmem:$0x1FE20];
	v4 =	vadd.f32 v4, v11  }
0x2d3: {  	v42 =	vmul.f32 v17, v10;
	v10 =	vld [tilespmem:s18+$0x11C00]  }
0x2d4: {  	[tilespmem:s2+$0x70] =	vst v4;
	v4 =	vld [tilespmem:$0x1FF00]  }
0x2d5: {  	v41 =	vmul.f32 v17, v58;
	v58 =	vld [tilespmem:s18+$0x11C30]  }
0x2d6: {  	v26 =	vsub.f32 v26, v53;
	v43 =	vld [tilespmem:s12+$0xC0]  }
0x2d7: {  	v39 =	vmul.f32 v17, v59;
	[tilespmem:$0x1F880] =	vst v46;
	v46 =	vld [tilespmem:s22+$0x11C10];
	v8 =	vadd.f32 v8, v6  }
0x2d8: {  	v62 =	vmul.f32 v17, v62;
	v5 =	vadd.f32 v5, v13;
	v17 =	vmul.f32 v28, v26;
	v26 =	vld [tilespmem:$0x1FC90]  }
0x2d9: {  	v24 =	vsub.f32 v24, v53;
	v11 =	vld [tilespmem:s18+$0x11C10];
	[tilespmem:s2+$0x60] =	vst v8;
	v4 =	vadd.f32 v4, v2  }
0x2da: {  	v23 =	vsub.f32 v23, v53;
	v8 =	vld [tilespmem:s18+$0x11C20];
	[tilespmem:s2+$0x80] =	vst v5;
	v5 =	vadd.f32 v29, v35  }
0x2db: {  	v27 =	vmul.f32 v55, v54;
	v52 =	vmul.f32 v28, v24;
	v29 =	vld [tilespmem:s18+$0x11C40];
	[tilespmem:s2+$0x90] =	vst v4  }
0x2dc: {  	v53 =	vmul.f32 v28, v23;
	v55 =	vmul.f32 v28, v21;
	v4 =	vadd.f32 v31, v33;
	v31 =	vld [tilespmem:s18+$0x11C50];
	[tilespmem:s2+$0xA0] =	vst v5  }
0x2dd: {  	v54 =	vmul.f32 v28, v30;
	v50 =	vmul.f32 v28, v50;
	v28 =	vld [tilespmem:s18+$0x11C60]  }
0x2de: {  	[tilespmem:s2+$0xB0] =	vst v4;
	v4 =	vld [tilespmem:$0x1FF60]  }
0x2df: {  	s3 =	sadd.s32 s3, s31;
	v5 =	vld [tilespmem:$0x1FF20]  }
0x2e0: {  	v9 =	vmul.f32 v9, v63;
	v24 =	vld [tilespmem:$0x1FCE0];
	s3 =	sshll.u32 s3, $0x9  }
0x2e1: {  	s21 =	sadd.s32 $0x800, s3;
	v21 =	vld [tilespmem:s22+$0x11C20]  }
0x2e2: {  	v59 =	vmul.f32 v60, v47;
	s5 =	sadd.s32 s15, s5;
	v9 =	vadd.f32 v9, v13;
	s15 =	sshra.s32 s21, $0x2;
	[tilespmem:$0x1F890] =	vst v46;
	v46 =	vld [tilespmem:$0x1FD30];
	v60 =	vmul.f32 v1, v26  }
0x2e3: {  	v1 =	vadd.f32 v11, v19;
	v19 =	vmul.f32 v61, v25;
	v61 =	vld [tilespmem:s15+$0x11C10];
	v4 =	vadd.f32 v4, v22  }
0x2e4: {  	v30 =	vmul.f32 v32, v48;
	[tilespmem:s4+$0xFFFFFF00] =	vst v9;
	v32 =	vld [tilespmem:s18+$0x11C70];
	v5 =	vadd.f32 v5, v3  }
0x2e5: {  	[tilespmem:s2+$0xD0] =	vst v4;
	v4 =	vadd.f32 v28, v56;
	v56 =	vmul.f32 v44, v48;
	v44 =	vld [tilespmem:s22+$0x11C60]  }
0x2e6: {  	v58 =	vadd.f32 v58, v49;
	[tilespmem:s2+$0xC0] =	vst v5;
	v5 =	vld [tilespmem:$0x1FF90];
	_ =	sdelay $0x1  }
0x2e7: {  	[tilespmem:$0x1F940] =	vst v58;
	v45 =	vadd.f32 v8, v45  }
0x2e8: {  	[tilespmem:s2+$0x50] =	vst v14;
	v14 =	vmul.f32 v0, v24;
	v9 =	vmul.f32 v12, v46;
	v12 =	vadd.f32 v32, v57;
	v57 =	vld [tilespmem:s22+$0x11C70]  }
0x2e9: {  	v0 =	vadd.f32 v10, v15;
	v11 =	vadd.f32 v58, v45;
	[tilespmem:$0x1F8A0] =	vst v44;
	v44 =	vmul.f32 v58, v58;
	v58 =	vld [tilespmem:s15+$0x11C00]  }
0x2ea: {  	[tilespmem:$0x1F8D0] =	vst v61;
	v5 =	vadd.f32 v5, v6  }
0x2eb: {  	v10 =	vadd.f32 v1, v0;
	[tilespmem:$0x1F930] =	vst v45;
	v7 =	vadd.f32 v31, v7;
	v31 =	vmul.f32 v1, v1  }
0x2ec: {  	v32 =	vmul.f32 v45, v45;
	v28 =	vmul.f32 v0, v0;
	[tilespmem:s2+$0xE0] =	vst v5;
	v5 =	vadd.f32 v29, v43  }
0x2ed: {  	v61 =	vadd.f32 v11, v10;
	v11 =	vmul.f32 v12, v12;
	[tilespmem:$0x1F8B0] =	vst v57;
	v57 =	vmul.f32 v7, v7  }
0x2ee: {  	v30 =	vadd.f32 v30, v2;
	v49 =	vld [tilespmem:s22+$0x11C30];
	v45 =	vmul.f32 v5, v5;
	[tilespmem:$0x1F8C0] =	vst v58;
	v58 =	vmul.f32 v4, v4  }
0x2ef: {  	v15 =	vld [tilespmem:s22+$0x11C50];
	v31 =	vadd.f32 v31, v28;
	v32 =	vadd.f32 v44, v32  }
0x2f0: {  	v8 =	vmul.f32 v20, v63;
	v20 =	vld [tilespmem:s22+$0x11C40];
	[tilespmem:s4+$0xFFFFFF10] =	vst v30;
	v30 =	vadd.f32 v57, v45;
	v45 =	vadd.f32 v11, v58  }
0x2f1: {  	v23 =	vld [tilespmem:$0x1FCC0];
	[tilespmem:$0x1F9A0] =	vst v7;
	v43 =	vadd.f32 v12, v4;
	v29 =	vadd.f32 v7, v5  }
0x2f2: {  	[tilespmem:$0x1F8E0] =	vst v12;
	v7 =	vadd.f32 v32, v31;
	v12 =	vadd.f32 v45, v30  }
0x2f3: {  	v10 =	vld [tilespmem:s15+$0x11C20];
	[tilespmem:$0x1F9C0] =	vst v4;
	v29 =	vadd.f32 v43, v29;
	v43 =	vmul.f32 v27, v25;
	v27 =	vmul.f32 v41, v63  }
0x2f4: {  	v44 =	vld [tilespmem:$0x1F850];
	[tilespmem:$0x1F9B0] =	vst v5;
	v31 =	vadd.f32 v12, v7;
	v12 =	vmul.f32 v51, v26  }
0x2f5: {  	v28 =	vld [tilespmem:s15+$0x11C50];
	v29 =	vadd.f32 v29, v61;
	[tilespmem:$0x1FE10] =	vst v27;
	v61 =	vmul.f32 v42, v48;
	v42 =	vadd.f32 v14, v22  }
0x2f6: {  	v45 =	vld [tilespmem:$0x1FFC0];
	[tilespmem:$0x1FE50] =	vst v12;
	v12 =	vmul.f32 v16, v23  }
0x2f7: {  	v5 =	vmul.f32 v36, v24;
	v36 =	vld [tilespmem:s15+$0x11C60];
	v30 =	vadd.f32 v59, v35;
	[tilespmem:s4+$0xFFFFFF50] =	vst v42  }
0x2f8: {  	v57 =	vld [tilespmem:$0x1F860];
	[tilespmem:$0x1FE60] =	vst v12;
	v12 =	vmul.f32 v38, v24  }
0x2f9: {  	v18 =	vmul.f32 v18, v23;
	v4 =	vmul.f32 v44, v47;
	v44 =	vld [tilespmem:s15+$0x11C30];
	[tilespmem:s4+$0xFFFFFF20] =	vst v30;
	v30 =	vadd.f32 v60, v33  }
0x2fa: {  	v11 =	vld [tilespmem:s15+$0x11C40];
	[tilespmem:$0x1FE80] =	vst v12;
	v12 =	vmul.f32 v39, v25  }
0x2fb: {  	v58 =	vld [tilespmem:$0x1F870];
	[tilespmem:s4+$0xFFFFFF30] =	vst v30;
	v16 =	vadd.f32 v18, v3;
	v32 =	vperm.xlane v29, v45;
	v41 =	vperm.xlane v31, v45  }
0x2fc: {  	v14 =	vld [tilespmem:$0x1FE40];
	[tilespmem:$0x1FEB0] =	vst v12;
	v12 =	vmul.f32 v62, v46  }
0x2fd: {  	v27 =	vld [tilespmem:$0x1FFD0];
	[tilespmem:s4+$0xFFFFFF40] =	vst v16;
	v29 =	vadd.f32 v29, v32;
	v32 =	vadd.f32 v41, v31;
	v41 =	vmul.f32 v53, v26  }
0x2fe: {  	v59 =	vmul.f32 v37, v46;
	v37 =	vld [tilespmem:s15+$0x11C70];
	[tilespmem:$0x1FED0] =	vst v12;
	v12 =	vmul.f32 v17, v63  }
0x2ff: {  	v40 =	vmul.f32 v40, v47;
	v35 =	vadd.f32 v4, v35;
	v4 =	vld [tilespmem:$0x1F880];
	v39 =	vadd.f32 v19, v6;
	[tilespmem:$0x1F900] =	vst v41  }
0x300: {  	v38 =	vmul.f32 v52, v47;
	v47 =	vld [tilespmem:$0x1FFE0];
	[tilespmem:$0x1FEE0] =	vst v12;
	v12 =	vmul.f32 v34, v48  }
0x301: {  	v58 =	vmul.f32 v58, v23;
	v42 =	vadd.f32 v9, v14;
	v52 =	vld [tilespmem:s12+$0xFFFFFF00];
	[tilespmem:s4+$0xFFFFFF60] =	vst v39  }
0x302: {  	v53 =	vld [tilespmem:s12+$0xFFFFFF10];
	[tilespmem:$0x1FF00] =	vst v12;
	v12 =	vmul.f32 v54, v23  }
0x303: {  	v57 =	vmul.f32 v57, v26;
	v18 =	vperm.xlane v29, v27;
	v41 =	vadd.f32 v58, v3;
	v54 =	vld [tilespmem:s12+$0xFFFFFF20];
	[tilespmem:s4+$0xFFFFFF70] =	vst v42  }
0x304: {  	v3 =	vadd.f32 v5, v22;
	v5 =	vld [tilespmem:$0x1F8B0];
	v34 =	vperm.xlane v32, v27;
	[tilespmem:$0x1FF20] =	vst v12;
	v12 =	vmul.f32 v55, v24  }
0x305: {  	[tilespmem:$0x1F8F0] =	vst v38;
	v38 =	vadd.f32 v57, v33;
	v18 =	vadd.f32 v29, v18;
	v42 =	vld [tilespmem:s12+$0xFFFFFF40]  }
0x306: {  	v51 =	vadd.f32 v34, v32;
	v34 =	vadd.f32 v56, v2;
	[tilespmem:$0x1FF60] =	vst v12;
	v12 =	vld [tilespmem:$0x1FFF0]  }
0x307: {  	s5 =	sshll.u32 s5, $0x9;
	[tilespmem:s4+$0xFFFFFFB0] =	vst v38;
	v38 =	vadd.f32 v59, v14;
	v19 =	vperm.xlane v18, v47;
	v14 =	vld [tilespmem:s12+$0xFFFFFF70]  }
0x308: {  	s25 =	sadd.s32 $0x800, s5;
	[tilespmem:s4+$0xFFFFFF90] =	vst v34;
	v34 =	vld [tilespmem:$0x1F890]  }
0x309: {  	[tilespmem:$0x1F920] =	vst v40;
	s29 =	sshra.s32 s25, $0x2;
	v18 =	vadd.f32 v18, v19;
	v19 =	vperm.xlane v51, v47;
	v55 =	vld [tilespmem:s12+$0xFFFFFF30]  }
0x30a: {  	v40 =	vld [tilespmem:s29+$0x11C10];
	[tilespmem:$0x1F950] =	vst v1;
	v32 =	vadd.f32 v8, v13  }
0x30b: {  	[tilespmem:s4+$0xFFFFFFA0] =	vst v35;
	v4 =	vadd.f32 v4, v52;
	v13 =	vld [tilespmem:s12+$0xFFFFFF50];
	v19 =	vadd.f32 v19, v51;
	v39 =	vperm.xlane v18, v12  }
0x30c: {  	v35 =	vld [tilespmem:s12+$0xFFFFFF60];
	[tilespmem:s4+$0xFFFFFF80] =	vst v32;
	v32 =	vadd.f32 v43, v6;
	v57 =	vadd.f32 v20, v42  }
0x30d: {  	[tilespmem:s4+$0xFFFFFFC0] =	vst v41;
	v42 =	vld [tilespmem:$0x1F8A0];
	v48 =	vadd.f32 v34, v53;
	v33 =	vperm.xlane v19, v12;
	v18 =	vadd.f32 v18, v39  }
0x30e: {  	[tilespmem:$0x1F970] =	vst v4;
	v56 =	vadd.f32 v49, v55;
	v49 =	vadd.f32 v5, v14;
	v5 =	vld [tilespmem:$0x1F8C0]  }
0x30f: {  	v8 =	vmul.f32 v50, v25;
	v39 =	vld [tilespmem:s12+$0xFFFFFF80];
	[tilespmem:s4+$0xFFFFFFD0] =	vst v3;
	v53 =	vmul.f32 $7.812500000e-03, v18;
	v18 =	vadd.f32 v33, v19  }
0x310: {  	v1 =	vadd.f32 v48, v4;
	v3 =	vld [tilespmem:s12+$0xFFFFFF90];
	[tilespmem:s4+$0xFFFFFFE0] =	vst v32;
	v19 =	vmul.f32 v4, v4;
	v4 =	vadd.f32 v15, v13  }
0x311: {  	[tilespmem:$0x1F910] =	vst v61;
	v13 =	vld [tilespmem:s12+$0xFFFFFFA0];
	v18 =	vmul.f32 $7.812500000e-03, v18;
	v41 =	vmul.f32 v53, v53  }
0x312: {  	[tilespmem:$0x1F980] =	vst v4;
	v9 =	vadd.f32 v4, v57;
	v24 =	vmul.f32 v4, v4;
	v4 =	vld [tilespmem:$0x1F8D0]  }
0x313: {  	v61 =	vld [tilespmem:s29+$0x11C30];
	[tilespmem:$0x1FF90] =	vst v8;
	v8 =	vsub.f32 v18, v41  }
0x314: {  	v7 =	vld [tilespmem:s29+$0x11C00];
	v50 =	vadd.f32 v21, v54  }
0x315: {  	v60 =	vld [tilespmem:s29+$0x11C20];
	v6 =	vadd.f32 v42, v35;
	[tilespmem:s4+$0xFFFFFFF0] =	vst v38;
	v8 =	vadd.f32 $9.999999970e-07, v8  }
0x316: {  	v51 =	vadd.f32 v5, v39;
	v5 =	vld [tilespmem:s12+$0xFFFFFFD0];
	v54 =	vadd.f32 v10, v13  }
0x317: {  	v10 =	vld [tilespmem:s12+$0xFFFFFFF0];
	v58 =	vadd.f32 v4, v3;
	v4 =	vshra.s32 v8, $0x1;
	v13 =	vmul.f32 $5.000000000e-01, v8  }
0x318: {  	v52 =	vld [tilespmem:s12+$0x0];
	[tilespmem:$0x1F990] =	vst v6;
	v23 =	vadd.f32 v49, v6;
	v25 =	vmul.f32 v6, v6;
	v6 =	vsub.s32 $0x5F3759DF, v4  }
0x319: {  	v16 =	vld [tilespmem:s29+$0x11C60];
	v8 =	vmul.f32 v6, v13  }
0x31a: {  	v20 =	vadd.f32 v56, v50;
	v15 =	vld [tilespmem:s12+$0x30]  }
0x31b: {  	v21 =	vmul.f32 v48, v48;
	v43 =	vld [tilespmem:s12+$0xFFFFFFB0];
	v4 =	vadd.f32 v28, v5;
	v28 =	vmul.f32 v6, v8  }
0x31c: {  	v26 =	vmul.f32 v49, v49;
	v1 =	vadd.f32 v20, v1;
	v14 =	vld [tilespmem:s12+$0xFFFFFFC0];
	v8 =	vadd.f32 v37, v10  }
0x31d: {  	[tilespmem:$0x1F960] =	vst v0;
	v0 =	vmul.f32 v50, v50;
	v3 =	vld [tilespmem:s12+$0xFFFFFFE0];
	v10 =	vadd.f32 v7, v52;
	v7 =	vsub.f32 $1.500000000e+00, v28  }
0x31e: {  	v22 =	vmul.f32 v57, v57;
	v19 =	vadd.f32 v21, v19;
	v21 =	vadd.f32 v26, v25;
	v28 =	vld [tilespmem:s12+$0x60]  }
0x31f: {  	v62 =	vld [tilespmem:s29+$0x11C40];
	v18 =	vmul.f32 v56, v56;
	v9 =	vadd.f32 v23, v9;
	v6 =	vmul.f32 v6, v7  }
0x320: {  	v17 =	vld [tilespmem:s29+$0x11C70];
	v30 =	vmul.f32 v51, v51;
	v15 =	vadd.f32 v61, v15;
	v55 =	vadd.f32 v44, v43  }
0x321: {  	v41 =	vld [tilespmem:s12+$0x40];
	v59 =	vadd.f32 v11, v14;
	v0 =	vadd.f32 v18, v0;
	v44 =	vmul.f32 v6, v13  }
0x322: {  	v11 =	vld [tilespmem:s12+$0x10];
	v18 =	vadd.f32 v24, v22;
	v1 =	vadd.f32 v9, v1;
	v33 =	vmul.f32 v54, v54  }
0x323: {  	v14 =	vld [tilespmem:s12+$0x20];
	v5 =	vadd.f32 v36, v3;
	v36 =	vadd.f32 v16, v28;
	v28 =	vmul.f32 v44, v6  }
0x324: {  	v43 =	vld [tilespmem:s12+$0x70];
	v35 =	vmul.f32 v55, v55;
	v0 =	vadd.f32 v0, v19;
	v18 =	vadd.f32 v21, v18  }
0x325: {  	v29 =	vadd.f32 v58, v51;
	v32 =	vmul.f32 v58, v58;
	v28 =	vsub.f32 $1.500000000e+00, v28  }
0x326: {  	v63 =	vld [tilespmem:s29+$0x11C50];
	v38 =	vmul.f32 v59, v59;
	v24 =	vadd.f32 v35, v33;
	v31 =	vadd.f32 v4, v59  }
0x327: {  	v11 =	vadd.f32 v40, v11;
	v23 =	vadd.f32 v32, v30;
	v28 =	vmul.f32 v28, v6;
	v6 =	vld [tilespmem:$0x1F8E0]  }
0x328: {  	v42 =	vld [tilespmem:s12+$0x50];
	v40 =	vmul.f32 v15, v15;
	v3 =	vadd.f32 v55, v54;
	v52 =	vadd.f32 v60, v14  }
0x329: {  	v14 =	vadd.f32 v62, v41;
	v37 =	vadd.f32 v17, v43;
	v62 =	vmul.f32 v11, v11  }
0x32a: {  	v34 =	vadd.f32 v8, v5;
	v60 =	vmul.f32 v5, v5;
	v61 =	vmul.f32 v8, v8  }
0x32b: {  	v2 =	vadd.f32 v11, v10;
	v20 =	vmul.f32 v37, v37;
	v3 =	vadd.f32 v3, v29  }
0x32c: {  	v7 =	vmul.f32 v4, v4;
	v22 =	vadd.f32 v34, v31;
	v6 =	vsub.f32 v6, v53  }
0x32d: {  	v25 =	vld [tilespmem:$0x1FE40];
	v13 =	vadd.f32 v63, v42;
	v63 =	vmul.f32 v10, v10;
	v42 =	vmul.f32 v14, v14  }
0x32e: {  	v7 =	vadd.f32 v7, v38;
	v16 =	vadd.f32 v15, v52;
	v6 =	vmul.f32 v28, v6  }
0x32f: {  	v17 =	vadd.f32 v13, v14;
	v43 =	vmul.f32 v13, v13;
	v41 =	vadd.f32 v37, v36  }
0x330: {  	v3 =	vadd.f32 v22, v3;
	v2 =	vadd.f32 v16, v2;
	v6 =	vmul.f32 v6, v46  }
0x331: {  	v44 =	vmul.f32 v36, v36;
	v26 =	vadd.f32 v43, v42;
	v16 =	vadd.f32 v41, v17  }
0x332: {  	v39 =	vmul.f32 v52, v52;
	v17 =	vadd.f32 v62, v63;
	v6 =	vadd.f32 v6, v25  }
0x333: {  	s2 =	smov.u32 s4;
	s4 =	sadd.s32 $0x200, s4;
	v9 =	vadd.f32 v20, v44;
	v20 =	vadd.f32 v24, v23  }
0x334: {  	v25 =	vadd.f32 v61, v60;
	[tilespmem:s4+$0xF0] =	vst v6;
	v6 =	vadd.f32 v40, v39  }
0x335: {  	v2 =	vadd.f32 v16, v2;
	v9 =	vadd.f32 v9, v26  }
0x336: {  	v7 =	vadd.f32 v25, v7;
	v6 =	vadd.f32 v6, v17  }
0x337: {  	v19 =	vperm.xlane v1, v45;
	v0 =	vadd.f32 v18, v0;
	v16 =	vperm.xlane v3, v45  }
0x338: {  	v7 =	vadd.f32 v7, v20;
	v17 =	vperm.xlane v2, v45;
	v6 =	vadd.f32 v9, v6  }
0x339: {  	v1 =	vadd.f32 v1, v19;
	v3 =	vadd.f32 v3, v16;
	v9 =	vperm.xlane v0, v45  }
0x33a: {  	v16 =	vperm.xlane v7, v45;
	v2 =	vadd.f32 v2, v17;
	v17 =	vperm.xlane v6, v45  }
0x33b: {  	v18 =	vperm.xlane v1, v27;
	v0 =	vadd.f32 v9, v0;
	v9 =	vperm.xlane v3, v27  }
0x33c: {  	v7 =	vadd.f32 v16, v7;
	v16 =	vperm.xlane v2, v27;
	v6 =	vadd.f32 v17, v6  }
0x33d: {  	v1 =	vadd.f32 v1, v18;
	v17 =	vperm.xlane v0, v27;
	v3 =	vadd.f32 v3, v9  }
0x33e: {  	v9 =	vperm.xlane v7, v27;
	v2 =	vadd.f32 v2, v16;
	v16 =	vperm.xlane v6, v27  }
0x33f: {  	v18 =	vperm.xlane v1, v47;
	v0 =	vadd.f32 v17, v0;
	v17 =	vperm.xlane v3, v47  }
0x340: {  	v7 =	vadd.f32 v9, v7;
	v9 =	vperm.xlane v2, v47;
	v6 =	vadd.f32 v16, v6  }
0x341: {  	v1 =	vadd.f32 v1, v18;
	v16 =	vperm.xlane v0, v47;
	v3 =	vadd.f32 v3, v17  }
0x342: {  	v17 =	vperm.xlane v7, v47;
	v2 =	vadd.f32 v2, v9;
	v9 =	vperm.xlane v6, v47  }
0x343: {  	v18 =	vperm.xlane v1, v12;
	v0 =	vadd.f32 v16, v0  }
0x344: {  	v7 =	vadd.f32 v17, v7;
	v17 =	vperm.xlane v2, v12;
	v6 =	vadd.f32 v9, v6  }
0x345: {  	v1 =	vadd.f32 v1, v18;
	v16 =	vperm.xlane v3, v12  }
0x346: {  	v9 =	vperm.xlane v0, v12;
	v2 =	vadd.f32 v2, v17;
	v17 =	vperm.xlane v6, v12  }
0x347: {  	v1 =	vmul.f32 $7.812500000e-03, v1;
	v3 =	vadd.f32 v3, v16  }
0x348: {  	v16 =	vperm.xlane v7, v12;
	v0 =	vadd.f32 v9, v0;
	v47 =	vadd.f32 v17, v6;
	v6 =	vld [tilespmem:$0x1F970]  }
0x349: {  	v3 =	vmul.f32 $7.812500000e-03, v3  }
0x34a: {  	v7 =	vadd.f32 v16, v7;
	v16 =	vmul.f32 v1, v1;
	v0 =	vmul.f32 $7.812500000e-03, v0  }
0x34b: {  	v62 =	vmul.f32 $7.812500000e-03, v2  }
0x34c: {  	v17 =	vmul.f32 v3, v3;
	v2 =	vmul.f32 $7.812500000e-03, v47;
	v0 =	vsub.f32 v0, v16  }
0x34d: {  	v16 =	vmul.f32 v62, v62;
	v9 =	vsub.f32 v6, v1;
	v6 =	vmul.f32 $7.812500000e-03, v7  }
0x34e: {  	v0 =	vadd.f32 $9.999999970e-07, v0  }
0x34f: {  	v2 =	vsub.f32 v2, v16;
	v6 =	vsub.f32 v6, v17;
	_ =	sdelay $0x1  }
0x350: {  	v12 =	vld [tilespmem:$0x1F990];
	v16 =	vshra.s32 v0, $0x1;
	v2 =	vadd.f32 $9.999999970e-07, v2;
	v6 =	vadd.f32 $9.999999970e-07, v6  }
0x351: {  	v41 =	vsub.f32 v56, v1;
	v0 =	vmul.f32 $5.000000000e-01, v0;
	v16 =	vsub.s32 $0x5F3759DF, v16  }
0x352: {  	v17 =	vshra.s32 v6, $0x1;
	v18 =	vmul.f32 $5.000000000e-01, v6;
	v6 =	vshra.s32 v2, $0x1  }
0x353: {  	v19 =	vmul.f32 v16, v0;
	v17 =	vsub.s32 $0x5F3759DF, v17;
	v21 =	vsub.s32 $0x5F3759DF, v6;
	v6 =	vld [tilespmem:$0x1F980]  }
0x354: {  	v60 =	vsub.f32 v50, v1;
	v2 =	vmul.f32 $5.000000000e-01, v2;
	v20 =	vmul.f32 v17, v18  }
0x355: {  	v50 =	vsub.f32 v57, v1;
	v61 =	vsub.f32 v12, v1;
	v19 =	vmul.f32 v16, v19  }
0x356: {  	v7 =	vsub.f32 v48, v1;
	v22 =	vmul.f32 v21, v2;
	v57 =	vmul.f32 v17, v20  }
0x357: {  	v48 =	vsub.f32 v49, v1;
	v19 =	vsub.f32 $1.500000000e+00, v19  }
0x358: {  	v20 =	vmul.f32 v21, v22;
	v6 =	vsub.f32 v6, v1;
	v1 =	vsub.f32 $1.500000000e+00, v57  }
0x359: {  	v63 =	vsub.f32 v58, v3;
	v27 =	vsub.f32 v54, v3;
	v19 =	vmul.f32 v16, v19  }
0x35a: {  	v35 =	vld [tilespmem:$0x1F910];
	v56 =	vsub.f32 v59, v3;
	v20 =	vsub.f32 $1.500000000e+00, v20;
	v1 =	vmul.f32 v17, v1  }
0x35b: {  	v29 =	vld [tilespmem:$0x1F8F0];
	v46 =	vsub.f32 v4, v3;
	v54 =	vsub.f32 v5, v3;
	v0 =	vmul.f32 v19, v0  }
0x35c: {  	s30 =	sadd.s32 $0x4, s30;
	v31 =	vld [tilespmem:$0x1F900];
	v58 =	vsub.f32 v10, v62;
	v16 =	vmul.f32 v21, v20;
	v4 =	vmul.f32 v1, v18  }
0x35d: {  	p1 =	slt.u32 s30, $0x7C;
	v43 =	vld [tilespmem:$0x1F920];
	v47 =	vsub.f32 v8, v3;
	v49 =	vsub.f32 v51, v3;
	v0 =	vmul.f32 v0, v19  }
.Ltmp3:
0x35e: {  	v24 =	vld [tilespmem:$0x1F930];
	v57 =	vsub.f32 v55, v3;
	v2 =	vmul.f32 v16, v2;
	v3 =	vmul.f32 v4, v1;
	(pc) =	sbr.rel @p1 .LBB2_5-.Ltmp3, $4  }
0x35f: {  	v23 =	vld [tilespmem:$0x1F940];
	v10 =	vsub.f32 v11, v62;
	v0 =	vsub.f32 $1.500000000e+00, v0  }
0x360: {  	v26 =	vld [tilespmem:$0x1F960];
	v11 =	vsub.f32 v14, v62;
	v2 =	vmul.f32 v2, v16;
	v3 =	vsub.f32 $1.500000000e+00, v3  }
0x361: {  	v25 =	vld [tilespmem:$0x1F950];
	v5 =	vsub.f32 v13, v62;
	v8 =	vsub.f32 v52, v62;
	v14 =	vmul.f32 v0, v19  }
0x362: {  	v22 =	vld [tilespmem:$0x1F9A0];
	v4 =	vsub.f32 v15, v62;
	v12 =	vsub.f32 $1.500000000e+00, v2;
	v55 =	vmul.f32 v3, v1  }
0x363: {  	v39 =	vld [tilespmem:$0x1FCB0]  }
0x364: {  	v0 =	vld [tilespmem:$0x1FE10]  }
0x365: {  	v38 =	vld [tilespmem:$0x1FD20];
	_ =	sdelay $0x3  }
0x366: {  	v0 =	vadd.f32 v0, v39  }
0x367: {  	v1 =	vadd.f32 v35, v38  }
0x368: {  	[tilespmem:s2+$0x0] =	vst v0  }
0x369: {  	v33 =	vld [tilespmem:$0x1FD60];
	[tilespmem:s2+$0x10] =	vst v1  }
0x36a: {  	v34 =	vld [tilespmem:$0x1FD90]  }
0x36b: {  	v1 =	vld [tilespmem:$0x1FE50];
	_ =	sdelay $0x2  }
0x36c: {  	v52 =	vadd.f32 v43, v33;
	_ =	sdelay $0x1  }
0x36d: {  	v1 =	vadd.f32 v1, v34;
	[tilespmem:s2+$0x20] =	vst v52  }
0x36e: {  	v35 =	vld [tilespmem:$0x1FDC0]  }
0x36f: {  	v0 =	vld [tilespmem:$0x1FE60];
	[tilespmem:s2+$0x30] =	vst v1  }
0x370: {  	v59 =	vsub.f32 v36, v62;
	v36 =	vld [tilespmem:$0x1FDF0]  }
0x371: {  	v2 =	vld [tilespmem:$0x1FE80];
	_ =	sdelay $0x2  }
0x372: {  	v0 =	vadd.f32 v0, v35;
	_ =	sdelay $0x1  }
0x373: {  	v2 =	vadd.f32 v2, v36;
	[tilespmem:s2+$0x40] =	vst v0  }
0x374: {  	v32 =	vld [tilespmem:$0x1FE20]  }
0x375: {  	v0 =	vld [tilespmem:$0x1FEB0];
	[tilespmem:s2+$0x50] =	vst v2  }
0x376: {  	v3 =	vsub.f32 v37, v62;
	v37 =	vld [tilespmem:$0x1FE40]  }
0x377: {  	v2 =	vld [tilespmem:$0x1FED0];
	_ =	sdelay $0x3  }
0x378: {  	v0 =	vadd.f32 v0, v32  }
0x379: {  	v2 =	vadd.f32 v2, v37  }
0x37a: {  	[tilespmem:s2+$0x60] =	vst v0  }
0x37b: {  	v0 =	vld [tilespmem:$0x1FEE0];
	[tilespmem:s2+$0x70] =	vst v2  }
0x37c: {  	v2 =	vld [tilespmem:$0x1FF00];
	_ =	sdelay $0x3  }
0x37d: {  	v0 =	vadd.f32 v0, v39  }
0x37e: {  	v2 =	vadd.f32 v2, v38  }
0x37f: {  	v42 =	vadd.f32 v29, v33;
	[tilespmem:s2+$0x80] =	vst v0  }
0x380: {  	v18 =	vld [tilespmem:$0x1F9B0];
	[tilespmem:s2+$0x90] =	vst v2  }
0x381: {  	[tilespmem:s2+$0xA0] =	vst v42  }
0x382: {  	v0 =	vld [tilespmem:$0x1FF20]  }
0x383: {  	v43 =	vadd.f32 v31, v34;
	_ =	sdelay $0x1  }
0x384: {  	v31 =	vld [tilespmem:$0x1FC30];
	[tilespmem:s2+$0xB0] =	vst v43  }
0x385: {  	v2 =	vld [tilespmem:$0x1FF60]  }
0x386: {  	v0 =	vadd.f32 v0, v35;
	_ =	sdelay $0x1  }
0x387: {  	v30 =	vld [tilespmem:$0x1FC50];
	[tilespmem:s2+$0xC0] =	vst v0  }
0x388: {  	v0 =	vld [tilespmem:$0x1FF90]  }
0x389: {  	v2 =	vadd.f32 v2, v36  }
0x38a: {  	v17 =	vsub.f32 v23, v53;
	v23 =	vld [tilespmem:$0x1F9C0]  }
0x38b: {  	v9 =	vmul.f32 v14, v9;
	v29 =	vld [tilespmem:$0x1FC70];
	[tilespmem:s2+$0xD0] =	vst v2  }
0x38c: {  	v7 =	vmul.f32 v14, v7;
	v19 =	vmul.f32 v14, v60;
	v13 =	vsub.f32 v26, v53;
	v26 =	vld [tilespmem:$0x1FC90]  }
0x38d: {  	v21 =	vmul.f32 v14, v41;
	v12 =	vmul.f32 v12, v16;
	v0 =	vadd.f32 v0, v32  }
0x38e: {  	v44 =	vmul.f32 v14, v6;
	v54 =	vmul.f32 v55, v54  }
0x38f: {  	v40 =	vsub.f32 v24, v53;
	v8 =	vmul.f32 v12, v8;
	v9 =	vmul.f32 v9, v31;
	[tilespmem:s2+$0xE0] =	vst v0  }
0x390: {  	v4 =	vmul.f32 v12, v4;
	v20 =	vsub.f32 v22, v53;
	v7 =	vmul.f32 v7, v30;
	v24 =	vld [tilespmem:$0x1FCC0]  }
0x391: {  	v22 =	vmul.f32 v14, v50;
	v9 =	vadd.f32 v9, v39;
	v6 =	vmul.f32 v21, v26  }
0x392: {  	v45 =	vadd.f32 v7, v38;
	v7 =	vmul.f32 v14, v61;
	v14 =	vmul.f32 v14, v48  }
0x393: {  	v19 =	vmul.f32 v19, v29;
	v48 =	vadd.f32 v6, v34;
	v6 =	vmul.f32 v55, v49  }
0x394: {  	v50 =	vmul.f32 v55, v63;
	v4 =	vmul.f32 v4, v26;
	[tilespmem:s4+$0xFFFFFF00] =	vst v9  }
0x395: {  	v9 =	vadd.f32 v19, v33;
	v6 =	vmul.f32 v6, v31;
	v21 =	vmul.f32 v22, v24;
	v22 =	vld [tilespmem:$0x1FCE0];
	[tilespmem:s4+$0xFFFFFF10] =	vst v45  }
0x396: {  	v15 =	vsub.f32 v25, v53;
	v1 =	vmul.f32 v12, v59;
	v19 =	vmul.f32 v50, v30;
	v25 =	vld [tilespmem:$0x1FD00]  }
0x397: {  	v59 =	vadd.f32 v4, v34;
	v4 =	vmul.f32 v28, v13;
	v6 =	vadd.f32 v6, v39;
	[tilespmem:s4+$0xFFFFFF20] =	vst v9  }
0x398: {  	v5 =	vmul.f32 v12, v5;
	v19 =	vadd.f32 v19, v38;
	v9 =	vadd.f32 v21, v35;
	v21 =	vld [tilespmem:$0x1FD30];
	[tilespmem:s4+$0xFFFFFF30] =	vst v48  }
0x399: {  	v3 =	vmul.f32 v12, v3;
	v4 =	vmul.f32 v4, v31;
	[tilespmem:s4+$0xFFFFFF80] =	vst v6  }
0x39a: {  	v63 =	vmul.f32 v28, v17;
	[tilespmem:s4+$0xFFFFFF90] =	vst v19;
	v2 =	vmul.f32 v44, v22  }
0x39b: {  	v17 =	vadd.f32 v4, v39;
	[tilespmem:s4+$0xFFFFFF40] =	vst v9;
	v9 =	vmul.f32 v55, v57;
	v7 =	vmul.f32 v7, v25  }
0x39c: {  	v52 =	vmul.f32 v55, v27;
	[tilespmem:s4+$0x30] =	vst v59;
	v5 =	vmul.f32 v5, v22;
	v51 =	vadd.f32 v2, v36  }
0x39d: {  	v18 =	vsub.f32 v18, v53;
	[tilespmem:s4+$0x80] =	vst v17;
	v9 =	vmul.f32 v9, v26;
	v7 =	vadd.f32 v7, v32  }
0x39e: {  	v23 =	vsub.f32 v23, v53;
	v0 =	vmul.f32 v54, v25;
	v61 =	vadd.f32 v5, v36;
	[tilespmem:s4+$0xFFFFFF50] =	vst v51  }
0x39f: {  	v1 =	vmul.f32 v1, v25;
	v9 =	vadd.f32 v9, v34;
	[tilespmem:s4+$0xFFFFFF60] =	vst v7;
	v7 =	vmul.f32 v55, v46  }
0x3a0: {  	v6 =	vmul.f32 v55, v47;
	v14 =	vmul.f32 v14, v21;
	v0 =	vadd.f32 v0, v32;
	[tilespmem:s4+$0x50] =	vst v61  }
0x3a1: {  	v8 =	vmul.f32 v8, v29;
	v62 =	vadd.f32 v1, v32;
	[tilespmem:s4+$0xFFFFFFB0] =	vst v9;
	v7 =	vmul.f32 v7, v22  }
0x3a2: {  	v2 =	vmul.f32 v52, v29;
	v6 =	vmul.f32 v6, v21;
	v53 =	vadd.f32 v14, v37;
	[tilespmem:s4+$0xFFFFFFE0] =	vst v0  }
0x3a3: {  	v3 =	vmul.f32 v3, v21;
	v5 =	vmul.f32 v28, v40;
	[tilespmem:s4+$0x60] =	vst v62;
	v7 =	vadd.f32 v7, v36  }
0x3a4: {  	v1 =	vmul.f32 v63, v26;
	v14 =	vmul.f32 v55, v56;
	v2 =	vadd.f32 v2, v33;
	[tilespmem:s4+$0xFFFFFF70] =	vst v53  }
0x3a5: {  	v56 =	vmul.f32 v12, v10;
	v6 =	vadd.f32 v6, v37;
	[tilespmem:s4+$0xFFFFFFD0] =	vst v7;
	v7 =	vmul.f32 v12, v11  }
0x3a6: {  	v16 =	vadd.f32 v3, v37;
	v3 =	vmul.f32 v28, v18;
	v5 =	vmul.f32 v5, v29;
	[tilespmem:s4+$0xFFFFFFA0] =	vst v2  }
0x3a7: {  	v55 =	vmul.f32 v12, v58;
	v58 =	vadd.f32 v8, v33;
	[tilespmem:s4+$0xFFFFFFF0] =	vst v6;
	v6 =	vmul.f32 v7, v24  }
0x3a8: {  	v1 =	vadd.f32 v1, v34;
	v14 =	vmul.f32 v14, v24;
	v2 =	vmul.f32 v56, v30;
	[tilespmem:s4+$0x70] =	vst v16  }
0x3a9: {  	v19 =	vadd.f32 v5, v33;
	[tilespmem:s4+$0x20] =	vst v58;
	v60 =	vadd.f32 v6, v35;
	v6 =	vmul.f32 v28, v15  }
0x3aa: {  	v4 =	vmul.f32 v28, v20;
	v3 =	vmul.f32 v3, v24;
	[tilespmem:s4+$0xB0] =	vst v1;
	v14 =	vadd.f32 v14, v35  }
0x3ab: {  	v9 =	vmul.f32 v55, v31;
	v2 =	vadd.f32 v2, v38;
	[tilespmem:s4+$0xA0] =	vst v19;
	v6 =	vmul.f32 v6, v30  }
0x3ac: {  	v4 =	vmul.f32 v4, v22;
	v34 =	vadd.f32 v3, v35;
	[tilespmem:s4+$0xFFFFFFC0] =	vst v14  }
0x3ad: {  	v57 =	vadd.f32 v9, v39;
	[tilespmem:s4+$0x10] =	vst v2;
	v18 =	vadd.f32 v6, v38;
	v6 =	vmul.f32 v28, v23  }
0x3ae: {  	[tilespmem:s4+$0xC0] =	vst v34  }
0x3af: {  	[tilespmem:s4+$0x0] =	vst v57;
	v35 =	vadd.f32 v4, v36;
	v33 =	vmul.f32 v6, v25  }
0x3b0: {  	[tilespmem:s4+$0x40] =	vst v60  }
0x3b1: {  	[tilespmem:s4+$0xD0] =	vst v35;
	v36 =	vadd.f32 v33, v32  }
0x3b2: {  	s1 =	sshll.u32 s17, $0x4;
	s22 =	rddreg [dreg:$0x4];
	[tilespmem:s4+$0x90] =	vst v18  }
0x3b3: {  	s17 =	simm.s32 $0x9C00;
	p1 =	seq.s32 s0, $0x18;
	s1 =	sadd.s32 s22, s1;
	[tilespmem:s4+$0xE0] =	vst v36  }
0x3b4: {  	[hbm4b:s1+s6] =	stream.linear.scatter [tilespmem:s17], [sflag:$0x3], $0x4000, $0x38;
	[tilespmem:$0x1E700] =	vst v63  }
0x3b5: {  	s1 =	sadd.s32 @!p1 $0x2, s19  }
0x3b6: {  	s21 =	rddreg [dreg:$0x1];
	s3 =	simm.s32 @!p1 $0x80;
	s2 =	sshll.u32 @!p1 s1, $0x7  }
0x3b7: {  	s4 =	simm.s32 @!p1 $0x1C00;
	s1 =	sshll.u32 @!p1 s1, $0x4;
	s2 =	sand.u32 @!p1 $0x3FFFFF80, s2  }
0x3b8: {  	[tilespmem:s4], [sflag:$0x1] =	stream.indirect.gather @!p1 [hbm4b:s21+s3], $0x80, s2, s3, $0xb8;
	[tilespmem:$0x1E700] =	vst v63  }
0x3b9: {  	s1 =	sadd.s32 @!p1 s9, s1;
	s2 =	simm.s32 @!p1 $0x0;
	s3 =	simm.s32 @!p1 $0x1E600  }
0x3ba: {  	[tilespmem:s3], [sflag:$0x5] =	stream.linear.gather @!p1 [hbm4b:s1+s2], $0x80, $0x38;
	[tilespmem:$0x1E700] =	vst v63  }
0x3bb: {  	_ =	swait.ge [sflag:s26], $0x4000  }
0x3bc: {  	[sflag:s26] =	ssyncset.done $0x0  }
0x3bd: {  	[sflag:s26] =	ssyncadd.s32 $0xFFFFC000  }
0x3be: {  	_ =	swait.ge [sflag:s28], $0x80  }
0x3bf: {  	[sflag:s28] =	ssyncset.done $0x0  }
0x3c0: {  	s1 =	simm.s32 @!p0 $0x4;
	[sflag:s28] =	ssyncadd.s32 $0xFFFFFF80  }
0x3c1: {  	_ =	swait.ge @!p0 [sflag:s1], $0x4000  }
0x3c2: {  	[sflag:s1] =	ssyncset.done @!p0 $0x0  }
0x3c3: {  	[sflag:s1] =	ssyncadd.s32 @!p0 $0xFFFFC000  }
0x3c4: {  	v37 =	vld [tilespmem:$0x1E680];
	_ =	sdelay $0x4  }
0x3c5: {  	(v2sf) =	vpush v37, $0x0  }
0x3c6: {  	(v2sf) =	vpush v37, $0x1  }
0x3c7: {  	(v2sf) =	vpush v37, $0x2  }
0x3c8: {  	(v2sf) =	vpush v37, $0x3  }
0x3c9: {  	(v2sf) =	vpush v37, $0x4  }
0x3ca: {  	(v2sf) =	vpush v37, $0x5  }
0x3cb: {  	(v2sf) =	vpush v37, $0x6  }
0x3cc: {  	(v2sf) =	vpush v37, $0x7  }
0x3cd: {  	(v2sf) =	vpush v37, $0x8  }
0x3ce: {  	(v2sf) =	vpush v37, $0x9  }
0x3cf: {  	(v2sf) =	vpush v37, $0xA  }
0x3d0: {  	v38 =	vld [tilespmem:$0x1E690];
	(v2sf) =	vpush v37, $0xB  }
0x3d1: {  	(v2sf) =	vpush v37, $0xC  }
0x3d2: {  	(v2sf) =	vpush v37, $0xD  }
0x3d3: {  	(v2sf) =	vpush v37, $0xE  }
0x3d4: {  	s18 =	spop (v2sf);
	(v2sf) =	vpush v37, $0xF  }
0x3d5: {  	s25 =	spop (v2sf);
	(v2sf) =	vpush v38, $0x0  }
0x3d6: {  	s29 =	spop (v2sf)  }
0x3d7: {  	s30 =	spop (v2sf);
	(v2sf) =	vpush v38, $0x1  }
0x3d8: {  	s31 =	spop (v2sf)  }
0x3d9: {  	s2 =	spop (v2sf)  }
0x3da: {  	s3 =	spop (v2sf)  }
0x3db: {  	s4 =	spop (v2sf)  }
0x3dc: {  	s5 =	spop (v2sf)  }
0x3dd: {  	s8 =	spop (v2sf)  }
0x3de: {  	s12 =	spop (v2sf)  }
0x3df: {  	s15 =	spop (v2sf)  }
0x3e0: {  	s16 =	spop (v2sf)  }
0x3e1: {  	[smem:$0x0] =	sst s18;
	s17 =	spop (v2sf)  }
0x3e2: {  	[smem:$0x1] =	sst s25;
	s18 =	spop (v2sf)  }
0x3e3: {  	[smem:$0x2] =	sst s29;
	s25 =	spop (v2sf);
	(v2sf) =	vpush v38, $0x2  }
0x3e4: {  	[smem:$0x3] =	sst s30;
	s29 =	spop (v2sf);
	(v2sf) =	vpush v38, $0x3  }
0x3e5: {  	[smem:$0x4] =	sst s31;
	(v2sf) =	vpush v38, $0x4  }
0x3e6: {  	[smem:$0x5] =	sst s2;
	s30 =	spop (v2sf);
	(v2sf) =	vpush v38, $0x5  }
0x3e7: {  	[smem:$0x6] =	sst s3;
	(v2sf) =	vpush v38, $0x6  }
0x3e8: {  	[smem:$0x7] =	sst s4;
	(v2sf) =	vpush v38, $0x7  }
0x3e9: {  	[smem:$0x8] =	sst s5;
	(v2sf) =	vpush v38, $0x8  }
0x3ea: {  	[smem:$0x9] =	sst s8;
	(v2sf) =	vpush v38, $0x9  }
0x3eb: {  	[smem:$0xA] =	sst s12;
	(v2sf) =	vpush v38, $0xA  }
0x3ec: {  	v39 =	vld [tilespmem:$0x1E6A0];
	[smem:$0xB] =	sst s15;
	(v2sf) =	vpush v38, $0xB  }
0x3ed: {  	[smem:$0xC] =	sst s16;
	(v2sf) =	vpush v38, $0xC  }
0x3ee: {  	[smem:$0xD] =	sst s17;
	(v2sf) =	vpush v38, $0xD  }
0x3ef: {  	[smem:$0xE] =	sst s18;
	(v2sf) =	vpush v38, $0xE  }
0x3f0: {  	[smem:$0xF] =	sst s25;
	(v2sf) =	vpush v38, $0xF  }
0x3f1: {  	[smem:$0x10] =	sst s29;
	(v2sf) =	vpush v39, $0x0  }
0x3f2: {  	[smem:$0x11] =	sst s30;
	s31 =	spop (v2sf);
	(v2sf) =	vpush v39, $0x1  }
0x3f3: {  	[smem:$0x12] =	sst s31;
	s2 =	spop (v2sf);
	(v2sf) =	vpush v39, $0x2  }
0x3f4: {  	[smem:$0x13] =	sst s2;
	s3 =	spop (v2sf);
	(v2sf) =	vpush v39, $0x3  }
0x3f5: {  	[smem:$0x14] =	sst s3;
	s4 =	spop (v2sf);
	(v2sf) =	vpush v39, $0x4  }
0x3f6: {  	[smem:$0x15] =	sst s4;
	s5 =	spop (v2sf);
	(v2sf) =	vpush v39, $0x5  }
0x3f7: {  	[smem:$0x16] =	sst s5;
	s8 =	spop (v2sf);
	(v2sf) =	vpush v39, $0x6  }
0x3f8: {  	[smem:$0x17] =	sst s8;
	s12 =	spop (v2sf);
	(v2sf) =	vpush v39, $0x7  }
0x3f9: {  	[smem:$0x18] =	sst s12;
	s15 =	spop (v2sf);
	(v2sf) =	vpush v39, $0x8  }
0x3fa: {  	[smem:$0x19] =	sst s15;
	s16 =	spop (v2sf);
	(v2sf) =	vpush v39, $0x9  }
0x3fb: {  	[smem:$0x1A] =	sst s16;
	s17 =	spop (v2sf);
	(v2sf) =	vpush v39, $0xA  }
0x3fc: {  	v40 =	vld [tilespmem:$0x1E6B0];
	[smem:$0x1B] =	sst s17;
	s18 =	spop (v2sf);
	(v2sf) =	vpush v39, $0xB  }
0x3fd: {  	[smem:$0x1C] =	sst s18;
	s25 =	spop (v2sf);
	(v2sf) =	vpush v39, $0xC  }
0x3fe: {  	[smem:$0x1D] =	sst s25;
	s29 =	spop (v2sf);
	(v2sf) =	vpush v39, $0xD  }
0x3ff: {  	[smem:$0x1E] =	sst s29;
	s30 =	spop (v2sf);
	(v2sf) =	vpush v39, $0xE  }
0x400: {  	[smem:$0x1F] =	sst s30;
	s31 =	spop (v2sf);
	(v2sf) =	vpush v39, $0xF  }
0x401: {  	[smem:$0x20] =	sst s31;
	s2 =	spop (v2sf);
	(v2sf) =	vpush v40, $0x0  }
0x402: {  	[smem:$0x21] =	sst s2;
	s3 =	spop (v2sf);
	(v2sf) =	vpush v40, $0x1  }
0x403: {  	[smem:$0x22] =	sst s3;
	s4 =	spop (v2sf);
	(v2sf) =	vpush v40, $0x2  }
0x404: {  	[smem:$0x23] =	sst s4;
	s5 =	spop (v2sf);
	(v2sf) =	vpush v40, $0x3  }
0x405: {  	[smem:$0x24] =	sst s5;
	s8 =	spop (v2sf);
	(v2sf) =	vpush v40, $0x4  }
0x406: {  	[smem:$0x25] =	sst s8;
	s12 =	spop (v2sf);
	(v2sf) =	vpush v40, $0x5  }
0x407: {  	[smem:$0x26] =	sst s12;
	s15 =	spop (v2sf);
	(v2sf) =	vpush v40, $0x6  }
0x408: {  	[smem:$0x27] =	sst s15;
	s16 =	spop (v2sf);
	(v2sf) =	vpush v40, $0x7  }
0x409: {  	[smem:$0x28] =	sst s16;
	s17 =	spop (v2sf);
	(v2sf) =	vpush v40, $0x8  }
0x40a: {  	[smem:$0x29] =	sst s17;
	s18 =	spop (v2sf);
	(v2sf) =	vpush v40, $0x9  }
0x40b: {  	[smem:$0x2A] =	sst s18;
	s25 =	spop (v2sf);
	(v2sf) =	vpush v40, $0xA  }
0x40c: {  	[smem:$0x2B] =	sst s25;
	s29 =	spop (v2sf);
	(v2sf) =	vpush v40, $0xB  }
0x40d: {  	v41 =	vld [tilespmem:$0x1E6C0];
	[smem:$0x2C] =	sst s29;
	s30 =	spop (v2sf);
	(v2sf) =	vpush v40, $0xC  }
0x40e: {  	[smem:$0x2D] =	sst s30;
	s31 =	spop (v2sf)  }
0x40f: {  	(v2sf) =	vpush v40, $0xD;
	[smem:$0x2E] =	sst s31;
	s2 =	spop (v2sf)  }
0x410: {  	(v2sf) =	vpush v40, $0xE;
	[smem:$0x2F] =	sst s2;
	s3 =	spop (v2sf)  }
0x411: {  	(v2sf) =	vpush v40, $0xF;
	[smem:$0x30] =	sst s3;
	s4 =	spop (v2sf)  }
0x412: {  	(v2sf) =	vpush v41, $0x0;
	[smem:$0x31] =	sst s4;
	s5 =	spop (v2sf)  }
0x413: {  	(v2sf) =	vpush v41, $0x1;
	[smem:$0x32] =	sst s5;
	s8 =	spop (v2sf)  }
0x414: {  	(v2sf) =	vpush v41, $0x2;
	[smem:$0x33] =	sst s8;
	s12 =	spop (v2sf)  }
0x415: {  	(v2sf) =	vpush v41, $0x3;
	[smem:$0x34] =	sst s12;
	s15 =	spop (v2sf)  }
0x416: {  	(v2sf) =	vpush v41, $0x4;
	[smem:$0x35] =	sst s15;
	s16 =	spop (v2sf)  }
0x417: {  	(v2sf) =	vpush v41, $0x5;
	[smem:$0x36] =	sst s16;
	s17 =	spop (v2sf)  }
0x418: {  	(v2sf) =	vpush v41, $0x6;
	[smem:$0x37] =	sst s17;
	s18 =	spop (v2sf)  }
0x419: {  	(v2sf) =	vpush v41, $0x7;
	[smem:$0x38] =	sst s18;
	s25 =	spop (v2sf)  }
0x41a: {  	(v2sf) =	vpush v41, $0x8;
	[smem:$0x39] =	sst s25;
	s29 =	spop (v2sf)  }
0x41b: {  	(v2sf) =	vpush v41, $0x9;
	[smem:$0x3A] =	sst s29;
	s30 =	spop (v2sf)  }
0x41c: {  	(v2sf) =	vpush v41, $0xA;
	[smem:$0x3B] =	sst s30;
	s31 =	spop (v2sf)  }
0x41d: {  	(v2sf) =	vpush v41, $0xB;
	[smem:$0x3C] =	sst s31  }
0x41e: {  	v42 =	vld [tilespmem:$0x1E6D0];
	s1 =	spop (v2sf)  }
0x41f: {  	(v2sf) =	vpush v41, $0xC  }
0x420: {  	[smem:$0x3D] =	sst s1;
	s2 =	spop (v2sf);
	(v2sf) =	vpush v41, $0xD  }
0x421: {  	[smem:$0x3E] =	sst s2;
	s3 =	spop (v2sf);
	(v2sf) =	vpush v41, $0xE  }
0x422: {  	[smem:$0x3F] =	sst s3;
	s4 =	spop (v2sf);
	(v2sf) =	vpush v41, $0xF  }
0x423: {  	[smem:$0x40] =	sst s4;
	s5 =	spop (v2sf);
	(v2sf) =	vpush v42, $0x0  }
0x424: {  	[smem:$0x41] =	sst s5;
	s8 =	spop (v2sf);
	(v2sf) =	vpush v42, $0x1  }
0x425: {  	[smem:$0x42] =	sst s8;
	s12 =	spop (v2sf);
	(v2sf) =	vpush v42, $0x2  }
0x426: {  	[smem:$0x43] =	sst s12;
	s15 =	spop (v2sf);
	(v2sf) =	vpush v42, $0x3  }
0x427: {  	[smem:$0x44] =	sst s15;
	s16 =	spop (v2sf);
	(v2sf) =	vpush v42, $0x4  }
0x428: {  	[smem:$0x45] =	sst s16;
	s17 =	spop (v2sf);
	(v2sf) =	vpush v42, $0x5  }
0x429: {  	[smem:$0x46] =	sst s17;
	s18 =	spop (v2sf);
	(v2sf) =	vpush v42, $0x6  }
0x42a: {  	[smem:$0x47] =	sst s18;
	s25 =	spop (v2sf);
	(v2sf) =	vpush v42, $0x7  }
0x42b: {  	[smem:$0x48] =	sst s25;
	s29 =	spop (v2sf);
	(v2sf) =	vpush v42, $0x8  }
0x42c: {  	[smem:$0x49] =	sst s29;
	s30 =	spop (v2sf);
	(v2sf) =	vpush v42, $0x9  }
0x42d: {  	[smem:$0x4A] =	sst s30;
	s31 =	spop (v2sf);
	(v2sf) =	vpush v42, $0xA  }
0x42e: {  	v43 =	vld [tilespmem:$0x1E6E0];
	[smem:$0x4B] =	sst s31;
	s2 =	spop (v2sf);
	(v2sf) =	vpush v42, $0xB  }
0x42f: {  	[smem:$0x4C] =	sst s2;
	s3 =	spop (v2sf);
	(v2sf) =	vpush v42, $0xC  }
0x430: {  	[smem:$0x4D] =	sst s3;
	s4 =	spop (v2sf);
	(v2sf) =	vpush v42, $0xD  }
0x431: {  	[smem:$0x4E] =	sst s4;
	s5 =	spop (v2sf);
	(v2sf) =	vpush v42, $0xE  }
0x432: {  	[smem:$0x4F] =	sst s5;
	s8 =	spop (v2sf);
	(v2sf) =	vpush v42, $0xF  }
0x433: {  	[smem:$0x50] =	sst s8;
	s12 =	spop (v2sf);
	(v2sf) =	vpush v43, $0x0  }
0x434: {  	[smem:$0x51] =	sst s12;
	s15 =	spop (v2sf);
	(v2sf) =	vpush v43, $0x1  }
0x435: {  	[smem:$0x52] =	sst s15;
	s16 =	spop (v2sf);
	(v2sf) =	vpush v43, $0x2  }
0x436: {  	[smem:$0x53] =	sst s16;
	s17 =	spop (v2sf);
	(v2sf) =	vpush v43, $0x3  }
0x437: {  	[smem:$0x54] =	sst s17;
	s18 =	spop (v2sf);
	(v2sf) =	vpush v43, $0x4  }
0x438: {  	[smem:$0x55] =	sst s18;
	s25 =	spop (v2sf);
	(v2sf) =	vpush v43, $0x5  }
0x439: {  	[smem:$0x56] =	sst s25;
	s29 =	spop (v2sf);
	(v2sf) =	vpush v43, $0x6  }
0x43a: {  	[smem:$0x57] =	sst s29;
	s30 =	spop (v2sf);
	(v2sf) =	vpush v43, $0x7  }
0x43b: {  	[smem:$0x58] =	sst s30;
	s31 =	spop (v2sf);
	(v2sf) =	vpush v43, $0x8  }
0x43c: {  	[smem:$0x59] =	sst s31;
	s2 =	spop (v2sf);
	(v2sf) =	vpush v43, $0x9  }
0x43d: {  	[smem:$0x5A] =	sst s2;
	s3 =	spop (v2sf);
	(v2sf) =	vpush v43, $0xA  }
0x43e: {  	v44 =	vld [tilespmem:$0x1E6F0];
	[smem:$0x5B] =	sst s3;
	s4 =	spop (v2sf);
	(v2sf) =	vpush v43, $0xB  }
0x43f: {  	[smem:$0x5C] =	sst s4;
	s5 =	spop (v2sf);
	(v2sf) =	vpush v43, $0xC  }
0x440: {  	[smem:$0x5D] =	sst s5;
	s8 =	spop (v2sf);
	(v2sf) =	vpush v43, $0xD  }
0x441: {  	[smem:$0x5E] =	sst s8;
	s12 =	spop (v2sf);
	(v2sf) =	vpush v43, $0xE  }
0x442: {  	[smem:$0x5F] =	sst s12;
	s15 =	spop (v2sf);
	(v2sf) =	vpush v43, $0xF  }
0x443: {  	[smem:$0x60] =	sst s15;
	s16 =	spop (v2sf);
	(v2sf) =	vpush v44, $0x0  }
0x444: {  	[smem:$0x61] =	sst s16;
	s17 =	spop (v2sf);
	(v2sf) =	vpush v44, $0x1  }
0x445: {  	[smem:$0x62] =	sst s17;
	s18 =	spop (v2sf);
	(v2sf) =	vpush v44, $0x2  }
0x446: {  	[smem:$0x63] =	sst s18;
	s25 =	spop (v2sf);
	(v2sf) =	vpush v44, $0x3  }
0x447: {  	[smem:$0x64] =	sst s25;
	s29 =	spop (v2sf);
	(v2sf) =	vpush v44, $0x4  }
0x448: {  	[smem:$0x65] =	sst s29;
	s30 =	spop (v2sf);
	(v2sf) =	vpush v44, $0x5  }
0x449: {  	[smem:$0x66] =	sst s30;
	s31 =	spop (v2sf);
	(v2sf) =	vpush v44, $0x6  }
0x44a: {  	[smem:$0x67] =	sst s31;
	s2 =	spop (v2sf);
	(v2sf) =	vpush v44, $0x7  }
0x44b: {  	[smem:$0x68] =	sst s2;
	s3 =	spop (v2sf);
	(v2sf) =	vpush v44, $0x8  }
0x44c: {  	[smem:$0x69] =	sst s3;
	s4 =	spop (v2sf);
	(v2sf) =	vpush v44, $0x9  }
0x44d: {  	[smem:$0x6A] =	sst s4;
	s5 =	spop (v2sf);
	(v2sf) =	vpush v44, $0xA  }
0x44e: {  	v45 =	vld [tilespmem:$0x1E400];
	[smem:$0x6B] =	sst s5;
	s8 =	spop (v2sf);
	(v2sf) =	vpush v44, $0xB  }
0x44f: {  	v46 =	vld [tilespmem:$0x1E410];
	[smem:$0x6C] =	sst s8;
	s12 =	spop (v2sf);
	(v2sf) =	vpush v44, $0xC  }
0x450: {  	v47 =	vld [tilespmem:$0x1E420];
	[smem:$0x6D] =	sst s12;
	s15 =	spop (v2sf);
	(v2sf) =	vpush v44, $0xD  }
0x451: {  	v48 =	vld [tilespmem:$0x1E430];
	[smem:$0x6E] =	sst s15;
	s16 =	spop (v2sf);
	(v2sf) =	vpush v44, $0xE  }
0x452: {  	v49 =	vld [tilespmem:$0x1E440];
	[smem:$0x6F] =	sst s16;
	s17 =	spop (v2sf);
	(v2sf) =	vpush v44, $0xF  }
0x453: {  	v50 =	vld [tilespmem:$0x1E450];
	[tilespmem:$0x1F570] =	vst v45;
	s18 =	spop (v2sf);
	[smem:$0x70] =	sst s17  }
0x454: {  	v51 =	vld [tilespmem:$0x1E460];
	[tilespmem:$0x1F590] =	vst v46;
	s25 =	spop (v2sf);
	[smem:$0x71] =	sst s18  }
0x455: {  	v38 =	vld [tilespmem:$0x1E470];
	[tilespmem:$0x1F5A0] =	vst v47;
	s29 =	spop (v2sf);
	[smem:$0x72] =	sst s25  }
0x456: {  	v52 =	vld [tilespmem:$0x1E480];
	[tilespmem:$0x1F5C0] =	vst v48;
	s30 =	spop (v2sf);
	[smem:$0x73] =	sst s29  }
0x457: {  	v53 =	vld [tilespmem:$0x1E490];
	[tilespmem:$0x1F5F0] =	vst v49;
	s31 =	spop (v2sf);
	[smem:$0x74] =	sst s30  }
0x458: {  	v54 =	vld [tilespmem:$0x1E4A0];
	[tilespmem:$0x1F610] =	vst v50;
	s3 =	spop (v2sf);
	[smem:$0x75] =	sst s31  }
0x459: {  	v55 =	vld [tilespmem:$0x1E4B0];
	[tilespmem:$0x1F640] =	vst v51;
	s4 =	spop (v2sf);
	[smem:$0x76] =	sst s3  }
0x45a: {  	v56 =	vld [tilespmem:$0x1E4C0];
	[tilespmem:$0x1F660] =	vst v38;
	s5 =	spop (v2sf);
	[smem:$0x77] =	sst s4  }
0x45b: {  	v57 =	vld [tilespmem:$0x1E4D0];
	[tilespmem:$0x1F5E0] =	vst v52;
	s8 =	spop (v2sf);
	[smem:$0x78] =	sst s5  }
0x45c: {  	v58 =	vld [tilespmem:$0x1E4E0];
	[tilespmem:$0x1F630] =	vst v53;
	s12 =	spop (v2sf);
	[smem:$0x79] =	sst s8  }
0x45d: {  	[tilespmem:$0x1F680] =	vst v54;
	v44 =	vld [tilespmem:$0x1E4F0];
	s15 =	spop (v2sf);
	[smem:$0x7A] =	sst s12  }
0x45e: {  	[tilespmem:$0x1F6B0] =	vst v55;
	s16 =	spop (v2sf);
	[smem:$0x7B] =	sst s15  }
0x45f: {  	[tilespmem:$0x1F6D0] =	vst v56;
	s17 =	spop (v2sf);
	[smem:$0x7C] =	sst s16  }
0x460: {  	[tilespmem:$0x1F6E0] =	vst v57;
	s18 =	spop (v2sf);
	[smem:$0x7D] =	sst s17  }
0x461: {  	[tilespmem:$0x1F6F0] =	vst v58;
	[smem:$0x7E] =	sst s18;
	s25 =	spop (v2sf)  }
0x462: {  	[tilespmem:$0x1F710] =	vst v44;
	[smem:$0x7F] =	sst s25  }
0x463: {  	s29 =	smulhi.u32 $0x51EB851F, s14;
	s1 =	sld [smem:$0x3]  }
0x464: {  	s31 =	simm.s32 $0x5D00;
	s30 =	sld [smem:$0x0]  }
0x465: {  	s3 =	sshrl.u32 s29, $0x6;
	s5 =	sld [smem:$0x1];
	v59 =	vld [tilespmem:s31+$0x80]  }
0x466: {  	s3 =	smul.u32 $0xC8, s3;
	s8 =	sld [smem:$0x2];
	v60 =	vld [tilespmem:s31+$0x90]  }
0x467: {  	s1 =	smul.u32 $0xC8, s1;
	v61 =	vld [tilespmem:s31+$0xA0]  }
0x468: {  	v3 =	vld [tilespmem:s31+$0xB0]  }
0x469: {  	s3 =	ssub.s32 s13, s3;
	v4 =	vld [tilespmem:s31+$0xC0];
	s1 =	sadd.s32 $0xFFFFFFFC, s1  }
0x46a: {  	v5 =	vld [tilespmem:s31+$0xD0];
	s1 =	sadd.s32 s3, s1  }
0x46b: {  	v6 =	vld [tilespmem:s31+$0xE0];
	s1 =	sshll.u32 s1, $0x9  }
0x46c: {  	v7 =	vld [tilespmem:s31+$0xF0];
	s1 =	sadd.s32 $0x10E00, s1  }
0x46d: {  	v19 =	vld [tilespmem:$0x1FFC0];
	s1 =	sshra.s32 s1, $0x2  }
0x46e: {  	v8 =	vld [tilespmem:s1+$0x11C00]  }
0x46f: {  	s4 =	smul.u32 $0xC8, s30;
	v9 =	vld [tilespmem:s1+$0x11C10]  }
0x470: {  	v10 =	vld [tilespmem:s1+$0x11C20]  }
0x471: {  	s4 =	sadd.s32 $0xFFFFFFFC, s4;
	v11 =	vld [tilespmem:s1+$0x11C30]  }
0x472: {  	s4 =	sadd.s32 s3, s4;
	v12 =	vld [tilespmem:s1+$0x11C40]  }
0x473: {  	s4 =	sshll.u32 s4, $0x9;
	v13 =	vld [tilespmem:s1+$0x11C50]  }
0x474: {  	s4 =	sadd.s32 $0x10800, s4;
	v14 =	vld [tilespmem:s1+$0x11C60]  }
0x475: {  	s4 =	sshra.s32 s4, $0x2;
	v15 =	vld [tilespmem:s1+$0x11C70]  }
0x476: {  	v16 =	vld [tilespmem:s4+$0x11C00]  }
0x477: {  	v17 =	vld [tilespmem:s4+$0x11C10]  }
0x478: {  	v18 =	vld [tilespmem:s4+$0x11C20]  }
0x479: {  	s5 =	smul.u32 $0xC8, s5;
	v20 =	vld [tilespmem:s4+$0x11C30]  }
0x47a: {  	v21 =	vld [tilespmem:s4+$0x11C40];
	v8 =	vadd.f32 v8, v59  }
0x47b: {  	s1 =	sadd.s32 $0xFFFFFFFC, s5;
	v22 =	vld [tilespmem:s4+$0x11C50];
	v24 =	vadd.f32 v9, v60  }
0x47c: {  	s1 =	sadd.s32 s3, s1;
	v23 =	vld [tilespmem:s4+$0x11C60];
	v27 =	vadd.f32 v10, v61;
	[tilespmem:$0x1F4D0] =	vst v8  }
0x47d: {  	v45 =	vld [tilespmem:$0x1FFD0];
	s1 =	sshll.u32 s1, $0x9;
	v25 =	vadd.f32 v11, v3;
	[tilespmem:$0x1F510] =	vst v24  }
0x47e: {  	s1 =	sadd.s32 $0x10A00, s1;
	v28 =	vadd.f32 v12, v4;
	v0 =	vld [tilespmem:s4+$0x11C70];
	[tilespmem:$0x1F520] =	vst v27  }
0x47f: {  	v39 =	vld [tilespmem:$0x1FFE0];
	s1 =	sshra.s32 s1, $0x2;
	v26 =	vadd.f32 v13, v5;
	[tilespmem:$0x1F530] =	vst v25  }
0x480: {  	v62 =	vadd.f32 v14, v6;
	v1 =	vld [tilespmem:s1+$0x11C00];
	[tilespmem:$0x1F540] =	vst v28  }
0x481: {  	v58 =	vld [tilespmem:$0x1FFF0];
	[tilespmem:$0x1F550] =	vst v26  }
0x482: {  	v2 =	vld [tilespmem:s1+$0x11C10];
	[tilespmem:$0x1F560] =	vst v62  }
0x483: {  	v4 =	vadd.f32 v15, v7;
	v3 =	vld [tilespmem:s1+$0x11C20]  }
0x484: {  	v5 =	vadd.f32 v24, v8;
	v6 =	vadd.f32 v25, v27;
	v7 =	vmul.f32 v8, v8;
	v8 =	vld [tilespmem:s1+$0x11C30]  }
0x485: {  	v9 =	vadd.f32 v26, v28;
	v10 =	vmul.f32 v24, v24;
	v11 =	vmul.f32 v27, v27;
	v12 =	vld [tilespmem:s1+$0x11C40]  }
0x486: {  	v13 =	vadd.f32 v4, v62;
	v14 =	vmul.f32 v25, v25;
	v15 =	vmul.f32 v28, v28;
	v24 =	vld [tilespmem:s1+$0x11C50]  }
0x487: {  	v25 =	vmul.f32 v26, v26;
	v26 =	vmul.f32 v62, v62;
	v28 =	vld [tilespmem:s1+$0x11C60]  }
0x488: {  	v5 =	vadd.f32 v6, v5;
	v6 =	vadd.f32 v13, v9;
	v9 =	vmul.f32 v4, v4;
	v13 =	vld [tilespmem:s1+$0x11C70]  }
0x489: {  	v7 =	vadd.f32 v10, v7;
	v10 =	vadd.f32 v14, v11;
	v27 =	vld [tilespmem:s31+$0xFFFFFF00]  }
0x48a: {  	v14 =	vadd.f32 v25, v15;
	v9 =	vadd.f32 v9, v26;
	v31 =	vld [tilespmem:s31+$0xFFFFFF20]  }
0x48b: {  	v5 =	vadd.f32 v6, v5;
	v63 =	vld [tilespmem:s31+$0xFFFFFF30]  }
0x48c: {  	s8 =	smul.u32 $0xC8, s8;
	v7 =	vadd.f32 v10, v7;
	v33 =	vld [tilespmem:s31+$0xFFFFFF40];
	v9 =	vadd.f32 v9, v14  }
0x48d: {  	v52 =	vld [tilespmem:s31+$0xFFFFFF60]  }
0x48e: {  	s4 =	sadd.s32 $0xFFFFFFFC, s8;
	v54 =	vld [tilespmem:s31+$0xFFFFFF70];
	v7 =	vadd.f32 v9, v7;
	v9 =	vperm.xlane v5, v19  }
0x48f: {  	s3 =	sadd.s32 s3, s4;
	v55 =	vld [tilespmem:s31+$0xFFFFFF80]  }
0x490: {  	s3 =	sshll.u32 s3, $0x9;
	v60 =	vld [tilespmem:s31+$0xFFFFFF90];
	v5 =	vadd.f32 v5, v9;
	v9 =	vperm.xlane v7, v19  }
0x491: {  	s3 =	sadd.s32 $0x10C00, s3;
	v61 =	vld [tilespmem:s31+$0xFFFFFFA0]  }
0x492: {  	v62 =	vld [tilespmem:s31+$0xFFFFFFB0];
	s3 =	sshra.s32 s3, $0x2;
	v30 =	vperm.xlane v5, v45;
	v7 =	vadd.f32 v9, v7  }
0x493: {  	v11 =	vld [tilespmem:s3+$0x11C00]  }
0x494: {  	v15 =	vld [tilespmem:s3+$0x11C10];
	v5 =	vadd.f32 v5, v30;
	v30 =	vperm.xlane v7, v45  }
0x495: {  	v6 =	vld [tilespmem:s3+$0x11C20]  }
0x496: {  	v10 =	vld [tilespmem:s3+$0x11C30];
	v51 =	vperm.xlane v5, v39;
	v7 =	vadd.f32 v30, v7  }
0x497: {  	v9 =	vld [tilespmem:s31+$0xFFFFFF10]  }
0x498: {  	v14 =	vld [tilespmem:s3+$0x11C40];
	v5 =	vadd.f32 v5, v51;
	v53 =	vperm.xlane v7, v39  }
0x499: {  	v25 =	vld [tilespmem:s3+$0x11C50];
	v27 =	vadd.f32 v16, v27;
	v31 =	vadd.f32 v18, v31  }
0x49a: {  	v26 =	vld [tilespmem:s3+$0x11C60];
	v32 =	vadd.f32 v20, v63;
	v59 =	vperm.xlane v5, v58;
	v7 =	vadd.f32 v53, v7  }
0x49b: {  	v29 =	vld [tilespmem:s3+$0x11C70];
	v41 =	vadd.f32 v21, v33;
	v42 =	vadd.f32 v23, v52  }
0x49c: {  	v30 =	vld [tilespmem:s31+$0xFFFFFF50];
	[tilespmem:$0x1F3A0] =	vst v27;
	v17 =	vadd.f32 v17, v9;
	v5 =	vadd.f32 v5, v59;
	v40 =	vperm.xlane v7, v58  }
0x49d: {  	v47 =	vadd.f32 v0, v54;
	v43 =	vadd.f32 v1, v55;
	v9 =	vld [tilespmem:s31+$0xFFFFFFC0]  }
0x49e: {  	v50 =	vadd.f32 v2, v60;
	v35 =	vmul.f32 $7.812500000e-03, v5;
	v5 =	vadd.f32 v40, v7;
	v7 =	vld [tilespmem:s31+$0xFFFFFFD0];
	[tilespmem:$0x1F3B0] =	vst v17  }
0x49f: {  	v48 =	vadd.f32 v3, v61;
	v16 =	vadd.f32 v17, v27;
	v63 =	vmov v17;
	v17 =	vld [tilespmem:s31+$0xFFFFFFE0]  }
0x4a0: {  	v49 =	vadd.f32 v8, v62;
	v23 =	vmul.f32 v27, v27;
	v3 =	vmul.f32 v31, v31;
	v20 =	vld [tilespmem:s31+$0xFFFFFFF0];
	[tilespmem:$0x1F3D0] =	vst v32  }
0x4a1: {  	v21 =	vadd.f32 v32, v31;
	v40 =	vmul.f32 v63, v63;
	[tilespmem:$0x1F3C0] =	vst v31;
	v32 =	vmul.f32 v32, v32  }
0x4a2: {  	v30 =	vadd.f32 v22, v30;
	v5 =	vmul.f32 $7.812500000e-03, v5;
	v33 =	vmul.f32 v35, v35;
	v22 =	vld [tilespmem:s31+$0x0]  }
0x4a3: {  	v54 =	vadd.f32 v12, v9;
	v36 =	vld [tilespmem:s31+$0x10];
	v1 =	vadd.f32 v40, v23  }
0x4a4: {  	v37 =	vld [tilespmem:s31+$0x20];
	v0 =	vadd.f32 v32, v3;
	v5 =	vsub.f32 v5, v33  }
0x4a5: {  	v63 =	vld [tilespmem:s31+$0x30];
	v4 =	vsub.f32 v4, v35;
	v55 =	vadd.f32 v24, v7  }
0x4a6: {  	v8 =	vld [tilespmem:s31+$0x40];
	v0 =	vadd.f32 v0, v1;
	v5 =	vadd.f32 $9.999999970e-07, v5  }
0x4a7: {  	v3 =	vmul.f32 v50, v50;
	v24 =	vadd.f32 v28, v17;
	v51 =	vadd.f32 v13, v20  }
0x4a8: {  	v13 =	vadd.f32 v30, v41;
	v9 =	vshra.s32 v5, $0x1;
	v5 =	vmul.f32 $5.000000000e-01, v5  }
0x4a9: {  	v46 =	vadd.f32 v11, v22;
	v52 =	vadd.f32 v15, v36;
	v9 =	vsub.s32 $0x5F3759DF, v9  }
0x4aa: {  	v7 =	vld [tilespmem:s31+$0x50];
	v53 =	vadd.f32 v6, v37;
	v56 =	vadd.f32 v10, v63;
	v15 =	vmul.f32 v9, v5  }
0x4ab: {  	v12 =	vld [tilespmem:s31+$0x60];
	v33 =	vmul.f32 v41, v41;
	[tilespmem:$0x1F3E0] =	vst v30;
	v57 =	vadd.f32 v14, v8;
	v6 =	vadd.f32 v47, v42  }
0x4ac: {  	v11 =	vld [tilespmem:s31+$0x70];
	v10 =	vmul.f32 v42, v42;
	v14 =	vadd.f32 v50, v43;
	v8 =	vmul.f32 v9, v15  }
0x4ad: {  	v34 =	vmul.f32 v51, v51;
	v6 =	vadd.f32 v6, v13;
	v13 =	vmul.f32 v43, v43  }
0x4ae: {  	v40 =	vmul.f32 v52, v52;
	v20 =	vmul.f32 v56, v56;
	v8 =	vsub.f32 $1.500000000e+00, v8  }
0x4af: {  	v62 =	vmul.f32 v57, v57;
	v59 =	vadd.f32 v25, v7;
	v7 =	vmul.f32 v30, v30  }
0x4b0: {  	v25 =	vadd.f32 v26, v12;
	v12 =	vadd.f32 v21, v16;
	v8 =	vmul.f32 v9, v8  }
0x4b1: {  	v3 =	vadd.f32 v3, v13;
	v13 =	vmul.f32 v55, v55;
	v60 =	vadd.f32 v29, v11  }
0x4b2: {  	v15 =	vadd.f32 v55, v54;
	v2 =	vadd.f32 v7, v33;
	v5 =	vmul.f32 v8, v5  }
0x4b3: {  	v11 =	vmul.f32 v47, v47;
	v7 =	vadd.f32 v51, v24;
	v37 =	vadd.f32 v59, v57  }
0x4b4: {  	v63 =	vmul.f32 v59, v59;
	v6 =	vadd.f32 v6, v12;
	v5 =	vmul.f32 v5, v8  }
0x4b5: {  	v10 =	vadd.f32 v11, v10;
	v11 =	vmul.f32 v48, v48;
	v7 =	vadd.f32 v7, v15  }
0x4b6: {  	v15 =	vmul.f32 v54, v54;
	v61 =	vadd.f32 v60, v25;
	v5 =	vsub.f32 $1.500000000e+00, v5  }
0x4b7: {  	v21 =	vmul.f32 v60, v60;
	v17 =	vadd.f32 v63, v62;
	v9 =	vadd.f32 v49, v48  }
0x4b8: {  	v16 =	vadd.f32 v61, v37;
	v18 =	vadd.f32 v10, v2;
	v36 =	vmul.f32 v5, v8  }
0x4b9: {  	v9 =	vadd.f32 v9, v14;
	v14 =	vmul.f32 v49, v49;
	v5 =	vadd.f32 v13, v15  }
0x4ba: {  	v8 =	vadd.f32 v52, v46;
	v15 =	vadd.f32 v56, v53;
	v4 =	vmul.f32 v36, v4  }
0x4bb: {  	v0 =	vadd.f32 v18, v0;
	v11 =	vadd.f32 v14, v11;
	v14 =	vmul.f32 v24, v24  }
0x4bc: {  	v8 =	vadd.f32 v15, v8;
	v15 =	vmul.f32 v53, v53;
	v4 =	vmul.f32 v4, v38  }
0x4bd: {  	v32 =	vadd.f32 v7, v9;
	v13 =	vadd.f32 v34, v14;
	v14 =	vmul.f32 v46, v46  }
0x4be: {  	v15 =	vadd.f32 v20, v15;
	v20 =	vmul.f32 v25, v25;
	v4 =	vadd.f32 v4, v44  }
0x4bf: {  	s2 =	simm.s32 $0xDD00;
	s30 =	sadd.s32 $0x4, s14;
	v9 =	vperm.xlane v6, v19;
	v3 =	vadd.f32 v11, v3;
	v5 =	vadd.f32 v13, v5  }
0x4c0: {  	s12 =	smulhi.u32 $0x51EB851F, s30;
	v14 =	vadd.f32 v40, v14;
	[tilespmem:s2+$0xF0] =	vst v4;
	v4 =	vadd.f32 v21, v20  }
0x4c1: {  	v10 =	vperm.xlane v32, v19;
	v6 =	vadd.f32 v6, v9;
	v3 =	vadd.f32 v5, v3;
	s1 =	sld [smem:$0x7]  }
0x4c2: {  	s8 =	simm.s32 $0x5F00;
	s3 =	sshrl.u32 s12, $0x6;
	v7 =	vadd.f32 v15, v14;
	s16 =	sld [smem:$0x4];
	v4 =	vadd.f32 v4, v17  }
0x4c3: {  	s3 =	smul.u32 $0xC8, s3;
	v2 =	vadd.f32 v32, v10;
	v8 =	vadd.f32 v16, v8;
	s15 =	sld [smem:$0x5];
	v33 =	vld [tilespmem:s8+$0x80]  }
0x4c4: {  	v10 =	vperm.xlane v3, v19;
	v4 =	vadd.f32 v4, v7;
	s12 =	sld [smem:$0x6];
	v7 =	vperm.xlane v0, v19;
	s1 =	smul.u32 $0xC8, s1;
	v9 =	vld [tilespmem:s8+$0x90]  }
0x4c5: {  	v5 =	vperm.xlane v8, v19;
	v12 =	vld [tilespmem:s8+$0xA0]  }
0x4c6: {  	s17 =	ssub.s32 s13, s3;
	v13 =	vperm.xlane v6, v45;
	v3 =	vadd.f32 v10, v3;
	v10 =	vld [tilespmem:s8+$0xC0];
	v0 =	vadd.f32 v7, v0;
	s1 =	sadd.s32 $0x0, s1  }
0x4c7: {  	v5 =	vadd.f32 v8, v5;
	v8 =	vperm.xlane v2, v45;
	v14 =	vld [tilespmem:s8+$0xD0];
	s1 =	sadd.s32 s17, s1  }
0x4c8: {  	v6 =	vadd.f32 v6, v13;
	v34 =	vld [tilespmem:s8+$0xE0];
	v11 =	vperm.xlane v4, v19;
	v13 =	vperm.xlane v0, v45;
	s1 =	sshll.u32 s1, $0x9  }
0x4c9: {  	v2 =	vadd.f32 v2, v8;
	v8 =	vperm.xlane v3, v45;
	v7 =	vld [tilespmem:s8+$0xB0];
	s1 =	sadd.s32 $0x10E00, s1  }
0x4ca: {  	s18 =	smul.u32 $0xC8, s16;
	v4 =	vadd.f32 v11, v4;
	v11 =	vperm.xlane v5, v45;
	v0 =	vadd.f32 v13, v0;
	s1 =	sshra.s32 s1, $0x2;
	v13 =	vld [tilespmem:s8+$0xF0]  }
0x4cb: {  	v3 =	vadd.f32 v8, v3;
	v8 =	vperm.xlane v2, v39;
	v61 =	vld [tilespmem:s1+$0x11C10]  }
0x4cc: {  	s3 =	sadd.s32 $0x0, s18;
	v5 =	vadd.f32 v5, v11;
	v11 =	vperm.xlane v6, v39;
	v21 =	vld [tilespmem:s1+$0x11C20]  }
0x4cd: {  	v2 =	vadd.f32 v2, v8;
	v8 =	vperm.xlane v3, v39;
	s3 =	sadd.s32 s17, s3;
	v15 =	vperm.xlane v4, v45;
	v62 =	vld [tilespmem:s1+$0x11C30]  }
0x4ce: {  	s3 =	sshll.u32 s3, $0x9;
	v28 =	vld [tilespmem:s1+$0x11C50];
	v6 =	vadd.f32 v6, v11;
	v11 =	vperm.xlane v5, v39  }
0x4cf: {  	v3 =	vadd.f32 v8, v3;
	v8 =	vperm.xlane v2, v58;
	s3 =	sadd.s32 $0x10800, s3;
	v29 =	vld [tilespmem:s1+$0x11C60];
	v4 =	vadd.f32 v15, v4  }
0x4d0: {  	s3 =	sshra.s32 s3, $0x2;
	v15 =	vld [tilespmem:s1+$0x11C00];
	v44 =	vperm.xlane v0, v39;
	v5 =	vadd.f32 v5, v11;
	v11 =	vperm.xlane v6, v58  }
0x4d1: {  	v2 =	vadd.f32 v2, v8;
	v8 =	vperm.xlane v3, v58;
	v27 =	vld [tilespmem:s3+$0x11C00];
	v20 =	vperm.xlane v4, v39  }
0x4d2: {  	v40 =	vld [tilespmem:s3+$0x11C20];
	v0 =	vadd.f32 v44, v0;
	v6 =	vadd.f32 v6, v11;
	v11 =	vperm.xlane v5, v58  }
0x4d3: {  	v4 =	vadd.f32 v20, v4;
	v20 =	vld [tilespmem:s1+$0x11C40]  }
0x4d4: {  	v3 =	vadd.f32 v8, v3;
	v22 =	vperm.xlane v0, v58;
	v5 =	vadd.f32 v5, v11;
	v11 =	vld [tilespmem:s1+$0x11C70]  }
0x4d5: {  	v38 =	vld [tilespmem:s3+$0x11C30];
	v18 =	vadd.f32 v61, v9;
	v21 =	vadd.f32 v21, v12  }
0x4d6: {  	v37 =	vld [tilespmem:s3+$0x11C50];
	v0 =	vadd.f32 v22, v0;
	v22 =	vadd.f32 v15, v33  }
0x4d7: {  	s25 =	smul.u32 $0xC8, s15;
	v44 =	vld [tilespmem:s3+$0x11C10];
	v17 =	vadd.f32 v62, v7;
	v7 =	vadd.f32 v28, v14  }
0x4d8: {  	v63 =	vadd.f32 v29, v34;
	v15 =	vadd.f32 v20, v10;
	v20 =	vld [tilespmem:s3+$0x11C40];
	[tilespmem:$0x1F330] =	vst v22  }
0x4d9: {  	s1 =	sadd.s32 $0x0, s25;
	v9 =	vadd.f32 v17, v21;
	v12 =	vmul.f32 v18, v18;
	v30 =	vld [tilespmem:s3+$0x11C60];
	[tilespmem:$0x1F340] =	vst v18;
	v14 =	vadd.f32 v11, v13  }
0x4da: {  	v29 =	vmul.f32 v17, v17;
	v16 =	vmul.f32 v7, v7;
	s1 =	sadd.s32 s17, s1;
	v8 =	vadd.f32 v18, v22;
	[tilespmem:$0x1F350] =	vst v21  }
0x4db: {  	s1 =	sshll.u32 s1, $0x9;
	v10 =	vmul.f32 v22, v22;
	v11 =	vadd.f32 v7, v15;
	v18 =	vld [tilespmem:s3+$0x11C70];
	[tilespmem:$0x1F360] =	vst v17;
	v28 =	vadd.f32 v14, v63  }
0x4dc: {  	s1 =	sadd.s32 $0x10A00, s1;
	v8 =	vadd.f32 v9, v8;
	v13 =	vmul.f32 v21, v21;
	[tilespmem:$0x1F370] =	vst v15;
	v9 =	vmul.f32 v15, v15  }
0x4dd: {  	s1 =	sshra.s32 s1, $0x2;
	[tilespmem:$0x1F730] =	vst v14;
	v17 =	vmul.f32 v14, v14;
	v11 =	vadd.f32 v28, v11;
	v28 =	vmul.f32 v63, v63  }
0x4de: {  	v10 =	vadd.f32 v12, v10;
	v12 =	vadd.f32 v29, v13;
	v31 =	vld [tilespmem:s1+$0x11C00];
	[tilespmem:$0x1F380] =	vst v7  }
0x4df: {  	v9 =	vadd.f32 v16, v9;
	[tilespmem:$0x1F390] =	vst v63;
	v13 =	vadd.f32 v17, v28  }
0x4e0: {  	s29 =	smul.u32 $0xC8, s12;
	v2 =	vmul.f32 $7.812500000e-03, v2;
	v33 =	vld [tilespmem:s1+$0x11C10]  }
0x4e1: {  	v29 =	vld [tilespmem:s1+$0x11C20];
	v10 =	vadd.f32 v12, v10;
	v12 =	vmul.f32 $7.812500000e-03, v6;
	v6 =	vadd.f32 v13, v9  }
0x4e2: {  	s3 =	sadd.s32 $0x0, s29;
	v32 =	vld [tilespmem:s1+$0x11C30]  }
0x4e3: {  	v3 =	vmul.f32 $7.812500000e-03, v3;
	s3 =	sadd.s32 s17, s3;
	v61 =	vld [tilespmem:s1+$0x11C40];
	v6 =	vadd.f32 v6, v10;
	v10 =	vmul.f32 v2, v2  }
0x4e4: {  	s3 =	sshll.u32 s3, $0x9;
	v63 =	vld [tilespmem:s1+$0x11C50]  }
0x4e5: {  	v23 =	vperm.xlane v4, v58;
	s3 =	sadd.s32 $0x10C00, s3;
	v10 =	vsub.f32 v3, v10;
	v3 =	vld [tilespmem:$0x1F3A0]  }
0x4e6: {  	v62 =	vld [tilespmem:s1+$0x11C60];
	s3 =	sshra.s32 s3, $0x2  }
0x4e7: {  	v4 =	vadd.f32 v23, v4;
	v5 =	vmul.f32 $7.812500000e-03, v5;
	v15 =	vld [tilespmem:s3+$0x11C00]  }
0x4e8: {  	v16 =	vld [tilespmem:s3+$0x11C10]  }
0x4e9: {  	v4 =	vmul.f32 $7.812500000e-03, v4;
	v14 =	vld [tilespmem:s3+$0x11C20];
	v8 =	vadd.f32 v11, v8;
	v11 =	vmul.f32 v5, v5  }
0x4ea: {  	v28 =	vld [tilespmem:s1+$0x11C70];
	v3 =	vsub.f32 v3, v12  }
0x4eb: {  	v17 =	vsub.f32 v4, v11;
	v11 =	vld [tilespmem:s3+$0x11C30]  }
0x4ec: {  	v9 =	vperm.xlane v8, v19;
	[tilespmem:$0x1F3F0] =	vst v3;
	v3 =	vld [tilespmem:$0x1F3B0];
	_ =	sdelay $0x1  }
0x4ed: {  	v0 =	vmul.f32 $7.812500000e-03, v0;
	v8 =	vadd.f32 v8, v9;
	v9 =	vmul.f32 v12, v12;
	_ =	sdelay $0x1  }
0x4ee: {  	v7 =	vsub.f32 v0, v9;
	v9 =	vperm.xlane v8, v45  }
0x4ef: {  	v3 =	vsub.f32 v3, v12  }
0x4f0: {  	v1 =	vadd.f32 v8, v9;
	v9 =	vld [tilespmem:s3+$0x11C40]  }
0x4f1: {  	[tilespmem:$0x1F400] =	vst v3;
	v3 =	vld [tilespmem:$0x1F3C0];
	_ =	sdelay $0x4  }
0x4f2: {  	v3 =	vsub.f32 v3, v12;
	_ =	sdelay $0x1  }
0x4f3: {  	[tilespmem:$0x1F410] =	vst v3;
	v3 =	vld [tilespmem:$0x1F3D0];
	_ =	sdelay $0x4  }
0x4f4: {  	v3 =	vsub.f32 v3, v12;
	_ =	sdelay $0x1  }
0x4f5: {  	v8 =	vld [tilespmem:s3+$0x11C50];
	[tilespmem:$0x1F420] =	vst v3;
	v3 =	vsub.f32 v41, v12;
	_ =	sdelay $0x1  }
0x4f6: {  	[tilespmem:$0x1F430] =	vst v3;
	v3 =	vld [tilespmem:$0x1F3E0];
	_ =	sdelay $0x4  }
0x4f7: {  	v3 =	vsub.f32 v3, v12;
	_ =	sdelay $0x1  }
0x4f8: {  	v13 =	vperm.xlane v6, v19;
	v4 =	vld [tilespmem:s3+$0x11C60];
	[tilespmem:$0x1F440] =	vst v3;
	v3 =	vsub.f32 v42, v12;
	_ =	sdelay $0x1  }
0x4f9: {  	v34 =	vsub.f32 v47, v12;
	v0 =	vadd.f32 v13, v6;
	[tilespmem:$0x1F450] =	vst v3  }
0x4fa: {  	v47 =	vsub.f32 v43, v2;
	v43 =	vsub.f32 v50, v2;
	v42 =	vperm.xlane v1, v39;
	v6 =	vld [tilespmem:s3+$0x11C70]  }
0x4fb: {  	v54 =	vsub.f32 v54, v2;
	v50 =	vsub.f32 v49, v2;
	v41 =	vperm.xlane v0, v45;
	v3 =	vld [tilespmem:s8+$0xFFFFFF00]  }
0x4fc: {  	v23 =	vsub.f32 v48, v2;
	v1 =	vadd.f32 v1, v42;
	v42 =	vld [tilespmem:s8+$0xFFFFFF10];
	[tilespmem:$0x1F460] =	vst v43  }
0x4fd: {  	v48 =	vsub.f32 v55, v2;
	v41 =	vadd.f32 v41, v0;
	v43 =	vld [tilespmem:s8+$0xFFFFFF20];
	[tilespmem:$0x1F470] =	vst v50  }
0x4fe: {  	[tilespmem:$0x1F480] =	vst v54  }
0x4ff: {  	v51 =	vsub.f32 v51, v2;
	v54 =	vperm.xlane v41, v39;
	v49 =	vld [tilespmem:s8+$0xFFFFFF30];
	[tilespmem:$0x1F490] =	vst v48  }
0x500: {  	v52 =	vsub.f32 v52, v5;
	v55 =	vperm.xlane v1, v58;
	v50 =	vsub.f32 v46, v5;
	v0 =	vld [tilespmem:s8+$0xFFFFFF40]  }
0x501: {  	v21 =	vsub.f32 v24, v2;
	v2 =	vld [tilespmem:s8+$0xFFFFFF50];
	v41 =	vadd.f32 v54, v41  }
0x502: {  	v54 =	vadd.f32 v1, v55;
	v12 =	vld [tilespmem:s8+$0xFFFFFF60];
	[tilespmem:$0x1F4A0] =	vst v50;
	v55 =	vsub.f32 v53, v5  }
0x503: {  	v46 =	vsub.f32 v57, v5;
	[tilespmem:$0x1F4B0] =	vst v52  }
0x504: {  	v13 =	vsub.f32 v25, v5;
	v48 =	vsub.f32 v59, v5;
	v52 =	vld [tilespmem:s8+$0xFFFFFF70];
	[tilespmem:$0x1F4C0] =	vst v55  }
0x505: {  	v55 =	vsub.f32 v56, v5;
	v5 =	vsub.f32 v60, v5;
	v53 =	vld [tilespmem:s8+$0xFFFFFF80];
	[tilespmem:$0x1F4E0] =	vst v46  }
0x506: {  	[tilespmem:$0x1F4F0] =	vst v48  }
0x507: {  	v1 =	vld [tilespmem:s8+$0xFFFFFF90];
	[tilespmem:$0x1F500] =	vst v5  }
0x508: {  	v50 =	vperm.xlane v41, v58;
	v5 =	vld [tilespmem:s8+$0xFFFFFFA0]  }
0x509: {  	v10 =	vadd.f32 $9.999999970e-07, v10;
	v46 =	vadd.f32 v27, v3;
	v60 =	vld [tilespmem:s8+$0xFFFFFFB0]  }
0x50a: {  	v56 =	vadd.f32 v50, v41;
	v50 =	vmul.f32 $7.812500000e-03, v54;
	v41 =	vadd.f32 v44, v42;
	v44 =	vld [tilespmem:s8+$0xFFFFFFC0]  }
0x50b: {  	v42 =	vadd.f32 v40, v43;
	v43 =	vadd.f32 v38, v49;
	v49 =	vld [tilespmem:s8+$0xFFFFFFD0]  }
0x50c: {  	v57 =	vadd.f32 v20, v0;
	v0 =	vld [tilespmem:s8+$0xFFFFFFE0];
	v38 =	vmul.f32 $7.812500000e-03, v56;
	v40 =	vmul.f32 v50, v50  }
0x50d: {  	v26 =	vadd.f32 v30, v12;
	v30 =	vld [tilespmem:s8+$0xFFFFFFF0];
	v56 =	vadd.f32 v37, v2  }
0x50e: {  	v48 =	vld [tilespmem:s8+$0x10];
	v59 =	vadd.f32 v18, v52;
	v22 =	vsub.f32 v38, v40  }
0x50f: {  	v18 =	vld [tilespmem:s8+$0x0];
	v54 =	vadd.f32 v31, v53;
	v20 =	vadd.f32 v33, v1  }
0x510: {  	v31 =	vld [tilespmem:s8+$0x30];
	v24 =	vadd.f32 v29, v5;
	v40 =	vadd.f32 v32, v60  }
0x511: {  	v33 =	vld [tilespmem:s8+$0x40];
	v5 =	vadd.f32 $9.999999970e-07, v7;
	v52 =	vadd.f32 v61, v44  }
0x512: {  	v7 =	vld [tilespmem:s8+$0x20];
	v53 =	vadd.f32 v63, v49;
	v60 =	vadd.f32 v62, v0  }
0x513: {  	v62 =	vld [tilespmem:s8+$0x60];
	v61 =	vadd.f32 v28, v30;
	v48 =	vadd.f32 v16, v48;
	v44 =	vmul.f32 v26, v26  }
0x514: {  	v63 =	vld [tilespmem:s8+$0x70];
	v28 =	vmul.f32 v59, v59;
	v30 =	vadd.f32 v15, v18;
	v29 =	vshra.s32 v5, $0x1  }
0x515: {  	v32 =	vmul.f32 $5.000000000e-01, v5;
	v5 =	vshra.s32 v10, $0x1;
	v10 =	vmul.f32 $5.000000000e-01, v10  }
0x516: {  	v38 =	vld [tilespmem:s8+$0x50];
	v37 =	vsub.s32 $0x5F3759DF, v29;
	v0 =	vsub.s32 $0x5F3759DF, v5;
	v3 =	vadd.f32 v11, v31  }
0x517: {  	v11 =	vadd.f32 v59, v26;
	v2 =	vmul.f32 v37, v32;
	v29 =	vadd.f32 v9, v33  }
0x518: {  	v15 =	vmul.f32 v0, v10;
	v9 =	vadd.f32 v56, v57;
	v49 =	vadd.f32 v14, v7  }
0x519: {  	v33 =	vmul.f32 v24, v24;
	v25 =	vadd.f32 v4, v62;
	v27 =	vadd.f32 v6, v63  }
0x51a: {  	v6 =	vadd.f32 $9.999999970e-07, v17;
	v14 =	vmul.f32 v41, v41;
	v63 =	vadd.f32 v20, v54  }
0x51b: {  	v16 =	vmul.f32 v37, v2;
	v7 =	vmul.f32 v0, v15;
	v2 =	vadd.f32 v8, v38  }
0x51c: {  	v9 =	vadd.f32 v11, v9;
	v11 =	vmul.f32 v42, v42;
	v15 =	vmul.f32 v43, v43  }
0x51d: {  	v38 =	vmul.f32 v56, v56;
	v8 =	vmul.f32 $5.000000000e-01, v6;
	v1 =	vsub.f32 $1.500000000e+00, v16  }
0x51e: {  	v6 =	vshra.s32 v6, $0x1;
	v4 =	vsub.f32 $1.500000000e+00, v7;
	v7 =	vadd.f32 v43, v42  }
0x51f: {  	v6 =	vsub.s32 $0x5F3759DF, v6;
	v11 =	vadd.f32 v15, v11;
	v16 =	vadd.f32 v28, v44  }
0x520: {  	v28 =	vadd.f32 v40, v24;
	v44 =	vadd.f32 v61, v60;
	v1 =	vmul.f32 v37, v1  }
0x521: {  	v5 =	vmul.f32 v0, v4;
	v4 =	vadd.f32 v41, v46;
	v37 =	vmul.f32 v57, v57  }
0x522: {  	v0 =	vadd.f32 v53, v52;
	v18 =	vadd.f32 v28, v63;
	v28 =	vmul.f32 v54, v54  }
0x523: {  	v63 =	vmul.f32 v60, v60;
	v12 =	vadd.f32 v7, v4;
	v7 =	vmul.f32 v46, v46  }
0x524: {  	v15 =	vadd.f32 v38, v37;
	v62 =	vmul.f32 v1, v32;
	v37 =	vmul.f32 v20, v20  }
0x525: {  	v38 =	vmul.f32 v40, v40;
	v7 =	vadd.f32 v14, v7;
	v14 =	vmul.f32 v6, v8  }
0x526: {  	v32 =	vadd.f32 v44, v0;
	v0 =	vmul.f32 v61, v61;
	v17 =	vmul.f32 v62, v1  }
0x527: {  	v44 =	vmul.f32 v52, v52;
	v14 =	vmul.f32 v6, v14  }
0x528: {  	v62 =	vmul.f32 v53, v53;
	v4 =	vadd.f32 v0, v63;
	v17 =	vsub.f32 $1.500000000e+00, v17  }
0x529: {  	v63 =	vadd.f32 v3, v49;
	v0 =	vmul.f32 v48, v48;
	v14 =	vsub.f32 $1.500000000e+00, v14  }
0x52a: {  	v1 =	vmul.f32 v17, v1;
	v17 =	vadd.f32 v62, v44;
	v62 =	vadd.f32 v48, v30  }
0x52b: {  	v44 =	vadd.f32 v27, v25;
	v6 =	vmul.f32 v6, v14;
	v14 =	vadd.f32 v37, v28  }
0x52c: {  	v28 =	vadd.f32 v38, v33;
	v38 =	vadd.f32 v2, v29;
	v33 =	vmul.f32 v30, v30  }
0x52d: {  	v37 =	vadd.f32 v63, v62;
	v62 =	vmul.f32 v3, v3  }
0x52e: {  	v38 =	vadd.f32 v44, v38;
	v44 =	vadd.f32 v0, v33;
	v33 =	vmul.f32 v49, v49  }
0x52f: {  	[tilespmem:$0x1F7E0] =	vst v3;
	v10 =	vmul.f32 v5, v10  }
0x530: {  	[tilespmem:$0x1F7C0] =	vst v49;
	v3 =	vmul.f32 v25, v25;
	v49 =	vmul.f32 v27, v27;
	v62 =	vadd.f32 v62, v33;
	v33 =	vld [tilespmem:$0x1F3F0]  }
0x531: {  	[tilespmem:$0x1F7B0] =	vst v48  }
0x532: {  	[tilespmem:$0x1F800] =	vst v2;
	v10 =	vmul.f32 v10, v5;
	v48 =	vmul.f32 v2, v2;
	v2 =	vadd.f32 v49, v3;
	v49 =	vld [tilespmem:$0x1F410]  }
0x533: {  	v9 =	vadd.f32 v9, v12  }
0x534: {  	v12 =	vadd.f32 v16, v15;
	v16 =	vld [tilespmem:$0x1F420];
	v10 =	vsub.f32 $1.500000000e+00, v10  }
0x535: {  	v15 =	vadd.f32 v32, v18;
	v63 =	vmul.f32 v29, v29;
	v0 =	vmul.f32 v1, v33  }
0x536: {  	v18 =	vld [tilespmem:$0x1F430];
	v5 =	vmul.f32 v10, v5;
	v4 =	vadd.f32 v4, v17;
	v3 =	vadd.f32 v11, v7  }
0x537: {  	v63 =	vadd.f32 v48, v63;
	v48 =	vld [tilespmem:$0x1F400];
	v14 =	vadd.f32 v28, v14;
	[tilespmem:$0x1F580] =	vst v0;
	v0 =	vmul.f32 v1, v49  }
0x538: {  	v32 =	vld [tilespmem:$0x1F440];
	v34 =	vmul.f32 v1, v34;
	v3 =	vadd.f32 v12, v3;
	v12 =	vperm.xlane v9, v19  }
0x539: {  	v4 =	vadd.f32 v4, v14;
	v14 =	vperm.xlane v15, v19;
	[tilespmem:$0x1F5B0] =	vst v0;
	v0 =	vmul.f32 v1, v16  }
0x53a: {  	v38 =	vadd.f32 v38, v37;
	v9 =	vadd.f32 v9, v12;
	v12 =	vperm.xlane v3, v19;
	v33 =	vld [tilespmem:$0x1F450]  }
0x53b: {  	v14 =	vadd.f32 v15, v14;
	v15 =	vperm.xlane v4, v19;
	[tilespmem:$0x1F5D0] =	vst v0;
	v0 =	vmul.f32 v1, v18  }
0x53c: {  	v48 =	vmul.f32 v1, v48;
	v3 =	vadd.f32 v12, v3;
	v12 =	vperm.xlane v9, v45  }
0x53d: {  	v49 =	vadd.f32 v62, v44;
	v62 =	vperm.xlane v38, v19;
	[tilespmem:$0x1F600] =	vst v0;
	v0 =	vmul.f32 v1, v32  }
0x53e: {  	v4 =	vadd.f32 v15, v4;
	v15 =	vperm.xlane v14, v45;
	v9 =	vadd.f32 v9, v12  }
0x53f: {  	v12 =	vperm.xlane v3, v45;
	[tilespmem:$0x1F620] =	vst v0;
	v0 =	vmul.f32 v1, v33;
	v1 =	vadd.f32 v38, v62  }
0x540: {  	v8 =	vmul.f32 v6, v8;
	v2 =	vadd.f32 v2, v63;
	v63 =	vadd.f32 v14, v15  }
0x541: {  	v3 =	vadd.f32 v12, v3;
	v12 =	vperm.xlane v9, v39;
	v17 =	vperm.xlane v1, v45  }
0x542: {  	v37 =	vmul.f32 v5, v47;
	v15 =	vperm.xlane v4, v45;
	v2 =	vadd.f32 v2, v49;
	v49 =	vld [tilespmem:$0x1F480]  }
0x543: {  	v47 =	vld [tilespmem:$0x1F470];
	v9 =	vadd.f32 v9, v12;
	v12 =	vperm.xlane v63, v39;
	v1 =	vadd.f32 v1, v17  }
0x544: {  	v8 =	vmul.f32 v8, v6;
	v16 =	vperm.xlane v2, v19  }
0x545: {  	v4 =	vadd.f32 v15, v4;
	v12 =	vadd.f32 v63, v12;
	v63 =	vld [tilespmem:$0x1F490];
	v28 =	vperm.xlane v1, v39  }
0x546: {  	[tilespmem:$0x1F690] =	vst v37;
	v37 =	vmul.f32 v5, v21;
	v2 =	vadd.f32 v16, v2;
	v32 =	vmul.f32 v5, v51;
	v38 =	vld [tilespmem:$0x1F460]  }
0x547: {  	v49 =	vmul.f32 v5, v49;
	v1 =	vadd.f32 v1, v28;
	v28 =	vperm.xlane v4, v39  }
0x548: {  	v44 =	vperm.xlane v2, v45;
	v33 =	vmul.f32 v5, v47  }
0x549: {  	v62 =	vperm.xlane v3, v39;
	v18 =	vperm.xlane v12, v58;
	v28 =	vadd.f32 v28, v4  }
0x54a: {  	[tilespmem:$0x1F670] =	vst v34;
	v45 =	vmul.f32 v5, v23;
	v34 =	vmul.f32 v5, v63  }
0x54b: {  	[tilespmem:$0x1F650] =	vst v0;
	v0 =	vmul.f32 v5, v38;
	v5 =	vadd.f32 v12, v18;
	v12 =	vperm.xlane v28, v58  }
0x54c: {  	v8 =	vsub.f32 $1.500000000e+00, v8;
	v3 =	vadd.f32 v62, v3  }
0x54d: {  	v5 =	vmul.f32 $7.812500000e-03, v5;
	v12 =	vadd.f32 v12, v28  }
0x54e: {  	v10 =	vld [tilespmem:$0x1F4E0];
	v6 =	vmul.f32 v8, v6;
	v2 =	vadd.f32 v44, v2;
	[tilespmem:$0x1F6C0] =	vst v45;
	v45 =	vperm.xlane v3, v58  }
0x54f: {  	v7 =	vld [tilespmem:$0x1F4C0];
	v18 =	vmul.f32 v5, v5;
	v12 =	vmul.f32 $7.812500000e-03, v12  }
0x550: {  	v11 =	vld [tilespmem:$0x1F4F0];
	v16 =	vperm.xlane v9, v58;
	v17 =	vperm.xlane v2, v39  }
0x551: {  	v3 =	vadd.f32 v45, v3;
	v12 =	vsub.f32 v12, v18;
	v18 =	vmul.f32 v6, v13;
	v13 =	vld [tilespmem:$0x1F500]  }
0x552: {  	v8 =	vld [tilespmem:$0x1F4D0];
	v51 =	vadd.f32 $9.999999970e-07, v22  }
0x553: {  	v9 =	vadd.f32 v9, v16;
	v2 =	vadd.f32 v17, v2;
	v16 =	vmul.f32 $7.812500000e-03, v3;
	v4 =	vld [tilespmem:$0x1F4B0]  }
0x554: {  	v3 =	vmul.f32 $5.000000000e-01, v51;
	v19 =	vperm.xlane v1, v58;
	v28 =	vshra.s32 v51, $0x1;
	v51 =	vld [tilespmem:$0x1F4A0]  }
0x555: {  	v7 =	vmul.f32 v6, v7;
	v10 =	vmul.f32 v6, v10  }
0x556: {  	v62 =	vperm.xlane v2, v58;
	v1 =	vadd.f32 v1, v19;
	v14 =	vmul.f32 v6, v13;
	v13 =	vld [tilespmem:$0x1F520]  }
0x557: {  	v11 =	vmul.f32 v6, v11;
	v15 =	vsub.f32 v8, v35;
	v8 =	vmul.f32 v6, v55  }
0x558: {  	v44 =	vmul.f32 $7.812500000e-03, v9;
	v63 =	vadd.f32 v62, v2;
	v9 =	vmul.f32 $7.812500000e-03, v1  }
0x559: {  	[tilespmem:$0x1F6A0] =	vst v0;
	v4 =	vmul.f32 v6, v4;
	v0 =	vmul.f32 v6, v51;
	v6 =	vld [tilespmem:$0x1F510]  }
0x55a: {  	v1 =	vmul.f32 $7.812500000e-03, v63;
	v28 =	vsub.s32 $0x5F3759DF, v28  }
0x55b: {  	v19 =	vmul.f32 v28, v3;
	v39 =	vmul.f32 v9, v9;
	v58 =	vsub.f32 v13, v35;
	v13 =	vld [tilespmem:$0x1F530]  }
0x55c: {  	[tilespmem:$0x1F810] =	vst v25;
	v25 =	vsub.f32 v41, v44;
	v17 =	vmul.f32 v44, v44  }
0x55d: {  	v23 =	vsub.f32 v42, v44;
	v1 =	vsub.f32 v1, v39;
	v38 =	vmul.f32 v28, v19  }
0x55e: {  	v2 =	vsub.f32 v16, v17;
	v6 =	vsub.f32 v6, v35  }
0x55f: {  	v38 =	vsub.f32 $1.500000000e+00, v38;
	v1 =	vadd.f32 $9.999999970e-07, v1  }
0x560: {  	[tilespmem:$0x1F7F0] =	vst v29;
	v29 =	vmul.f32 v36, v6;
	v6 =	vadd.f32 $9.999999970e-07, v12;
	v62 =	vsub.f32 v13, v35;
	v13 =	vld [tilespmem:$0x1F540]  }
0x561: {  	v2 =	vadd.f32 $9.999999970e-07, v2;
	v28 =	vmul.f32 v28, v38;
	v55 =	vshra.s32 v1, $0x1  }
0x562: {  	v1 =	vmul.f32 $5.000000000e-01, v1;
	v51 =	vshra.s32 v6, $0x1;
	v47 =	vmul.f32 $5.000000000e-01, v6  }
0x563: {  	v12 =	vshra.s32 v2, $0x1;
	v2 =	vmul.f32 $5.000000000e-01, v2;
	v6 =	vsub.s32 $0x5F3759DF, v51  }
0x564: {  	[tilespmem:$0x1F7A0] =	vst v30;
	v21 =	vld [tilespmem:$0x1F550];
	v30 =	vmul.f32 v36, v58;
	v12 =	vsub.s32 $0x5F3759DF, v12;
	v58 =	vmul.f32 v6, v47  }
0x565: {  	v39 =	vld [tilespmem:$0x1F560];
	v3 =	vmul.f32 v28, v3;
	v63 =	vsub.f32 v13, v35;
	v13 =	vmul.f32 v12, v2  }
0x566: {  	v38 =	vsub.s32 $0x5F3759DF, v55;
	v31 =	vmul.f32 v36, v62;
	v22 =	vmul.f32 v6, v58  }
0x567: {  	v41 =	vsub.f32 v26, v44;
	v62 =	vmul.f32 v38, v1;
	v13 =	vmul.f32 v12, v13  }
0x568: {  	v3 =	vmul.f32 v3, v28;
	v22 =	vsub.f32 $1.500000000e+00, v22;
	v16 =	vmul.f32 v36, v63  }
0x569: {  	v63 =	vsub.f32 v21, v35;
	v21 =	vmul.f32 v38, v62;
	v45 =	vsub.f32 $1.500000000e+00, v13  }
0x56a: {  	v3 =	vsub.f32 $1.500000000e+00, v3;
	v35 =	vsub.f32 v39, v35;
	v55 =	vmul.f32 v6, v22  }
0x56b: {  	v26 =	vld [tilespmem:$0x1F590];
	v6 =	vsub.f32 v46, v44;
	v51 =	vsub.f32 $1.500000000e+00, v21;
	v12 =	vmul.f32 v12, v45  }
0x56c: {  	[tilespmem:$0x1F820] =	vst v27;
	v27 =	vld [tilespmem:$0x1F570];
	v62 =	vsub.f32 v43, v44;
	v13 =	vmul.f32 v36, v35;
	v19 =	vmul.f32 v55, v47  }
0x56d: {  	v43 =	vld [tilespmem:$0x1F580];
	v47 =	vsub.f32 v54, v5;
	v35 =	vmul.f32 v38, v51;
	v2 =	vmul.f32 v12, v2  }
0x56e: {  	v54 =	vsub.f32 v53, v5;
	v53 =	vsub.f32 v61, v5;
	v61 =	vld [tilespmem:$0x1F5E0]  }
0x56f: {  	v46 =	vsub.f32 v59, v44;
	v21 =	vld [tilespmem:$0x1F5F0];
	v1 =	vmul.f32 v35, v1;
	v2 =	vmul.f32 v2, v12  }
0x570: {  	v59 =	vsub.f32 v20, v5;
	v17 =	vmul.f32 v36, v63;
	v45 =	vmul.f32 v48, v26;
	v48 =	vld [tilespmem:$0x1F600]  }
0x571: {  	v22 =	vld [tilespmem:$0x1F5C0];
	v63 =	vsub.f32 v57, v44;
	v1 =	vmul.f32 v1, v35;
	v2 =	vsub.f32 $1.500000000e+00, v2  }
0x572: {  	v20 =	vld [tilespmem:$0x1F620];
	v57 =	vsub.f32 v52, v5;
	v51 =	vsub.f32 v56, v44;
	v38 =	vmul.f32 v19, v55  }
0x573: {  	v19 =	vld [tilespmem:$0x1F610];
	v1 =	vsub.f32 $1.500000000e+00, v1;
	v12 =	vmul.f32 v2, v12;
	v2 =	vmul.f32 v43, v27  }
0x574: {  	v28 =	vmul.f32 v3, v28;
	v44 =	vsub.f32 v24, v5;
	v24 =	vld [tilespmem:$0x1F5A0];
	v3 =	vsub.f32 $1.500000000e+00, v38  }
0x575: {  	v52 =	vmul.f32 v1, v35;
	v35 =	vmul.f32 v48, v21;
	v48 =	vld [tilespmem:$0x1F630];
	v2 =	vadd.f32 v2, v61  }
0x576: {  	v58 =	vsub.f32 v40, v5;
	v39 =	vsub.f32 v60, v5;
	v5 =	vld [tilespmem:$0x1F5D0]  }
0x577: {  	v56 =	vmul.f32 v3, v55;
	v3 =	vld [tilespmem:$0x1F5B0];
	[tilespmem:s2+$0xFFFFFF00] =	vst v2  }
0x578: {  	v15 =	vmul.f32 v36, v15;
	v36 =	vmul.f32 v20, v19;
	v20 =	vld [tilespmem:$0x1F640]  }
0x579: {  	v2 =	vld [tilespmem:$0x1F650]  }
0x57a: {  	v1 =	vadd.f32 v45, v48;
	v40 =	vld [tilespmem:$0x1F660]  }
0x57b: {  	v45 =	vld [tilespmem:$0x1F680]  }
0x57c: {  	v55 =	vld [tilespmem:$0x1F670];
	[tilespmem:s2+$0xFFFFFF10] =	vst v1  }
0x57d: {  	v42 =	vld [tilespmem:$0x1F6B0]  }
0x57e: {  	v3 =	vmul.f32 v3, v24;
	_ =	sdelay $0x1  }
0x57f: {  	v5 =	vmul.f32 v5, v22;
	v3 =	vadd.f32 v3, v45  }
0x580: {  	v1 =	vld [tilespmem:$0x1F690]  }
0x581: {  	v60 =	vld [tilespmem:$0x1F6A0];
	[tilespmem:s2+$0xFFFFFF20] =	vst v3;
	v5 =	vadd.f32 v5, v42  }
0x582: {  	v43 =	vld [tilespmem:$0x1F6D0]  }
0x583: {  	v3 =	vld [tilespmem:$0x1F6C0];
	[tilespmem:s2+$0xFFFFFF30] =	vst v5  }
0x584: {  	v38 =	vmul.f32 v55, v40;
	v55 =	vld [tilespmem:$0x1F6E0];
	_ =	sdelay $0x2  }
0x585: {  	v35 =	vadd.f32 v35, v43;
	_ =	sdelay $0x1  }
0x586: {  	[tilespmem:s2+$0xFFFFFF40] =	vst v35;
	v36 =	vadd.f32 v36, v55  }
0x587: {  	v35 =	vld [tilespmem:$0x1F6F0]  }
0x588: {  	v5 =	vmul.f32 v49, v21;
	[tilespmem:s2+$0xFFFFFF50] =	vst v36  }
0x589: {  	v49 =	vmul.f32 v37, v20;
	v37 =	vmul.f32 v4, v26;
	v4 =	vld [tilespmem:$0x1F710]  }
0x58a: {  	v2 =	vmul.f32 v2, v20;
	_ =	sdelay $0x1  }
0x58b: {  	v2 =	vadd.f32 v2, v35  }
0x58c: {  	v1 =	vmul.f32 v1, v27;
	[tilespmem:$0x1F700] =	vst v37  }
0x58d: {  	[tilespmem:s2+$0xFFFFFF60] =	vst v2;
	v37 =	vadd.f32 v38, v4;
	v38 =	vmul.f32 v7, v24  }
0x58e: {  	v1 =	vadd.f32 v1, v61;
	v61 =	vld [tilespmem:$0x1F730]  }
0x58f: {  	[tilespmem:$0x1F720] =	vst v38;
	v38 =	vmul.f32 v10, v21  }
0x590: {  	v60 =	vmul.f32 v60, v26;
	[tilespmem:s2+$0xFFFFFF70] =	vst v37;
	v37 =	vmul.f32 v8, v22  }
0x591: {  	[tilespmem:$0x1F750] =	vst v38  }
0x592: {  	v48 =	vadd.f32 v60, v48;
	[tilespmem:$0x1F740] =	vst v37  }
0x593: {  	v3 =	vmul.f32 v3, v24;
	v2 =	vsub.f32 v61, v50;
	v61 =	vmul.f32 v18, v20;
	[tilespmem:s2+$0xFFFFFF80] =	vst v1  }
0x594: {  	v33 =	vmul.f32 v33, v22;
	v18 =	vmul.f32 v14, v40;
	[tilespmem:s2+$0xFFFFFF90] =	vst v48  }
0x595: {  	v60 =	vadd.f32 v3, v45;
	[tilespmem:$0x1F760] =	vst v61  }
0x596: {  	v38 =	vadd.f32 v33, v42;
	[tilespmem:$0x1F770] =	vst v18  }
0x597: {  	v42 =	vadd.f32 v5, v43;
	v43 =	vmul.f32 v15, v27;
	[tilespmem:s2+$0xFFFFFFA0] =	vst v60  }
0x598: {  	v34 =	vmul.f32 v34, v19;
	[tilespmem:s2+$0xFFFFFFB0] =	vst v38  }
0x599: {  	v45 =	vadd.f32 v49, v35;
	v49 =	vmul.f32 v29, v26;
	[tilespmem:$0x1F780] =	vst v43  }
0x59a: {  	v3 =	vadd.f32 v34, v55;
	[tilespmem:s2+$0xFFFFFFC0] =	vst v42  }
0x59b: {  	v32 =	vmul.f32 v32, v40;
	[tilespmem:$0x1F790] =	vst v49  }
0x59c: {  	v2 =	vmul.f32 v28, v2;
	v18 =	vld [tilespmem:$0x1F7A0];
	[tilespmem:s2+$0xFFFFFFD0] =	vst v3  }
0x59d: {  	v34 =	vmul.f32 v31, v22;
	v5 =	vmov v4;
	v4 =	vadd.f32 v32, v4;
	v32 =	vld [tilespmem:$0x1F7B0]  }
0x59e: {  	v2 =	vmul.f32 v2, v40;
	v33 =	vld [tilespmem:$0x1F7C0];
	[tilespmem:s2+$0xFFFFFFE0] =	vst v45  }
0x59f: {  	[tilespmem:$0x1F7D0] =	vst v34;
	v35 =	vld [tilespmem:$0x1F7E0]  }
0x5a0: {  	v55 =	vadd.f32 v2, v5;
	v40 =	vld [tilespmem:$0x1F7F0];
	[tilespmem:s2+$0xFFFFFFF0] =	vst v4  }
0x5a1: {  	s12 =	simm.s32 $0xDF00;
	v42 =	vld [tilespmem:$0x1F800]  }
0x5a2: {  	v43 =	vld [tilespmem:$0x1F810];
	[tilespmem:s12+$0xF0] =	vst v55  }
0x5a3: {  	v45 =	vld [tilespmem:$0x1F820]  }
0x5a4: {  	v36 =	vmul.f32 v0, v27;
	v29 =	vmul.f32 v16, v21  }
0x5a5: {  	v61 =	vmul.f32 v13, v20;
	v38 =	vsub.f32 v18, v9;
	v60 =	vsub.f32 v32, v9  }
0x5a6: {  	v55 =	vmul.f32 v17, v19;
	v49 =	vsub.f32 v33, v9;
	v8 =	vsub.f32 v35, v9  }
0x5a7: {  	s31 =	sadd.s32 s20, s11;
	s20 =	sadd.s32 $0x4, s30;
	v37 =	vmul.f32 v11, v19;
	[tilespmem:$0x1F840] =	vst v61;
	v10 =	vsub.f32 v40, v9;
	v7 =	vsub.f32 v42, v9  }
0x5a8: {  	s4 =	sadd.s32 $0x80, s31;
	s16 =	simm.s32 $0x6;
	s17 =	simm.s32 $0x4;
	v48 =	vmul.f32 v30, v24;
	[tilespmem:$0x1F830] =	vst v55;
	v5 =	vsub.f32 v43, v9;
	v4 =	vsub.f32 v45, v9  }
.LBB2_7:
0x5a9: {  	v9 =	vld [tilespmem:$0x1F360];
	_ =	sdelay $0x4  }
0x5aa: {  	v13 =	vsub.f32 v9, v50;
	v9 =	vld [tilespmem:$0x1F370];
	_ =	sdelay $0x4  }
0x5ab: {  	v22 =	vsub.f32 v9, v50;
	v9 =	vld [tilespmem:$0x1F380];
	_ =	sdelay $0x4  }
0x5ac: {  	v21 =	vsub.f32 v9, v50;
	v9 =	vld [tilespmem:$0x1F390];
	_ =	sdelay $0x3  }
0x5ad: {  	v19 =	vld [tilespmem:$0x1F630]  }
0x5ae: {  	v20 =	vsub.f32 v9, v50;
	v9 =	vld [tilespmem:$0x1F700];
	_ =	sdelay $0x4  }
0x5af: {  	v14 =	vadd.f32 v9, v19;
	v9 =	vmul.f32 v56, v44  }
0x5b0: {  	v26 =	vld [tilespmem:$0x1F680]  }
0x5b1: {  	[tilespmem:$0x1F200] =	vst v9;
	v9 =	vld [tilespmem:$0x1F720]  }
0x5b2: {  	v0 =	vld [tilespmem:$0x1F330]  }
0x5b3: {  	v1 =	vld [tilespmem:$0x1F340]  }
0x5b4: {  	v3 =	vld [tilespmem:$0x1F350]  }
0x5b5: {  	v32 =	vld [tilespmem:$0x1F5E0]  }
0x5b6: {  	v61 =	vld [tilespmem:$0x1F6B0];
	v15 =	vadd.f32 v9, v26;
	v9 =	vmul.f32 v56, v58  }
0x5b7: {  	s8 =	sadd.s32 $0x200, s8;
	v24 =	vld [tilespmem:$0x1F6E0]  }
0x5b8: {  	v17 =	vld [tilespmem:s8+$0x80];
	[tilespmem:$0x1F210] =	vst v9;
	v9 =	vmul.f32 v56, v57  }
0x5b9: {  	s1 =	smulhi.u32 $0x51EB851F, s20;
	s16 =	sadd.s32 $0x4, s16;
	v45 =	vld [tilespmem:s8+$0x90]  }
0x5ba: {  	s3 =	sld [smem:s16+$0x1];
	[tilespmem:$0x1F220] =	vst v9;
	v9 =	vld [tilespmem:$0x1F740]  }
0x5bb: {  	v43 =	vld [tilespmem:s8+$0xA0];
	s1 =	sshrl.u32 s1, $0x6  }
0x5bc: {  	v42 =	vld [tilespmem:s8+$0xB0];
	s1 =	smul.u32 $0xC8, s1  }
0x5bd: {  	v30 =	vmul.f32 v12, v62;
	v62 =	vmul.f32 v12, v41;
	v41 =	vld [tilespmem:s8+$0xC0];
	s3 =	smul.u32 $0xC8, s3  }
0x5be: {  	v2 =	vmul.f32 v12, v25;
	v25 =	vld [tilespmem:$0x1F6D0]  }
0x5bf: {  	s1 =	ssub.s32 s13, s1;
	s3 =	sadd.s32 s3, s17;
	v18 =	vadd.f32 v9, v61;
	v9 =	vld [tilespmem:$0x1F750]  }
0x5c0: {  	v55 =	vld [tilespmem:s8+$0xF0];
	s3 =	sadd.s32 s1, s3  }
0x5c1: {  	v27 =	vmul.f32 v12, v51;
	v51 =	vld [tilespmem:$0x1F760];
	v11 =	vadd.f32 v36, v32;
	s3 =	sshll.u32 s3, $0x9  }
0x5c2: {  	s5 =	sld [smem:s16+$0xFFFFFFFE];
	v16 =	vmul.f32 v12, v63;
	v63 =	vld [tilespmem:$0x1F7D0];
	s3 =	sadd.s32 $0x10E00, s3  }
0x5c3: {  	v0 =	vsub.f32 v0, v50;
	v1 =	vsub.f32 v1, v50;
	[tilespmem:s2+$0x0] =	vst v11;
	v11 =	vmul.f32 v56, v54;
	v54 =	vld [tilespmem:s8+$0xE0];
	s3 =	sshra.s32 s3, $0x2  }
0x5c4: {  	v36 =	vmul.f32 v52, v7;
	v7 =	vld [tilespmem:s3+$0x11C20];
	v40 =	vadd.f32 v9, v25;
	v9 =	vmul.f32 v56, v53  }
0x5c5: {  	s5 =	smul.u32 $0xC8, s5;
	v3 =	vsub.f32 v3, v50;
	v50 =	vadd.f32 v37, v24;
	v37 =	vmul.f32 v52, v5;
	v5 =	vld [tilespmem:$0x1F780]  }
0x5c6: {  	v58 =	vld [tilespmem:$0x1F790];
	[tilespmem:$0x1F230] =	vst v9;
	v9 =	vmul.f32 v52, v49  }
0x5c7: {  	s5 =	sadd.s32 s5, s17;
	[tilespmem:s2+$0x30] =	vst v18;
	v18 =	vmul.f32 v52, v10;
	v10 =	vld [tilespmem:$0x1F710]  }
0x5c8: {  	s5 =	sadd.s32 s1, s5;
	[tilespmem:$0x1F240] =	vst v9;
	v9 =	vld [tilespmem:$0x1F6F0]  }
0x5c9: {  	s5 =	sshll.u32 s5, $0x9;
	[tilespmem:s2+$0x40] =	vst v40;
	v40 =	vmul.f32 v52, v8;
	v8 =	vld [tilespmem:$0x1F770]  }
0x5ca: {  	v6 =	vmul.f32 v12, v6;
	v23 =	vmul.f32 v12, v23;
	s5 =	sadd.s32 $0x10800, s5;
	v44 =	vld [tilespmem:$0x1F830]  }
0x5cb: {  	v33 =	vmul.f32 v12, v46;
	s29 =	sshra.s32 s5, $0x2;
	[tilespmem:s2+$0x10] =	vst v14;
	v14 =	vmul.f32 v56, v39;
	v57 =	vld [tilespmem:s8+$0xD0]  }
0x5cc: {  	v39 =	vmul.f32 v52, v38;
	v38 =	vmul.f32 v28, v0;
	v0 =	vadd.f32 v58, v19;
	v58 =	vld [tilespmem:s29+$0x11C10]  }
0x5cd: {  	v12 =	vmul.f32 v56, v47;
	v59 =	vmul.f32 v56, v59;
	[tilespmem:s2+$0x50] =	vst v50;
	v56 =	vld [tilespmem:s3+$0x11C00];
	v53 =	vadd.f32 v51, v9  }
0x5ce: {  	v5 =	vadd.f32 v5, v32;
	[tilespmem:s2+$0x20] =	vst v15;
	v8 =	vadd.f32 v8, v10;
	v10 =	vld [tilespmem:s3+$0x11C10]  }
0x5cf: {  	[tilespmem:s2+$0x60] =	vst v53;
	v53 =	vmul.f32 v52, v4;
	v4 =	vld [tilespmem:s3+$0x11C30]  }
0x5d0: {  	v15 =	vmul.f32 v52, v60;
	[tilespmem:s2+$0x80] =	vst v5;
	v52 =	vmul.f32 v28, v21;
	v21 =	vld [tilespmem:s29+$0x11C00]  }
0x5d1: {  	v60 =	vadd.f32 v48, v26;
	v49 =	vmul.f32 v28, v3;
	[tilespmem:s2+$0x70] =	vst v8;
	v3 =	vld [tilespmem:s3+$0x11C40]  }
0x5d2: {  	s15 =	sld [smem:s16+$0xFFFFFFFF];
	[tilespmem:s2+$0x90] =	vst v0;
	v0 =	vadd.f32 v63, v61;
	v63 =	vld [tilespmem:$0x1F570]  }
0x5d3: {  	v5 =	vld [tilespmem:s3+$0x11C50];
	[tilespmem:s2+$0xA0] =	vst v60  }
0x5d4: {  	v35 =	vmul.f32 v28, v1;
	v50 =	vmul.f32 v28, v13;
	v8 =	vld [tilespmem:s3+$0x11C60];
	[tilespmem:s2+$0xB0] =	vst v0  }
0x5d5: {  	s15 =	smul.u32 $0xC8, s15;
	v48 =	vmul.f32 v28, v20;
	v51 =	vmul.f32 v28, v22;
	v28 =	vld [tilespmem:s3+$0x11C70]  }
0x5d6: {  	v47 =	vld [tilespmem:$0x1F840]  }
0x5d7: {  	s15 =	sadd.s32 s15, s17;
	v13 =	vld [tilespmem:$0x1F5C0]  }
0x5d8: {  	s15 =	sadd.s32 s1, s15;
	v20 =	vld [tilespmem:$0x1F5A0]  }
0x5d9: {  	s15 =	sshll.u32 s15, $0x9;
	v0 =	vadd.f32 v44, v24;
	[tilespmem:$0x1F250] =	vst v21;
	v21 =	vld [tilespmem:$0x1F5F0];
	v60 =	vadd.f32 v3, v41  }
0x5da: {  	s25 =	sadd.s32 $0x10A00, s15;
	[tilespmem:$0x1F260] =	vst v58;
	v44 =	vld [tilespmem:$0x1F660];
	v3 =	vmul.f32 v12, v63;
	v12 =	vadd.f32 v8, v54;
	v58 =	vadd.f32 v28, v55  }
0x5db: {  	v46 =	vld [tilespmem:$0x1F590];
	s31 =	sshra.s32 s25, $0x2;
	v56 =	vadd.f32 v56, v17  }
0x5dc: {  	v34 =	vadd.f32 v29, v25;
	[tilespmem:$0x1F390] =	vst v12;
	v17 =	vmul.f32 v12, v12;
	v54 =	vadd.f32 v58, v12;
	v12 =	vld [tilespmem:s31+$0x11C10]  }
0x5dd: {  	v29 =	vmul.f32 v23, v20;
	v23 =	vld [tilespmem:$0x1F640];
	[tilespmem:$0x1F330] =	vst v56;
	v1 =	vadd.f32 v47, v9;
	v45 =	vadd.f32 v10, v45  }
0x5de: {  	v31 =	vmul.f32 v30, v13;
	v22 =	vld [tilespmem:$0x1F610];
	[tilespmem:s2+$0xC0] =	vst v34;
	v30 =	vmul.f32 v16, v21;
	v16 =	vadd.f32 v5, v57  }
0x5df: {  	[tilespmem:s2+$0xE0] =	vst v1;
	v6 =	vmul.f32 v6, v63;
	v1 =	vmul.f32 v33, v44;
	v8 =	vadd.f32 v45, v56  }
0x5e0: {  	v33 =	vmul.f32 v56, v56;
	[tilespmem:$0x1F370] =	vst v60;
	v56 =	vmul.f32 v60, v60;
	v41 =	vadd.f32 v16, v60;
	v60 =	vld [tilespmem:s31+$0x11C00]  }
0x5e1: {  	v6 =	vadd.f32 v6, v32;
	[tilespmem:$0x1F280] =	vst v12;
	v12 =	vld [tilespmem:s31+$0x11C30]  }
0x5e2: {  	v2 =	vmul.f32 v2, v46;
	v7 =	vadd.f32 v7, v43;
	[tilespmem:s2+$0xD0] =	vst v0  }
0x5e3: {  	v34 =	vmul.f32 v27, v22;
	v0 =	vmul.f32 v62, v23;
	v62 =	vld [tilespmem:s29+$0x11C20];
	v27 =	vadd.f32 v4, v42;
	[tilespmem:s12+$0xFFFFFF00] =	vst v6  }
0x5e4: {  	v2 =	vadd.f32 v2, v19;
	[tilespmem:$0x1F340] =	vst v45;
	v47 =	vld [tilespmem:s29+$0x11C30]  }
0x5e5: {  	v43 =	vmul.f32 v7, v7;
	v4 =	vmul.f32 v59, v46;
	v10 =	vadd.f32 v27, v7;
	[tilespmem:$0x1F270] =	vst v60;
	v60 =	vld [tilespmem:$0x1F200]  }
0x5e6: {  	v42 =	vmul.f32 v45, v45;
	v55 =	vmul.f32 v27, v27;
	v45 =	vmov v58;
	[tilespmem:$0x1F290] =	vst v12;
	v12 =	vld [tilespmem:$0x1F220]  }
0x5e7: {  	v59 =	vadd.f32 v10, v8;
	v5 =	vld [tilespmem:s29+$0x11C40];
	v57 =	vmul.f32 v16, v16;
	v10 =	vmul.f32 v45, v45  }
0x5e8: {  	[tilespmem:$0x1F350] =	vst v7;
	v33 =	vadd.f32 v42, v33;
	v28 =	vld [tilespmem:s29+$0x11C50];
	v45 =	vadd.f32 v55, v43  }
0x5e9: {  	v6 =	vld [tilespmem:s29+$0x11C60];
	[tilespmem:$0x1F380] =	vst v16;
	v16 =	vadd.f32 v57, v56;
	v17 =	vadd.f32 v10, v17  }
0x5ea: {  	v7 =	vld [tilespmem:s29+$0x11C70];
	[tilespmem:s12+$0xFFFFFF10] =	vst v2;
	v2 =	vmul.f32 v60, v20;
	v60 =	vmul.f32 v11, v22  }
0x5eb: {  	v11 =	vadd.f32 v45, v33;
	v57 =	vmul.f32 v12, v21;
	v12 =	vadd.f32 v17, v16;
	_ =	sdelay $0x1  }
0x5ec: {  	v16 =	vadd.f32 v12, v11;
	v12 =	vld [tilespmem:$0x1F240];
	_ =	sdelay $0x4  }
0x5ed: {  	[tilespmem:$0x1F360] =	vst v27;
	v12 =	vmul.f32 v12, v20  }
0x5ee: {  	v34 =	vadd.f32 v34, v24;
	[tilespmem:$0x1F2A0] =	vst v58  }
0x5ef: {  	[tilespmem:$0x1F720] =	vst v12;
	v12 =	vmul.f32 v40, v13  }
0x5f0: {  	[tilespmem:s12+$0xFFFFFF50] =	vst v34;
	v43 =	vmul.f32 v39, v63  }
0x5f1: {  	[tilespmem:$0x1F740] =	vst v12;
	v12 =	vmul.f32 v18, v21  }
0x5f2: {  	v41 =	vadd.f32 v54, v41;
	v54 =	vmul.f32 v14, v23;
	v14 =	vadd.f32 v29, v26;
	[tilespmem:$0x1F2C0] =	vst v43;
	v33 =	vld [tilespmem:$0x1FFC0]  }
0x5f3: {  	v27 =	vld [tilespmem:$0x1FFD0];
	[tilespmem:$0x1F750] =	vst v12;
	v12 =	vmul.f32 v36, v22  }
0x5f4: {  	v42 =	vld [tilespmem:$0x1F230];
	v43 =	vadd.f32 v3, v32;
	v3 =	vmul.f32 v48, v23;
	[tilespmem:s12+$0xFFFFFF20] =	vst v14  }
0x5f5: {  	v10 =	vld [tilespmem:$0x1F210];
	v56 =	vadd.f32 v41, v59;
	[tilespmem:$0x1F2D0] =	vst v12;
	v12 =	vmul.f32 v37, v23  }
0x5f6: {  	v8 =	vld [tilespmem:s31+$0x11C20];
	v14 =	vadd.f32 v31, v61;
	[tilespmem:$0x1F840] =	vst v3  }
0x5f7: {  	v58 =	vld [tilespmem:s31+$0x11C50];
	v45 =	vperm.xlane v56, v33;
	[tilespmem:$0x1F760] =	vst v12;
	v12 =	vmul.f32 v53, v44  }
0x5f8: {  	s18 =	sld [smem:s16+$0x0];
	v19 =	vadd.f32 v4, v19;
	v59 =	vld [tilespmem:s31+$0x11C60];
	[tilespmem:s12+$0xFFFFFF30] =	vst v14;
	v11 =	vmul.f32 v15, v46;
	v15 =	vperm.xlane v16, v33  }
0x5f9: {  	v41 =	vmul.f32 v42, v44;
	v42 =	vld [tilespmem:s31+$0x11C70];
	v17 =	vadd.f32 v56, v45;
	[tilespmem:$0x1F770] =	vst v12;
	v12 =	vmul.f32 v38, v63  }
0x5fa: {  	v55 =	vmul.f32 v10, v13;
	v10 =	vld [tilespmem:s31+$0x11C40];
	[tilespmem:s12+$0xFFFFFF80] =	vst v43;
	v56 =	vadd.f32 v30, v25;
	v30 =	vadd.f32 v15, v16  }
0x5fb: {  	s18 =	smul.u32 $0xC8, s18;
	v45 =	vld [tilespmem:$0x1FFE0];
	[tilespmem:$0x1F780] =	vst v12;
	v12 =	vmul.f32 v35, v46  }
0x5fc: {  	[tilespmem:s12+$0xFFFFFF90] =	vst v19;
	v32 =	vadd.f32 v2, v26;
	v31 =	vperm.xlane v30, v27  }
0x5fd: {  	s18 =	sadd.s32 s18, s17;
	v29 =	vperm.xlane v17, v27;
	[tilespmem:$0x1F790] =	vst v12;
	v12 =	vmul.f32 v49, v20  }
0x5fe: {  	s1 =	sadd.s32 s1, s18;
	[tilespmem:s12+$0xFFFFFFA0] =	vst v32;
	v37 =	vadd.f32 v31, v30  }
0x5ff: {  	s1 =	sshll.u32 s1, $0x9;
	v35 =	vadd.f32 v17, v29;
	[tilespmem:$0x1F2B0] =	vst v12;
	v12 =	vmul.f32 v50, v13  }
0x600: {  	s1 =	sadd.s32 $0x10C00, s1;
	v4 =	vld [tilespmem:$0x1F250];
	[tilespmem:s12+$0xFFFFFF40] =	vst v56;
	v63 =	vperm.xlane v37, v45;
	v46 =	vadd.f32 v55, v61  }
0x601: {  	s30 =	sshra.s32 s1, $0x2;
	v36 =	vperm.xlane v35, v45;
	v20 =	vld [tilespmem:$0x1F710];
	[tilespmem:$0x1F7D0] =	vst v12;
	v12 =	vmul.f32 v51, v21  }
0x602: {  	v0 =	vadd.f32 v0, v9;
	v39 =	vld [tilespmem:s30+$0x11C20];
	[tilespmem:s12+$0xFFFFFFB0] =	vst v46  }
0x603: {  	v49 =	vadd.f32 v35, v36;
	v35 =	vadd.f32 v63, v37;
	v63 =	vld [tilespmem:$0x1F260];
	[tilespmem:$0x1F2E0] =	vst v12;
	v12 =	vmul.f32 v52, v22  }
0x604: {  	v36 =	vadd.f32 v57, v25;
	v51 =	vld [tilespmem:s8+$0xFFFFFF00];
	[tilespmem:s12+$0xFFFFFF60] =	vst v0  }
0x605: {  	[tilespmem:$0x1F830] =	vst v12;
	v12 =	vld [tilespmem:$0x1FFF0]  }
0x606: {  	[tilespmem:s12+$0xFFFFFFC0] =	vst v36;
	v38 =	vadd.f32 v1, v20;
	v3 =	vld [tilespmem:s8+$0xFFFFFF10]  }
0x607: {  	v36 =	vld [tilespmem:s8+$0xFFFFFF80]  }
0x608: {  	v52 =	vld [tilespmem:s8+$0xFFFFFF20];
	[tilespmem:s12+$0xFFFFFF70] =	vst v38  }
0x609: {  	v53 =	vld [tilespmem:s8+$0xFFFFFF30]  }
0x60a: {  	v37 =	vld [tilespmem:s8+$0xFFFFFF40];
	v34 =	vperm.xlane v49, v12  }
0x60b: {  	v38 =	vadd.f32 v60, v24;
	v13 =	vld [tilespmem:s8+$0xFFFFFF50]  }
0x60c: {  	v43 =	vadd.f32 v54, v9;
	v32 =	vld [tilespmem:s8+$0xFFFFFF60];
	v61 =	vperm.xlane v35, v12;
	v49 =	vadd.f32 v49, v34  }
0x60d: {  	v4 =	vadd.f32 v4, v51;
	[tilespmem:s12+$0xFFFFFFD0] =	vst v38;
	v9 =	vadd.f32 v63, v3;
	v3 =	vld [tilespmem:s8+$0xFFFFFF70]  }
0x60e: {  	v19 =	vld [tilespmem:s8+$0xFFFFFF90];
	[tilespmem:s12+$0xFFFFFFE0] =	vst v43;
	v23 =	vadd.f32 v62, v52;
	v35 =	vadd.f32 v61, v35;
	v50 =	vmul.f32 $7.812500000e-03, v49  }
0x60f: {  	v14 =	vld [tilespmem:s30+$0x11C30];
	[tilespmem:$0x1F2F0] =	vst v4;
	v1 =	vadd.f32 v9, v4;
	v22 =	vmul.f32 v9, v9;
	v34 =	vadd.f32 v41, v20  }
0x610: {  	[tilespmem:$0x1F300] =	vst v9;
	v9 =	vld [tilespmem:$0x1F290];
	v51 =	vadd.f32 v5, v37;
	v37 =	vmul.f32 $7.812500000e-03, v35;
	v38 =	vmul.f32 v50, v50  }
0x611: {  	v54 =	vadd.f32 v47, v53;
	v20 =	vmul.f32 v4, v4;
	v4 =	vadd.f32 v28, v13;
	v13 =	vld [tilespmem:s8+$0xFFFFFFA0];
	[tilespmem:s12+$0xFFFFFFF0] =	vst v34  }
0x612: {  	v46 =	vadd.f32 v6, v32;
	v2 =	vld [tilespmem:s8+$0xFFFFFFB0];
	v6 =	vsub.f32 v37, v38  }
0x613: {  	v0 =	vmul.f32 v23, v23;
	v21 =	vadd.f32 v54, v23;
	v47 =	vadd.f32 v7, v3;
	v7 =	vld [tilespmem:s8+$0xFFFFFFC0]  }
0x614: {  	[tilespmem:$0x1F310] =	vst v23;
	v5 =	vld [tilespmem:$0x1F270];
	v23 =	vmul.f32 v54, v54;
	v24 =	vmul.f32 v51, v51;
	v6 =	vadd.f32 $9.999999970e-07, v6  }
0x615: {  	[tilespmem:$0x1F700] =	vst v11;
	v11 =	vld [tilespmem:s30+$0x11C00];
	v3 =	vadd.f32 v4, v51;
	v25 =	vadd.f32 v47, v46;
	v26 =	vmul.f32 v4, v4  }
0x616: {  	v28 =	vld [tilespmem:s8+$0x30];
	v52 =	vadd.f32 v8, v13;
	v13 =	vshra.s32 v6, $0x1;
	v6 =	vmul.f32 $5.000000000e-01, v6  }
0x617: {  	v41 =	vld [tilespmem:s8+$0x0];
	v1 =	vadd.f32 v21, v1;
	v53 =	vadd.f32 v9, v2;
	v9 =	vsub.s32 $0x5F3759DF, v13  }
0x618: {  	[tilespmem:$0x1F320] =	vst v4;
	v4 =	vld [tilespmem:$0x1F280];
	v20 =	vadd.f32 v22, v20;
	v57 =	vadd.f32 v10, v7;
	v10 =	vmul.f32 v9, v6  }
0x619: {  	v0 =	vadd.f32 v23, v0;
	v49 =	vadd.f32 v5, v36;
	v5 =	vld [tilespmem:s8+$0xFFFFFFD0]  }
0x61a: {  	v15 =	vld [tilespmem:s30+$0x11C40];
	v3 =	vadd.f32 v25, v3;
	v22 =	vadd.f32 v26, v24;
	v10 =	vmul.f32 v9, v10  }
0x61b: {  	v40 =	vld [tilespmem:s30+$0x11C10];
	v29 =	vmul.f32 v47, v47;
	v0 =	vadd.f32 v0, v20;
	v55 =	vadd.f32 v14, v28  }
0x61c: {  	v17 =	vld [tilespmem:s30+$0x11C60];
	v30 =	vmul.f32 v49, v49;
	v1 =	vadd.f32 v3, v1;
	v10 =	vsub.f32 $1.500000000e+00, v10  }
0x61d: {  	v56 =	vadd.f32 v4, v19;
	v4 =	vld [tilespmem:s8+$0xFFFFFFE0];
	v19 =	vmul.f32 v46, v46;
	v48 =	vmul.f32 v52, v52  }
0x61e: {  	v8 =	vld [tilespmem:s8+$0xFFFFFFF0];
	v60 =	vadd.f32 v58, v5;
	v5 =	vadd.f32 v11, v41;
	v63 =	vmul.f32 v9, v10  }
0x61f: {  	v7 =	vld [tilespmem:s8+$0x10];
	v58 =	vadd.f32 v56, v49;
	v31 =	vmul.f32 v56, v56;
	v19 =	vadd.f32 v29, v19  }
0x620: {  	v11 =	vld [tilespmem:s8+$0x60];
	v62 =	vadd.f32 v60, v57;
	v35 =	vmul.f32 v53, v53;
	v6 =	vmul.f32 v63, v6  }
0x621: {  	v16 =	vld [tilespmem:s30+$0x11C50];
	v36 =	vmul.f32 v57, v57;
	v37 =	vmul.f32 v60, v60;
	v25 =	vadd.f32 v31, v30  }
0x622: {  	v13 =	vld [tilespmem:s8+$0x20];
	v61 =	vadd.f32 v59, v4;
	v59 =	vadd.f32 v53, v52;
	v6 =	vmul.f32 v6, v63  }
0x623: {  	v18 =	vld [tilespmem:s30+$0x11C70];
	v4 =	vadd.f32 v42, v8;
	v26 =	vadd.f32 v35, v48  }
0x624: {  	v42 =	vld [tilespmem:s8+$0x40];
	v29 =	vadd.f32 v37, v36;
	v6 =	vsub.f32 $1.500000000e+00, v6  }
0x625: {  	v43 =	vld [tilespmem:s8+$0x50];
	v7 =	vadd.f32 v40, v7;
	v11 =	vadd.f32 v17, v11  }
0x626: {  	v34 =	vadd.f32 v4, v61;
	v38 =	vmul.f32 v61, v61;
	v28 =	vmul.f32 v6, v63;
	v6 =	vld [tilespmem:$0x1F2A0]  }
0x627: {  	v14 =	vmul.f32 v4, v4;
	v23 =	vadd.f32 v59, v58;
	v8 =	vadd.f32 v39, v13;
	v13 =	vld [tilespmem:s8+$0x70]  }
0x628: {  	v2 =	vadd.f32 v7, v5;
	v24 =	vadd.f32 v34, v62  }
0x629: {  	v39 =	vmul.f32 v55, v55;
	v14 =	vadd.f32 v14, v38;
	v10 =	vadd.f32 v15, v42  }
0x62a: {  	v34 =	vperm.xlane v1, v33;
	v9 =	vadd.f32 v16, v43;
	v16 =	vadd.f32 v55, v8  }
0x62b: {  	v15 =	vmul.f32 v5, v5;
	v20 =	vadd.f32 v24, v23;
	v6 =	vsub.f32 v6, v50  }
0x62c: {  	v30 =	vld [tilespmem:$0x1F710];
	v43 =	vmul.f32 v11, v11;
	v14 =	vadd.f32 v14, v29;
	v13 =	vadd.f32 v18, v13  }
0x62d: {  	v1 =	vadd.f32 v1, v34;
	v17 =	vadd.f32 v9, v10;
	v6 =	vmul.f32 v28, v6  }
0x62e: {  	v41 =	vmul.f32 v10, v10;
	v18 =	vmul.f32 v7, v7;
	v40 =	vadd.f32 v13, v11  }
0x62f: {  	v2 =	vadd.f32 v16, v2;
	v21 =	vmul.f32 v13, v13;
	v6 =	vmul.f32 v6, v44  }
0x630: {  	v42 =	vmul.f32 v9, v9;
	v15 =	vadd.f32 v18, v15;
	v62 =	vadd.f32 v40, v17  }
0x631: {  	v32 =	vmul.f32 v8, v8;
	v3 =	vadd.f32 v21, v43;
	v6 =	vadd.f32 v6, v30  }
0x632: {  	s2 =	smov.u32 s12;
	s12 =	sadd.s32 $0x200, s12;
	v21 =	vadd.f32 v26, v25;
	v63 =	vadd.f32 v42, v41  }
0x633: {  	[tilespmem:s12+$0xF0] =	vst v6;
	v6 =	vadd.f32 v39, v32;
	v32 =	vadd.f32 v19, v22  }
0x634: {  	v2 =	vadd.f32 v62, v2;
	v3 =	vadd.f32 v3, v63  }
0x635: {  	v39 =	vperm.xlane v1, v27;
	v6 =	vadd.f32 v6, v15;
	v0 =	vadd.f32 v32, v0  }
0x636: {  	v35 =	vperm.xlane v20, v33;
	v14 =	vadd.f32 v14, v21;
	v15 =	vperm.xlane v2, v33  }
0x637: {  	v1 =	vadd.f32 v1, v39;
	v3 =	vadd.f32 v3, v6;
	v6 =	vperm.xlane v0, v33  }
0x638: {  	v16 =	vadd.f32 v20, v35;
	v38 =	vperm.xlane v14, v33;
	v2 =	vadd.f32 v2, v15  }
0x639: {  	v18 =	vperm.xlane v1, v45;
	v15 =	vperm.xlane v3, v33;
	v0 =	vadd.f32 v6, v0  }
0x63a: {  	v14 =	vadd.f32 v38, v14;
	v6 =	vperm.xlane v16, v27;
	v40 =	vperm.xlane v2, v27  }
0x63b: {  	v1 =	vadd.f32 v1, v18;
	v3 =	vadd.f32 v15, v3;
	v15 =	vperm.xlane v0, v27  }
0x63c: {  	v41 =	vperm.xlane v14, v27;
	v6 =	vadd.f32 v16, v6;
	v2 =	vadd.f32 v2, v40  }
0x63d: {  	v18 =	vperm.xlane v1, v12;
	v42 =	vperm.xlane v3, v27;
	v0 =	vadd.f32 v15, v0  }
0x63e: {  	v14 =	vadd.f32 v41, v14;
	v15 =	vperm.xlane v6, v45;
	v43 =	vperm.xlane v2, v45  }
0x63f: {  	v1 =	vadd.f32 v1, v18;
	v3 =	vadd.f32 v42, v3;
	v44 =	vperm.xlane v0, v45  }
0x640: {  	v6 =	vadd.f32 v6, v15;
	v15 =	vperm.xlane v14, v45;
	v2 =	vadd.f32 v2, v43  }
0x641: {  	v1 =	vmul.f32 $7.812500000e-03, v1;
	v58 =	vperm.xlane v3, v45;
	v0 =	vadd.f32 v44, v0  }
0x642: {  	v59 =	vperm.xlane v6, v12;
	v14 =	vadd.f32 v15, v14;
	v15 =	vperm.xlane v2, v12  }
0x643: {  	v32 =	vmul.f32 v1, v1;
	v3 =	vadd.f32 v58, v3;
	v62 =	vperm.xlane v0, v12  }
0x644: {  	v41 =	vsub.f32 v46, v1;
	v6 =	vadd.f32 v6, v59;
	v63 =	vperm.xlane v14, v12  }
0x645: {  	v2 =	vadd.f32 v2, v15;
	v15 =	vperm.xlane v3, v12;
	v0 =	vadd.f32 v62, v0;
	v12 =	vld [tilespmem:$0x1F300]  }
0x646: {  	v46 =	vsub.f32 v47, v1;
	v16 =	vmul.f32 $7.812500000e-03, v6;
	v14 =	vadd.f32 v63, v14  }
0x647: {  	v2 =	vmul.f32 $7.812500000e-03, v2;
	v3 =	vadd.f32 v15, v3;
	v0 =	vmul.f32 $7.812500000e-03, v0  }
0x648: {  	v62 =	vsub.f32 v54, v1;
	v14 =	vmul.f32 $7.812500000e-03, v14;
	v15 =	vmul.f32 v16, v16  }
0x649: {  	v33 =	vmul.f32 v2, v2;
	v3 =	vmul.f32 $7.812500000e-03, v3;
	v0 =	vsub.f32 v0, v32  }
0x64a: {  	v14 =	vsub.f32 v14, v15;
	v25 =	vsub.f32 v12, v1;
	v12 =	vld [tilespmem:$0x1F310]  }
0x64b: {  	v0 =	vadd.f32 $9.999999970e-07, v0;
	v3 =	vsub.f32 v3, v33  }
0x64c: {  	v63 =	vsub.f32 v51, v1;
	v14 =	vadd.f32 $9.999999970e-07, v14  }
0x64d: {  	v15 =	vshra.s32 v0, $0x1;
	v0 =	vmul.f32 $5.000000000e-01, v0;
	v3 =	vadd.f32 $9.999999970e-07, v3  }
0x64e: {  	v6 =	vld [tilespmem:$0x1F2F0];
	v34 =	vshra.s32 v14, $0x1;
	v14 =	vmul.f32 $5.000000000e-01, v14;
	v15 =	vsub.s32 $0x5F3759DF, v15  }
0x64f: {  	v23 =	vsub.f32 v12, v1;
	v35 =	vshra.s32 v3, $0x1;
	v3 =	vmul.f32 $5.000000000e-01, v3;
	v12 =	vld [tilespmem:$0x1F320]  }
0x650: {  	v17 =	vsub.s32 $0x5F3759DF, v34;
	v38 =	vmul.f32 v15, v0;
	v18 =	vsub.s32 $0x5F3759DF, v35  }
0x651: {  	v47 =	vsub.f32 v49, v16;
	v20 =	vmul.f32 v17, v14;
	v21 =	vmul.f32 v18, v3  }
0x652: {  	v59 =	vsub.f32 v56, v16;
	v44 =	vsub.f32 v52, v16;
	v19 =	vmul.f32 v15, v38  }
0x653: {  	v6 =	vsub.f32 v6, v1;
	v43 =	vmul.f32 v17, v20;
	v20 =	vmul.f32 v18, v21  }
0x654: {  	v19 =	vsub.f32 $1.500000000e+00, v19;
	v51 =	vsub.f32 v12, v1  }
0x655: {  	v1 =	vsub.f32 $1.500000000e+00, v43;
	v20 =	vsub.f32 $1.500000000e+00, v20  }
0x656: {  	v58 =	vsub.f32 v53, v16;
	v57 =	vsub.f32 v57, v16;
	v15 =	vmul.f32 v15, v19  }
0x657: {  	v54 =	vsub.f32 v60, v16;
	v1 =	vmul.f32 v17, v1;
	v45 =	vmul.f32 v18, v20  }
0x658: {  	v39 =	vsub.f32 v61, v16;
	v53 =	vsub.f32 v4, v16;
	v0 =	vmul.f32 v15, v0  }
0x659: {  	s17 =	sadd.s32 $0x4, s17;
	v60 =	vsub.f32 v7, v2;
	v14 =	vmul.f32 v1, v14;
	v3 =	vmul.f32 v45, v3  }
0x65a: {  	p0 =	slt.u32 s17, $0x7C;
	v49 =	vsub.f32 v8, v2;
	v8 =	vsub.f32 v55, v2;
	v0 =	vmul.f32 v0, v15  }
.Ltmp4:
0x65b: {  	v10 =	vsub.f32 v10, v2;
	v4 =	vmul.f32 v14, v1;
	v3 =	vmul.f32 v3, v45;
	(pc) =	sbr.rel @p0 .LBB2_7-.Ltmp4, $4  }
0x65c: {  	v48 =	vld [tilespmem:$0x1F2B0];
	v7 =	vsub.f32 v9, v2;
	v0 =	vsub.f32 $1.500000000e+00, v0  }
0x65d: {  	v36 =	vld [tilespmem:$0x1F2C0];
	v4 =	vsub.f32 $1.500000000e+00, v4;
	v3 =	vsub.f32 $1.500000000e+00, v3  }
0x65e: {  	v37 =	vld [tilespmem:$0x1F2D0];
	v38 =	vsub.f32 v5, v2;
	v5 =	vsub.f32 v11, v2;
	v12 =	vmul.f32 v0, v15  }
0x65f: {  	s20 =	sadd.s32 $0x4, s20;
	v29 =	vld [tilespmem:$0x1F2E0];
	v56 =	vmul.f32 v4, v1;
	v4 =	vsub.f32 v13, v2;
	v52 =	vmul.f32 v3, v45  }
0x660: {  	v32 =	vld [tilespmem:$0x1F5E0];
	_ =	sdelay $0x2  }
0x661: {  	v22 =	vld [tilespmem:$0x1FFF0]  }
0x662: {  	v1 =	vld [tilespmem:$0x1F700]  }
0x663: {  	v0 =	vadd.f32 v36, v32;
	v36 =	vld [tilespmem:$0x1F630]  }
0x664: {  	v21 =	vld [tilespmem:$0x1FFE0]  }
0x665: {  	v20 =	vld [tilespmem:$0x1FFD0]  }
0x666: {  	v19 =	vld [tilespmem:$0x1FFC0];
	[tilespmem:s2+$0x0] =	vst v0  }
0x667: {  	v31 =	vld [tilespmem:$0x1F680]  }
0x668: {  	v0 =	vld [tilespmem:$0x1F720];
	v1 =	vadd.f32 v1, v36;
	_ =	sdelay $0x1  }
0x669: {  	[tilespmem:s2+$0x10] =	vst v1  }
0x66a: {  	v33 =	vld [tilespmem:$0x1F6B0]  }
0x66b: {  	v1 =	vld [tilespmem:$0x1F740]  }
0x66c: {  	v0 =	vadd.f32 v0, v31;
	_ =	sdelay $0x1  }
0x66d: {  	[tilespmem:s2+$0x20] =	vst v0  }
0x66e: {  	v34 =	vld [tilespmem:$0x1F6D0]  }
0x66f: {  	v0 =	vld [tilespmem:$0x1F750];
	v1 =	vadd.f32 v1, v33;
	_ =	sdelay $0x1  }
0x670: {  	[tilespmem:s2+$0x30] =	vst v1  }
0x671: {  	v35 =	vld [tilespmem:$0x1F6E0];
	_ =	sdelay $0x1  }
0x672: {  	v0 =	vadd.f32 v0, v34;
	_ =	sdelay $0x1  }
0x673: {  	[tilespmem:s2+$0x40] =	vst v0  }
0x674: {  	v0 =	vld [tilespmem:$0x1F330];
	v45 =	vadd.f32 v37, v35  }
0x675: {  	v2 =	vld [tilespmem:$0x1F760]  }
0x676: {  	v37 =	vld [tilespmem:$0x1F6F0];
	[tilespmem:s2+$0x50] =	vst v45  }
0x677: {  	v42 =	vld [tilespmem:$0x1F710]  }
0x678: {  	v3 =	vld [tilespmem:$0x1F770];
	_ =	sdelay $0x2  }
0x679: {  	v2 =	vadd.f32 v2, v37;
	_ =	sdelay $0x1  }
0x67a: {  	v1 =	vld [tilespmem:$0x1F340];
	[tilespmem:s2+$0x60] =	vst v2;
	v3 =	vadd.f32 v3, v42  }
0x67b: {  	v2 =	vld [tilespmem:$0x1F350]  }
0x67c: {  	v9 =	vld [tilespmem:$0x1F780];
	[tilespmem:s2+$0x70] =	vst v3  }
0x67d: {  	v11 =	vld [tilespmem:$0x1F790];
	_ =	sdelay $0x3  }
0x67e: {  	v9 =	vadd.f32 v9, v32  }
0x67f: {  	v11 =	vadd.f32 v11, v36  }
0x680: {  	v3 =	vld [tilespmem:$0x1F360];
	[tilespmem:s2+$0x80] =	vst v9  }
0x681: {  	v9 =	vld [tilespmem:$0x1F370];
	[tilespmem:s2+$0x90] =	vst v11  }
0x682: {  	v14 =	vld [tilespmem:$0x1F7D0];
	_ =	sdelay $0x3  }
0x683: {  	v13 =	vadd.f32 v48, v31  }
0x684: {  	v11 =	vld [tilespmem:$0x1F380];
	v14 =	vadd.f32 v14, v33  }
0x685: {  	v15 =	vld [tilespmem:$0x1F390];
	[tilespmem:s2+$0xA0] =	vst v13  }
0x686: {  	v16 =	vadd.f32 v29, v34;
	[tilespmem:s2+$0xB0] =	vst v14  }
0x687: {  	v30 =	vld [tilespmem:$0x1F570]  }
0x688: {  	v17 =	vld [tilespmem:$0x1F830];
	[tilespmem:s2+$0xC0] =	vst v16  }
0x689: {  	v18 =	vld [tilespmem:$0x1F840];
	_ =	sdelay $0x1  }
0x68a: {  	v6 =	vmul.f32 v12, v6  }
0x68b: {  	v29 =	vld [tilespmem:$0x1F590]  }
0x68c: {  	v6 =	vmul.f32 v6, v30;
	v17 =	vadd.f32 v17, v35  }
0x68d: {  	v18 =	vadd.f32 v18, v37  }
0x68e: {  	v48 =	vmul.f32 v12, v25;
	v0 =	vsub.f32 v0, v50;
	[tilespmem:s2+$0xD0] =	vst v17;
	v6 =	vadd.f32 v6, v32  }
0x68f: {  	v55 =	vmul.f32 v12, v46;
	v1 =	vsub.f32 v1, v50;
	v2 =	vsub.f32 v2, v50;
	v27 =	vld [tilespmem:$0x1F5A0];
	[tilespmem:s2+$0xE0] =	vst v18  }
0x690: {  	v3 =	vsub.f32 v3, v50;
	v9 =	vsub.f32 v9, v50;
	v13 =	vmul.f32 v48, v29;
	v26 =	vld [tilespmem:$0x1F5C0];
	[tilespmem:s12+$0xFFFFFF00] =	vst v6  }
0x691: {  	v11 =	vsub.f32 v11, v50;
	v15 =	vsub.f32 v15, v50;
	v50 =	vmul.f32 v12, v23;
	v23 =	vld [tilespmem:$0x1F5F0]  }
0x692: {  	v43 =	vmul.f32 v56, v58;
	v8 =	vmul.f32 v52, v8;
	v13 =	vadd.f32 v13, v36  }
0x693: {  	v10 =	vmul.f32 v52, v10;
	v16 =	vmul.f32 v12, v62  }
0x694: {  	v17 =	vmul.f32 v12, v63;
	[tilespmem:s12+$0xFFFFFF10] =	vst v13;
	v14 =	vmul.f32 v50, v27  }
0x695: {  	v7 =	vmul.f32 v52, v7;
	v24 =	vld [tilespmem:$0x1F610];
	v16 =	vmul.f32 v16, v26  }
0x696: {  	v0 =	vmul.f32 v28, v0;
	v17 =	vmul.f32 v17, v23;
	v14 =	vadd.f32 v14, v31  }
0x697: {  	v1 =	vmul.f32 v28, v1;
	v8 =	vmul.f32 v8, v26;
	v16 =	vadd.f32 v16, v33  }
0x698: {  	v18 =	vmul.f32 v12, v51;
	v10 =	vmul.f32 v10, v23;
	[tilespmem:s12+$0xFFFFFF20] =	vst v14;
	v17 =	vadd.f32 v17, v34  }
0x699: {  	v0 =	vmul.f32 v0, v30;
	v1 =	vmul.f32 v1, v29;
	v8 =	vadd.f32 v8, v33;
	v63 =	vld [tilespmem:$0x1F640];
	[tilespmem:s12+$0xFFFFFF30] =	vst v16  }
0x69a: {  	v61 =	vmul.f32 v18, v24;
	v18 =	vmul.f32 v56, v53;
	v53 =	vadd.f32 v10, v34;
	v40 =	vld [tilespmem:$0x1F660];
	[tilespmem:s12+$0xFFFFFF40] =	vst v17  }
0x69b: {  	v46 =	vmul.f32 v56, v39;
	v3 =	vmul.f32 v28, v3;
	v0 =	vadd.f32 v0, v32;
	[tilespmem:s12+$0x30] =	vst v8  }
0x69c: {  	v62 =	vmul.f32 v56, v47;
	v1 =	vadd.f32 v1, v36;
	v7 =	vmul.f32 v7, v24;
	[tilespmem:s12+$0x40] =	vst v53  }
0x69d: {  	v2 =	vmul.f32 v28, v2;
	v3 =	vmul.f32 v3, v26;
	v13 =	vadd.f32 v61, v35;
	[tilespmem:s12+$0x80] =	vst v0  }
0x69e: {  	v14 =	vmul.f32 v62, v30;
	v16 =	vmul.f32 v56, v59;
	v7 =	vadd.f32 v7, v35;
	[tilespmem:s12+$0x90] =	vst v1  }
0x69f: {  	v51 =	vmul.f32 v12, v41;
	v2 =	vmul.f32 v2, v27;
	v59 =	vadd.f32 v3, v33;
	[tilespmem:s12+$0xFFFFFF50] =	vst v13  }
0x6a0: {  	v17 =	vmul.f32 v56, v44;
	v14 =	vadd.f32 v14, v32;
	v16 =	vmul.f32 v16, v29;
	[tilespmem:s12+$0x50] =	vst v7  }
0x6a1: {  	v44 =	vmul.f32 v56, v57;
	v57 =	vadd.f32 v2, v31;
	v13 =	vmul.f32 v43, v26;
	[tilespmem:s12+$0xB0] =	vst v59  }
0x6a2: {  	v5 =	vmul.f32 v52, v5;
	v17 =	vmul.f32 v17, v27;
	[tilespmem:s12+$0xFFFFFF80] =	vst v14;
	v16 =	vadd.f32 v16, v36  }
0x6a3: {  	v45 =	vmul.f32 v56, v54;
	[tilespmem:s12+$0xA0] =	vst v57;
	v13 =	vadd.f32 v13, v33;
	v6 =	vmul.f32 v51, v63  }
0x6a4: {  	v56 =	vmul.f32 v28, v15;
	v17 =	vadd.f32 v17, v31;
	v14 =	vmul.f32 v46, v63;
	[tilespmem:s12+$0xFFFFFF90] =	vst v16  }
0x6a5: {  	v4 =	vmul.f32 v52, v4;
	v5 =	vmul.f32 v5, v63;
	[tilespmem:s12+$0xFFFFFFB0] =	vst v13;
	v6 =	vadd.f32 v6, v37  }
0x6a6: {  	v47 =	vmul.f32 v52, v60;
	v60 =	vmul.f32 v56, v63;
	[tilespmem:s12+$0xFFFFFFA0] =	vst v17;
	v14 =	vadd.f32 v14, v37  }
0x6a7: {  	v12 =	vmul.f32 v55, v40;
	v5 =	vadd.f32 v5, v37;
	[tilespmem:s12+$0xFFFFFF60] =	vst v6  }
0x6a8: {  	v16 =	vmul.f32 v52, v38;
	v4 =	vmul.f32 v4, v40;
	v63 =	vadd.f32 v60, v37;
	[tilespmem:s12+$0xFFFFFFE0] =	vst v14  }
0x6a9: {  	v55 =	vmul.f32 v28, v11;
	v17 =	vmul.f32 v18, v40;
	v12 =	vadd.f32 v12, v42;
	[tilespmem:s12+$0x60] =	vst v5  }
0x6aa: {  	v16 =	vmul.f32 v16, v30;
	v4 =	vadd.f32 v4, v42;
	[tilespmem:s12+$0xE0] =	vst v63  }
0x6ab: {  	v58 =	vmul.f32 v55, v24;
	v50 =	vadd.f32 v17, v42;
	[tilespmem:s12+$0xFFFFFF70] =	vst v12  }
0x6ac: {  	v54 =	vmul.f32 v28, v9;
	v6 =	vmul.f32 v44, v23;
	v51 =	vadd.f32 v16, v32;
	[tilespmem:s12+$0x70] =	vst v4  }
0x6ad: {  	v12 =	vmul.f32 v45, v24;
	v62 =	vadd.f32 v58, v35;
	[tilespmem:s12+$0xFFFFFFF0] =	vst v50  }
0x6ae: {  	v48 =	vmul.f32 v52, v49;
	v5 =	vmul.f32 v54, v23;
	v6 =	vadd.f32 v6, v34;
	[tilespmem:s12+$0x0] =	vst v51  }
0x6af: {  	v49 =	vmul.f32 v47, v29;
	v12 =	vadd.f32 v12, v35;
	[tilespmem:s12+$0xD0] =	vst v62  }
0x6b0: {  	v61 =	vadd.f32 v5, v34;
	[tilespmem:s12+$0xFFFFFFC0] =	vst v6;
	v6 =	vmul.f32 v48, v27  }
.Ltmp5:
0x6b1: {  	[tilespmem:s12+$0xFFFFFFD0] =	vst v12;
	v12 =	vadd.f32 v49, v36;
	(pc) =	sbr.rel @p1 .LBB2_10-.Ltmp5, $4  }
0x6b2: {  	[tilespmem:s12+$0xC0] =	vst v61;
	v6 =	vadd.f32 v6, v31  }
0x6b3: {  	s1 =	sshll.u32 s4, $0x4;
	[tilespmem:s12+$0x10] =	vst v12  }
0x6b4: {  	s31 =	simm.s32 $0xDC00;
	s1 =	sadd.s32 s22, s1;
	[tilespmem:s12+$0x20] =	vst v6  }
0x6b5: {  	[hbm4b:s1+s6] =	stream.linear.scatter [tilespmem:s31], [sflag:$0x4], $0x4000, $0x38;
	[tilespmem:$0x1E700] =	vst v63  }
0x6b6: {  	s1 =	sadd.s32 $0x3, s19  }
0x6b7: {  	s3 =	simm.s32 $0x80;
	s4 =	simm.s32 $0x5C00;
	s31 =	simm.s32 $0x1E680  }
.Ltmp6:
0x6b8: {  	s0 =	sadd.s32 $0x1, s0;
	s2 =	sshll.u32 s1, $0x7;
	(pc) =	sbr.rel .LBB2_4-.Ltmp6, $4  }
0x6b9: {  	s10 =	sadd.s32 $0x100, s10;
	s1 =	sshll.u32 s1, $0x4;
	s2 =	sand.u32 $0x3FFFFF80, s2  }
0x6ba: {  	[tilespmem:s4], [sflag:$0x2] =	stream.indirect.gather [hbm4b:s21+s3], $0x80, s2, s3, $0xb8;
	[tilespmem:$0x1E700] =	vst v63  }
0x6bb: {  	s13 =	sadd.s32 $0x100, s13;
	s14 =	sadd.s32 $0x100, s14;
	s1 =	sadd.s32 s9, s1  }
0x6bc: {  	v0 =	vmovc v19;
	v1 =	vmov v20;
	v2 =	vmov v21;
	v3 =	vmov v22;
	[tilespmem:s31], [sflag:$0x6] =	stream.linear.gather [hbm4b:s1+s6], $0x80, $0x38;
	[tilespmem:$0x1E700] =	vst v63  }
.LBB2_11:
0x6bd: {  	_ =	sfence.sel $0x180000  }
0x6be: {  	[bflag:$0x0] =	sbarrier.arrive $0xFFFF  }
0x6bf: {  	_ =	strace $0x90000047  }
0x6c0: {  	s0 =	stileid.u32;
	[bflag:$0x2] =	sbarrier.arrive $0xFFFF  }
0x6c1: {  	p0 =	sne.s32 s0, $0x0;
	s0 =	rddreg [dreg:$0x5]  }
0x6c2: {  	s0 =	sadd.s32 @!p0 $0x100000, s0  }
0x6c3: {  	[sflag:s0] =	ssyncadd.tile.s32 @!p0 $0x1;
	_ =	shalt  }
.Lfunc_end2:
_tile_overlayer_lowered:
.L_overlay_start_2:
0x6c4: {  	(tag) =	ssettag $0x2  }
0x6c5: {  	s0 =	rddreg [dreg:$0x0];
	s2 =	stileid.u32  }
0x6c6: {  	s1 =	rddreg [dreg:$0x1];
	p0 =	sne.s32 s2, $0x0  }
0x6c7: {  	s3 =	rddreg [dreg:$0x2];
	[bflag:$0x3] =	sbarrier.arrive $0xFFFF;
	s2 =	simm.s32 @!p0 $0x1C07  }
0x6c8: {  	[timem:s3], [sflag:s2] =	dma.local @!p0 [hbm:s0], s1  }
0x6c9: {  	s0 =	simm.s32 @!p0 $0x7  }
0x6ca: {  	_ =	swait.ge @!p0 [sflag:s0], s1  }
0x6cb: {  	s1 =	ssub.s32 @!p0 $0x0, s1;
	[sflag:s0] =	ssyncset.done @!p0 $0x0  }
0x6cc: {  	[sflag:s0] =	ssyncadd.s32 @!p0 s1  }
0x6cd: {  	[bflag:$0x3] =	sbarrier.arrive $0xFFFF  }
0x6ce: {  	_ =	shalt  }

</sc_bundles>
